<compile_context>
chip_gen: v7x
topology: tpu7x:2x2x1
jax: 0.10.2.dev20260603
libtpu: 0.0.44.dev20260713+nightly
codegen_flags: <defaults>
</compile_context>

<pallas_src>
import functools

import jax
import jax.numpy as jnp
from jax import lax
from jax.experimental import pallas as pl
from jax.experimental.pallas import tpu as pltpu
from jax.experimental.pallas import tpu_sc as plsc

N = 10000
E = 320000
G = 64
DH = 128
NB = 16
RMAX = 2.5
PI = 3.14159265358979

N_PAD = 10240
BN = 1024
C = 128
NW = 32
CHUNKS_PER_W = 79
E_PAD = C * NW * CHUNKS_PER_W
BE = 512
TD = 128
TDT = 128
TST = 256

_HI = lax.Precision.DEFAULT


def _silu(x):
  return x * (1.0 / (1.0 + jnp.exp(-x)))


def _node0_body(x_ref, wemb_ref, bemb_ref, wq_ref, wk_ref, wv_ref,
                tdst_ref, tsrc_ref):
  h = jnp.dot(x_ref[...], wemb_ref[...], precision=_HI,
              preferred_element_type=jnp.float32) + bemb_ref[...]
  q = jnp.dot(h, wq_ref[...], precision=_HI, preferred_element_type=jnp.float32)
  k = jnp.dot(h, wk_ref[...], precision=_HI, preferred_element_type=jnp.float32)
  v = jnp.dot(h, wv_ref[...], precision=_HI, preferred_element_type=jnp.float32)
  kb = lax.bitcast_convert_type(k.astype(jnp.bfloat16), jnp.uint16)
  vb = lax.bitcast_convert_type(v.astype(jnp.bfloat16), jnp.uint16)
  word = kb.astype(jnp.uint32) | (vb.astype(jnp.uint32) << 16)
  tdst_ref[...] = q
  tsrc_ref[...] = lax.bitcast_convert_type(word, jnp.int32)


def _node0(x_pad, wemb, bemb, wq, wk, wv):
  grid = N_PAD // BN
  return pl.pallas_call(
      _node0_body,
      grid=(grid,),
      in_specs=[
          pl.BlockSpec((BN, 4), lambda i: (i, 0)),
          pl.BlockSpec((4, 64), lambda i: (0, 0)),
          pl.BlockSpec((1, 64), lambda i: (0, 0)),
          pl.BlockSpec((64, DH), lambda i: (0, 0)),
          pl.BlockSpec((64, DH), lambda i: (0, 0)),
          pl.BlockSpec((64, DH), lambda i: (0, 0)),
      ],
      out_specs=[
          pl.BlockSpec((BN, TDT), lambda i: (i, 0)),
          pl.BlockSpec((BN, TDT), lambda i: (i, 0)),
      ],
      out_shape=[
          jax.ShapeDtypeStruct((N_PAD, TDT), jnp.float32),
          jax.ShapeDtypeStruct((N_PAD, TDT), jnp.int32),
      ],
  )(x_pad, wemb, bemb, wq, wk, wv)


def _node1_body(p_ref, wq_ref, wk_ref, wv_ref, tdst_ref, tsrc_ref):
  p0 = p_ref[0]
  p1 = p_ref[1]
  den = p0[:, 64:65]
  h = jnp.concatenate([p0[:, :64], p1[:, :64]], axis=1) * (1.0 / (den + 1e-9))
  q = jnp.dot(h, wq_ref[...], precision=_HI, preferred_element_type=jnp.float32)
  k = jnp.dot(h, wk_ref[...], precision=_HI, preferred_element_type=jnp.float32)
  v = jnp.dot(h, wv_ref[...], precision=_HI, preferred_element_type=jnp.float32)
  kb = lax.bitcast_convert_type(k.astype(jnp.bfloat16), jnp.uint16)
  vb = lax.bitcast_convert_type(v.astype(jnp.bfloat16), jnp.uint16)
  word = kb.astype(jnp.uint32) | (vb.astype(jnp.uint32) << 16)
  tdst_ref[...] = q
  tsrc_ref[...] = lax.bitcast_convert_type(word, jnp.int32)


def _node1(partials, wq, wk, wv):
  grid = N_PAD // BN
  return pl.pallas_call(
      _node1_body,
      grid=(grid,),
      in_specs=[
          pl.BlockSpec((2, BN, TD), lambda i: (0, i, 0)),
          pl.BlockSpec((DH, DH), lambda i: (0, 0)),
          pl.BlockSpec((DH, DH), lambda i: (0, 0)),
          pl.BlockSpec((DH, DH), lambda i: (0, 0)),
      ],
      out_specs=[
          pl.BlockSpec((BN, TDT), lambda i: (i, 0)),
          pl.BlockSpec((BN, TDT), lambda i: (i, 0)),
      ],
      out_shape=[
          jax.ShapeDtypeStruct((N_PAD, TDT), jnp.float32),
          jax.ShapeDtypeStruct((N_PAD, TDT), jnp.int32),
      ],
  )(partials, wq, wk, wv)


def _sc_geo_body(px_ref, py_ref, pz_ref, dst_ref, src_ref, rel_ref,
                 pxv, pyv, pzv, idxd, idxs, rx, ry, rz):
  c = lax.axis_index("c")
  s = lax.axis_index("s")
  w = s * 2 + c
  pltpu.sync_copy(px_ref, pxv)
  pltpu.sync_copy(py_ref, pyv)
  pltpu.sync_copy(pz_ref, pzv)

  def body(i, carry):
    off = (i * NW + w) * C
    pltpu.sync_copy(dst_ref.at[pl.ds(off, C)], idxd)
    pltpu.sync_copy(src_ref.at[pl.ds(off, C)], idxs)
    for j in range(C // 16):
      sl = pl.ds(j * 16, 16)
      i_s = idxs[sl]
      i_d = idxd[sl]
      rx[sl] = plsc.load_gather(pxv, [i_s]) - plsc.load_gather(pxv, [i_d])
      ry[sl] = plsc.load_gather(pyv, [i_s]) - plsc.load_gather(pyv, [i_d])
      rz[sl] = plsc.load_gather(pzv, [i_s]) - plsc.load_gather(pzv, [i_d])
    pltpu.sync_copy(rx, rel_ref.at[0, pl.ds(off, C)])
    pltpu.sync_copy(ry, rel_ref.at[1, pl.ds(off, C)])
    pltpu.sync_copy(rz, rel_ref.at[2, pl.ds(off, C)])
    return carry

  lax.fori_loop(0, CHUNKS_PER_W, body, 0)


def _sc_geo(px, py, pz, dst_pad, src_pad):
  mesh = plsc.VectorSubcoreMesh(core_axis_name="c", subcore_axis_name="s")
  f = pl.kernel(
      _sc_geo_body,
      out_type=jax.ShapeDtypeStruct((8, E_PAD), jnp.float32),
      mesh=mesh,
      scratch_types=[
          pltpu.VMEM((N_PAD,), jnp.float32),
          pltpu.VMEM((N_PAD,), jnp.float32),
          pltpu.VMEM((N_PAD,), jnp.float32),
          pltpu.VMEM((C,), jnp.int32),
          pltpu.VMEM((C,), jnp.int32),
          pltpu.VMEM((C,), jnp.float32),
          pltpu.VMEM((C,), jnp.float32),
          pltpu.VMEM((C,), jnp.float32),
      ],
      compiler_params=pltpu.CompilerParams(needs_layout_passes=False),
  )
  return f(px, py, pz, dst_pad, src_pad)


def _sc_gather_body(nchunks, tdst_ref, tsrc_ref, dst_ref, src_ref, edst_ref,
                    esrc_ref, idxd, idxs, bufd, bufs, wsem):
  c = lax.axis_index("c")
  s = lax.axis_index("s")
  w = s * 2 + c

  def body(i, carry):
    b = i % 2
    off = (i * NW + w) * C

    @pl.when(i >= 2)
    def _():
      pltpu.make_async_copy(bufd.at[b], edst_ref.at[pl.ds(0, C)],
                            wsem.at[b]).wait()
      pltpu.make_async_copy(bufs.at[b], esrc_ref.at[pl.ds(0, C)],
                            wsem.at[b]).wait()

    pltpu.sync_copy(dst_ref.at[pl.ds(off, C)], idxd)
    pltpu.sync_copy(src_ref.at[pl.ds(off, C)], idxs)
    pltpu.sync_copy(tdst_ref.at[idxd], bufd.at[b])
    pltpu.sync_copy(tsrc_ref.at[idxs], bufs.at[b])
    pltpu.make_async_copy(bufd.at[b], edst_ref.at[pl.ds(off, C)],
                          wsem.at[b]).start()
    pltpu.make_async_copy(bufs.at[b], esrc_ref.at[pl.ds(off, C)],
                          wsem.at[b]).start()
    return carry

  lax.fori_loop(0, nchunks, body, 0)
  for b in (0, 1):
    pltpu.make_async_copy(bufd.at[b], edst_ref.at[pl.ds(0, C)],
                          wsem.at[b]).wait()
    pltpu.make_async_copy(bufs.at[b], esrc_ref.at[pl.ds(0, C)],
                          wsem.at[b]).wait()


def _sc_gather(tdst, tsrc, dst_pad, src_pad):
  eh = dst_pad.shape[0]
  nchunks = eh // (C * NW)
  mesh = plsc.VectorSubcoreMesh(core_axis_name="c", subcore_axis_name="s")
  f = pl.kernel(
      functools.partial(_sc_gather_body, nchunks),
      out_type=[
          jax.ShapeDtypeStruct((eh, TDT), jnp.float32),
          jax.ShapeDtypeStruct((eh, TDT), jnp.int32),
      ],
      mesh=mesh,
      scratch_types=[
          pltpu.VMEM((C,), jnp.int32),
          pltpu.VMEM((C,), jnp.int32),
          pltpu.VMEM((2, C, TDT), jnp.float32),
          pltpu.VMEM((2, C, TDT), jnp.int32),
          pltpu.SemaphoreType.DMA((2,)),
      ],
  )
  return f(tdst, tsrc, dst_pad, src_pad)


def _edge_body(nreal, ed_ref, es_ref, rel_ref, r1_ref, r2_ref, rv_ref,
               wsh_ref, out_ref):
  i = pl.program_id(0)

  @pl.when(i >= nreal)
  def _():
    out_ref[...] = jnp.zeros_like(out_ref)

  @pl.when(i < nreal)
  def _():
    q = ed_ref[...]
    wu = lax.bitcast_convert_type(es_ref[...], jnp.uint32)
    k0 = lax.bitcast_convert_type(
        (wu & 0xFFFF).astype(jnp.uint16), jnp.bfloat16).astype(jnp.float32)
    v0 = lax.bitcast_convert_type(
        (wu >> 16).astype(jnp.uint16), jnp.bfloat16).astype(jnp.float32)

    relT = rel_ref[...]
    rx = relT[0:1, :]
    ry = relT[1:2, :]
    rz = relT[2:3, :]
    r2T = rx * rx + ry * ry + rz * rz + 1e-12
    rT = jnp.sqrt(r2T)
    inv_r = 1.0 / (rT + 1e-9)
    dx = rx * inv_r
    dy = ry * inv_r
    dz = rz * inv_r

    centers = lax.broadcasted_iota(jnp.int32, (NB, BE), 0).astype(
        jnp.float32) * (RMAX / (NB - 1))
    width = RMAX / NB
    tT = (jnp.broadcast_to(rT, (NB, BE)) - centers) * (1.0 / width)
    rbfT = jnp.exp(-(tT * tT))
    envT = jnp.where(rT < RMAX, 0.5 * (jnp.cos(PI / RMAX * rT) + 1.0), 0.0)
    rbT = rbfT * envT
    rb = jnp.transpose(rbT)

    hidden = _silu(jnp.dot(rb, r1_ref[...], precision=_HI,
                           preferred_element_type=jnp.float32))
    rk = jnp.dot(hidden, r2_ref[...], precision=_HI,
                 preferred_element_type=jnp.float32)
    rvv = jnp.dot(hidden, rv_ref[...], precision=_HI,
                  preferred_element_type=jnp.float32)

    one = jnp.ones_like(dx)
    shT = jnp.concatenate([
        one, dx, dy, dz,
        1.7320508 * dx * dy, 1.7320508 * dy * dz,
        0.5 * (3.0 * dz * dz - 1.0),
        1.7320508 * dx * dz, 0.8660254 * (dx * dx - dy * dy),
        jnp.zeros((7, BE), jnp.float32),
    ], axis=0)
    sh = jnp.transpose(shT)
    shw = jnp.dot(sh, wsh_ref[...], precision=_HI,
                  preferred_element_type=jnp.float32)

    k = k0 * rk + shw
    v = v0 * rvv
    logits = jnp.sum(q * k, axis=1, keepdims=True) * (DH ** -0.5)
    ex = jnp.exp(logits)

    zpad = jnp.zeros((BE, 63), jnp.float32)
    out_ref[0] = jnp.concatenate([ex * v[:, :64], ex, zpad], axis=1)
    out_ref[1] = jnp.concatenate([ex * v[:, 64:], ex, zpad], axis=1)


def _edge(edst, esrc, rel8, r1, r2, rv, wsh16, nreal):
  eh = edst.shape[0]
  grid = eh // BE
  return pl.pallas_call(
      functools.partial(_edge_body, nreal),
      grid=(grid,),
      in_specs=[
          pl.BlockSpec((BE, TDT), lambda i: (i, 0)),
          pl.BlockSpec((BE, TDT), lambda i: (i, 0)),
          pl.BlockSpec((8, BE), lambda i: (0, i)),
          pl.BlockSpec((NB, 64), lambda i: (0, 0)),
          pl.BlockSpec((64, DH), lambda i: (0, 0)),
          pl.BlockSpec((64, DH), lambda i: (0, 0)),
          pl.BlockSpec((16, DH), lambda i: (0, 0)),
      ],
      out_specs=pl.BlockSpec((2, BE, TD), lambda i: (0, i, 0)),
      out_shape=jax.ShapeDtypeStruct((2, eh, TD), jnp.float32),
  )(edst, esrc, rel8, r1, r2, rv, wsh16)


def _sc_scatter_body(nchunks, ev_ref, dst_ref, zrows_ref, out_ref, idxb, buf,
                     acc, asem):
  c = lax.axis_index("c")
  s = lax.axis_index("s")
  rpt = N_PAD // 16
  base = s * rpt
  pltpu.sync_copy(zrows_ref.at[pl.ds(0, rpt)], acc.at[pl.ds(base, rpt)])
  plsc.subcore_barrier()

  def body(i, carry):
    b = i % 2
    off = (i * 16 + s) * C

    @pl.when(i >= 2)
    def _():
      pltpu.make_async_copy(buf.at[b], acc.at[idxb.at[b]],
                            asem.at[b]).wait()

    pltpu.sync_copy(dst_ref.at[pl.ds(off, C)], idxb.at[b])
    pltpu.sync_copy(ev_ref.at[c, pl.ds(off, C)], buf.at[b])
    pltpu.make_async_copy(buf.at[b], acc.at[idxb.at[b]],
                          asem.at[b]).start(add=True)
    return carry

  lax.fori_loop(0, nchunks, body, 0)
  for b in (0, 1):
    pltpu.make_async_copy(buf.at[b], acc.at[idxb.at[b]], asem.at[b]).wait()
  plsc.subcore_barrier()
  pltpu.sync_copy(acc.at[pl.ds(base, rpt)], out_ref.at[c, pl.ds(base, rpt)])


def _sc_scatter(ev, dst_pad, zrows):
  nchunks = dst_pad.shape[0] // (C * 16)
  mesh = plsc.VectorSubcoreMesh(core_axis_name="c", subcore_axis_name="s")
  f = pl.kernel(
      functools.partial(_sc_scatter_body, nchunks),
      out_type=jax.ShapeDtypeStruct((2, N_PAD, TD), jnp.float32),
      mesh=mesh,
      scratch_types=[
          pltpu.VMEM((2, C), jnp.int32),
          pltpu.VMEM((2, C, TD), jnp.float32),
          pltpu.VMEM_SHARED((N_PAD, TD), jnp.float32),
          pltpu.SemaphoreType.DMA((2,)),
      ],
  )
  return f(ev, dst_pad, zrows)


def _pool_body(p_ref, batch_ref, out_ref, acc):
  i = pl.program_id(0)

  @pl.when(i == 0)
  def _():
    acc[...] = jnp.zeros_like(acc)

  p0 = p_ref[0]
  p1 = p_ref[1]
  den = p0[:, 64:65]
  h = jnp.concatenate([p0[:, :64], p1[:, :64]], axis=1) * (1.0 / (den + 1e-9))

  bt = batch_ref[0]
  oh = (lax.broadcasted_iota(jnp.int32, (G, BN), 0) == bt).astype(jnp.float32)
  hext = jnp.concatenate(
      [h, jnp.ones((BN, 1), jnp.float32), jnp.zeros((BN, 127), jnp.float32)],
      axis=1)
  acc[...] += jnp.dot(oh, hext, precision=_HI,
                      preferred_element_type=jnp.float32)

  @pl.when(i == (N_PAD // BN) - 1)
  def _():
    cnt = acc[:, 128:129]
    out_ref[...] = acc[:, :128] * (1.0 / jnp.maximum(cnt, 1.0))


def _pool(partials, batch3):
  grid = N_PAD // BN
  return pl.pallas_call(
      _pool_body,
      grid=(grid,),
      in_specs=[
          pl.BlockSpec((2, BN, TD), lambda i: (0, i, 0)),
          pl.BlockSpec((1, 1, BN), lambda i: (i, 0, 0)),
      ],
      out_specs=pl.BlockSpec((G, DH), lambda i: (0, 0)),
      out_shape=jax.ShapeDtypeStruct((G, DH), jnp.float32),
      scratch_shapes=[pltpu.VMEM((G, 256), jnp.float32)],
      compiler_params=pltpu.CompilerParams(
          dimension_semantics=("arbitrary",)),
  )(partials, batch3)


def kernel(x, pos, edge_index, batch, W_emb, b_emb,
           Wq0, Wk0, Wv0, R1_0, R2_0, Rv_0, Wsh0,
           Wq1, Wk1, Wv1, R1_1, R2_1, Rv_1, Wsh1):
  src = edge_index[0].astype(jnp.int32)
  dst = edge_index[1].astype(jnp.int32)
  src_pad = jnp.pad(src, (0, E_PAD - E))
  dst_pad = jnp.pad(dst, (0, E_PAD - E))

  x_pad = jnp.pad(x, ((0, N_PAD - N), (0, 0)))
  pos_pad = jnp.pad(pos, ((0, N_PAD - N), (0, 0)))
  px = pos_pad[:, 0]
  py = pos_pad[:, 1]
  pz = pos_pad[:, 2]
  batch3 = jnp.pad(batch.astype(jnp.int32), (0, N_PAD - N),
                   constant_values=G).reshape(N_PAD // BN, 1, BN)
  bemb2 = b_emb.reshape(1, 64)
  wsh0_16 = jnp.pad(Wsh0, ((0, 7), (0, 0)))
  wsh1_16 = jnp.pad(Wsh1, ((0, 7), (0, 0)))
  zrows = jnp.zeros((N_PAD // 16, TD), jnp.float32)

  rel8 = _sc_geo(px, py, pz, dst_pad, src_pad)

  H1 = 40 * C * NW
  dst_a, dst_b = dst_pad[:H1], dst_pad[H1:]
  src_a, src_b = src_pad[:H1], src_pad[H1:]
  rel_a = lax.slice(rel8, (0, 0), (8, H1))
  rel_b = lax.slice(rel8, (0, H1), (8, E_PAD))
  nreal_a = H1 // BE
  nreal_b = (E - H1) // BE

  def layer(tdst, tsrc, r1, r2, rv, wsh16):
    eda, esa = _sc_gather(tdst, tsrc, dst_a, src_a)
    edb, esb = _sc_gather(tdst, tsrc, dst_b, src_b)
    ev_a = _edge(eda, esa, rel_a, r1, r2, rv, wsh16, nreal_a)
    ev_b = _edge(edb, esb, rel_b, r1, r2, rv, wsh16, nreal_b)
    pa = _sc_scatter(ev_a, dst_a, zrows)
    pb = _sc_scatter(ev_b, dst_b, zrows)
    return pa + pb

  tdst, tsrc = _node0(x_pad, W_emb, bemb2, Wq0, Wk0, Wv0)
  part0 = layer(tdst, tsrc, R1_0, R2_0, Rv_0, wsh0_16)

  tdst, tsrc = _node1(part0, Wq1, Wk1, Wv1)
  part1 = layer(tdst, tsrc, R1_1, R2_1, Rv_1, wsh1_16)

  return _pool(part1, batch3)

# --- scband reference (transcript-rebuilt; emitter-appended) ---
"""Pipeline reference for scband-o3-graph-attention-network-35253091565735 (READ-ONLY COPY).

The authoritative reference and input builder live on the scoring server;
editing this copy changes nothing except your own understanding.
"""

import jax, jax.numpy as jnp
import numpy as np

N = 10000
E = 320000
NUM_ATOM = 4
D_EMB = 64
D_HID = 128
NB = 16
SH_DIM = 9
G = 64
RMAX = 2.5


def _sph_harm(d):
    x, y, z = d[:, 0], d[:, 1], d[:, 2]
    return jnp.stack([
        jnp.ones_like(x), x, y, z,
        1.7320508 * x * y, 1.7320508 * y * z,
        0.5 * (3.0 * z * z - 1.0),
        1.7320508 * x * z, 0.8660254 * (x * x - y * y)
    ], axis=1)


def _radial_basis(r):
    centers = jnp.linspace(0.0, RMAX, NB)
    width = RMAX / NB
    rbf = jnp.exp(-((r[:, None] - centers[None, :]) / width) ** 2)
    env = jnp.where(r < RMAX, 0.5 * (jnp.cos(np.pi * r / RMAX) + 1.0), 0.0)
    return rbf * env[:, None]


def _attention_layer(h, pos, src, dst, Wq, Wk, Wv, R1, R2, Rv, Wsh):
    rel = pos[src] - pos[dst]
    r = jnp.sqrt(jnp.sum(rel * rel, axis=1) + 1e-12)
    dirs = rel / (r[:, None] + 1e-9)
    rb = _radial_basis(r)
    hidden = jax.nn.silu(rb @ R1)
    radial_k = hidden @ R2
    radial_v = hidden @ Rv
    sh = _sph_harm(dirs)
    q = h[dst] @ Wq
    k = (h[src] @ Wk) * radial_k + sh @ Wsh
    v = (h[src] @ Wv) * radial_v
    logits = jnp.sum(q * k, axis=1) / jnp.sqrt(float(Wq.shape[1]))
    m = jax.ops.segment_max(logits, dst, num_segments=N)
    m = jnp.where(jnp.isfinite(m), m, 0.0)
    ex = jnp.exp(logits - m[dst])
    den = jax.ops.segment_sum(ex, dst, num_segments=N)
    alpha = ex / (den[dst] + 1e-9)
    return jax.ops.segment_sum(alpha[:, None] * v, dst, num_segments=N)


def setup_inputs(seed: int = 0) -> dict:
    key = jax.random.key(seed)
    ks = jax.random.split(key, 24)

    def _init(k, shape, fan_in):
        return jax.random.normal(k, shape, dtype=jnp.float32) / np.sqrt(fan_in)

    x = jax.random.uniform(ks[0], (N, NUM_ATOM), dtype=jnp.float32)
    pos = jax.random.normal(ks[1], (N, 3), dtype=jnp.float32)
    edge_index = jax.random.randint(ks[2], (2, E), 0, N, dtype=jnp.int64)
    batch = jnp.sort(jax.random.randint(ks[3], (N,), 0, G, dtype=jnp.int64))

    inp = {
        'x': x, 'pos': pos, 'edge_index': edge_index, 'batch': batch,
        'W_emb': _init(ks[4], (NUM_ATOM, D_EMB), NUM_ATOM),
        'b_emb': jnp.zeros((D_EMB,), dtype=jnp.float32),
        'Wq0': _init(ks[5], (D_EMB, D_HID), D_EMB),
        'Wk0': _init(ks[6], (D_EMB, D_HID), D_EMB),
        'Wv0': _init(ks[7], (D_EMB, D_HID), D_EMB),
        'R1_0': _init(ks[8], (NB, 64), NB),
        'R2_0': _init(ks[9], (64, D_HID), 64),
        'Rv_0': _init(ks[10], (64, D_HID), 64),
        'Wsh0': _init(ks[11], (SH_DIM, D_HID), SH_DIM),
        'Wq1': _init(ks[12], (D_HID, D_HID), D_HID),
        'Wk1': _init(ks[13], (D_HID, D_HID), D_HID),
        'Wv1': _init(ks[14], (D_HID, D_HID), D_HID),
        'R1_1': _init(ks[15], (NB, 64), NB),
        'R2_1': _init(ks[16], (64, D_HID), 64),
        'Rv_1': _init(ks[17], (64, D_HID), 64),
        'Wsh1': _init(ks[18], (SH_DIM, D_HID), SH_DIM),
    }
    return inp


def reference(x, pos, edge_index, batch, W_emb, b_emb,
              Wq0, Wk0, Wv0, R1_0, R2_0, Rv_0, Wsh0,
              Wq1, Wk1, Wv1, R1_1, R2_1, Rv_1, Wsh1):
    src = edge_index[0]
    dst = edge_index[1]
    h = x @ W_emb + b_emb
    h = _attention_layer(h, pos, src, dst, Wq0, Wk0, Wv0, R1_0, R2_0, Rv_0, Wsh0)
    h = _attention_layer(h, pos, src, dst, Wq1, Wk1, Wv1, R1_1, R2_1, Rv_1, Wsh1)
    ones = jnp.ones((h.shape[0],), dtype=h.dtype)
    counts = jax.ops.segment_sum(ones, batch, num_segments=G)
    sums = jax.ops.segment_sum(h, batch, num_segments=G)
    return sums / jnp.clip(counts, 1.0)[:, None]

if __name__ == "__main__":
    import jax
    _d = setup_inputs()
    print(jax.jit(kernel)(*tuple(_d.values())))

</pallas_src>

<mosaic_0001>
#map = affine_map<(d0, d1) -> (0, 0, 0)>
#map1 = affine_map<(d0, d1) -> (0)>
#map2 = affine_map<(d0, d1) -> (0, 0)>
module attributes {stable_mosaic.version = 14 : i64} {
  func.func @_sc_scatter_body(%arg0: i32, %arg1: i32, %arg2: memref<2x159744x128xf32, #tpu.memory_space<hbm>>, %arg3: memref<159744xi32, #tpu.memory_space<hbm>>, %arg4: memref<640x128xf32, #tpu.memory_space<hbm>>, %arg5: memref<2x10240x128xf32, #tpu.memory_space<hbm>>, %arg6: memref<2x128xi32, #tpu.memory_space<vmem>>, %arg7: memref<2x128x128xf32, #tpu.memory_space<vmem>>, %arg8: memref<10240x128xf32, #tpu.memory_space<vmem_shared>>, %arg9: memref<2x!tpu.dma_semaphore, #tpu.memory_space<semaphore_mem>>) attributes {dimension_semantics = [#tpu.dimension_semantics<core_parallel>, #tpu.dimension_semantics<subcore_parallel>], iteration_bounds = array<i64: 2, 16>, scalar_prefetch = 0 : i64, scratch_operands = 4 : i64, tpu.core_type = #tpu.core_type<sc_vector_subcore>, window_params = [{transform_indices = #map}, {transform_indices = #map1}, {transform_indices = #map2}, {transform_indices = #map}]} {
    %mul3A = arith.constant 640 : i32
    %mul3A_0 = arith.muli %arg1, %mul3A : i32
    "tpu.region"() ({
      %run_scoped3A = tpu.sem_alloc : memref<!tpu.dma_semaphore, #tpu.memory_space<semaphore_mem>>
      %dma_start3A = arith.constant 0 : i32
      %dma_start3A_36 = tpu.memref_slice %arg8[%mul3A_0, %dma_start3A] : memref<10240x128xf32, #tpu.memory_space<vmem_shared>> -> memref<640x128xf32, #tpu.memory_space<vmem_shared>>
      %dma_start3A_37 = arith.constant 0 : i32
      %dma_start3A_38 = arith.constant 0 : i32
      %dma_start3A_39 = tpu.memref_slice %arg4[%dma_start3A_37, %dma_start3A_38] : memref<640x128xf32, #tpu.memory_space<hbm>> -> memref<640x128xf32, #tpu.memory_space<hbm>>
      tpu.enqueue_dma source(%dma_start3A_39 : memref<640x128xf32, #tpu.memory_space<hbm>>) target(%dma_start3A_36 : memref<640x128xf32, #tpu.memory_space<vmem_shared>>) target_semaphore(%run_scoped3A : memref<!tpu.dma_semaphore, #tpu.memory_space<semaphore_mem>>)
      %dma_wait3A_40 = arith.constant 0 : i32
      %dma_wait3A_41 = tpu.memref_slice %arg8[%mul3A_0, %dma_wait3A_40] : memref<10240x128xf32, #tpu.memory_space<vmem_shared>> -> memref<640x128xf32, #tpu.memory_space<vmem_shared>>
      %dma_wait3A_42 = arith.constant 0 : i32
      %dma_wait3A_43 = arith.constant 0 : i32
      %dma_wait3A_44 = tpu.memref_slice %arg4[%dma_wait3A_42, %dma_wait3A_43] : memref<640x128xf32, #tpu.memory_space<hbm>> -> memref<640x128xf32, #tpu.memory_space<hbm>>
      tpu.wait_dma2 semaphore(%run_scoped3A : memref<!tpu.dma_semaphore, #tpu.memory_space<semaphore_mem>>) src(%dma_wait3A_44 : memref<640x128xf32, #tpu.memory_space<hbm>>) dst(%dma_wait3A_41 : memref<640x128xf32, #tpu.memory_space<vmem_shared>>)
      tpu.yield
    }) : () -> ()
    %barrier3A = arith.constant 0 : index
    tpu.barrier barrier_id(%barrier3A)
    %scan3A = arith.constant 0 : i32
    %scan3A_1 = arith.constant 0 : i32
    %scan3A_2 = arith.constant 78 : i32
    %scan3A_3 = arith.addi %scan3A_1, %scan3A_2 : i32
    %scan3A_4 = arith.constant 1 : i32
    scf.for %scan3A_36 = %scan3A_1 to %scan3A_3 step %scan3A_4  : i32 {
      %jit3A = arith.constant 2 : i32
      %eq3A = arith.constant 0 : i32
      %eq3A_37 = arith.cmpi eq, %jit3A, %eq3A : i32
      %jit3A_38 = arith.constant 1 : i32
      %select_n3A = arith.select %eq3A_37, %jit3A_38, %jit3A : i32
      %rem3A = arith.remsi %scan3A_36, %select_n3A : i32
      %ne3A = arith.constant 0 : i32
      %ne3A_39 = arith.cmpi ne, %rem3A, %ne3A : i32
      %lt3A = arith.constant 0 : i32
      %lt3A_40 = arith.cmpi slt, %rem3A, %lt3A : i32
      %lt3A_41 = arith.constant 0 : i32
      %lt3A_42 = arith.cmpi slt, %select_n3A, %lt3A_41 : i32
      %ne3A_43 = arith.xori %lt3A_40, %lt3A_42 : i1
      %and3A = arith.andi %ne3A_43, %ne3A_39 : i1
      %add3A = arith.addi %rem3A, %select_n3A : i32
      %select_n3A_44 = arith.select %and3A, %add3A, %rem3A : i32
      %mul3A_45 = arith.constant 16 : i32
      %mul3A_46 = arith.muli %scan3A_36, %mul3A_45 : i32
      %add3A_47 = arith.addi %mul3A_46, %arg1 : i32
      %mul3A_48 = arith.constant 128 : i32
      %mul3A_49 = arith.muli %add3A_47, %mul3A_48 : i32
      %ge3A = arith.constant 2 : i32
      %ge3A_50 = arith.cmpi sge, %scan3A_36, %ge3A : i32
      %convert_element_type3A = arith.extui %ge3A_50 : i1 to i32
      %cond3A = arith.constant 0 : i32
      %cond3A_51 = arith.cmpi ne, %convert_element_type3A, %cond3A : i32
      scf.if %cond3A_51 {
        %dma_wait3A_63 = arith.constant 0 : i32
        %dma_wait3A_64 = arith.constant 0 : i32
        %dma_wait3A_65 = tpu.memref_slice %arg7[%select_n3A_44, %dma_wait3A_63, %dma_wait3A_64] : memref<2x128x128xf32, #tpu.memory_space<vmem>> -> memref<1x128x128xf32, #tpu.memory_space<vmem>>
        %dma_wait3A_66 = tpu.memref_squeeze %dma_wait3A_65 : memref<1x128x128xf32, #tpu.memory_space<vmem>> -> memref<128x128xf32, #tpu.memory_space<vmem>>
        %dma_wait3A_67 = arith.constant 0 : i32
        %dma_wait3A_68 = tpu.memref_slice %arg6[%select_n3A_44, %dma_wait3A_67] : memref<2x128xi32, #tpu.memory_space<vmem>> -> memref<1x128xi32, #tpu.memory_space<vmem>>
        %dma_wait3A_69 = tpu.memref_squeeze %dma_wait3A_68 : memref<1x128xi32, #tpu.memory_space<vmem>> -> memref<128xi32, #tpu.memory_space<vmem>>
        %dma_wait3A_70 = arith.constant 0 : i32
        %dma_wait3A_71 = arith.constant 0 : i32
        %dma_wait3A_72 = tpu.memref_slice %arg8[%dma_wait3A_70, %dma_wait3A_71] : memref<10240x128xf32, #tpu.memory_space<vmem_shared>> -> memref<10240x128xf32, #tpu.memory_space<vmem_shared>>
        %dma_wait3A_73 = tpu.memref_slice %arg9[%select_n3A_44] : memref<2x!tpu.dma_semaphore, #tpu.memory_space<semaphore_mem>> -> memref<1x!tpu.dma_semaphore, #tpu.memory_space<semaphore_mem>>
        %dma_wait3A_74 = tpu.memref_squeeze %dma_wait3A_73 : memref<1x!tpu.dma_semaphore, #tpu.memory_space<semaphore_mem>> -> memref<!tpu.dma_semaphore, #tpu.memory_space<semaphore_mem>>
        tpu.wait_indirect_dma semaphore(%dma_wait3A_74 : memref<!tpu.dma_semaphore, #tpu.memory_space<semaphore_mem>>) src(%dma_wait3A_66 : memref<128x128xf32, #tpu.memory_space<vmem>>) dst(%dma_wait3A_72 : memref<10240x128xf32, #tpu.memory_space<vmem_shared>>)
      } else {
      }
      "tpu.region"() ({
        %run_scoped3A = tpu.sem_alloc : memref<!tpu.dma_semaphore, #tpu.memory_space<semaphore_mem>>
        %dma_start3A_63 = arith.constant 0 : i32
        %dma_start3A_64 = tpu.memref_slice %arg6[%select_n3A_44, %dma_start3A_63] : memref<2x128xi32, #tpu.memory_space<vmem>> -> memref<1x128xi32, #tpu.memory_space<vmem>>
        %dma_start3A_65 = tpu.memref_squeeze %dma_start3A_64 : memref<1x128xi32, #tpu.memory_space<vmem>> -> memref<128xi32, #tpu.memory_space<vmem>>
        %dma_start3A_66 = tpu.memref_slice %arg3[%mul3A_49] : memref<159744xi32, #tpu.memory_space<hbm>> -> memref<128xi32, #tpu.memory_space<hbm>>
        %dma_start3A_67 = arith.constant 0 : i32
        %dma_start3A_68 = tpu.memref_slice %arg6[%select_n3A_44, %dma_start3A_67] : memref<2x128xi32, #tpu.memory_space<vmem>> -> memref<1x128xi32, #tpu.memory_space<vmem>>
        %dma_start3A_69 = tpu.memref_squeeze %dma_start3A_68 : memref<1x128xi32, #tpu.memory_space<vmem>> -> memref<128xi32, #tpu.memory_space<vmem>>
        %dma_start3A_70 = tpu.memref_slice %arg3[%mul3A_49] : memref<159744xi32, #tpu.memory_space<hbm>> -> memref<128xi32, #tpu.memory_space<hbm>>
        tpu.enqueue_dma source(%dma_start3A_70 : memref<128xi32, #tpu.memory_space<hbm>>) target(%dma_start3A_69 : memref<128xi32, #tpu.memory_space<vmem>>) target_semaphore(%run_scoped3A : memref<!tpu.dma_semaphore, #tpu.memory_space<semaphore_mem>>)
        %dma_wait3A_71 = arith.constant 0 : i32
        %dma_wait3A_72 = tpu.memref_slice %arg6[%select_n3A_44, %dma_wait3A_71] : memref<2x128xi32, #tpu.memory_space<vmem>> -> memref<1x128xi32, #tpu.memory_space<vmem>>
        %dma_wait3A_73 = tpu.memref_squeeze %dma_wait3A_72 : memref<1x128xi32, #tpu.memory_space<vmem>> -> memref<128xi32, #tpu.memory_space<vmem>>
        %dma_wait3A_74 = tpu.memref_slice %arg3[%mul3A_49] : memref<159744xi32, #tpu.memory_space<hbm>> -> memref<128xi32, #tpu.memory_space<hbm>>
        %dma_wait3A_75 = arith.constant 0 : i32
        %dma_wait3A_76 = tpu.memref_slice %arg6[%select_n3A_44, %dma_wait3A_75] : memref<2x128xi32, #tpu.memory_space<vmem>> -> memref<1x128xi32, #tpu.memory_space<vmem>>
        %dma_wait3A_77 = tpu.memref_squeeze %dma_wait3A_76 : memref<1x128xi32, #tpu.memory_space<vmem>> -> memref<128xi32, #tpu.memory_space<vmem>>
        %dma_wait3A_78 = tpu.memref_slice %arg3[%mul3A_49] : memref<159744xi32, #tpu.memory_space<hbm>> -> memref<128xi32, #tpu.memory_space<hbm>>
        tpu.wait_dma2 semaphore(%run_scoped3A : memref<!tpu.dma_semaphore, #tpu.memory_space<semaphore_mem>>) src(%dma_wait3A_78 : memref<128xi32, #tpu.memory_space<hbm>>) dst(%dma_wait3A_77 : memref<128xi32, #tpu.memory_space<vmem>>)
        tpu.yield
      }) : () -> ()
      "tpu.region"() ({
        %run_scoped3A = tpu.sem_alloc : memref<!tpu.dma_semaphore, #tpu.memory_space<semaphore_mem>>
        %dma_start3A_63 = arith.constant 0 : i32
        %dma_start3A_64 = arith.constant 0 : i32
        %dma_start3A_65 = tpu.memref_slice %arg7[%select_n3A_44, %dma_start3A_63, %dma_start3A_64] : memref<2x128x128xf32, #tpu.memory_space<vmem>> -> memref<1x128x128xf32, #tpu.memory_space<vmem>>
        %dma_start3A_66 = tpu.memref_squeeze %dma_start3A_65 : memref<1x128x128xf32, #tpu.memory_space<vmem>> -> memref<128x128xf32, #tpu.memory_space<vmem>>
        %dma_start3A_67 = arith.constant 0 : i32
        %dma_start3A_68 = tpu.memref_slice %arg2[%arg0, %mul3A_49, %dma_start3A_67] : memref<2x159744x128xf32, #tpu.memory_space<hbm>> -> memref<1x128x128xf32, #tpu.memory_space<hbm>>
        %dma_start3A_69 = tpu.memref_squeeze %dma_start3A_68 : memref<1x128x128xf32, #tpu.memory_space<hbm>> -> memref<128x128xf32, #tpu.memory_space<hbm>>
        %dma_start3A_70 = arith.constant 0 : i32
        %dma_start3A_71 = arith.constant 0 : i32
        %dma_start3A_72 = tpu.memref_slice %arg7[%select_n3A_44, %dma_start3A_70, %dma_start3A_71] : memref<2x128x128xf32, #tpu.memory_space<vmem>> -> memref<1x128x128xf32, #tpu.memory_space<vmem>>
        %dma_start3A_73 = tpu.memref_squeeze %dma_start3A_72 : memref<1x128x128xf32, #tpu.memory_space<vmem>> -> memref<128x128xf32, #tpu.memory_space<vmem>>
        %dma_start3A_74 = arith.constant 0 : i32
        %dma_start3A_75 = tpu.memref_slice %arg2[%arg0, %mul3A_49, %dma_start3A_74] : memref<2x159744x128xf32, #tpu.memory_space<hbm>> -> memref<1x128x128xf32, #tpu.memory_space<hbm>>
        %dma_start3A_76 = tpu.memref_squeeze %dma_start3A_75 : memref<1x128x128xf32, #tpu.memory_space<hbm>> -> memref<128x128xf32, #tpu.memory_space<hbm>>
        tpu.enqueue_dma source(%dma_start3A_76 : memref<128x128xf32, #tpu.memory_space<hbm>>) target(%dma_start3A_73 : memref<128x128xf32, #tpu.memory_space<vmem>>) target_semaphore(%run_scoped3A : memref<!tpu.dma_semaphore, #tpu.memory_space<semaphore_mem>>)
        %dma_wait3A_77 = arith.constant 0 : i32
        %dma_wait3A_78 = arith.constant 0 : i32
        %dma_wait3A_79 = tpu.memref_slice %arg7[%select_n3A_44, %dma_wait3A_77, %dma_wait3A_78] : memref<2x128x128xf32, #tpu.memory_space<vmem>> -> memref<1x128x128xf32, #tpu.memory_space<vmem>>
        %dma_wait3A_80 = tpu.memref_squeeze %dma_wait3A_79 : memref<1x128x128xf32, #tpu.memory_space<vmem>> -> memref<128x128xf32, #tpu.memory_space<vmem>>
        %dma_wait3A_81 = arith.constant 0 : i32
        %dma_wait3A_82 = tpu.memref_slice %arg2[%arg0, %mul3A_49, %dma_wait3A_81] : memref<2x159744x128xf32, #tpu.memory_space<hbm>> -> memref<1x128x128xf32, #tpu.memory_space<hbm>>
        %dma_wait3A_83 = tpu.memref_squeeze %dma_wait3A_82 : memref<1x128x128xf32, #tpu.memory_space<hbm>> -> memref<128x128xf32, #tpu.memory_space<hbm>>
        %dma_wait3A_84 = arith.constant 0 : i32
        %dma_wait3A_85 = arith.constant 0 : i32
        %dma_wait3A_86 = tpu.memref_slice %arg7[%select_n3A_44, %dma_wait3A_84, %dma_wait3A_85] : memref<2x128x128xf32, #tpu.memory_space<vmem>> -> memref<1x128x128xf32, #tpu.memory_space<vmem>>
        %dma_wait3A_87 = tpu.memref_squeeze %dma_wait3A_86 : memref<1x128x128xf32, #tpu.memory_space<vmem>> -> memref<128x128xf32, #tpu.memory_space<vmem>>
        %dma_wait3A_88 = arith.constant 0 : i32
        %dma_wait3A_89 = tpu.memref_slice %arg2[%arg0, %mul3A_49, %dma_wait3A_88] : memref<2x159744x128xf32, #tpu.memory_space<hbm>> -> memref<1x128x128xf32, #tpu.memory_space<hbm>>
        %dma_wait3A_90 = tpu.memref_squeeze %dma_wait3A_89 : memref<1x128x128xf32, #tpu.memory_space<hbm>> -> memref<128x128xf32, #tpu.memory_space<hbm>>
        tpu.wait_dma2 semaphore(%run_scoped3A : memref<!tpu.dma_semaphore, #tpu.memory_space<semaphore_mem>>) src(%dma_wait3A_90 : memref<128x128xf32, #tpu.memory_space<hbm>>) dst(%dma_wait3A_87 : memref<128x128xf32, #tpu.memory_space<vmem>>)
        tpu.yield
      }) : () -> ()
      %dma_start3A = arith.constant 0 : i32
      %dma_start3A_52 = arith.constant 0 : i32
      %dma_start3A_53 = tpu.memref_slice %arg7[%select_n3A_44, %dma_start3A, %dma_start3A_52] : memref<2x128x128xf32, #tpu.memory_space<vmem>> -> memref<1x128x128xf32, #tpu.memory_space<vmem>>
      %dma_start3A_54 = tpu.memref_squeeze %dma_start3A_53 : memref<1x128x128xf32, #tpu.memory_space<vmem>> -> memref<128x128xf32, #tpu.memory_space<vmem>>
      %dma_start3A_55 = arith.constant 0 : i32
      %dma_start3A_56 = tpu.memref_slice %arg6[%select_n3A_44, %dma_start3A_55] : memref<2x128xi32, #tpu.memory_space<vmem>> -> memref<1x128xi32, #tpu.memory_space<vmem>>
      %dma_start3A_57 = tpu.memref_squeeze %dma_start3A_56 : memref<1x128xi32, #tpu.memory_space<vmem>> -> memref<128xi32, #tpu.memory_space<vmem>>
      %dma_start3A_58 = arith.constant 0 : i32
      %dma_start3A_59 = arith.constant 0 : i32
      %dma_start3A_60 = tpu.memref_slice %arg8[%dma_start3A_58, %dma_start3A_59] : memref<10240x128xf32, #tpu.memory_space<vmem_shared>> -> memref<10240x128xf32, #tpu.memory_space<vmem_shared>>
      %dma_start3A_61 = tpu.memref_slice %arg9[%select_n3A_44] : memref<2x!tpu.dma_semaphore, #tpu.memory_space<semaphore_mem>> -> memref<1x!tpu.dma_semaphore, #tpu.memory_space<semaphore_mem>>
      %dma_start3A_62 = tpu.memref_squeeze %dma_start3A_61 : memref<1x!tpu.dma_semaphore, #tpu.memory_space<semaphore_mem>> -> memref<!tpu.dma_semaphore, #tpu.memory_space<semaphore_mem>>
      tpu.enqueue_indirect_dma source(%dma_start3A_54 : memref<128x128xf32, #tpu.memory_space<vmem>>) target(%dma_start3A_60 : memref<10240x128xf32, #tpu.memory_space<vmem_shared>>) offsets(%dma_start3A_57 : memref<128xi32, #tpu.memory_space<vmem>>) semaphore(%dma_start3A_62 : memref<!tpu.dma_semaphore, #tpu.memory_space<semaphore_mem>>) {add = true}
    }
    %scan3A_5 = arith.constant 78 : i32
    %dma_wait3A = arith.constant 0 : i32
    %dma_wait3A_6 = arith.constant 0 : i32
    %dma_wait3A_7 = arith.constant 0 : i32
    %dma_wait3A_8 = arith.constant 0 : i32
    %dma_wait3A_9 = arith.constant 0 : i32
    %dma_wait3A_10 = tpu.memref_slice %arg7[%dma_wait3A, %dma_wait3A_8, %dma_wait3A_9] : memref<2x128x128xf32, #tpu.memory_space<vmem>> -> memref<1x128x128xf32, #tpu.memory_space<vmem>>
    %dma_wait3A_11 = tpu.memref_squeeze %dma_wait3A_10 : memref<1x128x128xf32, #tpu.memory_space<vmem>> -> memref<128x128xf32, #tpu.memory_space<vmem>>
    %dma_wait3A_12 = arith.constant 0 : i32
    %dma_wait3A_13 = tpu.memref_slice %arg6[%dma_wait3A_6, %dma_wait3A_12] : memref<2x128xi32, #tpu.memory_space<vmem>> -> memref<1x128xi32, #tpu.memory_space<vmem>>
    %dma_wait3A_14 = tpu.memref_squeeze %dma_wait3A_13 : memref<1x128xi32, #tpu.memory_space<vmem>> -> memref<128xi32, #tpu.memory_space<vmem>>
    %dma_wait3A_15 = arith.constant 0 : i32
    %dma_wait3A_16 = arith.constant 0 : i32
    %dma_wait3A_17 = tpu.memref_slice %arg8[%dma_wait3A_15, %dma_wait3A_16] : memref<10240x128xf32, #tpu.memory_space<vmem_shared>> -> memref<10240x128xf32, #tpu.memory_space<vmem_shared>>
    %dma_wait3A_18 = tpu.memref_slice %arg9[%dma_wait3A_7] : memref<2x!tpu.dma_semaphore, #tpu.memory_space<semaphore_mem>> -> memref<1x!tpu.dma_semaphore, #tpu.memory_space<semaphore_mem>>
    %dma_wait3A_19 = tpu.memref_squeeze %dma_wait3A_18 : memref<1x!tpu.dma_semaphore, #tpu.memory_space<semaphore_mem>> -> memref<!tpu.dma_semaphore, #tpu.memory_space<semaphore_mem>>
    tpu.wait_indirect_dma semaphore(%dma_wait3A_19 : memref<!tpu.dma_semaphore, #tpu.memory_space<semaphore_mem>>) src(%dma_wait3A_11 : memref<128x128xf32, #tpu.memory_space<vmem>>) dst(%dma_wait3A_17 : memref<10240x128xf32, #tpu.memory_space<vmem_shared>>)
    %dma_wait3A_20 = arith.constant 1 : i32
    %dma_wait3A_21 = arith.constant 1 : i32
    %dma_wait3A_22 = arith.constant 1 : i32
    %dma_wait3A_23 = arith.constant 0 : i32
    %dma_wait3A_24 = arith.constant 0 : i32
    %dma_wait3A_25 = tpu.memref_slice %arg7[%dma_wait3A_20, %dma_wait3A_23, %dma_wait3A_24] : memref<2x128x128xf32, #tpu.memory_space<vmem>> -> memref<1x128x128xf32, #tpu.memory_space<vmem>>
    %dma_wait3A_26 = tpu.memref_squeeze %dma_wait3A_25 : memref<1x128x128xf32, #tpu.memory_space<vmem>> -> memref<128x128xf32, #tpu.memory_space<vmem>>
    %dma_wait3A_27 = arith.constant 0 : i32
    %dma_wait3A_28 = tpu.memref_slice %arg6[%dma_wait3A_21, %dma_wait3A_27] : memref<2x128xi32, #tpu.memory_space<vmem>> -> memref<1x128xi32, #tpu.memory_space<vmem>>
    %dma_wait3A_29 = tpu.memref_squeeze %dma_wait3A_28 : memref<1x128xi32, #tpu.memory_space<vmem>> -> memref<128xi32, #tpu.memory_space<vmem>>
    %dma_wait3A_30 = arith.constant 0 : i32
    %dma_wait3A_31 = arith.constant 0 : i32
    %dma_wait3A_32 = tpu.memref_slice %arg8[%dma_wait3A_30, %dma_wait3A_31] : memref<10240x128xf32, #tpu.memory_space<vmem_shared>> -> memref<10240x128xf32, #tpu.memory_space<vmem_shared>>
    %dma_wait3A_33 = tpu.memref_slice %arg9[%dma_wait3A_22] : memref<2x!tpu.dma_semaphore, #tpu.memory_space<semaphore_mem>> -> memref<1x!tpu.dma_semaphore, #tpu.memory_space<semaphore_mem>>
    %dma_wait3A_34 = tpu.memref_squeeze %dma_wait3A_33 : memref<1x!tpu.dma_semaphore, #tpu.memory_space<semaphore_mem>> -> memref<!tpu.dma_semaphore, #tpu.memory_space<semaphore_mem>>
    tpu.wait_indirect_dma semaphore(%dma_wait3A_34 : memref<!tpu.dma_semaphore, #tpu.memory_space<semaphore_mem>>) src(%dma_wait3A_26 : memref<128x128xf32, #tpu.memory_space<vmem>>) dst(%dma_wait3A_32 : memref<10240x128xf32, #tpu.memory_space<vmem_shared>>)
    %barrier3A_35 = arith.constant 0 : index
    tpu.barrier barrier_id(%barrier3A_35)
    "tpu.region"() ({
      %run_scoped3A = tpu.sem_alloc : memref<!tpu.dma_semaphore, #tpu.memory_space<semaphore_mem>>
      %dma_start3A = arith.constant 0 : i32
      %dma_start3A_36 = tpu.memref_slice %arg5[%arg0, %mul3A_0, %dma_start3A] : memref<2x10240x128xf32, #tpu.memory_space<hbm>> -> memref<1x640x128xf32, #tpu.memory_space<hbm>>
      %dma_start3A_37 = tpu.memref_squeeze %dma_start3A_36 : memref<1x640x128xf32, #tpu.memory_space<hbm>> -> memref<640x128xf32, #tpu.memory_space<hbm>>
      %dma_start3A_38 = arith.constant 0 : i32
      %dma_start3A_39 = tpu.memref_slice %arg8[%mul3A_0, %dma_start3A_38] : memref<10240x128xf32, #tpu.memory_space<vmem_shared>> -> memref<640x128xf32, #tpu.memory_space<vmem_shared>>
      tpu.enqueue_dma source(%dma_start3A_39 : memref<640x128xf32, #tpu.memory_space<vmem_shared>>) target(%dma_start3A_37 : memref<640x128xf32, #tpu.memory_space<hbm>>) target_semaphore(%run_scoped3A : memref<!tpu.dma_semaphore, #tpu.memory_space<semaphore_mem>>)
      %dma_wait3A_40 = arith.constant 0 : i32
      %dma_wait3A_41 = tpu.memref_slice %arg5[%arg0, %mul3A_0, %dma_wait3A_40] : memref<2x10240x128xf32, #tpu.memory_space<hbm>> -> memref<1x640x128xf32, #tpu.memory_space<hbm>>
      %dma_wait3A_42 = tpu.memref_squeeze %dma_wait3A_41 : memref<1x640x128xf32, #tpu.memory_space<hbm>> -> memref<640x128xf32, #tpu.memory_space<hbm>>
      %dma_wait3A_43 = arith.constant 0 : i32
      %dma_wait3A_44 = tpu.memref_slice %arg8[%mul3A_0, %dma_wait3A_43] : memref<10240x128xf32, #tpu.memory_space<vmem_shared>> -> memref<640x128xf32, #tpu.memory_space<vmem_shared>>
      tpu.wait_dma2 semaphore(%run_scoped3A : memref<!tpu.dma_semaphore, #tpu.memory_space<semaphore_mem>>) src(%dma_wait3A_44 : memref<640x128xf32, #tpu.memory_space<vmem_shared>>) dst(%dma_wait3A_42 : memref<640x128xf32, #tpu.memory_space<hbm>>)
      tpu.yield
    }) : () -> ()
    return
  }
}

#map = affine_map<(d0, d1) -> (0, 0)>
#map1 = affine_map<(d0, d1) -> (0)>
module attributes {stable_mosaic.version = 14 : i64} {
  func.func @_sc_gather_body(%arg0: i32, %arg1: i32, %arg2: memref<10240x128xf32, #tpu.memory_space<hbm>>, %arg3: memref<10240x128xi32, #tpu.memory_space<hbm>>, %arg4: memref<163840xi32, #tpu.memory_space<hbm>>, %arg5: memref<163840xi32, #tpu.memory_space<hbm>>, %arg6: memref<163840x128xf32, #tpu.memory_space<hbm>>, %arg7: memref<163840x128xi32, #tpu.memory_space<hbm>>, %arg8: memref<128xi32, #tpu.memory_space<vmem>>, %arg9: memref<128xi32, #tpu.memory_space<vmem>>, %arg10: memref<2x128x128xf32, #tpu.memory_space<vmem>>, %arg11: memref<2x128x128xi32, #tpu.memory_space<vmem>>, %arg12: memref<2x!tpu.dma_semaphore, #tpu.memory_space<semaphore_mem>>) attributes {dimension_semantics = [#tpu.dimension_semantics<core_parallel>, #tpu.dimension_semantics<subcore_parallel>], iteration_bounds = array<i64: 2, 16>, scalar_prefetch = 0 : i64, scratch_operands = 5 : i64, tpu.core_type = #tpu.core_type<sc_vector_subcore>, window_params = [{transform_indices = #map}, {transform_indices = #map}, {transform_indices = #map1}, {transform_indices = #map1}, {transform_indices = #map}, {transform_indices = #map}]} {
    %mul3A = arith.constant 2 : i32
    %mul3A_0 = arith.muli %arg1, %mul3A : i32
    %add3A = arith.addi %mul3A_0, %arg0 : i32
    %scan3A = arith.constant 0 : i32
    %scan3A_1 = arith.constant 0 : i32
    %scan3A_2 = arith.constant 40 : i32
    %scan3A_3 = arith.addi %scan3A_1, %scan3A_2 : i32
    %scan3A_4 = arith.constant 1 : i32
    scf.for %scan3A_77 = %scan3A_1 to %scan3A_3 step %scan3A_4  : i32 {
      %jit3A = arith.constant 2 : i32
      %eq3A = arith.constant 0 : i32
      %eq3A_78 = arith.cmpi eq, %jit3A, %eq3A : i32
      %jit3A_79 = arith.constant 1 : i32
      %select_n3A = arith.select %eq3A_78, %jit3A_79, %jit3A : i32
      %rem3A = arith.remsi %scan3A_77, %select_n3A : i32
      %ne3A = arith.constant 0 : i32
      %ne3A_80 = arith.cmpi ne, %rem3A, %ne3A : i32
      %lt3A = arith.constant 0 : i32
      %lt3A_81 = arith.cmpi slt, %rem3A, %lt3A : i32
      %lt3A_82 = arith.constant 0 : i32
      %lt3A_83 = arith.cmpi slt, %select_n3A, %lt3A_82 : i32
      %ne3A_84 = arith.xori %lt3A_81, %lt3A_83 : i1
      %and3A = arith.andi %ne3A_84, %ne3A_80 : i1
      %add3A_85 = arith.addi %rem3A, %select_n3A : i32
      %select_n3A_86 = arith.select %and3A, %add3A_85, %rem3A : i32
      %mul3A_87 = arith.constant 32 : i32
      %mul3A_88 = arith.muli %scan3A_77, %mul3A_87 : i32
      %add3A_89 = arith.addi %mul3A_88, %add3A : i32
      %mul3A_90 = arith.constant 128 : i32
      %mul3A_91 = arith.muli %add3A_89, %mul3A_90 : i32
      %ge3A = arith.constant 2 : i32
      %ge3A_92 = arith.cmpi sge, %scan3A_77, %ge3A : i32
      %convert_element_type3A = arith.extui %ge3A_92 : i1 to i32
      %cond3A = arith.constant 0 : i32
      %cond3A_93 = arith.cmpi ne, %convert_element_type3A, %cond3A : i32
      scf.if %cond3A_93 {
        %dma_wait3A_121 = arith.constant 0 : i32
        %dma_wait3A_122 = arith.constant 0 : i32
        %dma_wait3A_123 = tpu.memref_slice %arg10[%select_n3A_86, %dma_wait3A_121, %dma_wait3A_122] : memref<2x128x128xf32, #tpu.memory_space<vmem>> -> memref<1x128x128xf32, #tpu.memory_space<vmem>>
        %dma_wait3A_124 = tpu.memref_squeeze %dma_wait3A_123 : memref<1x128x128xf32, #tpu.memory_space<vmem>> -> memref<128x128xf32, #tpu.memory_space<vmem>>
        %dma_wait3A_125 = arith.constant 0 : i32
        %dma_wait3A_126 = arith.constant 0 : i32
        %dma_wait3A_127 = tpu.memref_slice %arg6[%dma_wait3A_125, %dma_wait3A_126] : memref<163840x128xf32, #tpu.memory_space<hbm>> -> memref<128x128xf32, #tpu.memory_space<hbm>>
        %dma_wait3A_128 = tpu.memref_slice %arg12[%select_n3A_86] : memref<2x!tpu.dma_semaphore, #tpu.memory_space<semaphore_mem>> -> memref<1x!tpu.dma_semaphore, #tpu.memory_space<semaphore_mem>>
        %dma_wait3A_129 = tpu.memref_squeeze %dma_wait3A_128 : memref<1x!tpu.dma_semaphore, #tpu.memory_space<semaphore_mem>> -> memref<!tpu.dma_semaphore, #tpu.memory_space<semaphore_mem>>
        %dma_wait3A_130 = arith.constant 0 : i32
        %dma_wait3A_131 = arith.constant 0 : i32
        %dma_wait3A_132 = tpu.memref_slice %arg6[%dma_wait3A_130, %dma_wait3A_131] : memref<163840x128xf32, #tpu.memory_space<hbm>> -> memref<128x128xf32, #tpu.memory_space<hbm>>
        %dma_wait3A_133 = arith.constant 0 : i32
        %dma_wait3A_134 = arith.constant 0 : i32
        %dma_wait3A_135 = tpu.memref_slice %arg10[%select_n3A_86, %dma_wait3A_133, %dma_wait3A_134] : memref<2x128x128xf32, #tpu.memory_space<vmem>> -> memref<1x128x128xf32, #tpu.memory_space<vmem>>
        %dma_wait3A_136 = tpu.memref_squeeze %dma_wait3A_135 : memref<1x128x128xf32, #tpu.memory_space<vmem>> -> memref<128x128xf32, #tpu.memory_space<vmem>>
        tpu.wait_dma2 semaphore(%dma_wait3A_129 : memref<!tpu.dma_semaphore, #tpu.memory_space<semaphore_mem>>) src(%dma_wait3A_136 : memref<128x128xf32, #tpu.memory_space<vmem>>) dst(%dma_wait3A_132 : memref<128x128xf32, #tpu.memory_space<hbm>>)
        %dma_wait3A_137 = arith.constant 0 : i32
        %dma_wait3A_138 = arith.constant 0 : i32
        %dma_wait3A_139 = tpu.memref_slice %arg11[%select_n3A_86, %dma_wait3A_137, %dma_wait3A_138] : memref<2x128x128xi32, #tpu.memory_space<vmem>> -> memref<1x128x128xi32, #tpu.memory_space<vmem>>
        %dma_wait3A_140 = tpu.memref_squeeze %dma_wait3A_139 : memref<1x128x128xi32, #tpu.memory_space<vmem>> -> memref<128x128xi32, #tpu.memory_space<vmem>>
        %dma_wait3A_141 = arith.constant 0 : i32
        %dma_wait3A_142 = arith.constant 0 : i32
        %dma_wait3A_143 = tpu.memref_slice %arg7[%dma_wait3A_141, %dma_wait3A_142] : memref<163840x128xi32, #tpu.memory_space<hbm>> -> memref<128x128xi32, #tpu.memory_space<hbm>>
        %dma_wait3A_144 = tpu.memref_slice %arg12[%select_n3A_86] : memref<2x!tpu.dma_semaphore, #tpu.memory_space<semaphore_mem>> -> memref<1x!tpu.dma_semaphore, #tpu.memory_space<semaphore_mem>>
        %dma_wait3A_145 = tpu.memref_squeeze %dma_wait3A_144 : memref<1x!tpu.dma_semaphore, #tpu.memory_space<semaphore_mem>> -> memref<!tpu.dma_semaphore, #tpu.memory_space<semaphore_mem>>
        %dma_wait3A_146 = arith.constant 0 : i32
        %dma_wait3A_147 = arith.constant 0 : i32
        %dma_wait3A_148 = tpu.memref_slice %arg7[%dma_wait3A_146, %dma_wait3A_147] : memref<163840x128xi32, #tpu.memory_space<hbm>> -> memref<128x128xi32, #tpu.memory_space<hbm>>
        %dma_wait3A_149 = arith.constant 0 : i32
        %dma_wait3A_150 = arith.constant 0 : i32
        %dma_wait3A_151 = tpu.memref_slice %arg11[%select_n3A_86, %dma_wait3A_149, %dma_wait3A_150] : memref<2x128x128xi32, #tpu.memory_space<vmem>> -> memref<1x128x128xi32, #tpu.memory_space<vmem>>
        %dma_wait3A_152 = tpu.memref_squeeze %dma_wait3A_151 : memref<1x128x128xi32, #tpu.memory_space<vmem>> -> memref<128x128xi32, #tpu.memory_space<vmem>>
        tpu.wait_dma2 semaphore(%dma_wait3A_145 : memref<!tpu.dma_semaphore, #tpu.memory_space<semaphore_mem>>) src(%dma_wait3A_152 : memref<128x128xi32, #tpu.memory_space<vmem>>) dst(%dma_wait3A_148 : memref<128x128xi32, #tpu.memory_space<hbm>>)
      } else {
      }
      "tpu.region"() ({
        %run_scoped3A = tpu.sem_alloc : memref<!tpu.dma_semaphore, #tpu.memory_space<semaphore_mem>>
        %dma_start3A_121 = tpu.memref_slice %arg4[%mul3A_91] : memref<163840xi32, #tpu.memory_space<hbm>> -> memref<128xi32, #tpu.memory_space<hbm>>
        %dma_start3A_122 = tpu.memref_slice %arg4[%mul3A_91] : memref<163840xi32, #tpu.memory_space<hbm>> -> memref<128xi32, #tpu.memory_space<hbm>>
        tpu.enqueue_dma source(%dma_start3A_122 : memref<128xi32, #tpu.memory_space<hbm>>) target(%arg8 : memref<128xi32, #tpu.memory_space<vmem>>) target_semaphore(%run_scoped3A : memref<!tpu.dma_semaphore, #tpu.memory_space<semaphore_mem>>)
        %dma_wait3A_123 = tpu.memref_slice %arg4[%mul3A_91] : memref<163840xi32, #tpu.memory_space<hbm>> -> memref<128xi32, #tpu.memory_space<hbm>>
        %dma_wait3A_124 = tpu.memref_slice %arg4[%mul3A_91] : memref<163840xi32, #tpu.memory_space<hbm>> -> memref<128xi32, #tpu.memory_space<hbm>>
        tpu.wait_dma2 semaphore(%run_scoped3A : memref<!tpu.dma_semaphore, #tpu.memory_space<semaphore_mem>>) src(%dma_wait3A_124 : memref<128xi32, #tpu.memory_space<hbm>>) dst(%arg8 : memref<128xi32, #tpu.memory_space<vmem>>)
        tpu.yield
      }) : () -> ()
      "tpu.region"() ({
        %run_scoped3A = tpu.sem_alloc : memref<!tpu.dma_semaphore, #tpu.memory_space<semaphore_mem>>
        %dma_start3A_121 = tpu.memref_slice %arg5[%mul3A_91] : memref<163840xi32, #tpu.memory_space<hbm>> -> memref<128xi32, #tpu.memory_space<hbm>>
        %dma_start3A_122 = tpu.memref_slice %arg5[%mul3A_91] : memref<163840xi32, #tpu.memory_space<hbm>> -> memref<128xi32, #tpu.memory_space<hbm>>
        tpu.enqueue_dma source(%dma_start3A_122 : memref<128xi32, #tpu.memory_space<hbm>>) target(%arg9 : memref<128xi32, #tpu.memory_space<vmem>>) target_semaphore(%run_scoped3A : memref<!tpu.dma_semaphore, #tpu.memory_space<semaphore_mem>>)
        %dma_wait3A_123 = tpu.memref_slice %arg5[%mul3A_91] : memref<163840xi32, #tpu.memory_space<hbm>> -> memref<128xi32, #tpu.memory_space<hbm>>
        %dma_wait3A_124 = tpu.memref_slice %arg5[%mul3A_91] : memref<163840xi32, #tpu.memory_space<hbm>> -> memref<128xi32, #tpu.memory_space<hbm>>
        tpu.wait_dma2 semaphore(%run_scoped3A : memref<!tpu.dma_semaphore, #tpu.memory_space<semaphore_mem>>) src(%dma_wait3A_124 : memref<128xi32, #tpu.memory_space<hbm>>) dst(%arg9 : memref<128xi32, #tpu.memory_space<vmem>>)
        tpu.yield
      }) : () -> ()
      "tpu.region"() ({
        %run_scoped3A = tpu.sem_alloc : memref<!tpu.dma_semaphore, #tpu.memory_space<semaphore_mem>>
        %dma_start3A_121 = arith.constant 0 : i32
        %dma_start3A_122 = arith.constant 0 : i32
        %dma_start3A_123 = tpu.memref_slice %arg10[%select_n3A_86, %dma_start3A_121, %dma_start3A_122] : memref<2x128x128xf32, #tpu.memory_space<vmem>> -> memref<1x128x128xf32, #tpu.memory_space<vmem>>
        %dma_start3A_124 = tpu.memref_squeeze %dma_start3A_123 : memref<1x128x128xf32, #tpu.memory_space<vmem>> -> memref<128x128xf32, #tpu.memory_space<vmem>>
        %dma_start3A_125 = arith.constant 0 : i32
        %dma_start3A_126 = arith.constant 0 : i32
        %dma_start3A_127 = tpu.memref_slice %arg2[%dma_start3A_125, %dma_start3A_126] : memref<10240x128xf32, #tpu.memory_space<hbm>> -> memref<10240x128xf32, #tpu.memory_space<hbm>>
        tpu.enqueue_indirect_dma source(%dma_start3A_127 : memref<10240x128xf32, #tpu.memory_space<hbm>>) target(%dma_start3A_124 : memref<128x128xf32, #tpu.memory_space<vmem>>) offsets(%arg8 : memref<128xi32, #tpu.memory_space<vmem>>) semaphore(%run_scoped3A : memref<!tpu.dma_semaphore, #tpu.memory_space<semaphore_mem>>)
        %dma_wait3A_128 = arith.constant 0 : i32
        %dma_wait3A_129 = arith.constant 0 : i32
        %dma_wait3A_130 = tpu.memref_slice %arg10[%select_n3A_86, %dma_wait3A_128, %dma_wait3A_129] : memref<2x128x128xf32, #tpu.memory_space<vmem>> -> memref<1x128x128xf32, #tpu.memory_space<vmem>>
        %dma_wait3A_131 = tpu.memref_squeeze %dma_wait3A_130 : memref<1x128x128xf32, #tpu.memory_space<vmem>> -> memref<128x128xf32, #tpu.memory_space<vmem>>
        %dma_wait3A_132 = arith.constant 0 : i32
        %dma_wait3A_133 = arith.constant 0 : i32
        %dma_wait3A_134 = tpu.memref_slice %arg2[%dma_wait3A_132, %dma_wait3A_133] : memref<10240x128xf32, #tpu.memory_space<hbm>> -> memref<10240x128xf32, #tpu.memory_space<hbm>>
        tpu.wait_indirect_dma semaphore(%run_scoped3A : memref<!tpu.dma_semaphore, #tpu.memory_space<semaphore_mem>>) src(%dma_wait3A_134 : memref<10240x128xf32, #tpu.memory_space<hbm>>) dst(%dma_wait3A_131 : memref<128x128xf32, #tpu.memory_space<vmem>>)
        tpu.yield
      }) : () -> ()
      "tpu.region"() ({
        %run_scoped3A = tpu.sem_alloc : memref<!tpu.dma_semaphore, #tpu.memory_space<semaphore_mem>>
        %dma_start3A_121 = arith.constant 0 : i32
        %dma_start3A_122 = arith.constant 0 : i32
        %dma_start3A_123 = tpu.memref_slice %arg11[%select_n3A_86, %dma_start3A_121, %dma_start3A_122] : memref<2x128x128xi32, #tpu.memory_space<vmem>> -> memref<1x128x128xi32, #tpu.memory_space<vmem>>
        %dma_start3A_124 = tpu.memref_squeeze %dma_start3A_123 : memref<1x128x128xi32, #tpu.memory_space<vmem>> -> memref<128x128xi32, #tpu.memory_space<vmem>>
        %dma_start3A_125 = arith.constant 0 : i32
        %dma_start3A_126 = arith.constant 0 : i32
        %dma_start3A_127 = tpu.memref_slice %arg3[%dma_start3A_125, %dma_start3A_126] : memref<10240x128xi32, #tpu.memory_space<hbm>> -> memref<10240x128xi32, #tpu.memory_space<hbm>>
        tpu.enqueue_indirect_dma source(%dma_start3A_127 : memref<10240x128xi32, #tpu.memory_space<hbm>>) target(%dma_start3A_124 : memref<128x128xi32, #tpu.memory_space<vmem>>) offsets(%arg9 : memref<128xi32, #tpu.memory_space<vmem>>) semaphore(%run_scoped3A : memref<!tpu.dma_semaphore, #tpu.memory_space<semaphore_mem>>)
        %dma_wait3A_128 = arith.constant 0 : i32
        %dma_wait3A_129 = arith.constant 0 : i32
        %dma_wait3A_130 = tpu.memref_slice %arg11[%select_n3A_86, %dma_wait3A_128, %dma_wait3A_129] : memref<2x128x128xi32, #tpu.memory_space<vmem>> -> memref<1x128x128xi32, #tpu.memory_space<vmem>>
        %dma_wait3A_131 = tpu.memref_squeeze %dma_wait3A_130 : memref<1x128x128xi32, #tpu.memory_space<vmem>> -> memref<128x128xi32, #tpu.memory_space<vmem>>
        %dma_wait3A_132 = arith.constant 0 : i32
        %dma_wait3A_133 = arith.constant 0 : i32
        %dma_wait3A_134 = tpu.memref_slice %arg3[%dma_wait3A_132, %dma_wait3A_133] : memref<10240x128xi32, #tpu.memory_space<hbm>> -> memref<10240x128xi32, #tpu.memory_space<hbm>>
        tpu.wait_indirect_dma semaphore(%run_scoped3A : memref<!tpu.dma_semaphore, #tpu.memory_space<semaphore_mem>>) src(%dma_wait3A_134 : memref<10240x128xi32, #tpu.memory_space<hbm>>) dst(%dma_wait3A_131 : memref<128x128xi32, #tpu.memory_space<vmem>>)
        tpu.yield
      }) : () -> ()
      %dma_start3A = arith.constant 0 : i32
      %dma_start3A_94 = arith.constant 0 : i32
      %dma_start3A_95 = tpu.memref_slice %arg10[%select_n3A_86, %dma_start3A, %dma_start3A_94] : memref<2x128x128xf32, #tpu.memory_space<vmem>> -> memref<1x128x128xf32, #tpu.memory_space<vmem>>
      %dma_start3A_96 = tpu.memref_squeeze %dma_start3A_95 : memref<1x128x128xf32, #tpu.memory_space<vmem>> -> memref<128x128xf32, #tpu.memory_space<vmem>>
      %dma_start3A_97 = arith.constant 0 : i32
      %dma_start3A_98 = tpu.memref_slice %arg6[%mul3A_91, %dma_start3A_97] : memref<163840x128xf32, #tpu.memory_space<hbm>> -> memref<128x128xf32, #tpu.memory_space<hbm>>
      %dma_start3A_99 = tpu.memref_slice %arg12[%select_n3A_86] : memref<2x!tpu.dma_semaphore, #tpu.memory_space<semaphore_mem>> -> memref<1x!tpu.dma_semaphore, #tpu.memory_space<semaphore_mem>>
      %dma_start3A_100 = tpu.memref_squeeze %dma_start3A_99 : memref<1x!tpu.dma_semaphore, #tpu.memory_space<semaphore_mem>> -> memref<!tpu.dma_semaphore, #tpu.memory_space<semaphore_mem>>
      %dma_start3A_101 = arith.constant 0 : i32
      %dma_start3A_102 = tpu.memref_slice %arg6[%mul3A_91, %dma_start3A_101] : memref<163840x128xf32, #tpu.memory_space<hbm>> -> memref<128x128xf32, #tpu.memory_space<hbm>>
      %dma_start3A_103 = arith.constant 0 : i32
      %dma_start3A_104 = arith.constant 0 : i32
      %dma_start3A_105 = tpu.memref_slice %arg10[%select_n3A_86, %dma_start3A_103, %dma_start3A_104] : memref<2x128x128xf32, #tpu.memory_space<vmem>> -> memref<1x128x128xf32, #tpu.memory_space<vmem>>
      %dma_start3A_106 = tpu.memref_squeeze %dma_start3A_105 : memref<1x128x128xf32, #tpu.memory_space<vmem>> -> memref<128x128xf32, #tpu.memory_space<vmem>>
      tpu.enqueue_dma source(%dma_start3A_106 : memref<128x128xf32, #tpu.memory_space<vmem>>) target(%dma_start3A_102 : memref<128x128xf32, #tpu.memory_space<hbm>>) target_semaphore(%dma_start3A_100 : memref<!tpu.dma_semaphore, #tpu.memory_space<semaphore_mem>>)
      %dma_start3A_107 = arith.constant 0 : i32
      %dma_start3A_108 = arith.constant 0 : i32
      %dma_start3A_109 = tpu.memref_slice %arg11[%select_n3A_86, %dma_start3A_107, %dma_start3A_108] : memref<2x128x128xi32, #tpu.memory_space<vmem>> -> memref<1x128x128xi32, #tpu.memory_space<vmem>>
      %dma_start3A_110 = tpu.memref_squeeze %dma_start3A_109 : memref<1x128x128xi32, #tpu.memory_space<vmem>> -> memref<128x128xi32, #tpu.memory_space<vmem>>
      %dma_start3A_111 = arith.constant 0 : i32
      %dma_start3A_112 = tpu.memref_slice %arg7[%mul3A_91, %dma_start3A_111] : memref<163840x128xi32, #tpu.memory_space<hbm>> -> memref<128x128xi32, #tpu.memory_space<hbm>>
      %dma_start3A_113 = tpu.memref_slice %arg12[%select_n3A_86] : memref<2x!tpu.dma_semaphore, #tpu.memory_space<semaphore_mem>> -> memref<1x!tpu.dma_semaphore, #tpu.memory_space<semaphore_mem>>
      %dma_start3A_114 = tpu.memref_squeeze %dma_start3A_113 : memref<1x!tpu.dma_semaphore, #tpu.memory_space<semaphore_mem>> -> memref<!tpu.dma_semaphore, #tpu.memory_space<semaphore_mem>>
      %dma_start3A_115 = arith.constant 0 : i32
      %dma_start3A_116 = tpu.memref_slice %arg7[%mul3A_91, %dma_start3A_115] : memref<163840x128xi32, #tpu.memory_space<hbm>> -> memref<128x128xi32, #tpu.memory_space<hbm>>
      %dma_start3A_117 = arith.constant 0 : i32
      %dma_start3A_118 = arith.constant 0 : i32
      %dma_start3A_119 = tpu.memref_slice %arg11[%select_n3A_86, %dma_start3A_117, %dma_start3A_118] : memref<2x128x128xi32, #tpu.memory_space<vmem>> -> memref<1x128x128xi32, #tpu.memory_space<vmem>>
      %dma_start3A_120 = tpu.memref_squeeze %dma_start3A_119 : memref<1x128x128xi32, #tpu.memory_space<vmem>> -> memref<128x128xi32, #tpu.memory_space<vmem>>
      tpu.enqueue_dma source(%dma_start3A_120 : memref<128x128xi32, #tpu.memory_space<vmem>>) target(%dma_start3A_116 : memref<128x128xi32, #tpu.memory_space<hbm>>) target_semaphore(%dma_start3A_114 : memref<!tpu.dma_semaphore, #tpu.memory_space<semaphore_mem>>)
    }
    %scan3A_5 = arith.constant 40 : i32
    %dma_wait3A = arith.constant 0 : i32
    %dma_wait3A_6 = arith.constant 0 : i32
    %dma_wait3A_7 = arith.constant 0 : i32
    %dma_wait3A_8 = arith.constant 0 : i32
    %dma_wait3A_9 = tpu.memref_slice %arg10[%dma_wait3A, %dma_wait3A_7, %dma_wait3A_8] : memref<2x128x128xf32, #tpu.memory_space<vmem>> -> memref<1x128x128xf32, #tpu.memory_space<vmem>>
    %dma_wait3A_10 = tpu.memref_squeeze %dma_wait3A_9 : memref<1x128x128xf32, #tpu.memory_space<vmem>> -> memref<128x128xf32, #tpu.memory_space<vmem>>
    %dma_wait3A_11 = arith.constant 0 : i32
    %dma_wait3A_12 = arith.constant 0 : i32
    %dma_wait3A_13 = tpu.memref_slice %arg6[%dma_wait3A_11, %dma_wait3A_12] : memref<163840x128xf32, #tpu.memory_space<hbm>> -> memref<128x128xf32, #tpu.memory_space<hbm>>
    %dma_wait3A_14 = tpu.memref_slice %arg12[%dma_wait3A_6] : memref<2x!tpu.dma_semaphore, #tpu.memory_space<semaphore_mem>> -> memref<1x!tpu.dma_semaphore, #tpu.memory_space<semaphore_mem>>
    %dma_wait3A_15 = tpu.memref_squeeze %dma_wait3A_14 : memref<1x!tpu.dma_semaphore, #tpu.memory_space<semaphore_mem>> -> memref<!tpu.dma_semaphore, #tpu.memory_space<semaphore_mem>>
    %dma_wait3A_16 = arith.constant 0 : i32
    %dma_wait3A_17 = arith.constant 0 : i32
    %dma_wait3A_18 = tpu.memref_slice %arg6[%dma_wait3A_16, %dma_wait3A_17] : memref<163840x128xf32, #tpu.memory_space<hbm>> -> memref<128x128xf32, #tpu.memory_space<hbm>>
    %dma_wait3A_19 = arith.constant 0 : i32
    %dma_wait3A_20 = arith.constant 0 : i32
    %dma_wait3A_21 = tpu.memref_slice %arg10[%dma_wait3A, %dma_wait3A_19, %dma_wait3A_20] : memref<2x128x128xf32, #tpu.memory_space<vmem>> -> memref<1x128x128xf32, #tpu.memory_space<vmem>>
    %dma_wait3A_22 = tpu.memref_squeeze %dma_wait3A_21 : memref<1x128x128xf32, #tpu.memory_space<vmem>> -> memref<128x128xf32, #tpu.memory_space<vmem>>
    tpu.wait_dma2 semaphore(%dma_wait3A_15 : memref<!tpu.dma_semaphore, #tpu.memory_space<semaphore_mem>>) src(%dma_wait3A_22 : memref<128x128xf32, #tpu.memory_space<vmem>>) dst(%dma_wait3A_18 : memref<128x128xf32, #tpu.memory_space<hbm>>)
    %dma_wait3A_23 = arith.constant 0 : i32
    %dma_wait3A_24 = arith.constant 0 : i32
    %dma_wait3A_25 = arith.constant 0 : i32
    %dma_wait3A_26 = arith.constant 0 : i32
    %dma_wait3A_27 = tpu.memref_slice %arg11[%dma_wait3A_23, %dma_wait3A_25, %dma_wait3A_26] : memref<2x128x128xi32, #tpu.memory_space<vmem>> -> memref<1x128x128xi32, #tpu.memory_space<vmem>>
    %dma_wait3A_28 = tpu.memref_squeeze %dma_wait3A_27 : memref<1x128x128xi32, #tpu.memory_space<vmem>> -> memref<128x128xi32, #tpu.memory_space<vmem>>
    %dma_wait3A_29 = arith.constant 0 : i32
    %dma_wait3A_30 = arith.constant 0 : i32
    %dma_wait3A_31 = tpu.memref_slice %arg7[%dma_wait3A_29, %dma_wait3A_30] : memref<163840x128xi32, #tpu.memory_space<hbm>> -> memref<128x128xi32, #tpu.memory_space<hbm>>
    %dma_wait3A_32 = tpu.memref_slice %arg12[%dma_wait3A_24] : memref<2x!tpu.dma_semaphore, #tpu.memory_space<semaphore_mem>> -> memref<1x!tpu.dma_semaphore, #tpu.memory_space<semaphore_mem>>
    %dma_wait3A_33 = tpu.memref_squeeze %dma_wait3A_32 : memref<1x!tpu.dma_semaphore, #tpu.memory_space<semaphore_mem>> -> memref<!tpu.dma_semaphore, #tpu.memory_space<semaphore_mem>>
    %dma_wait3A_34 = arith.constant 0 : i32
    %dma_wait3A_35 = arith.constant 0 : i32
    %dma_wait3A_36 = tpu.memref_slice %arg7[%dma_wait3A_34, %dma_wait3A_35] : memref<163840x128xi32, #tpu.memory_space<hbm>> -> memref<128x128xi32, #tpu.memory_space<hbm>>
    %dma_wait3A_37 = arith.constant 0 : i32
    %dma_wait3A_38 = arith.constant 0 : i32
    %dma_wait3A_39 = tpu.memref_slice %arg11[%dma_wait3A_23, %dma_wait3A_37, %dma_wait3A_38] : memref<2x128x128xi32, #tpu.memory_space<vmem>> -> memref<1x128x128xi32, #tpu.memory_space<vmem>>
    %dma_wait3A_40 = tpu.memref_squeeze %dma_wait3A_39 : memref<1x128x128xi32, #tpu.memory_space<vmem>> -> memref<128x128xi32, #tpu.memory_space<vmem>>
    tpu.wait_dma2 semaphore(%dma_wait3A_33 : memref<!tpu.dma_semaphore, #tpu.memory_space<semaphore_mem>>) src(%dma_wait3A_40 : memref<128x128xi32, #tpu.memory_space<vmem>>) dst(%dma_wait3A_36 : memref<128x128xi32, #tpu.memory_space<hbm>>)
    %dma_wait3A_41 = arith.constant 1 : i32
    %dma_wait3A_42 = arith.constant 1 : i32
    %dma_wait3A_43 = arith.constant 0 : i32
    %dma_wait3A_44 = arith.constant 0 : i32
    %dma_wait3A_45 = tpu.memref_slice %arg10[%dma_wait3A_41, %dma_wait3A_43, %dma_wait3A_44] : memref<2x128x128xf32, #tpu.memory_space<vmem>> -> memref<1x128x128xf32, #tpu.memory_space<vmem>>
    %dma_wait3A_46 = tpu.memref_squeeze %dma_wait3A_45 : memref<1x128x128xf32, #tpu.memory_space<vmem>> -> memref<128x128xf32, #tpu.memory_space<vmem>>
    %dma_wait3A_47 = arith.constant 0 : i32
    %dma_wait3A_48 = arith.constant 0 : i32
    %dma_wait3A_49 = tpu.memref_slice %arg6[%dma_wait3A_47, %dma_wait3A_48] : memref<163840x128xf32, #tpu.memory_space<hbm>> -> memref<128x128xf32, #tpu.memory_space<hbm>>
    %dma_wait3A_50 = tpu.memref_slice %arg12[%dma_wait3A_42] : memref<2x!tpu.dma_semaphore, #tpu.memory_space<semaphore_mem>> -> memref<1x!tpu.dma_semaphore, #tpu.memory_space<semaphore_mem>>
    %dma_wait3A_51 = tpu.memref_squeeze %dma_wait3A_50 : memref<1x!tpu.dma_semaphore, #tpu.memory_space<semaphore_mem>> -> memref<!tpu.dma_semaphore, #tpu.memory_space<semaphore_mem>>
    %dma_wait3A_52 = arith.constant 0 : i32
    %dma_wait3A_53 = arith.constant 0 : i32
    %dma_wait3A_54 = tpu.memref_slice %arg6[%dma_wait3A_52, %dma_wait3A_53] : memref<163840x128xf32, #tpu.memory_space<hbm>> -> memref<128x128xf32, #tpu.memory_space<hbm>>
    %dma_wait3A_55 = arith.constant 0 : i32
    %dma_wait3A_56 = arith.constant 0 : i32
    %dma_wait3A_57 = tpu.memref_slice %arg10[%dma_wait3A_41, %dma_wait3A_55, %dma_wait3A_56] : memref<2x128x128xf32, #tpu.memory_space<vmem>> -> memref<1x128x128xf32, #tpu.memory_space<vmem>>
    %dma_wait3A_58 = tpu.memref_squeeze %dma_wait3A_57 : memref<1x128x128xf32, #tpu.memory_space<vmem>> -> memref<128x128xf32, #tpu.memory_space<vmem>>
    tpu.wait_dma2 semaphore(%dma_wait3A_51 : memref<!tpu.dma_semaphore, #tpu.memory_space<semaphore_mem>>) src(%dma_wait3A_58 : memref<128x128xf32, #tpu.memory_space<vmem>>) dst(%dma_wait3A_54 : memref<128x128xf32, #tpu.memory_space<hbm>>)
    %dma_wait3A_59 = arith.constant 1 : i32
    %dma_wait3A_60 = arith.constant 1 : i32
    %dma_wait3A_61 = arith.constant 0 : i32
    %dma_wait3A_62 = arith.constant 0 : i32
    %dma_wait3A_63 = tpu.memref_slice %arg11[%dma_wait3A_59, %dma_wait3A_61, %dma_wait3A_62] : memref<2x128x128xi32, #tpu.memory_space<vmem>> -> memref<1x128x128xi32, #tpu.memory_space<vmem>>
    %dma_wait3A_64 = tpu.memref_squeeze %dma_wait3A_63 : memref<1x128x128xi32, #tpu.memory_space<vmem>> -> memref<128x128xi32, #tpu.memory_space<vmem>>
    %dma_wait3A_65 = arith.constant 0 : i32
    %dma_wait3A_66 = arith.constant 0 : i32
    %dma_wait3A_67 = tpu.memref_slice %arg7[%dma_wait3A_65, %dma_wait3A_66] : memref<163840x128xi32, #tpu.memory_space<hbm>> -> memref<128x128xi32, #tpu.memory_space<hbm>>
    %dma_wait3A_68 = tpu.memref_slice %arg12[%dma_wait3A_60] : memref<2x!tpu.dma_semaphore, #tpu.memory_space<semaphore_mem>> -> memref<1x!tpu.dma_semaphore, #tpu.memory_space<semaphore_mem>>
    %dma_wait3A_69 = tpu.memref_squeeze %dma_wait3A_68 : memref<1x!tpu.dma_semaphore, #tpu.memory_space<semaphore_mem>> -> memref<!tpu.dma_semaphore, #tpu.memory_space<semaphore_mem>>
    %dma_wait3A_70 = arith.constant 0 : i32
    %dma_wait3A_71 = arith.constant 0 : i32
    %dma_wait3A_72 = tpu.memref_slice %arg7[%dma_wait3A_70, %dma_wait3A_71] : memref<163840x128xi32, #tpu.memory_space<hbm>> -> memref<128x128xi32, #tpu.memory_space<hbm>>
    %dma_wait3A_73 = arith.constant 0 : i32
    %dma_wait3A_74 = arith.constant 0 : i32
    %dma_wait3A_75 = tpu.memref_slice %arg11[%dma_wait3A_59, %dma_wait3A_73, %dma_wait3A_74] : memref<2x128x128xi32, #tpu.memory_space<vmem>> -> memref<1x128x128xi32, #tpu.memory_space<vmem>>
    %dma_wait3A_76 = tpu.memref_squeeze %dma_wait3A_75 : memref<1x128x128xi32, #tpu.memory_space<vmem>> -> memref<128x128xi32, #tpu.memory_space<vmem>>
    tpu.wait_dma2 semaphore(%dma_wait3A_69 : memref<!tpu.dma_semaphore, #tpu.memory_space<semaphore_mem>>) src(%dma_wait3A_76 : memref<128x128xi32, #tpu.memory_space<vmem>>) dst(%dma_wait3A_72 : memref<128x128xi32, #tpu.memory_space<hbm>>)
    return
  }
}

#map = affine_map<(d0, d1) -> (0)>
#map1 = affine_map<(d0, d1) -> (0, 0)>
module attributes {stable_mosaic.version = 14 : i64} {
  func.func @_sc_geo_body(%arg0: i32, %arg1: i32, %arg2: memref<10240xf32, #tpu.memory_space<hbm>>, %arg3: memref<10240xf32, #tpu.memory_space<hbm>>, %arg4: memref<10240xf32, #tpu.memory_space<hbm>>, %arg5: memref<323584xi32, #tpu.memory_space<hbm>>, %arg6: memref<323584xi32, #tpu.memory_space<hbm>>, %arg7: memref<8x323584xf32, #tpu.memory_space<hbm>>, %arg8: memref<10240xf32, #tpu.memory_space<vmem>>, %arg9: memref<10240xf32, #tpu.memory_space<vmem>>, %arg10: memref<10240xf32, #tpu.memory_space<vmem>>, %arg11: memref<128xi32, #tpu.memory_space<vmem>>, %arg12: memref<128xi32, #tpu.memory_space<vmem>>, %arg13: memref<128xf32, #tpu.memory_space<vmem>>, %arg14: memref<128xf32, #tpu.memory_space<vmem>>, %arg15: memref<128xf32, #tpu.memory_space<vmem>>) attributes {dimension_semantics = [#tpu.dimension_semantics<core_parallel>, #tpu.dimension_semantics<subcore_parallel>], iteration_bounds = array<i64: 2, 16>, scalar_prefetch = 0 : i64, scratch_operands = 8 : i64, tpu.core_type = #tpu.core_type<sc_vector_subcore>, window_params = [{transform_indices = #map}, {transform_indices = #map}, {transform_indices = #map}, {transform_indices = #map}, {transform_indices = #map}, {transform_indices = #map1}]} {
    %mul3A = arith.constant 2 : i32
    %mul3A_0 = arith.muli %arg1, %mul3A : i32
    %add3A = arith.addi %mul3A_0, %arg0 : i32
    "tpu.region"() ({
      %run_scoped3A = tpu.sem_alloc : memref<!tpu.dma_semaphore, #tpu.memory_space<semaphore_mem>>
      tpu.enqueue_dma source(%arg2 : memref<10240xf32, #tpu.memory_space<hbm>>) target(%arg8 : memref<10240xf32, #tpu.memory_space<vmem>>) target_semaphore(%run_scoped3A : memref<!tpu.dma_semaphore, #tpu.memory_space<semaphore_mem>>)
      tpu.wait_dma2 semaphore(%run_scoped3A : memref<!tpu.dma_semaphore, #tpu.memory_space<semaphore_mem>>) src(%arg2 : memref<10240xf32, #tpu.memory_space<hbm>>) dst(%arg8 : memref<10240xf32, #tpu.memory_space<vmem>>)
      tpu.yield
    }) : () -> ()
    "tpu.region"() ({
      %run_scoped3A = tpu.sem_alloc : memref<!tpu.dma_semaphore, #tpu.memory_space<semaphore_mem>>
      tpu.enqueue_dma source(%arg3 : memref<10240xf32, #tpu.memory_space<hbm>>) target(%arg9 : memref<10240xf32, #tpu.memory_space<vmem>>) target_semaphore(%run_scoped3A : memref<!tpu.dma_semaphore, #tpu.memory_space<semaphore_mem>>)
      tpu.wait_dma2 semaphore(%run_scoped3A : memref<!tpu.dma_semaphore, #tpu.memory_space<semaphore_mem>>) src(%arg3 : memref<10240xf32, #tpu.memory_space<hbm>>) dst(%arg9 : memref<10240xf32, #tpu.memory_space<vmem>>)
      tpu.yield
    }) : () -> ()
    "tpu.region"() ({
      %run_scoped3A = tpu.sem_alloc : memref<!tpu.dma_semaphore, #tpu.memory_space<semaphore_mem>>
      tpu.enqueue_dma source(%arg4 : memref<10240xf32, #tpu.memory_space<hbm>>) target(%arg10 : memref<10240xf32, #tpu.memory_space<vmem>>) target_semaphore(%run_scoped3A : memref<!tpu.dma_semaphore, #tpu.memory_space<semaphore_mem>>)
      tpu.wait_dma2 semaphore(%run_scoped3A : memref<!tpu.dma_semaphore, #tpu.memory_space<semaphore_mem>>) src(%arg4 : memref<10240xf32, #tpu.memory_space<hbm>>) dst(%arg10 : memref<10240xf32, #tpu.memory_space<vmem>>)
      tpu.yield
    }) : () -> ()
    %scan3A = arith.constant 0 : i32
    %scan3A_1 = arith.constant 0 : i32
    %scan3A_2 = arith.constant 79 : i32
    %scan3A_3 = arith.addi %scan3A_1, %scan3A_2 : i32
    %scan3A_4 = arith.constant 1 : i32
    scf.for %scan3A_6 = %scan3A_1 to %scan3A_3 step %scan3A_4  : i32 {
      %mul3A_7 = arith.constant 32 : i32
      %mul3A_8 = arith.muli %scan3A_6, %mul3A_7 : i32
      %add3A_9 = arith.addi %mul3A_8, %add3A : i32
      %mul3A_10 = arith.constant 128 : i32
      %mul3A_11 = arith.muli %add3A_9, %mul3A_10 : i32
      "tpu.region"() ({
        %run_scoped3A_162 = tpu.sem_alloc : memref<!tpu.dma_semaphore, #tpu.memory_space<semaphore_mem>>
        %dma_start3A = tpu.memref_slice %arg5[%mul3A_11] : memref<323584xi32, #tpu.memory_space<hbm>> -> memref<128xi32, #tpu.memory_space<hbm>>
        %dma_start3A_163 = tpu.memref_slice %arg5[%mul3A_11] : memref<323584xi32, #tpu.memory_space<hbm>> -> memref<128xi32, #tpu.memory_space<hbm>>
        tpu.enqueue_dma source(%dma_start3A_163 : memref<128xi32, #tpu.memory_space<hbm>>) target(%arg11 : memref<128xi32, #tpu.memory_space<vmem>>) target_semaphore(%run_scoped3A_162 : memref<!tpu.dma_semaphore, #tpu.memory_space<semaphore_mem>>)
        %dma_wait3A = tpu.memref_slice %arg5[%mul3A_11] : memref<323584xi32, #tpu.memory_space<hbm>> -> memref<128xi32, #tpu.memory_space<hbm>>
        %dma_wait3A_164 = tpu.memref_slice %arg5[%mul3A_11] : memref<323584xi32, #tpu.memory_space<hbm>> -> memref<128xi32, #tpu.memory_space<hbm>>
        tpu.wait_dma2 semaphore(%run_scoped3A_162 : memref<!tpu.dma_semaphore, #tpu.memory_space<semaphore_mem>>) src(%dma_wait3A_164 : memref<128xi32, #tpu.memory_space<hbm>>) dst(%arg11 : memref<128xi32, #tpu.memory_space<vmem>>)
        tpu.yield
      }) : () -> ()
      "tpu.region"() ({
        %run_scoped3A_162 = tpu.sem_alloc : memref<!tpu.dma_semaphore, #tpu.memory_space<semaphore_mem>>
        %dma_start3A = tpu.memref_slice %arg6[%mul3A_11] : memref<323584xi32, #tpu.memory_space<hbm>> -> memref<128xi32, #tpu.memory_space<hbm>>
        %dma_start3A_163 = tpu.memref_slice %arg6[%mul3A_11] : memref<323584xi32, #tpu.memory_space<hbm>> -> memref<128xi32, #tpu.memory_space<hbm>>
        tpu.enqueue_dma source(%dma_start3A_163 : memref<128xi32, #tpu.memory_space<hbm>>) target(%arg12 : memref<128xi32, #tpu.memory_space<vmem>>) target_semaphore(%run_scoped3A_162 : memref<!tpu.dma_semaphore, #tpu.memory_space<semaphore_mem>>)
        %dma_wait3A = tpu.memref_slice %arg6[%mul3A_11] : memref<323584xi32, #tpu.memory_space<hbm>> -> memref<128xi32, #tpu.memory_space<hbm>>
        %dma_wait3A_164 = tpu.memref_slice %arg6[%mul3A_11] : memref<323584xi32, #tpu.memory_space<hbm>> -> memref<128xi32, #tpu.memory_space<hbm>>
        tpu.wait_dma2 semaphore(%run_scoped3A_162 : memref<!tpu.dma_semaphore, #tpu.memory_space<semaphore_mem>>) src(%dma_wait3A_164 : memref<128xi32, #tpu.memory_space<hbm>>) dst(%arg12 : memref<128xi32, #tpu.memory_space<vmem>>)
        tpu.yield
      }) : () -> ()
      %get3A = arith.constant 0 : index
      %get3A_12 = tpu.vector_load %arg12[%get3A] {strides = array<i32>} : memref<128xi32, #tpu.memory_space<vmem>>, vector<16xi32>,
      %get3A_13 = arith.constant 0 : index
      %get3A_14 = tpu.vector_load %arg11[%get3A_13] {strides = array<i32>} : memref<128xi32, #tpu.memory_space<vmem>>, vector<16xi32>,
      %gather3A = tpu.vector_load_idx %arg8[%get3A_12] : memref<10240xf32, #tpu.memory_space<vmem>>[vector<16xi32>], vector<16xf32>,
      %gather3A_15 = tpu.vector_load_idx %arg8[%get3A_14] : memref<10240xf32, #tpu.memory_space<vmem>>[vector<16xi32>], vector<16xf32>,
      %sub3A = arith.subf %gather3A, %gather3A_15 : vector<16xf32>
      %swap3A = arith.constant 0 : index
      %swap3A_16 = tpu.vector_load %arg13[%swap3A] {strides = array<i32>} : memref<128xf32, #tpu.memory_space<vmem>>, vector<16xf32>,
      tpu.vector_store %arg13[%swap3A], %sub3A {strides = array<i32>} : memref<128xf32, #tpu.memory_space<vmem>>, vector<16xf32>,
      %gather3A_17 = tpu.vector_load_idx %arg9[%get3A_12] : memref<10240xf32, #tpu.memory_space<vmem>>[vector<16xi32>], vector<16xf32>,
      %gather3A_18 = tpu.vector_load_idx %arg9[%get3A_14] : memref<10240xf32, #tpu.memory_space<vmem>>[vector<16xi32>], vector<16xf32>,
      %sub3A_19 = arith.subf %gather3A_17, %gather3A_18 : vector<16xf32>
      %swap3A_20 = arith.constant 0 : index
      %swap3A_21 = tpu.vector_load %arg14[%swap3A_20] {strides = array<i32>} : memref<128xf32, #tpu.memory_space<vmem>>, vector<16xf32>,
      tpu.vector_store %arg14[%swap3A_20], %sub3A_19 {strides = array<i32>} : memref<128xf32, #tpu.memory_space<vmem>>, vector<16xf32>,
      %gather3A_22 = tpu.vector_load_idx %arg10[%get3A_12] : memref<10240xf32, #tpu.memory_space<vmem>>[vector<16xi32>], vector<16xf32>,
      %gather3A_23 = tpu.vector_load_idx %arg10[%get3A_14] : memref<10240xf32, #tpu.memory_space<vmem>>[vector<16xi32>], vector<16xf32>,
      %sub3A_24 = arith.subf %gather3A_22, %gather3A_23 : vector<16xf32>
      %swap3A_25 = arith.constant 0 : index
      %swap3A_26 = tpu.vector_load %arg15[%swap3A_25] {strides = array<i32>} : memref<128xf32, #tpu.memory_space<vmem>>, vector<16xf32>,
      tpu.vector_store %arg15[%swap3A_25], %sub3A_24 {strides = array<i32>} : memref<128xf32, #tpu.memory_space<vmem>>, vector<16xf32>,
      %get3A_27 = arith.constant 16 : index
      %get3A_28 = tpu.vector_load %arg12[%get3A_27] {strides = array<i32>} : memref<128xi32, #tpu.memory_space<vmem>>, vector<16xi32>,
      %get3A_29 = arith.constant 16 : index
      %get3A_30 = tpu.vector_load %arg11[%get3A_29] {strides = array<i32>} : memref<128xi32, #tpu.memory_space<vmem>>, vector<16xi32>,
      %gather3A_31 = tpu.vector_load_idx %arg8[%get3A_28] : memref<10240xf32, #tpu.memory_space<vmem>>[vector<16xi32>], vector<16xf32>,
      %gather3A_32 = tpu.vector_load_idx %arg8[%get3A_30] : memref<10240xf32, #tpu.memory_space<vmem>>[vector<16xi32>], vector<16xf32>,
      %sub3A_33 = arith.subf %gather3A_31, %gather3A_32 : vector<16xf32>
      %swap3A_34 = arith.constant 16 : index
      %swap3A_35 = tpu.vector_load %arg13[%swap3A_34] {strides = array<i32>} : memref<128xf32, #tpu.memory_space<vmem>>, vector<16xf32>,
      tpu.vector_store %arg13[%swap3A_34], %sub3A_33 {strides = array<i32>} : memref<128xf32, #tpu.memory_space<vmem>>, vector<16xf32>,
      %gather3A_36 = tpu.vector_load_idx %arg9[%get3A_28] : memref<10240xf32, #tpu.memory_space<vmem>>[vector<16xi32>], vector<16xf32>,
      %gather3A_37 = tpu.vector_load_idx %arg9[%get3A_30] : memref<10240xf32, #tpu.memory_space<vmem>>[vector<16xi32>], vector<16xf32>,
      %sub3A_38 = arith.subf %gather3A_36, %gather3A_37 : vector<16xf32>
      %swap3A_39 = arith.constant 16 : index
      %swap3A_40 = tpu.vector_load %arg14[%swap3A_39] {strides = array<i32>} : memref<128xf32, #tpu.memory_space<vmem>>, vector<16xf32>,
      tpu.vector_store %arg14[%swap3A_39], %sub3A_38 {strides = array<i32>} : memref<128xf32, #tpu.memory_space<vmem>>, vector<16xf32>,
      %gather3A_41 = tpu.vector_load_idx %arg10[%get3A_28] : memref<10240xf32, #tpu.memory_space<vmem>>[vector<16xi32>], vector<16xf32>,
      %gather3A_42 = tpu.vector_load_idx %arg10[%get3A_30] : memref<10240xf32, #tpu.memory_space<vmem>>[vector<16xi32>], vector<16xf32>,
      %sub3A_43 = arith.subf %gather3A_41, %gather3A_42 : vector<16xf32>
      %swap3A_44 = arith.constant 16 : index
      %swap3A_45 = tpu.vector_load %arg15[%swap3A_44] {strides = array<i32>} : memref<128xf32, #tpu.memory_space<vmem>>, vector<16xf32>,
      tpu.vector_store %arg15[%swap3A_44], %sub3A_43 {strides = array<i32>} : memref<128xf32, #tpu.memory_space<vmem>>, vector<16xf32>,
      %get3A_46 = arith.constant 32 : index
      %get3A_47 = tpu.vector_load %arg12[%get3A_46] {strides = array<i32>} : memref<128xi32, #tpu.memory_space<vmem>>, vector<16xi32>,
      %get3A_48 = arith.constant 32 : index
      %get3A_49 = tpu.vector_load %arg11[%get3A_48] {strides = array<i32>} : memref<128xi32, #tpu.memory_space<vmem>>, vector<16xi32>,
      %gather3A_50 = tpu.vector_load_idx %arg8[%get3A_47] : memref<10240xf32, #tpu.memory_space<vmem>>[vector<16xi32>], vector<16xf32>,
      %gather3A_51 = tpu.vector_load_idx %arg8[%get3A_49] : memref<10240xf32, #tpu.memory_space<vmem>>[vector<16xi32>], vector<16xf32>,
      %sub3A_52 = arith.subf %gather3A_50, %gather3A_51 : vector<16xf32>
      %swap3A_53 = arith.constant 32 : index
      %swap3A_54 = tpu.vector_load %arg13[%swap3A_53] {strides = array<i32>} : memref<128xf32, #tpu.memory_space<vmem>>, vector<16xf32>,
      tpu.vector_store %arg13[%swap3A_53], %sub3A_52 {strides = array<i32>} : memref<128xf32, #tpu.memory_space<vmem>>, vector<16xf32>,
      %gather3A_55 = tpu.vector_load_idx %arg9[%get3A_47] : memref<10240xf32, #tpu.memory_space<vmem>>[vector<16xi32>], vector<16xf32>,
      %gather3A_56 = tpu.vector_load_idx %arg9[%get3A_49] : memref<10240xf32, #tpu.memory_space<vmem>>[vector<16xi32>], vector<16xf32>,
      %sub3A_57 = arith.subf %gather3A_55, %gather3A_56 : vector<16xf32>
      %swap3A_58 = arith.constant 32 : index
      %swap3A_59 = tpu.vector_load %arg14[%swap3A_58] {strides = array<i32>} : memref<128xf32, #tpu.memory_space<vmem>>, vector<16xf32>,
      tpu.vector_store %arg14[%swap3A_58], %sub3A_57 {strides = array<i32>} : memref<128xf32, #tpu.memory_space<vmem>>, vector<16xf32>,
      %gather3A_60 = tpu.vector_load_idx %arg10[%get3A_47] : memref<10240xf32, #tpu.memory_space<vmem>>[vector<16xi32>], vector<16xf32>,
      %gather3A_61 = tpu.vector_load_idx %arg10[%get3A_49] : memref<10240xf32, #tpu.memory_space<vmem>>[vector<16xi32>], vector<16xf32>,
      %sub3A_62 = arith.subf %gather3A_60, %gather3A_61 : vector<16xf32>
      %swap3A_63 = arith.constant 32 : index
      %swap3A_64 = tpu.vector_load %arg15[%swap3A_63] {strides = array<i32>} : memref<128xf32, #tpu.memory_space<vmem>>, vector<16xf32>,
      tpu.vector_store %arg15[%swap3A_63], %sub3A_62 {strides = array<i32>} : memref<128xf32, #tpu.memory_space<vmem>>, vector<16xf32>,
      %get3A_65 = arith.constant 48 : index
      %get3A_66 = tpu.vector_load %arg12[%get3A_65] {strides = array<i32>} : memref<128xi32, #tpu.memory_space<vmem>>, vector<16xi32>,
      %get3A_67 = arith.constant 48 : index
      %get3A_68 = tpu.vector_load %arg11[%get3A_67] {strides = array<i32>} : memref<128xi32, #tpu.memory_space<vmem>>, vector<16xi32>,
      %gather3A_69 = tpu.vector_load_idx %arg8[%get3A_66] : memref<10240xf32, #tpu.memory_space<vmem>>[vector<16xi32>], vector<16xf32>,
      %gather3A_70 = tpu.vector_load_idx %arg8[%get3A_68] : memref<10240xf32, #tpu.memory_space<vmem>>[vector<16xi32>], vector<16xf32>,
      %sub3A_71 = arith.subf %gather3A_69, %gather3A_70 : vector<16xf32>
      %swap3A_72 = arith.constant 48 : index
      %swap3A_73 = tpu.vector_load %arg13[%swap3A_72] {strides = array<i32>} : memref<128xf32, #tpu.memory_space<vmem>>, vector<16xf32>,
      tpu.vector_store %arg13[%swap3A_72], %sub3A_71 {strides = array<i32>} : memref<128xf32, #tpu.memory_space<vmem>>, vector<16xf32>,
      %gather3A_74 = tpu.vector_load_idx %arg9[%get3A_66] : memref<10240xf32, #tpu.memory_space<vmem>>[vector<16xi32>], vector<16xf32>,
      %gather3A_75 = tpu.vector_load_idx %arg9[%get3A_68] : memref<10240xf32, #tpu.memory_space<vmem>>[vector<16xi32>], vector<16xf32>,
      %sub3A_76 = arith.subf %gather3A_74, %gather3A_75 : vector<16xf32>
      %swap3A_77 = arith.constant 48 : index
      %swap3A_78 = tpu.vector_load %arg14[%swap3A_77] {strides = array<i32>} : memref<128xf32, #tpu.memory_space<vmem>>, vector<16xf32>,
      tpu.vector_store %arg14[%swap3A_77], %sub3A_76 {strides = array<i32>} : memref<128xf32, #tpu.memory_space<vmem>>, vector<16xf32>,
      %gather3A_79 = tpu.vector_load_idx %arg10[%get3A_66] : memref<10240xf32, #tpu.memory_space<vmem>>[vector<16xi32>], vector<16xf32>,
      %gather3A_80 = tpu.vector_load_idx %arg10[%get3A_68] : memref<10240xf32, #tpu.memory_space<vmem>>[vector<16xi32>], vector<16xf32>,
      %sub3A_81 = arith.subf %gather3A_79, %gather3A_80 : vector<16xf32>
      %swap3A_82 = arith.constant 48 : index
      %swap3A_83 = tpu.vector_load %arg15[%swap3A_82] {strides = array<i32>} : memref<128xf32, #tpu.memory_space<vmem>>, vector<16xf32>,
      tpu.vector_store %arg15[%swap3A_82], %sub3A_81 {strides = array<i32>} : memref<128xf32, #tpu.memory_space<vmem>>, vector<16xf32>,
      %get3A_84 = arith.constant 64 : index
      %get3A_85 = tpu.vector_load %arg12[%get3A_84] {strides = array<i32>} : memref<128xi32, #tpu.memory_space<vmem>>, vector<16xi32>,
      %get3A_86 = arith.constant 64 : index
      %get3A_87 = tpu.vector_load %arg11[%get3A_86] {strides = array<i32>} : memref<128xi32, #tpu.memory_space<vmem>>, vector<16xi32>,
      %gather3A_88 = tpu.vector_load_idx %arg8[%get3A_85] : memref<10240xf32, #tpu.memory_space<vmem>>[vector<16xi32>], vector<16xf32>,
      %gather3A_89 = tpu.vector_load_idx %arg8[%get3A_87] : memref<10240xf32, #tpu.memory_space<vmem>>[vector<16xi32>], vector<16xf32>,
      %sub3A_90 = arith.subf %gather3A_88, %gather3A_89 : vector<16xf32>
      %swap3A_91 = arith.constant 64 : index
      %swap3A_92 = tpu.vector_load %arg13[%swap3A_91] {strides = array<i32>} : memref<128xf32, #tpu.memory_space<vmem>>, vector<16xf32>,
      tpu.vector_store %arg13[%swap3A_91], %sub3A_90 {strides = array<i32>} : memref<128xf32, #tpu.memory_space<vmem>>, vector<16xf32>,
      %gather3A_93 = tpu.vector_load_idx %arg9[%get3A_85] : memref<10240xf32, #tpu.memory_space<vmem>>[vector<16xi32>], vector<16xf32>,
      %gather3A_94 = tpu.vector_load_idx %arg9[%get3A_87] : memref<10240xf32, #tpu.memory_space<vmem>>[vector<16xi32>], vector<16xf32>,
      %sub3A_95 = arith.subf %gather3A_93, %gather3A_94 : vector<16xf32>
      %swap3A_96 = arith.constant 64 : index
      %swap3A_97 = tpu.vector_load %arg14[%swap3A_96] {strides = array<i32>} : memref<128xf32, #tpu.memory_space<vmem>>, vector<16xf32>,
      tpu.vector_store %arg14[%swap3A_96], %sub3A_95 {strides = array<i32>} : memref<128xf32, #tpu.memory_space<vmem>>, vector<16xf32>,
      %gather3A_98 = tpu.vector_load_idx %arg10[%get3A_85] : memref<10240xf32, #tpu.memory_space<vmem>>[vector<16xi32>], vector<16xf32>,
      %gather3A_99 = tpu.vector_load_idx %arg10[%get3A_87] : memref<10240xf32, #tpu.memory_space<vmem>>[vector<16xi32>], vector<16xf32>,
      %sub3A_100 = arith.subf %gather3A_98, %gather3A_99 : vector<16xf32>
      %swap3A_101 = arith.constant 64 : index
      %swap3A_102 = tpu.vector_load %arg15[%swap3A_101] {strides = array<i32>} : memref<128xf32, #tpu.memory_space<vmem>>, vector<16xf32>,
      tpu.vector_store %arg15[%swap3A_101], %sub3A_100 {strides = array<i32>} : memref<128xf32, #tpu.memory_space<vmem>>, vector<16xf32>,
      %get3A_103 = arith.constant 80 : index
      %get3A_104 = tpu.vector_load %arg12[%get3A_103] {strides = array<i32>} : memref<128xi32, #tpu.memory_space<vmem>>, vector<16xi32>,
      %get3A_105 = arith.constant 80 : index
      %get3A_106 = tpu.vector_load %arg11[%get3A_105] {strides = array<i32>} : memref<128xi32, #tpu.memory_space<vmem>>, vector<16xi32>,
      %gather3A_107 = tpu.vector_load_idx %arg8[%get3A_104] : memref<10240xf32, #tpu.memory_space<vmem>>[vector<16xi32>], vector<16xf32>,
      %gather3A_108 = tpu.vector_load_idx %arg8[%get3A_106] : memref<10240xf32, #tpu.memory_space<vmem>>[vector<16xi32>], vector<16xf32>,
      %sub3A_109 = arith.subf %gather3A_107, %gather3A_108 : vector<16xf32>
      %swap3A_110 = arith.constant 80 : index
      %swap3A_111 = tpu.vector_load %arg13[%swap3A_110] {strides = array<i32>} : memref<128xf32, #tpu.memory_space<vmem>>, vector<16xf32>,
      tpu.vector_store %arg13[%swap3A_110], %sub3A_109 {strides = array<i32>} : memref<128xf32, #tpu.memory_space<vmem>>, vector<16xf32>,
      %gather3A_112 = tpu.vector_load_idx %arg9[%get3A_104] : memref<10240xf32, #tpu.memory_space<vmem>>[vector<16xi32>], vector<16xf32>,
      %gather3A_113 = tpu.vector_load_idx %arg9[%get3A_106] : memref<10240xf32, #tpu.memory_space<vmem>>[vector<16xi32>], vector<16xf32>,
      %sub3A_114 = arith.subf %gather3A_112, %gather3A_113 : vector<16xf32>
      %swap3A_115 = arith.constant 80 : index
      %swap3A_116 = tpu.vector_load %arg14[%swap3A_115] {strides = array<i32>} : memref<128xf32, #tpu.memory_space<vmem>>, vector<16xf32>,
      tpu.vector_store %arg14[%swap3A_115], %sub3A_114 {strides = array<i32>} : memref<128xf32, #tpu.memory_space<vmem>>, vector<16xf32>,
      %gather3A_117 = tpu.vector_load_idx %arg10[%get3A_104] : memref<10240xf32, #tpu.memory_space<vmem>>[vector<16xi32>], vector<16xf32>,
      %gather3A_118 = tpu.vector_load_idx %arg10[%get3A_106] : memref<10240xf32, #tpu.memory_space<vmem>>[vector<16xi32>], vector<16xf32>,
      %sub3A_119 = arith.subf %gather3A_117, %gather3A_118 : vector<16xf32>
      %swap3A_120 = arith.constant 80 : index
      %swap3A_121 = tpu.vector_load %arg15[%swap3A_120] {strides = array<i32>} : memref<128xf32, #tpu.memory_space<vmem>>, vector<16xf32>,
      tpu.vector_store %arg15[%swap3A_120], %sub3A_119 {strides = array<i32>} : memref<128xf32, #tpu.memory_space<vmem>>, vector<16xf32>,
      %get3A_122 = arith.constant 96 : index
      %get3A_123 = tpu.vector_load %arg12[%get3A_122] {strides = array<i32>} : memref<128xi32, #tpu.memory_space<vmem>>, vector<16xi32>,
      %get3A_124 = arith.constant 96 : index
      %get3A_125 = tpu.vector_load %arg11[%get3A_124] {strides = array<i32>} : memref<128xi32, #tpu.memory_space<vmem>>, vector<16xi32>,
      %gather3A_126 = tpu.vector_load_idx %arg8[%get3A_123] : memref<10240xf32, #tpu.memory_space<vmem>>[vector<16xi32>], vector<16xf32>,
      %gather3A_127 = tpu.vector_load_idx %arg8[%get3A_125] : memref<10240xf32, #tpu.memory_space<vmem>>[vector<16xi32>], vector<16xf32>,
      %sub3A_128 = arith.subf %gather3A_126, %gather3A_127 : vector<16xf32>
      %swap3A_129 = arith.constant 96 : index
      %swap3A_130 = tpu.vector_load %arg13[%swap3A_129] {strides = array<i32>} : memref<128xf32, #tpu.memory_space<vmem>>, vector<16xf32>,
      tpu.vector_store %arg13[%swap3A_129], %sub3A_128 {strides = array<i32>} : memref<128xf32, #tpu.memory_space<vmem>>, vector<16xf32>,
      %gather3A_131 = tpu.vector_load_idx %arg9[%get3A_123] : memref<10240xf32, #tpu.memory_space<vmem>>[vector<16xi32>], vector<16xf32>,
      %gather3A_132 = tpu.vector_load_idx %arg9[%get3A_125] : memref<10240xf32, #tpu.memory_space<vmem>>[vector<16xi32>], vector<16xf32>,
      %sub3A_133 = arith.subf %gather3A_131, %gather3A_132 : vector<16xf32>
      %swap3A_134 = arith.constant 96 : index
      %swap3A_135 = tpu.vector_load %arg14[%swap3A_134] {strides = array<i32>} : memref<128xf32, #tpu.memory_space<vmem>>, vector<16xf32>,
      tpu.vector_store %arg14[%swap3A_134], %sub3A_133 {strides = array<i32>} : memref<128xf32, #tpu.memory_space<vmem>>, vector<16xf32>,
      %gather3A_136 = tpu.vector_load_idx %arg10[%get3A_123] : memref<10240xf32, #tpu.memory_space<vmem>>[vector<16xi32>], vector<16xf32>,
      %gather3A_137 = tpu.vector_load_idx %arg10[%get3A_125] : memref<10240xf32, #tpu.memory_space<vmem>>[vector<16xi32>], vector<16xf32>,
      %sub3A_138 = arith.subf %gather3A_136, %gather3A_137 : vector<16xf32>
      %swap3A_139 = arith.constant 96 : index
      %swap3A_140 = tpu.vector_load %arg15[%swap3A_139] {strides = array<i32>} : memref<128xf32, #tpu.memory_space<vmem>>, vector<16xf32>,
      tpu.vector_store %arg15[%swap3A_139], %sub3A_138 {strides = array<i32>} : memref<128xf32, #tpu.memory_space<vmem>>, vector<16xf32>,
      %get3A_141 = arith.constant 112 : index
      %get3A_142 = tpu.vector_load %arg12[%get3A_141] {strides = array<i32>} : memref<128xi32, #tpu.memory_space<vmem>>, vector<16xi32>,
      %get3A_143 = arith.constant 112 : index
      %get3A_144 = tpu.vector_load %arg11[%get3A_143] {strides = array<i32>} : memref<128xi32, #tpu.memory_space<vmem>>, vector<16xi32>,
      %gather3A_145 = tpu.vector_load_idx %arg8[%get3A_142] : memref<10240xf32, #tpu.memory_space<vmem>>[vector<16xi32>], vector<16xf32>,
      %gather3A_146 = tpu.vector_load_idx %arg8[%get3A_144] : memref<10240xf32, #tpu.memory_space<vmem>>[vector<16xi32>], vector<16xf32>,
      %sub3A_147 = arith.subf %gather3A_145, %gather3A_146 : vector<16xf32>
      %swap3A_148 = arith.constant 112 : index
      %swap3A_149 = tpu.vector_load %arg13[%swap3A_148] {strides = array<i32>} : memref<128xf32, #tpu.memory_space<vmem>>, vector<16xf32>,
      tpu.vector_store %arg13[%swap3A_148], %sub3A_147 {strides = array<i32>} : memref<128xf32, #tpu.memory_space<vmem>>, vector<16xf32>,
      %gather3A_150 = tpu.vector_load_idx %arg9[%get3A_142] : memref<10240xf32, #tpu.memory_space<vmem>>[vector<16xi32>], vector<16xf32>,
      %gather3A_151 = tpu.vector_load_idx %arg9[%get3A_144] : memref<10240xf32, #tpu.memory_space<vmem>>[vector<16xi32>], vector<16xf32>,
      %sub3A_152 = arith.subf %gather3A_150, %gather3A_151 : vector<16xf32>
      %swap3A_153 = arith.constant 112 : index
      %swap3A_154 = tpu.vector_load %arg14[%swap3A_153] {strides = array<i32>} : memref<128xf32, #tpu.memory_space<vmem>>, vector<16xf32>,
      tpu.vector_store %arg14[%swap3A_153], %sub3A_152 {strides = array<i32>} : memref<128xf32, #tpu.memory_space<vmem>>, vector<16xf32>,
      %gather3A_155 = tpu.vector_load_idx %arg10[%get3A_142] : memref<10240xf32, #tpu.memory_space<vmem>>[vector<16xi32>], vector<16xf32>,
      %gather3A_156 = tpu.vector_load_idx %arg10[%get3A_144] : memref<10240xf32, #tpu.memory_space<vmem>>[vector<16xi32>], vector<16xf32>,
      %sub3A_157 = arith.subf %gather3A_155, %gather3A_156 : vector<16xf32>
      %swap3A_158 = arith.constant 112 : index
      %swap3A_159 = tpu.vector_load %arg15[%swap3A_158] {strides = array<i32>} : memref<128xf32, #tpu.memory_space<vmem>>, vector<16xf32>,
      tpu.vector_store %arg15[%swap3A_158], %sub3A_157 {strides = array<i32>} : memref<128xf32, #tpu.memory_space<vmem>>, vector<16xf32>,
      %run_scoped3A = arith.constant 0 : i32
      "tpu.region"() ({
        %run_scoped3A_162 = tpu.sem_alloc : memref<!tpu.dma_semaphore, #tpu.memory_space<semaphore_mem>>
        %dma_start3A = tpu.memref_slice %arg7[%run_scoped3A, %mul3A_11] : memref<8x323584xf32, #tpu.memory_space<hbm>> -> memref<1x128xf32, #tpu.memory_space<hbm>>
        %dma_start3A_163 = tpu.memref_squeeze %dma_start3A : memref<1x128xf32, #tpu.memory_space<hbm>> -> memref<128xf32, #tpu.memory_space<hbm>>
        %dma_start3A_164 = tpu.memref_slice %arg7[%run_scoped3A, %mul3A_11] : memref<8x323584xf32, #tpu.memory_space<hbm>> -> memref<1x128xf32, #tpu.memory_space<hbm>>
        %dma_start3A_165 = tpu.memref_squeeze %dma_start3A_164 : memref<1x128xf32, #tpu.memory_space<hbm>> -> memref<128xf32, #tpu.memory_space<hbm>>
        tpu.enqueue_dma source(%arg13 : memref<128xf32, #tpu.memory_space<vmem>>) target(%dma_start3A_165 : memref<128xf32, #tpu.memory_space<hbm>>) target_semaphore(%run_scoped3A_162 : memref<!tpu.dma_semaphore, #tpu.memory_space<semaphore_mem>>)
        %dma_wait3A = tpu.memref_slice %arg7[%run_scoped3A, %mul3A_11] : memref<8x323584xf32, #tpu.memory_space<hbm>> -> memref<1x128xf32, #tpu.memory_space<hbm>>
        %dma_wait3A_166 = tpu.memref_squeeze %dma_wait3A : memref<1x128xf32, #tpu.memory_space<hbm>> -> memref<128xf32, #tpu.memory_space<hbm>>
        %dma_wait3A_167 = tpu.memref_slice %arg7[%run_scoped3A, %mul3A_11] : memref<8x323584xf32, #tpu.memory_space<hbm>> -> memref<1x128xf32, #tpu.memory_space<hbm>>
        %dma_wait3A_168 = tpu.memref_squeeze %dma_wait3A_167 : memref<1x128xf32, #tpu.memory_space<hbm>> -> memref<128xf32, #tpu.memory_space<hbm>>
        tpu.wait_dma2 semaphore(%run_scoped3A_162 : memref<!tpu.dma_semaphore, #tpu.memory_space<semaphore_mem>>) src(%arg13 : memref<128xf32, #tpu.memory_space<vmem>>) dst(%dma_wait3A_168 : memref<128xf32, #tpu.memory_space<hbm>>)
        tpu.yield
      }) : () -> ()
      %run_scoped3A_160 = arith.constant 1 : i32
      "tpu.region"() ({
        %run_scoped3A_162 = tpu.sem_alloc : memref<!tpu.dma_semaphore, #tpu.memory_space<semaphore_mem>>
        %dma_start3A = tpu.memref_slice %arg7[%run_scoped3A_160, %mul3A_11] : memref<8x323584xf32, #tpu.memory_space<hbm>> -> memref<1x128xf32, #tpu.memory_space<hbm>>
        %dma_start3A_163 = tpu.memref_squeeze %dma_start3A : memref<1x128xf32, #tpu.memory_space<hbm>> -> memref<128xf32, #tpu.memory_space<hbm>>
        %dma_start3A_164 = tpu.memref_slice %arg7[%run_scoped3A_160, %mul3A_11] : memref<8x323584xf32, #tpu.memory_space<hbm>> -> memref<1x128xf32, #tpu.memory_space<hbm>>
        %dma_start3A_165 = tpu.memref_squeeze %dma_start3A_164 : memref<1x128xf32, #tpu.memory_space<hbm>> -> memref<128xf32, #tpu.memory_space<hbm>>
        tpu.enqueue_dma source(%arg14 : memref<128xf32, #tpu.memory_space<vmem>>) target(%dma_start3A_165 : memref<128xf32, #tpu.memory_space<hbm>>) target_semaphore(%run_scoped3A_162 : memref<!tpu.dma_semaphore, #tpu.memory_space<semaphore_mem>>)
        %dma_wait3A = tpu.memref_slice %arg7[%run_scoped3A_160, %mul3A_11] : memref<8x323584xf32, #tpu.memory_space<hbm>> -> memref<1x128xf32, #tpu.memory_space<hbm>>
        %dma_wait3A_166 = tpu.memref_squeeze %dma_wait3A : memref<1x128xf32, #tpu.memory_space<hbm>> -> memref<128xf32, #tpu.memory_space<hbm>>
        %dma_wait3A_167 = tpu.memref_slice %arg7[%run_scoped3A_160, %mul3A_11] : memref<8x323584xf32, #tpu.memory_space<hbm>> -> memref<1x128xf32, #tpu.memory_space<hbm>>
        %dma_wait3A_168 = tpu.memref_squeeze %dma_wait3A_167 : memref<1x128xf32, #tpu.memory_space<hbm>> -> memref<128xf32, #tpu.memory_space<hbm>>
        tpu.wait_dma2 semaphore(%run_scoped3A_162 : memref<!tpu.dma_semaphore, #tpu.memory_space<semaphore_mem>>) src(%arg14 : memref<128xf32, #tpu.memory_space<vmem>>) dst(%dma_wait3A_168 : memref<128xf32, #tpu.memory_space<hbm>>)
        tpu.yield
      }) : () -> ()
      %run_scoped3A_161 = arith.constant 2 : i32
      "tpu.region"() ({
        %run_scoped3A_162 = tpu.sem_alloc : memref<!tpu.dma_semaphore, #tpu.memory_space<semaphore_mem>>
        %dma_start3A = tpu.memref_slice %arg7[%run_scoped3A_161, %mul3A_11] : memref<8x323584xf32, #tpu.memory_space<hbm>> -> memref<1x128xf32, #tpu.memory_space<hbm>>
        %dma_start3A_163 = tpu.memref_squeeze %dma_start3A : memref<1x128xf32, #tpu.memory_space<hbm>> -> memref<128xf32, #tpu.memory_space<hbm>>
        %dma_start3A_164 = tpu.memref_slice %arg7[%run_scoped3A_161, %mul3A_11] : memref<8x323584xf32, #tpu.memory_space<hbm>> -> memref<1x128xf32, #tpu.memory_space<hbm>>
        %dma_start3A_165 = tpu.memref_squeeze %dma_start3A_164 : memref<1x128xf32, #tpu.memory_space<hbm>> -> memref<128xf32, #tpu.memory_space<hbm>>
        tpu.enqueue_dma source(%arg15 : memref<128xf32, #tpu.memory_space<vmem>>) target(%dma_start3A_165 : memref<128xf32, #tpu.memory_space<hbm>>) target_semaphore(%run_scoped3A_162 : memref<!tpu.dma_semaphore, #tpu.memory_space<semaphore_mem>>)
        %dma_wait3A = tpu.memref_slice %arg7[%run_scoped3A_161, %mul3A_11] : memref<8x323584xf32, #tpu.memory_space<hbm>> -> memref<1x128xf32, #tpu.memory_space<hbm>>
        %dma_wait3A_166 = tpu.memref_squeeze %dma_wait3A : memref<1x128xf32, #tpu.memory_space<hbm>> -> memref<128xf32, #tpu.memory_space<hbm>>
        %dma_wait3A_167 = tpu.memref_slice %arg7[%run_scoped3A_161, %mul3A_11] : memref<8x323584xf32, #tpu.memory_space<hbm>> -> memref<1x128xf32, #tpu.memory_space<hbm>>
        %dma_wait3A_168 = tpu.memref_squeeze %dma_wait3A_167 : memref<1x128xf32, #tpu.memory_space<hbm>> -> memref<128xf32, #tpu.memory_space<hbm>>
        tpu.wait_dma2 semaphore(%run_scoped3A_162 : memref<!tpu.dma_semaphore, #tpu.memory_space<semaphore_mem>>) src(%arg15 : memref<128xf32, #tpu.memory_space<vmem>>) dst(%dma_wait3A_168 : memref<128xf32, #tpu.memory_space<hbm>>)
        tpu.yield
      }) : () -> ()
    }
    %scan3A_5 = arith.constant 79 : i32
    return
  }
}

#map = affine_map<(d0, d1) -> (0, 0)>
#map1 = affine_map<(d0, d1) -> (0)>
module attributes {stable_mosaic.version = 14 : i64} {
  func.func @_sc_gather_body(%arg0: i32, %arg1: i32, %arg2: memref<10240x128xf32, #tpu.memory_space<hbm>>, %arg3: memref<10240x128xi32, #tpu.memory_space<hbm>>, %arg4: memref<159744xi32, #tpu.memory_space<hbm>>, %arg5: memref<159744xi32, #tpu.memory_space<hbm>>, %arg6: memref<159744x128xf32, #tpu.memory_space<hbm>>, %arg7: memref<159744x128xi32, #tpu.memory_space<hbm>>, %arg8: memref<128xi32, #tpu.memory_space<vmem>>, %arg9: memref<128xi32, #tpu.memory_space<vmem>>, %arg10: memref<2x128x128xf32, #tpu.memory_space<vmem>>, %arg11: memref<2x128x128xi32, #tpu.memory_space<vmem>>, %arg12: memref<2x!tpu.dma_semaphore, #tpu.memory_space<semaphore_mem>>) attributes {dimension_semantics = [#tpu.dimension_semantics<core_parallel>, #tpu.dimension_semantics<subcore_parallel>], iteration_bounds = array<i64: 2, 16>, scalar_prefetch = 0 : i64, scratch_operands = 5 : i64, tpu.core_type = #tpu.core_type<sc_vector_subcore>, window_params = [{transform_indices = #map}, {transform_indices = #map}, {transform_indices = #map1}, {transform_indices = #map1}, {transform_indices = #map}, {transform_indices = #map}]} {
    %mul3A = arith.constant 2 : i32
    %mul3A_0 = arith.muli %arg1, %mul3A : i32
    %add3A = arith.addi %mul3A_0, %arg0 : i32
    %scan3A = arith.constant 0 : i32
    %scan3A_1 = arith.constant 0 : i32
    %scan3A_2 = arith.constant 39 : i32
    %scan3A_3 = arith.addi %scan3A_1, %scan3A_2 : i32
    %scan3A_4 = arith.constant 1 : i32
    scf.for %scan3A_77 = %scan3A_1 to %scan3A_3 step %scan3A_4  : i32 {
      %jit3A = arith.constant 2 : i32
      %eq3A = arith.constant 0 : i32
      %eq3A_78 = arith.cmpi eq, %jit3A, %eq3A : i32
      %jit3A_79 = arith.constant 1 : i32
      %select_n3A = arith.select %eq3A_78, %jit3A_79, %jit3A : i32
      %rem3A = arith.remsi %scan3A_77, %select_n3A : i32
      %ne3A = arith.constant 0 : i32
      %ne3A_80 = arith.cmpi ne, %rem3A, %ne3A : i32
      %lt3A = arith.constant 0 : i32
      %lt3A_81 = arith.cmpi slt, %rem3A, %lt3A : i32
      %lt3A_82 = arith.constant 0 : i32
      %lt3A_83 = arith.cmpi slt, %select_n3A, %lt3A_82 : i32
      %ne3A_84 = arith.xori %lt3A_81, %lt3A_83 : i1
      %and3A = arith.andi %ne3A_84, %ne3A_80 : i1
      %add3A_85 = arith.addi %rem3A, %select_n3A : i32
      %select_n3A_86 = arith.select %and3A, %add3A_85, %rem3A : i32
      %mul3A_87 = arith.constant 32 : i32
      %mul3A_88 = arith.muli %scan3A_77, %mul3A_87 : i32
      %add3A_89 = arith.addi %mul3A_88, %add3A : i32
      %mul3A_90 = arith.constant 128 : i32
      %mul3A_91 = arith.muli %add3A_89, %mul3A_90 : i32
      %ge3A = arith.constant 2 : i32
      %ge3A_92 = arith.cmpi sge, %scan3A_77, %ge3A : i32
      %convert_element_type3A = arith.extui %ge3A_92 : i1 to i32
      %cond3A = arith.constant 0 : i32
      %cond3A_93 = arith.cmpi ne, %convert_element_type3A, %cond3A : i32
      scf.if %cond3A_93 {
        %dma_wait3A_121 = arith.constant 0 : i32
        %dma_wait3A_122 = arith.constant 0 : i32
        %dma_wait3A_123 = tpu.memref_slice %arg10[%select_n3A_86, %dma_wait3A_121, %dma_wait3A_122] : memref<2x128x128xf32, #tpu.memory_space<vmem>> -> memref<1x128x128xf32, #tpu.memory_space<vmem>>
        %dma_wait3A_124 = tpu.memref_squeeze %dma_wait3A_123 : memref<1x128x128xf32, #tpu.memory_space<vmem>> -> memref<128x128xf32, #tpu.memory_space<vmem>>
        %dma_wait3A_125 = arith.constant 0 : i32
        %dma_wait3A_126 = arith.constant 0 : i32
        %dma_wait3A_127 = tpu.memref_slice %arg6[%dma_wait3A_125, %dma_wait3A_126] : memref<159744x128xf32, #tpu.memory_space<hbm>> -> memref<128x128xf32, #tpu.memory_space<hbm>>
        %dma_wait3A_128 = tpu.memref_slice %arg12[%select_n3A_86] : memref<2x!tpu.dma_semaphore, #tpu.memory_space<semaphore_mem>> -> memref<1x!tpu.dma_semaphore, #tpu.memory_space<semaphore_mem>>
        %dma_wait3A_129 = tpu.memref_squeeze %dma_wait3A_128 : memref<1x!tpu.dma_semaphore, #tpu.memory_space<semaphore_mem>> -> memref<!tpu.dma_semaphore, #tpu.memory_space<semaphore_mem>>
        %dma_wait3A_130 = arith.constant 0 : i32
        %dma_wait3A_131 = arith.constant 0 : i32
        %dma_wait3A_132 = tpu.memref_slice %arg6[%dma_wait3A_130, %dma_wait3A_131] : memref<159744x128xf32, #tpu.memory_space<hbm>> -> memref<128x128xf32, #tpu.memory_space<hbm>>
        %dma_wait3A_133 = arith.constant 0 : i32
        %dma_wait3A_134 = arith.constant 0 : i32
        %dma_wait3A_135 = tpu.memref_slice %arg10[%select_n3A_86, %dma_wait3A_133, %dma_wait3A_134] : memref<2x128x128xf32, #tpu.memory_space<vmem>> -> memref<1x128x128xf32, #tpu.memory_space<vmem>>
        %dma_wait3A_136 = tpu.memref_squeeze %dma_wait3A_135 : memref<1x128x128xf32, #tpu.memory_space<vmem>> -> memref<128x128xf32, #tpu.memory_space<vmem>>
        tpu.wait_dma2 semaphore(%dma_wait3A_129 : memref<!tpu.dma_semaphore, #tpu.memory_space<semaphore_mem>>) src(%dma_wait3A_136 : memref<128x128xf32, #tpu.memory_space<vmem>>) dst(%dma_wait3A_132 : memref<128x128xf32, #tpu.memory_space<hbm>>)
        %dma_wait3A_137 = arith.constant 0 : i32
        %dma_wait3A_138 = arith.constant 0 : i32
        %dma_wait3A_139 = tpu.memref_slice %arg11[%select_n3A_86, %dma_wait3A_137, %dma_wait3A_138] : memref<2x128x128xi32, #tpu.memory_space<vmem>> -> memref<1x128x128xi32, #tpu.memory_space<vmem>>
        %dma_wait3A_140 = tpu.memref_squeeze %dma_wait3A_139 : memref<1x128x128xi32, #tpu.memory_space<vmem>> -> memref<128x128xi32, #tpu.memory_space<vmem>>
        %dma_wait3A_141 = arith.constant 0 : i32
        %dma_wait3A_142 = arith.constant 0 : i32
        %dma_wait3A_143 = tpu.memref_slice %arg7[%dma_wait3A_141, %dma_wait3A_142] : memref<159744x128xi32, #tpu.memory_space<hbm>> -> memref<128x128xi32, #tpu.memory_space<hbm>>
        %dma_wait3A_144 = tpu.memref_slice %arg12[%select_n3A_86] : memref<2x!tpu.dma_semaphore, #tpu.memory_space<semaphore_mem>> -> memref<1x!tpu.dma_semaphore, #tpu.memory_space<semaphore_mem>>
        %dma_wait3A_145 = tpu.memref_squeeze %dma_wait3A_144 : memref<1x!tpu.dma_semaphore, #tpu.memory_space<semaphore_mem>> -> memref<!tpu.dma_semaphore, #tpu.memory_space<semaphore_mem>>
        %dma_wait3A_146 = arith.constant 0 : i32
        %dma_wait3A_147 = arith.constant 0 : i32
        %dma_wait3A_148 = tpu.memref_slice %arg7[%dma_wait3A_146, %dma_wait3A_147] : memref<159744x128xi32, #tpu.memory_space<hbm>> -> memref<128x128xi32, #tpu.memory_space<hbm>>
        %dma_wait3A_149 = arith.constant 0 : i32
        %dma_wait3A_150 = arith.constant 0 : i32
        %dma_wait3A_151 = tpu.memref_slice %arg11[%select_n3A_86, %dma_wait3A_149, %dma_wait3A_150] : memref<2x128x128xi32, #tpu.memory_space<vmem>> -> memref<1x128x128xi32, #tpu.memory_space<vmem>>
        %dma_wait3A_152 = tpu.memref_squeeze %dma_wait3A_151 : memref<1x128x128xi32, #tpu.memory_space<vmem>> -> memref<128x128xi32, #tpu.memory_space<vmem>>
        tpu.wait_dma2 semaphore(%dma_wait3A_145 : memref<!tpu.dma_semaphore, #tpu.memory_space<semaphore_mem>>) src(%dma_wait3A_152 : memref<128x128xi32, #tpu.memory_space<vmem>>) dst(%dma_wait3A_148 : memref<128x128xi32, #tpu.memory_space<hbm>>)
      } else {
      }
      "tpu.region"() ({
        %run_scoped3A = tpu.sem_alloc : memref<!tpu.dma_semaphore, #tpu.memory_space<semaphore_mem>>
        %dma_start3A_121 = tpu.memref_slice %arg4[%mul3A_91] : memref<159744xi32, #tpu.memory_space<hbm>> -> memref<128xi32, #tpu.memory_space<hbm>>
        %dma_start3A_122 = tpu.memref_slice %arg4[%mul3A_91] : memref<159744xi32, #tpu.memory_space<hbm>> -> memref<128xi32, #tpu.memory_space<hbm>>
        tpu.enqueue_dma source(%dma_start3A_122 : memref<128xi32, #tpu.memory_space<hbm>>) target(%arg8 : memref<128xi32, #tpu.memory_space<vmem>>) target_semaphore(%run_scoped3A : memref<!tpu.dma_semaphore, #tpu.memory_space<semaphore_mem>>)
        %dma_wait3A_123 = tpu.memref_slice %arg4[%mul3A_91] : memref<159744xi32, #tpu.memory_space<hbm>> -> memref<128xi32, #tpu.memory_space<hbm>>
        %dma_wait3A_124 = tpu.memref_slice %arg4[%mul3A_91] : memref<159744xi32, #tpu.memory_space<hbm>> -> memref<128xi32, #tpu.memory_space<hbm>>
        tpu.wait_dma2 semaphore(%run_scoped3A : memref<!tpu.dma_semaphore, #tpu.memory_space<semaphore_mem>>) src(%dma_wait3A_124 : memref<128xi32, #tpu.memory_space<hbm>>) dst(%arg8 : memref<128xi32, #tpu.memory_space<vmem>>)
        tpu.yield
      }) : () -> ()
      "tpu.region"() ({
        %run_scoped3A = tpu.sem_alloc : memref<!tpu.dma_semaphore, #tpu.memory_space<semaphore_mem>>
        %dma_start3A_121 = tpu.memref_slice %arg5[%mul3A_91] : memref<159744xi32, #tpu.memory_space<hbm>> -> memref<128xi32, #tpu.memory_space<hbm>>
        %dma_start3A_122 = tpu.memref_slice %arg5[%mul3A_91] : memref<159744xi32, #tpu.memory_space<hbm>> -> memref<128xi32, #tpu.memory_space<hbm>>
        tpu.enqueue_dma source(%dma_start3A_122 : memref<128xi32, #tpu.memory_space<hbm>>) target(%arg9 : memref<128xi32, #tpu.memory_space<vmem>>) target_semaphore(%run_scoped3A : memref<!tpu.dma_semaphore, #tpu.memory_space<semaphore_mem>>)
        %dma_wait3A_123 = tpu.memref_slice %arg5[%mul3A_91] : memref<159744xi32, #tpu.memory_space<hbm>> -> memref<128xi32, #tpu.memory_space<hbm>>
        %dma_wait3A_124 = tpu.memref_slice %arg5[%mul3A_91] : memref<159744xi32, #tpu.memory_space<hbm>> -> memref<128xi32, #tpu.memory_space<hbm>>
        tpu.wait_dma2 semaphore(%run_scoped3A : memref<!tpu.dma_semaphore, #tpu.memory_space<semaphore_mem>>) src(%dma_wait3A_124 : memref<128xi32, #tpu.memory_space<hbm>>) dst(%arg9 : memref<128xi32, #tpu.memory_space<vmem>>)
        tpu.yield
      }) : () -> ()
      "tpu.region"() ({
        %run_scoped3A = tpu.sem_alloc : memref<!tpu.dma_semaphore, #tpu.memory_space<semaphore_mem>>
        %dma_start3A_121 = arith.constant 0 : i32
        %dma_start3A_122 = arith.constant 0 : i32
        %dma_start3A_123 = tpu.memref_slice %arg10[%select_n3A_86, %dma_start3A_121, %dma_start3A_122] : memref<2x128x128xf32, #tpu.memory_space<vmem>> -> memref<1x128x128xf32, #tpu.memory_space<vmem>>
        %dma_start3A_124 = tpu.memref_squeeze %dma_start3A_123 : memref<1x128x128xf32, #tpu.memory_space<vmem>> -> memref<128x128xf32, #tpu.memory_space<vmem>>
        %dma_start3A_125 = arith.constant 0 : i32
        %dma_start3A_126 = arith.constant 0 : i32
        %dma_start3A_127 = tpu.memref_slice %arg2[%dma_start3A_125, %dma_start3A_126] : memref<10240x128xf32, #tpu.memory_space<hbm>> -> memref<10240x128xf32, #tpu.memory_space<hbm>>
        tpu.enqueue_indirect_dma source(%dma_start3A_127 : memref<10240x128xf32, #tpu.memory_space<hbm>>) target(%dma_start3A_124 : memref<128x128xf32, #tpu.memory_space<vmem>>) offsets(%arg8 : memref<128xi32, #tpu.memory_space<vmem>>) semaphore(%run_scoped3A : memref<!tpu.dma_semaphore, #tpu.memory_space<semaphore_mem>>)
        %dma_wait3A_128 = arith.constant 0 : i32
        %dma_wait3A_129 = arith.constant 0 : i32
        %dma_wait3A_130 = tpu.memref_slice %arg10[%select_n3A_86, %dma_wait3A_128, %dma_wait3A_129] : memref<2x128x128xf32, #tpu.memory_space<vmem>> -> memref<1x128x128xf32, #tpu.memory_space<vmem>>
        %dma_wait3A_131 = tpu.memref_squeeze %dma_wait3A_130 : memref<1x128x128xf32, #tpu.memory_space<vmem>> -> memref<128x128xf32, #tpu.memory_space<vmem>>
        %dma_wait3A_132 = arith.constant 0 : i32
        %dma_wait3A_133 = arith.constant 0 : i32
        %dma_wait3A_134 = tpu.memref_slice %arg2[%dma_wait3A_132, %dma_wait3A_133] : memref<10240x128xf32, #tpu.memory_space<hbm>> -> memref<10240x128xf32, #tpu.memory_space<hbm>>
        tpu.wait_indirect_dma semaphore(%run_scoped3A : memref<!tpu.dma_semaphore, #tpu.memory_space<semaphore_mem>>) src(%dma_wait3A_134 : memref<10240x128xf32, #tpu.memory_space<hbm>>) dst(%dma_wait3A_131 : memref<128x128xf32, #tpu.memory_space<vmem>>)
        tpu.yield
      }) : () -> ()
      "tpu.region"() ({
        %run_scoped3A = tpu.sem_alloc : memref<!tpu.dma_semaphore, #tpu.memory_space<semaphore_mem>>
        %dma_start3A_121 = arith.constant 0 : i32
        %dma_start3A_122 = arith.constant 0 : i32
        %dma_start3A_123 = tpu.memref_slice %arg11[%select_n3A_86, %dma_start3A_121, %dma_start3A_122] : memref<2x128x128xi32, #tpu.memory_space<vmem>> -> memref<1x128x128xi32, #tpu.memory_space<vmem>>
        %dma_start3A_124 = tpu.memref_squeeze %dma_start3A_123 : memref<1x128x128xi32, #tpu.memory_space<vmem>> -> memref<128x128xi32, #tpu.memory_space<vmem>>
        %dma_start3A_125 = arith.constant 0 : i32
        %dma_start3A_126 = arith.constant 0 : i32
        %dma_start3A_127 = tpu.memref_slice %arg3[%dma_start3A_125, %dma_start3A_126] : memref<10240x128xi32, #tpu.memory_space<hbm>> -> memref<10240x128xi32, #tpu.memory_space<hbm>>
        tpu.enqueue_indirect_dma source(%dma_start3A_127 : memref<10240x128xi32, #tpu.memory_space<hbm>>) target(%dma_start3A_124 : memref<128x128xi32, #tpu.memory_space<vmem>>) offsets(%arg9 : memref<128xi32, #tpu.memory_space<vmem>>) semaphore(%run_scoped3A : memref<!tpu.dma_semaphore, #tpu.memory_space<semaphore_mem>>)
        %dma_wait3A_128 = arith.constant 0 : i32
        %dma_wait3A_129 = arith.constant 0 : i32
        %dma_wait3A_130 = tpu.memref_slice %arg11[%select_n3A_86, %dma_wait3A_128, %dma_wait3A_129] : memref<2x128x128xi32, #tpu.memory_space<vmem>> -> memref<1x128x128xi32, #tpu.memory_space<vmem>>
        %dma_wait3A_131 = tpu.memref_squeeze %dma_wait3A_130 : memref<1x128x128xi32, #tpu.memory_space<vmem>> -> memref<128x128xi32, #tpu.memory_space<vmem>>
        %dma_wait3A_132 = arith.constant 0 : i32
        %dma_wait3A_133 = arith.constant 0 : i32
        %dma_wait3A_134 = tpu.memref_slice %arg3[%dma_wait3A_132, %dma_wait3A_133] : memref<10240x128xi32, #tpu.memory_space<hbm>> -> memref<10240x128xi32, #tpu.memory_space<hbm>>
        tpu.wait_indirect_dma semaphore(%run_scoped3A : memref<!tpu.dma_semaphore, #tpu.memory_space<semaphore_mem>>) src(%dma_wait3A_134 : memref<10240x128xi32, #tpu.memory_space<hbm>>) dst(%dma_wait3A_131 : memref<128x128xi32, #tpu.memory_space<vmem>>)
        tpu.yield
      }) : () -> ()
      %dma_start3A = arith.constant 0 : i32
      %dma_start3A_94 = arith.constant 0 : i32
      %dma_start3A_95 = tpu.memref_slice %arg10[%select_n3A_86, %dma_start3A, %dma_start3A_94] : memref<2x128x128xf32, #tpu.memory_space<vmem>> -> memref<1x128x128xf32, #tpu.memory_space<vmem>>
      %dma_start3A_96 = tpu.memref_squeeze %dma_start3A_95 : memref<1x128x128xf32, #tpu.memory_space<vmem>> -> memref<128x128xf32, #tpu.memory_space<vmem>>
      %dma_start3A_97 = arith.constant 0 : i32
      %dma_start3A_98 = tpu.memref_slice %arg6[%mul3A_91, %dma_start3A_97] : memref<159744x128xf32, #tpu.memory_space<hbm>> -> memref<128x128xf32, #tpu.memory_space<hbm>>
      %dma_start3A_99 = tpu.memref_slice %arg12[%select_n3A_86] : memref<2x!tpu.dma_semaphore, #tpu.memory_space<semaphore_mem>> -> memref<1x!tpu.dma_semaphore, #tpu.memory_space<semaphore_mem>>
      %dma_start3A_100 = tpu.memref_squeeze %dma_start3A_99 : memref<1x!tpu.dma_semaphore, #tpu.memory_space<semaphore_mem>> -> memref<!tpu.dma_semaphore, #tpu.memory_space<semaphore_mem>>
      %dma_start3A_101 = arith.constant 0 : i32
      %dma_start3A_102 = tpu.memref_slice %arg6[%mul3A_91, %dma_start3A_101] : memref<159744x128xf32, #tpu.memory_space<hbm>> -> memref<128x128xf32, #tpu.memory_space<hbm>>
      %dma_start3A_103 = arith.constant 0 : i32
      %dma_start3A_104 = arith.constant 0 : i32
      %dma_start3A_105 = tpu.memref_slice %arg10[%select_n3A_86, %dma_start3A_103, %dma_start3A_104] : memref<2x128x128xf32, #tpu.memory_space<vmem>> -> memref<1x128x128xf32, #tpu.memory_space<vmem>>
      %dma_start3A_106 = tpu.memref_squeeze %dma_start3A_105 : memref<1x128x128xf32, #tpu.memory_space<vmem>> -> memref<128x128xf32, #tpu.memory_space<vmem>>
      tpu.enqueue_dma source(%dma_start3A_106 : memref<128x128xf32, #tpu.memory_space<vmem>>) target(%dma_start3A_102 : memref<128x128xf32, #tpu.memory_space<hbm>>) target_semaphore(%dma_start3A_100 : memref<!tpu.dma_semaphore, #tpu.memory_space<semaphore_mem>>)
      %dma_start3A_107 = arith.constant 0 : i32
      %dma_start3A_108 = arith.constant 0 : i32
      %dma_start3A_109 = tpu.memref_slice %arg11[%select_n3A_86, %dma_start3A_107, %dma_start3A_108] : memref<2x128x128xi32, #tpu.memory_space<vmem>> -> memref<1x128x128xi32, #tpu.memory_space<vmem>>
      %dma_start3A_110 = tpu.memref_squeeze %dma_start3A_109 : memref<1x128x128xi32, #tpu.memory_space<vmem>> -> memref<128x128xi32, #tpu.memory_space<vmem>>
      %dma_start3A_111 = arith.constant 0 : i32
      %dma_start3A_112 = tpu.memref_slice %arg7[%mul3A_91, %dma_start3A_111] : memref<159744x128xi32, #tpu.memory_space<hbm>> -> memref<128x128xi32, #tpu.memory_space<hbm>>
      %dma_start3A_113 = tpu.memref_slice %arg12[%select_n3A_86] : memref<2x!tpu.dma_semaphore, #tpu.memory_space<semaphore_mem>> -> memref<1x!tpu.dma_semaphore, #tpu.memory_space<semaphore_mem>>
      %dma_start3A_114 = tpu.memref_squeeze %dma_start3A_113 : memref<1x!tpu.dma_semaphore, #tpu.memory_space<semaphore_mem>> -> memref<!tpu.dma_semaphore, #tpu.memory_space<semaphore_mem>>
      %dma_start3A_115 = arith.constant 0 : i32
      %dma_start3A_116 = tpu.memref_slice %arg7[%mul3A_91, %dma_start3A_115] : memref<159744x128xi32, #tpu.memory_space<hbm>> -> memref<128x128xi32, #tpu.memory_space<hbm>>
      %dma_start3A_117 = arith.constant 0 : i32
      %dma_start3A_118 = arith.constant 0 : i32
      %dma_start3A_119 = tpu.memref_slice %arg11[%select_n3A_86, %dma_start3A_117, %dma_start3A_118] : memref<2x128x128xi32, #tpu.memory_space<vmem>> -> memref<1x128x128xi32, #tpu.memory_space<vmem>>
      %dma_start3A_120 = tpu.memref_squeeze %dma_start3A_119 : memref<1x128x128xi32, #tpu.memory_space<vmem>> -> memref<128x128xi32, #tpu.memory_space<vmem>>
      tpu.enqueue_dma source(%dma_start3A_120 : memref<128x128xi32, #tpu.memory_space<vmem>>) target(%dma_start3A_116 : memref<128x128xi32, #tpu.memory_space<hbm>>) target_semaphore(%dma_start3A_114 : memref<!tpu.dma_semaphore, #tpu.memory_space<semaphore_mem>>)
    }
    %scan3A_5 = arith.constant 39 : i32
    %dma_wait3A = arith.constant 0 : i32
    %dma_wait3A_6 = arith.constant 0 : i32
    %dma_wait3A_7 = arith.constant 0 : i32
    %dma_wait3A_8 = arith.constant 0 : i32
    %dma_wait3A_9 = tpu.memref_slice %arg10[%dma_wait3A, %dma_wait3A_7, %dma_wait3A_8] : memref<2x128x128xf32, #tpu.memory_space<vmem>> -> memref<1x128x128xf32, #tpu.memory_space<vmem>>
    %dma_wait3A_10 = tpu.memref_squeeze %dma_wait3A_9 : memref<1x128x128xf32, #tpu.memory_space<vmem>> -> memref<128x128xf32, #tpu.memory_space<vmem>>
    %dma_wait3A_11 = arith.constant 0 : i32
    %dma_wait3A_12 = arith.constant 0 : i32
    %dma_wait3A_13 = tpu.memref_slice %arg6[%dma_wait3A_11, %dma_wait3A_12] : memref<159744x128xf32, #tpu.memory_space<hbm>> -> memref<128x128xf32, #tpu.memory_space<hbm>>
    %dma_wait3A_14 = tpu.memref_slice %arg12[%dma_wait3A_6] : memref<2x!tpu.dma_semaphore, #tpu.memory_space<semaphore_mem>> -> memref<1x!tpu.dma_semaphore, #tpu.memory_space<semaphore_mem>>
    %dma_wait3A_15 = tpu.memref_squeeze %dma_wait3A_14 : memref<1x!tpu.dma_semaphore, #tpu.memory_space<semaphore_mem>> -> memref<!tpu.dma_semaphore, #tpu.memory_space<semaphore_mem>>
    %dma_wait3A_16 = arith.constant 0 : i32
    %dma_wait3A_17 = arith.constant 0 : i32
    %dma_wait3A_18 = tpu.memref_slice %arg6[%dma_wait3A_16, %dma_wait3A_17] : memref<159744x128xf32, #tpu.memory_space<hbm>> -> memref<128x128xf32, #tpu.memory_space<hbm>>
    %dma_wait3A_19 = arith.constant 0 : i32
    %dma_wait3A_20 = arith.constant 0 : i32
    %dma_wait3A_21 = tpu.memref_slice %arg10[%dma_wait3A, %dma_wait3A_19, %dma_wait3A_20] : memref<2x128x128xf32, #tpu.memory_space<vmem>> -> memref<1x128x128xf32, #tpu.memory_space<vmem>>
    %dma_wait3A_22 = tpu.memref_squeeze %dma_wait3A_21 : memref<1x128x128xf32, #tpu.memory_space<vmem>> -> memref<128x128xf32, #tpu.memory_space<vmem>>
    tpu.wait_dma2 semaphore(%dma_wait3A_15 : memref<!tpu.dma_semaphore, #tpu.memory_space<semaphore_mem>>) src(%dma_wait3A_22 : memref<128x128xf32, #tpu.memory_space<vmem>>) dst(%dma_wait3A_18 : memref<128x128xf32, #tpu.memory_space<hbm>>)
    %dma_wait3A_23 = arith.constant 0 : i32
    %dma_wait3A_24 = arith.constant 0 : i32
    %dma_wait3A_25 = arith.constant 0 : i32
    %dma_wait3A_26 = arith.constant 0 : i32
    %dma_wait3A_27 = tpu.memref_slice %arg11[%dma_wait3A_23, %dma_wait3A_25, %dma_wait3A_26] : memref<2x128x128xi32, #tpu.memory_space<vmem>> -> memref<1x128x128xi32, #tpu.memory_space<vmem>>
    %dma_wait3A_28 = tpu.memref_squeeze %dma_wait3A_27 : memref<1x128x128xi32, #tpu.memory_space<vmem>> -> memref<128x128xi32, #tpu.memory_space<vmem>>
    %dma_wait3A_29 = arith.constant 0 : i32
    %dma_wait3A_30 = arith.constant 0 : i32
    %dma_wait3A_31 = tpu.memref_slice %arg7[%dma_wait3A_29, %dma_wait3A_30] : memref<159744x128xi32, #tpu.memory_space<hbm>> -> memref<128x128xi32, #tpu.memory_space<hbm>>
    %dma_wait3A_32 = tpu.memref_slice %arg12[%dma_wait3A_24] : memref<2x!tpu.dma_semaphore, #tpu.memory_space<semaphore_mem>> -> memref<1x!tpu.dma_semaphore, #tpu.memory_space<semaphore_mem>>
    %dma_wait3A_33 = tpu.memref_squeeze %dma_wait3A_32 : memref<1x!tpu.dma_semaphore, #tpu.memory_space<semaphore_mem>> -> memref<!tpu.dma_semaphore, #tpu.memory_space<semaphore_mem>>
    %dma_wait3A_34 = arith.constant 0 : i32
    %dma_wait3A_35 = arith.constant 0 : i32
    %dma_wait3A_36 = tpu.memref_slice %arg7[%dma_wait3A_34, %dma_wait3A_35] : memref<159744x128xi32, #tpu.memory_space<hbm>> -> memref<128x128xi32, #tpu.memory_space<hbm>>
    %dma_wait3A_37 = arith.constant 0 : i32
    %dma_wait3A_38 = arith.constant 0 : i32
    %dma_wait3A_39 = tpu.memref_slice %arg11[%dma_wait3A_23, %dma_wait3A_37, %dma_wait3A_38] : memref<2x128x128xi32, #tpu.memory_space<vmem>> -> memref<1x128x128xi32, #tpu.memory_space<vmem>>
    %dma_wait3A_40 = tpu.memref_squeeze %dma_wait3A_39 : memref<1x128x128xi32, #tpu.memory_space<vmem>> -> memref<128x128xi32, #tpu.memory_space<vmem>>
    tpu.wait_dma2 semaphore(%dma_wait3A_33 : memref<!tpu.dma_semaphore, #tpu.memory_space<semaphore_mem>>) src(%dma_wait3A_40 : memref<128x128xi32, #tpu.memory_space<vmem>>) dst(%dma_wait3A_36 : memref<128x128xi32, #tpu.memory_space<hbm>>)
    %dma_wait3A_41 = arith.constant 1 : i32
    %dma_wait3A_42 = arith.constant 1 : i32
    %dma_wait3A_43 = arith.constant 0 : i32
    %dma_wait3A_44 = arith.constant 0 : i32
    %dma_wait3A_45 = tpu.memref_slice %arg10[%dma_wait3A_41, %dma_wait3A_43, %dma_wait3A_44] : memref<2x128x128xf32, #tpu.memory_space<vmem>> -> memref<1x128x128xf32, #tpu.memory_space<vmem>>
    %dma_wait3A_46 = tpu.memref_squeeze %dma_wait3A_45 : memref<1x128x128xf32, #tpu.memory_space<vmem>> -> memref<128x128xf32, #tpu.memory_space<vmem>>
    %dma_wait3A_47 = arith.constant 0 : i32
    %dma_wait3A_48 = arith.constant 0 : i32
    %dma_wait3A_49 = tpu.memref_slice %arg6[%dma_wait3A_47, %dma_wait3A_48] : memref<159744x128xf32, #tpu.memory_space<hbm>> -> memref<128x128xf32, #tpu.memory_space<hbm>>
    %dma_wait3A_50 = tpu.memref_slice %arg12[%dma_wait3A_42] : memref<2x!tpu.dma_semaphore, #tpu.memory_space<semaphore_mem>> -> memref<1x!tpu.dma_semaphore, #tpu.memory_space<semaphore_mem>>
    %dma_wait3A_51 = tpu.memref_squeeze %dma_wait3A_50 : memref<1x!tpu.dma_semaphore, #tpu.memory_space<semaphore_mem>> -> memref<!tpu.dma_semaphore, #tpu.memory_space<semaphore_mem>>
    %dma_wait3A_52 = arith.constant 0 : i32
    %dma_wait3A_53 = arith.constant 0 : i32
    %dma_wait3A_54 = tpu.memref_slice %arg6[%dma_wait3A_52, %dma_wait3A_53] : memref<159744x128xf32, #tpu.memory_space<hbm>> -> memref<128x128xf32, #tpu.memory_space<hbm>>
    %dma_wait3A_55 = arith.constant 0 : i32
    %dma_wait3A_56 = arith.constant 0 : i32
    %dma_wait3A_57 = tpu.memref_slice %arg10[%dma_wait3A_41, %dma_wait3A_55, %dma_wait3A_56] : memref<2x128x128xf32, #tpu.memory_space<vmem>> -> memref<1x128x128xf32, #tpu.memory_space<vmem>>
    %dma_wait3A_58 = tpu.memref_squeeze %dma_wait3A_57 : memref<1x128x128xf32, #tpu.memory_space<vmem>> -> memref<128x128xf32, #tpu.memory_space<vmem>>
    tpu.wait_dma2 semaphore(%dma_wait3A_51 : memref<!tpu.dma_semaphore, #tpu.memory_space<semaphore_mem>>) src(%dma_wait3A_58 : memref<128x128xf32, #tpu.memory_space<vmem>>) dst(%dma_wait3A_54 : memref<128x128xf32, #tpu.memory_space<hbm>>)
    %dma_wait3A_59 = arith.constant 1 : i32
    %dma_wait3A_60 = arith.constant 1 : i32
    %dma_wait3A_61 = arith.constant 0 : i32
    %dma_wait3A_62 = arith.constant 0 : i32
    %dma_wait3A_63 = tpu.memref_slice %arg11[%dma_wait3A_59, %dma_wait3A_61, %dma_wait3A_62] : memref<2x128x128xi32, #tpu.memory_space<vmem>> -> memref<1x128x128xi32, #tpu.memory_space<vmem>>
    %dma_wait3A_64 = tpu.memref_squeeze %dma_wait3A_63 : memref<1x128x128xi32, #tpu.memory_space<vmem>> -> memref<128x128xi32, #tpu.memory_space<vmem>>
    %dma_wait3A_65 = arith.constant 0 : i32
    %dma_wait3A_66 = arith.constant 0 : i32
    %dma_wait3A_67 = tpu.memref_slice %arg7[%dma_wait3A_65, %dma_wait3A_66] : memref<159744x128xi32, #tpu.memory_space<hbm>> -> memref<128x128xi32, #tpu.memory_space<hbm>>
    %dma_wait3A_68 = tpu.memref_slice %arg12[%dma_wait3A_60] : memref<2x!tpu.dma_semaphore, #tpu.memory_space<semaphore_mem>> -> memref<1x!tpu.dma_semaphore, #tpu.memory_space<semaphore_mem>>
    %dma_wait3A_69 = tpu.memref_squeeze %dma_wait3A_68 : memref<1x!tpu.dma_semaphore, #tpu.memory_space<semaphore_mem>> -> memref<!tpu.dma_semaphore, #tpu.memory_space<semaphore_mem>>
    %dma_wait3A_70 = arith.constant 0 : i32
    %dma_wait3A_71 = arith.constant 0 : i32
    %dma_wait3A_72 = tpu.memref_slice %arg7[%dma_wait3A_70, %dma_wait3A_71] : memref<159744x128xi32, #tpu.memory_space<hbm>> -> memref<128x128xi32, #tpu.memory_space<hbm>>
    %dma_wait3A_73 = arith.constant 0 : i32
    %dma_wait3A_74 = arith.constant 0 : i32
    %dma_wait3A_75 = tpu.memref_slice %arg11[%dma_wait3A_59, %dma_wait3A_73, %dma_wait3A_74] : memref<2x128x128xi32, #tpu.memory_space<vmem>> -> memref<1x128x128xi32, #tpu.memory_space<vmem>>
    %dma_wait3A_76 = tpu.memref_squeeze %dma_wait3A_75 : memref<1x128x128xi32, #tpu.memory_space<vmem>> -> memref<128x128xi32, #tpu.memory_space<vmem>>
    tpu.wait_dma2 semaphore(%dma_wait3A_69 : memref<!tpu.dma_semaphore, #tpu.memory_space<semaphore_mem>>) src(%dma_wait3A_76 : memref<128x128xi32, #tpu.memory_space<vmem>>) dst(%dma_wait3A_72 : memref<128x128xi32, #tpu.memory_space<hbm>>)
    return
  }
}

#map = affine_map<(d0, d1) -> (0, 0, 0)>
#map1 = affine_map<(d0, d1) -> (0)>
#map2 = affine_map<(d0, d1) -> (0, 0)>
module attributes {stable_mosaic.version = 14 : i64} {
  func.func @_sc_scatter_body(%arg0: i32, %arg1: i32, %arg2: memref<2x163840x128xf32, #tpu.memory_space<hbm>>, %arg3: memref<163840xi32, #tpu.memory_space<hbm>>, %arg4: memref<640x128xf32, #tpu.memory_space<hbm>>, %arg5: memref<2x10240x128xf32, #tpu.memory_space<hbm>>, %arg6: memref<2x128xi32, #tpu.memory_space<vmem>>, %arg7: memref<2x128x128xf32, #tpu.memory_space<vmem>>, %arg8: memref<10240x128xf32, #tpu.memory_space<vmem_shared>>, %arg9: memref<2x!tpu.dma_semaphore, #tpu.memory_space<semaphore_mem>>) attributes {dimension_semantics = [#tpu.dimension_semantics<core_parallel>, #tpu.dimension_semantics<subcore_parallel>], iteration_bounds = array<i64: 2, 16>, scalar_prefetch = 0 : i64, scratch_operands = 4 : i64, tpu.core_type = #tpu.core_type<sc_vector_subcore>, window_params = [{transform_indices = #map}, {transform_indices = #map1}, {transform_indices = #map2}, {transform_indices = #map}]} {
    %mul3A = arith.constant 640 : i32
    %mul3A_0 = arith.muli %arg1, %mul3A : i32
    "tpu.region"() ({
      %run_scoped3A = tpu.sem_alloc : memref<!tpu.dma_semaphore, #tpu.memory_space<semaphore_mem>>
      %dma_start3A = arith.constant 0 : i32
      %dma_start3A_36 = tpu.memref_slice %arg8[%mul3A_0, %dma_start3A] : memref<10240x128xf32, #tpu.memory_space<vmem_shared>> -> memref<640x128xf32, #tpu.memory_space<vmem_shared>>
      %dma_start3A_37 = arith.constant 0 : i32
      %dma_start3A_38 = arith.constant 0 : i32
      %dma_start3A_39 = tpu.memref_slice %arg4[%dma_start3A_37, %dma_start3A_38] : memref<640x128xf32, #tpu.memory_space<hbm>> -> memref<640x128xf32, #tpu.memory_space<hbm>>
      tpu.enqueue_dma source(%dma_start3A_39 : memref<640x128xf32, #tpu.memory_space<hbm>>) target(%dma_start3A_36 : memref<640x128xf32, #tpu.memory_space<vmem_shared>>) target_semaphore(%run_scoped3A : memref<!tpu.dma_semaphore, #tpu.memory_space<semaphore_mem>>)
      %dma_wait3A_40 = arith.constant 0 : i32
      %dma_wait3A_41 = tpu.memref_slice %arg8[%mul3A_0, %dma_wait3A_40] : memref<10240x128xf32, #tpu.memory_space<vmem_shared>> -> memref<640x128xf32, #tpu.memory_space<vmem_shared>>
      %dma_wait3A_42 = arith.constant 0 : i32
      %dma_wait3A_43 = arith.constant 0 : i32
      %dma_wait3A_44 = tpu.memref_slice %arg4[%dma_wait3A_42, %dma_wait3A_43] : memref<640x128xf32, #tpu.memory_space<hbm>> -> memref<640x128xf32, #tpu.memory_space<hbm>>
      tpu.wait_dma2 semaphore(%run_scoped3A : memref<!tpu.dma_semaphore, #tpu.memory_space<semaphore_mem>>) src(%dma_wait3A_44 : memref<640x128xf32, #tpu.memory_space<hbm>>) dst(%dma_wait3A_41 : memref<640x128xf32, #tpu.memory_space<vmem_shared>>)
      tpu.yield
    }) : () -> ()
    %barrier3A = arith.constant 0 : index
    tpu.barrier barrier_id(%barrier3A)
    %scan3A = arith.constant 0 : i32
    %scan3A_1 = arith.constant 0 : i32
    %scan3A_2 = arith.constant 80 : i32
    %scan3A_3 = arith.addi %scan3A_1, %scan3A_2 : i32
    %scan3A_4 = arith.constant 1 : i32
    scf.for %scan3A_36 = %scan3A_1 to %scan3A_3 step %scan3A_4  : i32 {
      %jit3A = arith.constant 2 : i32
      %eq3A = arith.constant 0 : i32
      %eq3A_37 = arith.cmpi eq, %jit3A, %eq3A : i32
      %jit3A_38 = arith.constant 1 : i32
      %select_n3A = arith.select %eq3A_37, %jit3A_38, %jit3A : i32
      %rem3A = arith.remsi %scan3A_36, %select_n3A : i32
      %ne3A = arith.constant 0 : i32
      %ne3A_39 = arith.cmpi ne, %rem3A, %ne3A : i32
      %lt3A = arith.constant 0 : i32
      %lt3A_40 = arith.cmpi slt, %rem3A, %lt3A : i32
      %lt3A_41 = arith.constant 0 : i32
      %lt3A_42 = arith.cmpi slt, %select_n3A, %lt3A_41 : i32
      %ne3A_43 = arith.xori %lt3A_40, %lt3A_42 : i1
      %and3A = arith.andi %ne3A_43, %ne3A_39 : i1
      %add3A = arith.addi %rem3A, %select_n3A : i32
      %select_n3A_44 = arith.select %and3A, %add3A, %rem3A : i32
      %mul3A_45 = arith.constant 16 : i32
      %mul3A_46 = arith.muli %scan3A_36, %mul3A_45 : i32
      %add3A_47 = arith.addi %mul3A_46, %arg1 : i32
      %mul3A_48 = arith.constant 128 : i32
      %mul3A_49 = arith.muli %add3A_47, %mul3A_48 : i32
      %ge3A = arith.constant 2 : i32
      %ge3A_50 = arith.cmpi sge, %scan3A_36, %ge3A : i32
      %convert_element_type3A = arith.extui %ge3A_50 : i1 to i32
      %cond3A = arith.constant 0 : i32
      %cond3A_51 = arith.cmpi ne, %convert_element_type3A, %cond3A : i32
      scf.if %cond3A_51 {
        %dma_wait3A_63 = arith.constant 0 : i32
        %dma_wait3A_64 = arith.constant 0 : i32
        %dma_wait3A_65 = tpu.memref_slice %arg7[%select_n3A_44, %dma_wait3A_63, %dma_wait3A_64] : memref<2x128x128xf32, #tpu.memory_space<vmem>> -> memref<1x128x128xf32, #tpu.memory_space<vmem>>
        %dma_wait3A_66 = tpu.memref_squeeze %dma_wait3A_65 : memref<1x128x128xf32, #tpu.memory_space<vmem>> -> memref<128x128xf32, #tpu.memory_space<vmem>>
        %dma_wait3A_67 = arith.constant 0 : i32
        %dma_wait3A_68 = tpu.memref_slice %arg6[%select_n3A_44, %dma_wait3A_67] : memref<2x128xi32, #tpu.memory_space<vmem>> -> memref<1x128xi32, #tpu.memory_space<vmem>>
        %dma_wait3A_69 = tpu.memref_squeeze %dma_wait3A_68 : memref<1x128xi32, #tpu.memory_space<vmem>> -> memref<128xi32, #tpu.memory_space<vmem>>
        %dma_wait3A_70 = arith.constant 0 : i32
        %dma_wait3A_71 = arith.constant 0 : i32
        %dma_wait3A_72 = tpu.memref_slice %arg8[%dma_wait3A_70, %dma_wait3A_71] : memref<10240x128xf32, #tpu.memory_space<vmem_shared>> -> memref<10240x128xf32, #tpu.memory_space<vmem_shared>>
        %dma_wait3A_73 = tpu.memref_slice %arg9[%select_n3A_44] : memref<2x!tpu.dma_semaphore, #tpu.memory_space<semaphore_mem>> -> memref<1x!tpu.dma_semaphore, #tpu.memory_space<semaphore_mem>>
        %dma_wait3A_74 = tpu.memref_squeeze %dma_wait3A_73 : memref<1x!tpu.dma_semaphore, #tpu.memory_space<semaphore_mem>> -> memref<!tpu.dma_semaphore, #tpu.memory_space<semaphore_mem>>
        tpu.wait_indirect_dma semaphore(%dma_wait3A_74 : memref<!tpu.dma_semaphore, #tpu.memory_space<semaphore_mem>>) src(%dma_wait3A_66 : memref<128x128xf32, #tpu.memory_space<vmem>>) dst(%dma_wait3A_72 : memref<10240x128xf32, #tpu.memory_space<vmem_shared>>)
      } else {
      }
      "tpu.region"() ({
        %run_scoped3A = tpu.sem_alloc : memref<!tpu.dma_semaphore, #tpu.memory_space<semaphore_mem>>
        %dma_start3A_63 = arith.constant 0 : i32
        %dma_start3A_64 = tpu.memref_slice %arg6[%select_n3A_44, %dma_start3A_63] : memref<2x128xi32, #tpu.memory_space<vmem>> -> memref<1x128xi32, #tpu.memory_space<vmem>>
        %dma_start3A_65 = tpu.memref_squeeze %dma_start3A_64 : memref<1x128xi32, #tpu.memory_space<vmem>> -> memref<128xi32, #tpu.memory_space<vmem>>
        %dma_start3A_66 = tpu.memref_slice %arg3[%mul3A_49] : memref<163840xi32, #tpu.memory_space<hbm>> -> memref<128xi32, #tpu.memory_space<hbm>>
        %dma_start3A_67 = arith.constant 0 : i32
        %dma_start3A_68 = tpu.memref_slice %arg6[%select_n3A_44, %dma_start3A_67] : memref<2x128xi32, #tpu.memory_space<vmem>> -> memref<1x128xi32, #tpu.memory_space<vmem>>
        %dma_start3A_69 = tpu.memref_squeeze %dma_start3A_68 : memref<1x128xi32, #tpu.memory_space<vmem>> -> memref<128xi32, #tpu.memory_space<vmem>>
        %dma_start3A_70 = tpu.memref_slice %arg3[%mul3A_49] : memref<163840xi32, #tpu.memory_space<hbm>> -> memref<128xi32, #tpu.memory_space<hbm>>
        tpu.enqueue_dma source(%dma_start3A_70 : memref<128xi32, #tpu.memory_space<hbm>>) target(%dma_start3A_69 : memref<128xi32, #tpu.memory_space<vmem>>) target_semaphore(%run_scoped3A : memref<!tpu.dma_semaphore, #tpu.memory_space<semaphore_mem>>)
        %dma_wait3A_71 = arith.constant 0 : i32
        %dma_wait3A_72 = tpu.memref_slice %arg6[%select_n3A_44, %dma_wait3A_71] : memref<2x128xi32, #tpu.memory_space<vmem>> -> memref<1x128xi32, #tpu.memory_space<vmem>>
        %dma_wait3A_73 = tpu.memref_squeeze %dma_wait3A_72 : memref<1x128xi32, #tpu.memory_space<vmem>> -> memref<128xi32, #tpu.memory_space<vmem>>
        %dma_wait3A_74 = tpu.memref_slice %arg3[%mul3A_49] : memref<163840xi32, #tpu.memory_space<hbm>> -> memref<128xi32, #tpu.memory_space<hbm>>
        %dma_wait3A_75 = arith.constant 0 : i32
        %dma_wait3A_76 = tpu.memref_slice %arg6[%select_n3A_44, %dma_wait3A_75] : memref<2x128xi32, #tpu.memory_space<vmem>> -> memref<1x128xi32, #tpu.memory_space<vmem>>
        %dma_wait3A_77 = tpu.memref_squeeze %dma_wait3A_76 : memref<1x128xi32, #tpu.memory_space<vmem>> -> memref<128xi32, #tpu.memory_space<vmem>>
        %dma_wait3A_78 = tpu.memref_slice %arg3[%mul3A_49] : memref<163840xi32, #tpu.memory_space<hbm>> -> memref<128xi32, #tpu.memory_space<hbm>>
        tpu.wait_dma2 semaphore(%run_scoped3A : memref<!tpu.dma_semaphore, #tpu.memory_space<semaphore_mem>>) src(%dma_wait3A_78 : memref<128xi32, #tpu.memory_space<hbm>>) dst(%dma_wait3A_77 : memref<128xi32, #tpu.memory_space<vmem>>)
        tpu.yield
      }) : () -> ()
      "tpu.region"() ({
        %run_scoped3A = tpu.sem_alloc : memref<!tpu.dma_semaphore, #tpu.memory_space<semaphore_mem>>
        %dma_start3A_63 = arith.constant 0 : i32
        %dma_start3A_64 = arith.constant 0 : i32
        %dma_start3A_65 = tpu.memref_slice %arg7[%select_n3A_44, %dma_start3A_63, %dma_start3A_64] : memref<2x128x128xf32, #tpu.memory_space<vmem>> -> memref<1x128x128xf32, #tpu.memory_space<vmem>>
        %dma_start3A_66 = tpu.memref_squeeze %dma_start3A_65 : memref<1x128x128xf32, #tpu.memory_space<vmem>> -> memref<128x128xf32, #tpu.memory_space<vmem>>
        %dma_start3A_67 = arith.constant 0 : i32
        %dma_start3A_68 = tpu.memref_slice %arg2[%arg0, %mul3A_49, %dma_start3A_67] : memref<2x163840x128xf32, #tpu.memory_space<hbm>> -> memref<1x128x128xf32, #tpu.memory_space<hbm>>
        %dma_start3A_69 = tpu.memref_squeeze %dma_start3A_68 : memref<1x128x128xf32, #tpu.memory_space<hbm>> -> memref<128x128xf32, #tpu.memory_space<hbm>>
        %dma_start3A_70 = arith.constant 0 : i32
        %dma_start3A_71 = arith.constant 0 : i32
        %dma_start3A_72 = tpu.memref_slice %arg7[%select_n3A_44, %dma_start3A_70, %dma_start3A_71] : memref<2x128x128xf32, #tpu.memory_space<vmem>> -> memref<1x128x128xf32, #tpu.memory_space<vmem>>
        %dma_start3A_73 = tpu.memref_squeeze %dma_start3A_72 : memref<1x128x128xf32, #tpu.memory_space<vmem>> -> memref<128x128xf32, #tpu.memory_space<vmem>>
        %dma_start3A_74 = arith.constant 0 : i32
        %dma_start3A_75 = tpu.memref_slice %arg2[%arg0, %mul3A_49, %dma_start3A_74] : memref<2x163840x128xf32, #tpu.memory_space<hbm>> -> memref<1x128x128xf32, #tpu.memory_space<hbm>>
        %dma_start3A_76 = tpu.memref_squeeze %dma_start3A_75 : memref<1x128x128xf32, #tpu.memory_space<hbm>> -> memref<128x128xf32, #tpu.memory_space<hbm>>
        tpu.enqueue_dma source(%dma_start3A_76 : memref<128x128xf32, #tpu.memory_space<hbm>>) target(%dma_start3A_73 : memref<128x128xf32, #tpu.memory_space<vmem>>) target_semaphore(%run_scoped3A : memref<!tpu.dma_semaphore, #tpu.memory_space<semaphore_mem>>)
        %dma_wait3A_77 = arith.constant 0 : i32
        %dma_wait3A_78 = arith.constant 0 : i32
        %dma_wait3A_79 = tpu.memref_slice %arg7[%select_n3A_44, %dma_wait3A_77, %dma_wait3A_78] : memref<2x128x128xf32, #tpu.memory_space<vmem>> -> memref<1x128x128xf32, #tpu.memory_space<vmem>>
        %dma_wait3A_80 = tpu.memref_squeeze %dma_wait3A_79 : memref<1x128x128xf32, #tpu.memory_space<vmem>> -> memref<128x128xf32, #tpu.memory_space<vmem>>
        %dma_wait3A_81 = arith.constant 0 : i32
        %dma_wait3A_82 = tpu.memref_slice %arg2[%arg0, %mul3A_49, %dma_wait3A_81] : memref<2x163840x128xf32, #tpu.memory_space<hbm>> -> memref<1x128x128xf32, #tpu.memory_space<hbm>>
        %dma_wait3A_83 = tpu.memref_squeeze %dma_wait3A_82 : memref<1x128x128xf32, #tpu.memory_space<hbm>> -> memref<128x128xf32, #tpu.memory_space<hbm>>
        %dma_wait3A_84 = arith.constant 0 : i32
        %dma_wait3A_85 = arith.constant 0 : i32
        %dma_wait3A_86 = tpu.memref_slice %arg7[%select_n3A_44, %dma_wait3A_84, %dma_wait3A_85] : memref<2x128x128xf32, #tpu.memory_space<vmem>> -> memref<1x128x128xf32, #tpu.memory_space<vmem>>
        %dma_wait3A_87 = tpu.memref_squeeze %dma_wait3A_86 : memref<1x128x128xf32, #tpu.memory_space<vmem>> -> memref<128x128xf32, #tpu.memory_space<vmem>>
        %dma_wait3A_88 = arith.constant 0 : i32
        %dma_wait3A_89 = tpu.memref_slice %arg2[%arg0, %mul3A_49, %dma_wait3A_88] : memref<2x163840x128xf32, #tpu.memory_space<hbm>> -> memref<1x128x128xf32, #tpu.memory_space<hbm>>
        %dma_wait3A_90 = tpu.memref_squeeze %dma_wait3A_89 : memref<1x128x128xf32, #tpu.memory_space<hbm>> -> memref<128x128xf32, #tpu.memory_space<hbm>>
        tpu.wait_dma2 semaphore(%run_scoped3A : memref<!tpu.dma_semaphore, #tpu.memory_space<semaphore_mem>>) src(%dma_wait3A_90 : memref<128x128xf32, #tpu.memory_space<hbm>>) dst(%dma_wait3A_87 : memref<128x128xf32, #tpu.memory_space<vmem>>)
        tpu.yield
      }) : () -> ()
      %dma_start3A = arith.constant 0 : i32
      %dma_start3A_52 = arith.constant 0 : i32
      %dma_start3A_53 = tpu.memref_slice %arg7[%select_n3A_44, %dma_start3A, %dma_start3A_52] : memref<2x128x128xf32, #tpu.memory_space<vmem>> -> memref<1x128x128xf32, #tpu.memory_space<vmem>>
      %dma_start3A_54 = tpu.memref_squeeze %dma_start3A_53 : memref<1x128x128xf32, #tpu.memory_space<vmem>> -> memref<128x128xf32, #tpu.memory_space<vmem>>
      %dma_start3A_55 = arith.constant 0 : i32
      %dma_start3A_56 = tpu.memref_slice %arg6[%select_n3A_44, %dma_start3A_55] : memref<2x128xi32, #tpu.memory_space<vmem>> -> memref<1x128xi32, #tpu.memory_space<vmem>>
      %dma_start3A_57 = tpu.memref_squeeze %dma_start3A_56 : memref<1x128xi32, #tpu.memory_space<vmem>> -> memref<128xi32, #tpu.memory_space<vmem>>
      %dma_start3A_58 = arith.constant 0 : i32
      %dma_start3A_59 = arith.constant 0 : i32
      %dma_start3A_60 = tpu.memref_slice %arg8[%dma_start3A_58, %dma_start3A_59] : memref<10240x128xf32, #tpu.memory_space<vmem_shared>> -> memref<10240x128xf32, #tpu.memory_space<vmem_shared>>
      %dma_start3A_61 = tpu.memref_slice %arg9[%select_n3A_44] : memref<2x!tpu.dma_semaphore, #tpu.memory_space<semaphore_mem>> -> memref<1x!tpu.dma_semaphore, #tpu.memory_space<semaphore_mem>>
      %dma_start3A_62 = tpu.memref_squeeze %dma_start3A_61 : memref<1x!tpu.dma_semaphore, #tpu.memory_space<semaphore_mem>> -> memref<!tpu.dma_semaphore, #tpu.memory_space<semaphore_mem>>
      tpu.enqueue_indirect_dma source(%dma_start3A_54 : memref<128x128xf32, #tpu.memory_space<vmem>>) target(%dma_start3A_60 : memref<10240x128xf32, #tpu.memory_space<vmem_shared>>) offsets(%dma_start3A_57 : memref<128xi32, #tpu.memory_space<vmem>>) semaphore(%dma_start3A_62 : memref<!tpu.dma_semaphore, #tpu.memory_space<semaphore_mem>>) {add = true}
    }
    %scan3A_5 = arith.constant 80 : i32
    %dma_wait3A = arith.constant 0 : i32
    %dma_wait3A_6 = arith.constant 0 : i32
    %dma_wait3A_7 = arith.constant 0 : i32
    %dma_wait3A_8 = arith.constant 0 : i32
    %dma_wait3A_9 = arith.constant 0 : i32
    %dma_wait3A_10 = tpu.memref_slice %arg7[%dma_wait3A, %dma_wait3A_8, %dma_wait3A_9] : memref<2x128x128xf32, #tpu.memory_space<vmem>> -> memref<1x128x128xf32, #tpu.memory_space<vmem>>
    %dma_wait3A_11 = tpu.memref_squeeze %dma_wait3A_10 : memref<1x128x128xf32, #tpu.memory_space<vmem>> -> memref<128x128xf32, #tpu.memory_space<vmem>>
    %dma_wait3A_12 = arith.constant 0 : i32
    %dma_wait3A_13 = tpu.memref_slice %arg6[%dma_wait3A_6, %dma_wait3A_12] : memref<2x128xi32, #tpu.memory_space<vmem>> -> memref<1x128xi32, #tpu.memory_space<vmem>>
    %dma_wait3A_14 = tpu.memref_squeeze %dma_wait3A_13 : memref<1x128xi32, #tpu.memory_space<vmem>> -> memref<128xi32, #tpu.memory_space<vmem>>
    %dma_wait3A_15 = arith.constant 0 : i32
    %dma_wait3A_16 = arith.constant 0 : i32
    %dma_wait3A_17 = tpu.memref_slice %arg8[%dma_wait3A_15, %dma_wait3A_16] : memref<10240x128xf32, #tpu.memory_space<vmem_shared>> -> memref<10240x128xf32, #tpu.memory_space<vmem_shared>>
    %dma_wait3A_18 = tpu.memref_slice %arg9[%dma_wait3A_7] : memref<2x!tpu.dma_semaphore, #tpu.memory_space<semaphore_mem>> -> memref<1x!tpu.dma_semaphore, #tpu.memory_space<semaphore_mem>>
    %dma_wait3A_19 = tpu.memref_squeeze %dma_wait3A_18 : memref<1x!tpu.dma_semaphore, #tpu.memory_space<semaphore_mem>> -> memref<!tpu.dma_semaphore, #tpu.memory_space<semaphore_mem>>
    tpu.wait_indirect_dma semaphore(%dma_wait3A_19 : memref<!tpu.dma_semaphore, #tpu.memory_space<semaphore_mem>>) src(%dma_wait3A_11 : memref<128x128xf32, #tpu.memory_space<vmem>>) dst(%dma_wait3A_17 : memref<10240x128xf32, #tpu.memory_space<vmem_shared>>)
    %dma_wait3A_20 = arith.constant 1 : i32
    %dma_wait3A_21 = arith.constant 1 : i32
    %dma_wait3A_22 = arith.constant 1 : i32
    %dma_wait3A_23 = arith.constant 0 : i32
    %dma_wait3A_24 = arith.constant 0 : i32
    %dma_wait3A_25 = tpu.memref_slice %arg7[%dma_wait3A_20, %dma_wait3A_23, %dma_wait3A_24] : memref<2x128x128xf32, #tpu.memory_space<vmem>> -> memref<1x128x128xf32, #tpu.memory_space<vmem>>
    %dma_wait3A_26 = tpu.memref_squeeze %dma_wait3A_25 : memref<1x128x128xf32, #tpu.memory_space<vmem>> -> memref<128x128xf32, #tpu.memory_space<vmem>>
    %dma_wait3A_27 = arith.constant 0 : i32
    %dma_wait3A_28 = tpu.memref_slice %arg6[%dma_wait3A_21, %dma_wait3A_27] : memref<2x128xi32, #tpu.memory_space<vmem>> -> memref<1x128xi32, #tpu.memory_space<vmem>>
    %dma_wait3A_29 = tpu.memref_squeeze %dma_wait3A_28 : memref<1x128xi32, #tpu.memory_space<vmem>> -> memref<128xi32, #tpu.memory_space<vmem>>
    %dma_wait3A_30 = arith.constant 0 : i32
    %dma_wait3A_31 = arith.constant 0 : i32
    %dma_wait3A_32 = tpu.memref_slice %arg8[%dma_wait3A_30, %dma_wait3A_31] : memref<10240x128xf32, #tpu.memory_space<vmem_shared>> -> memref<10240x128xf32, #tpu.memory_space<vmem_shared>>
    %dma_wait3A_33 = tpu.memref_slice %arg9[%dma_wait3A_22] : memref<2x!tpu.dma_semaphore, #tpu.memory_space<semaphore_mem>> -> memref<1x!tpu.dma_semaphore, #tpu.memory_space<semaphore_mem>>
    %dma_wait3A_34 = tpu.memref_squeeze %dma_wait3A_33 : memref<1x!tpu.dma_semaphore, #tpu.memory_space<semaphore_mem>> -> memref<!tpu.dma_semaphore, #tpu.memory_space<semaphore_mem>>
    tpu.wait_indirect_dma semaphore(%dma_wait3A_34 : memref<!tpu.dma_semaphore, #tpu.memory_space<semaphore_mem>>) src(%dma_wait3A_26 : memref<128x128xf32, #tpu.memory_space<vmem>>) dst(%dma_wait3A_32 : memref<10240x128xf32, #tpu.memory_space<vmem_shared>>)
    %barrier3A_35 = arith.constant 0 : index
    tpu.barrier barrier_id(%barrier3A_35)
    "tpu.region"() ({
      %run_scoped3A = tpu.sem_alloc : memref<!tpu.dma_semaphore, #tpu.memory_space<semaphore_mem>>
      %dma_start3A = arith.constant 0 : i32
      %dma_start3A_36 = tpu.memref_slice %arg5[%arg0, %mul3A_0, %dma_start3A] : memref<2x10240x128xf32, #tpu.memory_space<hbm>> -> memref<1x640x128xf32, #tpu.memory_space<hbm>>
      %dma_start3A_37 = tpu.memref_squeeze %dma_start3A_36 : memref<1x640x128xf32, #tpu.memory_space<hbm>> -> memref<640x128xf32, #tpu.memory_space<hbm>>
      %dma_start3A_38 = arith.constant 0 : i32
      %dma_start3A_39 = tpu.memref_slice %arg8[%mul3A_0, %dma_start3A_38] : memref<10240x128xf32, #tpu.memory_space<vmem_shared>> -> memref<640x128xf32, #tpu.memory_space<vmem_shared>>
      tpu.enqueue_dma source(%dma_start3A_39 : memref<640x128xf32, #tpu.memory_space<vmem_shared>>) target(%dma_start3A_37 : memref<640x128xf32, #tpu.memory_space<hbm>>) target_semaphore(%run_scoped3A : memref<!tpu.dma_semaphore, #tpu.memory_space<semaphore_mem>>)
      %dma_wait3A_40 = arith.constant 0 : i32
      %dma_wait3A_41 = tpu.memref_slice %arg5[%arg0, %mul3A_0, %dma_wait3A_40] : memref<2x10240x128xf32, #tpu.memory_space<hbm>> -> memref<1x640x128xf32, #tpu.memory_space<hbm>>
      %dma_wait3A_42 = tpu.memref_squeeze %dma_wait3A_41 : memref<1x640x128xf32, #tpu.memory_space<hbm>> -> memref<640x128xf32, #tpu.memory_space<hbm>>
      %dma_wait3A_43 = arith.constant 0 : i32
      %dma_wait3A_44 = tpu.memref_slice %arg8[%mul3A_0, %dma_wait3A_43] : memref<10240x128xf32, #tpu.memory_space<vmem_shared>> -> memref<640x128xf32, #tpu.memory_space<vmem_shared>>
      tpu.wait_dma2 semaphore(%run_scoped3A : memref<!tpu.dma_semaphore, #tpu.memory_space<semaphore_mem>>) src(%dma_wait3A_44 : memref<640x128xf32, #tpu.memory_space<vmem_shared>>) dst(%dma_wait3A_42 : memref<640x128xf32, #tpu.memory_space<hbm>>)
      tpu.yield
    }) : () -> ()
    return
  }
}

#map = affine_map<(d0, d1) -> (0, 0)>
#map1 = affine_map<(d0, d1) -> (0)>
module attributes {stable_mosaic.version = 14 : i64} {
  func.func @_sc_gather_body(%arg0: i32, %arg1: i32, %arg2: memref<10240x128xf32, #tpu.memory_space<hbm>>, %arg3: memref<10240x128xi32, #tpu.memory_space<hbm>>, %arg4: memref<163840xi32, #tpu.memory_space<hbm>>, %arg5: memref<163840xi32, #tpu.memory_space<hbm>>, %arg6: memref<163840x128xf32, #tpu.memory_space<hbm>>, %arg7: memref<163840x128xi32, #tpu.memory_space<hbm>>, %arg8: memref<128xi32, #tpu.memory_space<vmem>>, %arg9: memref<128xi32, #tpu.memory_space<vmem>>, %arg10: memref<2x128x128xf32, #tpu.memory_space<vmem>>, %arg11: memref<2x128x128xi32, #tpu.memory_space<vmem>>, %arg12: memref<2x!tpu.dma_semaphore, #tpu.memory_space<semaphore_mem>>) attributes {dimension_semantics = [#tpu.dimension_semantics<core_parallel>, #tpu.dimension_semantics<subcore_parallel>], iteration_bounds = array<i64: 2, 16>, scalar_prefetch = 0 : i64, scratch_operands = 5 : i64, tpu.core_type = #tpu.core_type<sc_vector_subcore>, window_params = [{transform_indices = #map}, {transform_indices = #map}, {transform_indices = #map1}, {transform_indices = #map1}, {transform_indices = #map}, {transform_indices = #map}]} {
    %mul3A = arith.constant 2 : i32
    %mul3A_0 = arith.muli %arg1, %mul3A : i32
    %add3A = arith.addi %mul3A_0, %arg0 : i32
    %scan3A = arith.constant 0 : i32
    %scan3A_1 = arith.constant 0 : i32
    %scan3A_2 = arith.constant 40 : i32
    %scan3A_3 = arith.addi %scan3A_1, %scan3A_2 : i32
    %scan3A_4 = arith.constant 1 : i32
    scf.for %scan3A_77 = %scan3A_1 to %scan3A_3 step %scan3A_4  : i32 {
      %jit3A = arith.constant 2 : i32
      %eq3A = arith.constant 0 : i32
      %eq3A_78 = arith.cmpi eq, %jit3A, %eq3A : i32
      %jit3A_79 = arith.constant 1 : i32
      %select_n3A = arith.select %eq3A_78, %jit3A_79, %jit3A : i32
      %rem3A = arith.remsi %scan3A_77, %select_n3A : i32
      %ne3A = arith.constant 0 : i32
      %ne3A_80 = arith.cmpi ne, %rem3A, %ne3A : i32
      %lt3A = arith.constant 0 : i32
      %lt3A_81 = arith.cmpi slt, %rem3A, %lt3A : i32
      %lt3A_82 = arith.constant 0 : i32
      %lt3A_83 = arith.cmpi slt, %select_n3A, %lt3A_82 : i32
      %ne3A_84 = arith.xori %lt3A_81, %lt3A_83 : i1
      %and3A = arith.andi %ne3A_84, %ne3A_80 : i1
      %add3A_85 = arith.addi %rem3A, %select_n3A : i32
      %select_n3A_86 = arith.select %and3A, %add3A_85, %rem3A : i32
      %mul3A_87 = arith.constant 32 : i32
      %mul3A_88 = arith.muli %scan3A_77, %mul3A_87 : i32
      %add3A_89 = arith.addi %mul3A_88, %add3A : i32
      %mul3A_90 = arith.constant 128 : i32
      %mul3A_91 = arith.muli %add3A_89, %mul3A_90 : i32
      %ge3A = arith.constant 2 : i32
      %ge3A_92 = arith.cmpi sge, %scan3A_77, %ge3A : i32
      %convert_element_type3A = arith.extui %ge3A_92 : i1 to i32
      %cond3A = arith.constant 0 : i32
      %cond3A_93 = arith.cmpi ne, %convert_element_type3A, %cond3A : i32
      scf.if %cond3A_93 {
        %dma_wait3A_121 = arith.constant 0 : i32
        %dma_wait3A_122 = arith.constant 0 : i32
        %dma_wait3A_123 = tpu.memref_slice %arg10[%select_n3A_86, %dma_wait3A_121, %dma_wait3A_122] : memref<2x128x128xf32, #tpu.memory_space<vmem>> -> memref<1x128x128xf32, #tpu.memory_space<vmem>>
        %dma_wait3A_124 = tpu.memref_squeeze %dma_wait3A_123 : memref<1x128x128xf32, #tpu.memory_space<vmem>> -> memref<128x128xf32, #tpu.memory_space<vmem>>
        %dma_wait3A_125 = arith.constant 0 : i32
        %dma_wait3A_126 = arith.constant 0 : i32
        %dma_wait3A_127 = tpu.memref_slice %arg6[%dma_wait3A_125, %dma_wait3A_126] : memref<163840x128xf32, #tpu.memory_space<hbm>> -> memref<128x128xf32, #tpu.memory_space<hbm>>
        %dma_wait3A_128 = tpu.memref_slice %arg12[%select_n3A_86] : memref<2x!tpu.dma_semaphore, #tpu.memory_space<semaphore_mem>> -> memref<1x!tpu.dma_semaphore, #tpu.memory_space<semaphore_mem>>
        %dma_wait3A_129 = tpu.memref_squeeze %dma_wait3A_128 : memref<1x!tpu.dma_semaphore, #tpu.memory_space<semaphore_mem>> -> memref<!tpu.dma_semaphore, #tpu.memory_space<semaphore_mem>>
        %dma_wait3A_130 = arith.constant 0 : i32
        %dma_wait3A_131 = arith.constant 0 : i32
        %dma_wait3A_132 = tpu.memref_slice %arg6[%dma_wait3A_130, %dma_wait3A_131] : memref<163840x128xf32, #tpu.memory_space<hbm>> -> memref<128x128xf32, #tpu.memory_space<hbm>>
        %dma_wait3A_133 = arith.constant 0 : i32
        %dma_wait3A_134 = arith.constant 0 : i32
        %dma_wait3A_135 = tpu.memref_slice %arg10[%select_n3A_86, %dma_wait3A_133, %dma_wait3A_134] : memref<2x128x128xf32, #tpu.memory_space<vmem>> -> memref<1x128x128xf32, #tpu.memory_space<vmem>>
        %dma_wait3A_136 = tpu.memref_squeeze %dma_wait3A_135 : memref<1x128x128xf32, #tpu.memory_space<vmem>> -> memref<128x128xf32, #tpu.memory_space<vmem>>
        tpu.wait_dma2 semaphore(%dma_wait3A_129 : memref<!tpu.dma_semaphore, #tpu.memory_space<semaphore_mem>>) src(%dma_wait3A_136 : memref<128x128xf32, #tpu.memory_space<vmem>>) dst(%dma_wait3A_132 : memref<128x128xf32, #tpu.memory_space<hbm>>)
        %dma_wait3A_137 = arith.constant 0 : i32
        %dma_wait3A_138 = arith.constant 0 : i32
        %dma_wait3A_139 = tpu.memref_slice %arg11[%select_n3A_86, %dma_wait3A_137, %dma_wait3A_138] : memref<2x128x128xi32, #tpu.memory_space<vmem>> -> memref<1x128x128xi32, #tpu.memory_space<vmem>>
        %dma_wait3A_140 = tpu.memref_squeeze %dma_wait3A_139 : memref<1x128x128xi32, #tpu.memory_space<vmem>> -> memref<128x128xi32, #tpu.memory_space<vmem>>
        %dma_wait3A_141 = arith.constant 0 : i32
        %dma_wait3A_142 = arith.constant 0 : i32
        %dma_wait3A_143 = tpu.memref_slice %arg7[%dma_wait3A_141, %dma_wait3A_142] : memref<163840x128xi32, #tpu.memory_space<hbm>> -> memref<128x128xi32, #tpu.memory_space<hbm>>
        %dma_wait3A_144 = tpu.memref_slice %arg12[%select_n3A_86] : memref<2x!tpu.dma_semaphore, #tpu.memory_space<semaphore_mem>> -> memref<1x!tpu.dma_semaphore, #tpu.memory_space<semaphore_mem>>
        %dma_wait3A_145 = tpu.memref_squeeze %dma_wait3A_144 : memref<1x!tpu.dma_semaphore, #tpu.memory_space<semaphore_mem>> -> memref<!tpu.dma_semaphore, #tpu.memory_space<semaphore_mem>>
        %dma_wait3A_146 = arith.constant 0 : i32
        %dma_wait3A_147 = arith.constant 0 : i32
        %dma_wait3A_148 = tpu.memref_slice %arg7[%dma_wait3A_146, %dma_wait3A_147] : memref<163840x128xi32, #tpu.memory_space<hbm>> -> memref<128x128xi32, #tpu.memory_space<hbm>>
        %dma_wait3A_149 = arith.constant 0 : i32
        %dma_wait3A_150 = arith.constant 0 : i32
        %dma_wait3A_151 = tpu.memref_slice %arg11[%select_n3A_86, %dma_wait3A_149, %dma_wait3A_150] : memref<2x128x128xi32, #tpu.memory_space<vmem>> -> memref<1x128x128xi32, #tpu.memory_space<vmem>>
        %dma_wait3A_152 = tpu.memref_squeeze %dma_wait3A_151 : memref<1x128x128xi32, #tpu.memory_space<vmem>> -> memref<128x128xi32, #tpu.memory_space<vmem>>
        tpu.wait_dma2 semaphore(%dma_wait3A_145 : memref<!tpu.dma_semaphore, #tpu.memory_space<semaphore_mem>>) src(%dma_wait3A_152 : memref<128x128xi32, #tpu.memory_space<vmem>>) dst(%dma_wait3A_148 : memref<128x128xi32, #tpu.memory_space<hbm>>)
      } else {
      }
      "tpu.region"() ({
        %run_scoped3A = tpu.sem_alloc : memref<!tpu.dma_semaphore, #tpu.memory_space<semaphore_mem>>
        %dma_start3A_121 = tpu.memref_slice %arg4[%mul3A_91] : memref<163840xi32, #tpu.memory_space<hbm>> -> memref<128xi32, #tpu.memory_space<hbm>>
        %dma_start3A_122 = tpu.memref_slice %arg4[%mul3A_91] : memref<163840xi32, #tpu.memory_space<hbm>> -> memref<128xi32, #tpu.memory_space<hbm>>
        tpu.enqueue_dma source(%dma_start3A_122 : memref<128xi32, #tpu.memory_space<hbm>>) target(%arg8 : memref<128xi32, #tpu.memory_space<vmem>>) target_semaphore(%run_scoped3A : memref<!tpu.dma_semaphore, #tpu.memory_space<semaphore_mem>>)
        %dma_wait3A_123 = tpu.memref_slice %arg4[%mul3A_91] : memref<163840xi32, #tpu.memory_space<hbm>> -> memref<128xi32, #tpu.memory_space<hbm>>
        %dma_wait3A_124 = tpu.memref_slice %arg4[%mul3A_91] : memref<163840xi32, #tpu.memory_space<hbm>> -> memref<128xi32, #tpu.memory_space<hbm>>
        tpu.wait_dma2 semaphore(%run_scoped3A : memref<!tpu.dma_semaphore, #tpu.memory_space<semaphore_mem>>) src(%dma_wait3A_124 : memref<128xi32, #tpu.memory_space<hbm>>) dst(%arg8 : memref<128xi32, #tpu.memory_space<vmem>>)
        tpu.yield
      }) : () -> ()
      "tpu.region"() ({
        %run_scoped3A = tpu.sem_alloc : memref<!tpu.dma_semaphore, #tpu.memory_space<semaphore_mem>>
        %dma_start3A_121 = tpu.memref_slice %arg5[%mul3A_91] : memref<163840xi32, #tpu.memory_space<hbm>> -> memref<128xi32, #tpu.memory_space<hbm>>
        %dma_start3A_122 = tpu.memref_slice %arg5[%mul3A_91] : memref<163840xi32, #tpu.memory_space<hbm>> -> memref<128xi32, #tpu.memory_space<hbm>>
        tpu.enqueue_dma source(%dma_start3A_122 : memref<128xi32, #tpu.memory_space<hbm>>) target(%arg9 : memref<128xi32, #tpu.memory_space<vmem>>) target_semaphore(%run_scoped3A : memref<!tpu.dma_semaphore, #tpu.memory_space<semaphore_mem>>)
        %dma_wait3A_123 = tpu.memref_slice %arg5[%mul3A_91] : memref<163840xi32, #tpu.memory_space<hbm>> -> memref<128xi32, #tpu.memory_space<hbm>>
        %dma_wait3A_124 = tpu.memref_slice %arg5[%mul3A_91] : memref<163840xi32, #tpu.memory_space<hbm>> -> memref<128xi32, #tpu.memory_space<hbm>>
        tpu.wait_dma2 semaphore(%run_scoped3A : memref<!tpu.dma_semaphore, #tpu.memory_space<semaphore_mem>>) src(%dma_wait3A_124 : memref<128xi32, #tpu.memory_space<hbm>>) dst(%arg9 : memref<128xi32, #tpu.memory_space<vmem>>)
        tpu.yield
      }) : () -> ()
      "tpu.region"() ({
        %run_scoped3A = tpu.sem_alloc : memref<!tpu.dma_semaphore, #tpu.memory_space<semaphore_mem>>
        %dma_start3A_121 = arith.constant 0 : i32
        %dma_start3A_122 = arith.constant 0 : i32
        %dma_start3A_123 = tpu.memref_slice %arg10[%select_n3A_86, %dma_start3A_121, %dma_start3A_122] : memref<2x128x128xf32, #tpu.memory_space<vmem>> -> memref<1x128x128xf32, #tpu.memory_space<vmem>>
        %dma_start3A_124 = tpu.memref_squeeze %dma_start3A_123 : memref<1x128x128xf32, #tpu.memory_space<vmem>> -> memref<128x128xf32, #tpu.memory_space<vmem>>
        %dma_start3A_125 = arith.constant 0 : i32
        %dma_start3A_126 = arith.constant 0 : i32
        %dma_start3A_127 = tpu.memref_slice %arg2[%dma_start3A_125, %dma_start3A_126] : memref<10240x128xf32, #tpu.memory_space<hbm>> -> memref<10240x128xf32, #tpu.memory_space<hbm>>
        tpu.enqueue_indirect_dma source(%dma_start3A_127 : memref<10240x128xf32, #tpu.memory_space<hbm>>) target(%dma_start3A_124 : memref<128x128xf32, #tpu.memory_space<vmem>>) offsets(%arg8 : memref<128xi32, #tpu.memory_space<vmem>>) semaphore(%run_scoped3A : memref<!tpu.dma_semaphore, #tpu.memory_space<semaphore_mem>>)
        %dma_wait3A_128 = arith.constant 0 : i32
        %dma_wait3A_129 = arith.constant 0 : i32
        %dma_wait3A_130 = tpu.memref_slice %arg10[%select_n3A_86, %dma_wait3A_128, %dma_wait3A_129] : memref<2x128x128xf32, #tpu.memory_space<vmem>> -> memref<1x128x128xf32, #tpu.memory_space<vmem>>
        %dma_wait3A_131 = tpu.memref_squeeze %dma_wait3A_130 : memref<1x128x128xf32, #tpu.memory_space<vmem>> -> memref<128x128xf32, #tpu.memory_space<vmem>>
        %dma_wait3A_132 = arith.constant 0 : i32
        %dma_wait3A_133 = arith.constant 0 : i32
        %dma_wait3A_134 = tpu.memref_slice %arg2[%dma_wait3A_132, %dma_wait3A_133] : memref<10240x128xf32, #tpu.memory_space<hbm>> -> memref<10240x128xf32, #tpu.memory_space<hbm>>
        tpu.wait_indirect_dma semaphore(%run_scoped3A : memref<!tpu.dma_semaphore, #tpu.memory_space<semaphore_mem>>) src(%dma_wait3A_134 : memref<10240x128xf32, #tpu.memory_space<hbm>>) dst(%dma_wait3A_131 : memref<128x128xf32, #tpu.memory_space<vmem>>)
        tpu.yield
      }) : () -> ()
      "tpu.region"() ({
        %run_scoped3A = tpu.sem_alloc : memref<!tpu.dma_semaphore, #tpu.memory_space<semaphore_mem>>
        %dma_start3A_121 = arith.constant 0 : i32
        %dma_start3A_122 = arith.constant 0 : i32
        %dma_start3A_123 = tpu.memref_slice %arg11[%select_n3A_86, %dma_start3A_121, %dma_start3A_122] : memref<2x128x128xi32, #tpu.memory_space<vmem>> -> memref<1x128x128xi32, #tpu.memory_space<vmem>>
        %dma_start3A_124 = tpu.memref_squeeze %dma_start3A_123 : memref<1x128x128xi32, #tpu.memory_space<vmem>> -> memref<128x128xi32, #tpu.memory_space<vmem>>
        %dma_start3A_125 = arith.constant 0 : i32
        %dma_start3A_126 = arith.constant 0 : i32
        %dma_start3A_127 = tpu.memref_slice %arg3[%dma_start3A_125, %dma_start3A_126] : memref<10240x128xi32, #tpu.memory_space<hbm>> -> memref<10240x128xi32, #tpu.memory_space<hbm>>
        tpu.enqueue_indirect_dma source(%dma_start3A_127 : memref<10240x128xi32, #tpu.memory_space<hbm>>) target(%dma_start3A_124 : memref<128x128xi32, #tpu.memory_space<vmem>>) offsets(%arg9 : memref<128xi32, #tpu.memory_space<vmem>>) semaphore(%run_scoped3A : memref<!tpu.dma_semaphore, #tpu.memory_space<semaphore_mem>>)
        %dma_wait3A_128 = arith.constant 0 : i32
        %dma_wait3A_129 = arith.constant 0 : i32
        %dma_wait3A_130 = tpu.memref_slice %arg11[%select_n3A_86, %dma_wait3A_128, %dma_wait3A_129] : memref<2x128x128xi32, #tpu.memory_space<vmem>> -> memref<1x128x128xi32, #tpu.memory_space<vmem>>
        %dma_wait3A_131 = tpu.memref_squeeze %dma_wait3A_130 : memref<1x128x128xi32, #tpu.memory_space<vmem>> -> memref<128x128xi32, #tpu.memory_space<vmem>>
        %dma_wait3A_132 = arith.constant 0 : i32
        %dma_wait3A_133 = arith.constant 0 : i32
        %dma_wait3A_134 = tpu.memref_slice %arg3[%dma_wait3A_132, %dma_wait3A_133] : memref<10240x128xi32, #tpu.memory_space<hbm>> -> memref<10240x128xi32, #tpu.memory_space<hbm>>
        tpu.wait_indirect_dma semaphore(%run_scoped3A : memref<!tpu.dma_semaphore, #tpu.memory_space<semaphore_mem>>) src(%dma_wait3A_134 : memref<10240x128xi32, #tpu.memory_space<hbm>>) dst(%dma_wait3A_131 : memref<128x128xi32, #tpu.memory_space<vmem>>)
        tpu.yield
      }) : () -> ()
      %dma_start3A = arith.constant 0 : i32
      %dma_start3A_94 = arith.constant 0 : i32
      %dma_start3A_95 = tpu.memref_slice %arg10[%select_n3A_86, %dma_start3A, %dma_start3A_94] : memref<2x128x128xf32, #tpu.memory_space<vmem>> -> memref<1x128x128xf32, #tpu.memory_space<vmem>>
      %dma_start3A_96 = tpu.memref_squeeze %dma_start3A_95 : memref<1x128x128xf32, #tpu.memory_space<vmem>> -> memref<128x128xf32, #tpu.memory_space<vmem>>
      %dma_start3A_97 = arith.constant 0 : i32
      %dma_start3A_98 = tpu.memref_slice %arg6[%mul3A_91, %dma_start3A_97] : memref<163840x128xf32, #tpu.memory_space<hbm>> -> memref<128x128xf32, #tpu.memory_space<hbm>>
      %dma_start3A_99 = tpu.memref_slice %arg12[%select_n3A_86] : memref<2x!tpu.dma_semaphore, #tpu.memory_space<semaphore_mem>> -> memref<1x!tpu.dma_semaphore, #tpu.memory_space<semaphore_mem>>
      %dma_start3A_100 = tpu.memref_squeeze %dma_start3A_99 : memref<1x!tpu.dma_semaphore, #tpu.memory_space<semaphore_mem>> -> memref<!tpu.dma_semaphore, #tpu.memory_space<semaphore_mem>>
      %dma_start3A_101 = arith.constant 0 : i32
      %dma_start3A_102 = tpu.memref_slice %arg6[%mul3A_91, %dma_start3A_101] : memref<163840x128xf32, #tpu.memory_space<hbm>> -> memref<128x128xf32, #tpu.memory_space<hbm>>
      %dma_start3A_103 = arith.constant 0 : i32
      %dma_start3A_104 = arith.constant 0 : i32
      %dma_start3A_105 = tpu.memref_slice %arg10[%select_n3A_86, %dma_start3A_103, %dma_start3A_104] : memref<2x128x128xf32, #tpu.memory_space<vmem>> -> memref<1x128x128xf32, #tpu.memory_space<vmem>>
      %dma_start3A_106 = tpu.memref_squeeze %dma_start3A_105 : memref<1x128x128xf32, #tpu.memory_space<vmem>> -> memref<128x128xf32, #tpu.memory_space<vmem>>
      tpu.enqueue_dma source(%dma_start3A_106 : memref<128x128xf32, #tpu.memory_space<vmem>>) target(%dma_start3A_102 : memref<128x128xf32, #tpu.memory_space<hbm>>) target_semaphore(%dma_start3A_100 : memref<!tpu.dma_semaphore, #tpu.memory_space<semaphore_mem>>)
      %dma_start3A_107 = arith.constant 0 : i32
      %dma_start3A_108 = arith.constant 0 : i32
      %dma_start3A_109 = tpu.memref_slice %arg11[%select_n3A_86, %dma_start3A_107, %dma_start3A_108] : memref<2x128x128xi32, #tpu.memory_space<vmem>> -> memref<1x128x128xi32, #tpu.memory_space<vmem>>
      %dma_start3A_110 = tpu.memref_squeeze %dma_start3A_109 : memref<1x128x128xi32, #tpu.memory_space<vmem>> -> memref<128x128xi32, #tpu.memory_space<vmem>>
      %dma_start3A_111 = arith.constant 0 : i32
      %dma_start3A_112 = tpu.memref_slice %arg7[%mul3A_91, %dma_start3A_111] : memref<163840x128xi32, #tpu.memory_space<hbm>> -> memref<128x128xi32, #tpu.memory_space<hbm>>
      %dma_start3A_113 = tpu.memref_slice %arg12[%select_n3A_86] : memref<2x!tpu.dma_semaphore, #tpu.memory_space<semaphore_mem>> -> memref<1x!tpu.dma_semaphore, #tpu.memory_space<semaphore_mem>>
      %dma_start3A_114 = tpu.memref_squeeze %dma_start3A_113 : memref<1x!tpu.dma_semaphore, #tpu.memory_space<semaphore_mem>> -> memref<!tpu.dma_semaphore, #tpu.memory_space<semaphore_mem>>
      %dma_start3A_115 = arith.constant 0 : i32
      %dma_start3A_116 = tpu.memref_slice %arg7[%mul3A_91, %dma_start3A_115] : memref<163840x128xi32, #tpu.memory_space<hbm>> -> memref<128x128xi32, #tpu.memory_space<hbm>>
      %dma_start3A_117 = arith.constant 0 : i32
      %dma_start3A_118 = arith.constant 0 : i32
      %dma_start3A_119 = tpu.memref_slice %arg11[%select_n3A_86, %dma_start3A_117, %dma_start3A_118] : memref<2x128x128xi32, #tpu.memory_space<vmem>> -> memref<1x128x128xi32, #tpu.memory_space<vmem>>
      %dma_start3A_120 = tpu.memref_squeeze %dma_start3A_119 : memref<1x128x128xi32, #tpu.memory_space<vmem>> -> memref<128x128xi32, #tpu.memory_space<vmem>>
      tpu.enqueue_dma source(%dma_start3A_120 : memref<128x128xi32, #tpu.memory_space<vmem>>) target(%dma_start3A_116 : memref<128x128xi32, #tpu.memory_space<hbm>>) target_semaphore(%dma_start3A_114 : memref<!tpu.dma_semaphore, #tpu.memory_space<semaphore_mem>>)
    }
    %scan3A_5 = arith.constant 40 : i32
    %dma_wait3A = arith.constant 0 : i32
    %dma_wait3A_6 = arith.constant 0 : i32
    %dma_wait3A_7 = arith.constant 0 : i32
    %dma_wait3A_8 = arith.constant 0 : i32
    %dma_wait3A_9 = tpu.memref_slice %arg10[%dma_wait3A, %dma_wait3A_7, %dma_wait3A_8] : memref<2x128x128xf32, #tpu.memory_space<vmem>> -> memref<1x128x128xf32, #tpu.memory_space<vmem>>
    %dma_wait3A_10 = tpu.memref_squeeze %dma_wait3A_9 : memref<1x128x128xf32, #tpu.memory_space<vmem>> -> memref<128x128xf32, #tpu.memory_space<vmem>>
    %dma_wait3A_11 = arith.constant 0 : i32
    %dma_wait3A_12 = arith.constant 0 : i32
    %dma_wait3A_13 = tpu.memref_slice %arg6[%dma_wait3A_11, %dma_wait3A_12] : memref<163840x128xf32, #tpu.memory_space<hbm>> -> memref<128x128xf32, #tpu.memory_space<hbm>>
    %dma_wait3A_14 = tpu.memref_slice %arg12[%dma_wait3A_6] : memref<2x!tpu.dma_semaphore, #tpu.memory_space<semaphore_mem>> -> memref<1x!tpu.dma_semaphore, #tpu.memory_space<semaphore_mem>>
    %dma_wait3A_15 = tpu.memref_squeeze %dma_wait3A_14 : memref<1x!tpu.dma_semaphore, #tpu.memory_space<semaphore_mem>> -> memref<!tpu.dma_semaphore, #tpu.memory_space<semaphore_mem>>
    %dma_wait3A_16 = arith.constant 0 : i32
    %dma_wait3A_17 = arith.constant 0 : i32
    %dma_wait3A_18 = tpu.memref_slice %arg6[%dma_wait3A_16, %dma_wait3A_17] : memref<163840x128xf32, #tpu.memory_space<hbm>> -> memref<128x128xf32, #tpu.memory_space<hbm>>
    %dma_wait3A_19 = arith.constant 0 : i32
    %dma_wait3A_20 = arith.constant 0 : i32
    %dma_wait3A_21 = tpu.memref_slice %arg10[%dma_wait3A, %dma_wait3A_19, %dma_wait3A_20] : memref<2x128x128xf32, #tpu.memory_space<vmem>> -> memref<1x128x128xf32, #tpu.memory_space<vmem>>
    %dma_wait3A_22 = tpu.memref_squeeze %dma_wait3A_21 : memref<1x128x128xf32, #tpu.memory_space<vmem>> -> memref<128x128xf32, #tpu.memory_space<vmem>>
    tpu.wait_dma2 semaphore(%dma_wait3A_15 : memref<!tpu.dma_semaphore, #tpu.memory_space<semaphore_mem>>) src(%dma_wait3A_22 : memref<128x128xf32, #tpu.memory_space<vmem>>) dst(%dma_wait3A_18 : memref<128x128xf32, #tpu.memory_space<hbm>>)
    %dma_wait3A_23 = arith.constant 0 : i32
    %dma_wait3A_24 = arith.constant 0 : i32
    %dma_wait3A_25 = arith.constant 0 : i32
    %dma_wait3A_26 = arith.constant 0 : i32
    %dma_wait3A_27 = tpu.memref_slice %arg11[%dma_wait3A_23, %dma_wait3A_25, %dma_wait3A_26] : memref<2x128x128xi32, #tpu.memory_space<vmem>> -> memref<1x128x128xi32, #tpu.memory_space<vmem>>
    %dma_wait3A_28 = tpu.memref_squeeze %dma_wait3A_27 : memref<1x128x128xi32, #tpu.memory_space<vmem>> -> memref<128x128xi32, #tpu.memory_space<vmem>>
    %dma_wait3A_29 = arith.constant 0 : i32
    %dma_wait3A_30 = arith.constant 0 : i32
    %dma_wait3A_31 = tpu.memref_slice %arg7[%dma_wait3A_29, %dma_wait3A_30] : memref<163840x128xi32, #tpu.memory_space<hbm>> -> memref<128x128xi32, #tpu.memory_space<hbm>>
    %dma_wait3A_32 = tpu.memref_slice %arg12[%dma_wait3A_24] : memref<2x!tpu.dma_semaphore, #tpu.memory_space<semaphore_mem>> -> memref<1x!tpu.dma_semaphore, #tpu.memory_space<semaphore_mem>>
    %dma_wait3A_33 = tpu.memref_squeeze %dma_wait3A_32 : memref<1x!tpu.dma_semaphore, #tpu.memory_space<semaphore_mem>> -> memref<!tpu.dma_semaphore, #tpu.memory_space<semaphore_mem>>
    %dma_wait3A_34 = arith.constant 0 : i32
    %dma_wait3A_35 = arith.constant 0 : i32
    %dma_wait3A_36 = tpu.memref_slice %arg7[%dma_wait3A_34, %dma_wait3A_35] : memref<163840x128xi32, #tpu.memory_space<hbm>> -> memref<128x128xi32, #tpu.memory_space<hbm>>
    %dma_wait3A_37 = arith.constant 0 : i32
    %dma_wait3A_38 = arith.constant 0 : i32
    %dma_wait3A_39 = tpu.memref_slice %arg11[%dma_wait3A_23, %dma_wait3A_37, %dma_wait3A_38] : memref<2x128x128xi32, #tpu.memory_space<vmem>> -> memref<1x128x128xi32, #tpu.memory_space<vmem>>
    %dma_wait3A_40 = tpu.memref_squeeze %dma_wait3A_39 : memref<1x128x128xi32, #tpu.memory_space<vmem>> -> memref<128x128xi32, #tpu.memory_space<vmem>>
    tpu.wait_dma2 semaphore(%dma_wait3A_33 : memref<!tpu.dma_semaphore, #tpu.memory_space<semaphore_mem>>) src(%dma_wait3A_40 : memref<128x128xi32, #tpu.memory_space<vmem>>) dst(%dma_wait3A_36 : memref<128x128xi32, #tpu.memory_space<hbm>>)
    %dma_wait3A_41 = arith.constant 1 : i32
    %dma_wait3A_42 = arith.constant 1 : i32
    %dma_wait3A_43 = arith.constant 0 : i32
    %dma_wait3A_44 = arith.constant 0 : i32
    %dma_wait3A_45 = tpu.memref_slice %arg10[%dma_wait3A_41, %dma_wait3A_43, %dma_wait3A_44] : memref<2x128x128xf32, #tpu.memory_space<vmem>> -> memref<1x128x128xf32, #tpu.memory_space<vmem>>
    %dma_wait3A_46 = tpu.memref_squeeze %dma_wait3A_45 : memref<1x128x128xf32, #tpu.memory_space<vmem>> -> memref<128x128xf32, #tpu.memory_space<vmem>>
    %dma_wait3A_47 = arith.constant 0 : i32
    %dma_wait3A_48 = arith.constant 0 : i32
    %dma_wait3A_49 = tpu.memref_slice %arg6[%dma_wait3A_47, %dma_wait3A_48] : memref<163840x128xf32, #tpu.memory_space<hbm>> -> memref<128x128xf32, #tpu.memory_space<hbm>>
    %dma_wait3A_50 = tpu.memref_slice %arg12[%dma_wait3A_42] : memref<2x!tpu.dma_semaphore, #tpu.memory_space<semaphore_mem>> -> memref<1x!tpu.dma_semaphore, #tpu.memory_space<semaphore_mem>>
    %dma_wait3A_51 = tpu.memref_squeeze %dma_wait3A_50 : memref<1x!tpu.dma_semaphore, #tpu.memory_space<semaphore_mem>> -> memref<!tpu.dma_semaphore, #tpu.memory_space<semaphore_mem>>
    %dma_wait3A_52 = arith.constant 0 : i32
    %dma_wait3A_53 = arith.constant 0 : i32
    %dma_wait3A_54 = tpu.memref_slice %arg6[%dma_wait3A_52, %dma_wait3A_53] : memref<163840x128xf32, #tpu.memory_space<hbm>> -> memref<128x128xf32, #tpu.memory_space<hbm>>
    %dma_wait3A_55 = arith.constant 0 : i32
    %dma_wait3A_56 = arith.constant 0 : i32
    %dma_wait3A_57 = tpu.memref_slice %arg10[%dma_wait3A_41, %dma_wait3A_55, %dma_wait3A_56] : memref<2x128x128xf32, #tpu.memory_space<vmem>> -> memref<1x128x128xf32, #tpu.memory_space<vmem>>
    %dma_wait3A_58 = tpu.memref_squeeze %dma_wait3A_57 : memref<1x128x128xf32, #tpu.memory_space<vmem>> -> memref<128x128xf32, #tpu.memory_space<vmem>>
    tpu.wait_dma2 semaphore(%dma_wait3A_51 : memref<!tpu.dma_semaphore, #tpu.memory_space<semaphore_mem>>) src(%dma_wait3A_58 : memref<128x128xf32, #tpu.memory_space<vmem>>) dst(%dma_wait3A_54 : memref<128x128xf32, #tpu.memory_space<hbm>>)
    %dma_wait3A_59 = arith.constant 1 : i32
    %dma_wait3A_60 = arith.constant 1 : i32
    %dma_wait3A_61 = arith.constant 0 : i32
    %dma_wait3A_62 = arith.constant 0 : i32
    %dma_wait3A_63 = tpu.memref_slice %arg11[%dma_wait3A_59, %dma_wait3A_61, %dma_wait3A_62] : memref<2x128x128xi32, #tpu.memory_space<vmem>> -> memref<1x128x128xi32, #tpu.memory_space<vmem>>
    %dma_wait3A_64 = tpu.memref_squeeze %dma_wait3A_63 : memref<1x128x128xi32, #tpu.memory_space<vmem>> -> memref<128x128xi32, #tpu.memory_space<vmem>>
    %dma_wait3A_65 = arith.constant 0 : i32
    %dma_wait3A_66 = arith.constant 0 : i32
    %dma_wait3A_67 = tpu.memref_slice %arg7[%dma_wait3A_65, %dma_wait3A_66] : memref<163840x128xi32, #tpu.memory_space<hbm>> -> memref<128x128xi32, #tpu.memory_space<hbm>>
    %dma_wait3A_68 = tpu.memref_slice %arg12[%dma_wait3A_60] : memref<2x!tpu.dma_semaphore, #tpu.memory_space<semaphore_mem>> -> memref<1x!tpu.dma_semaphore, #tpu.memory_space<semaphore_mem>>
    %dma_wait3A_69 = tpu.memref_squeeze %dma_wait3A_68 : memref<1x!tpu.dma_semaphore, #tpu.memory_space<semaphore_mem>> -> memref<!tpu.dma_semaphore, #tpu.memory_space<semaphore_mem>>
    %dma_wait3A_70 = arith.constant 0 : i32
    %dma_wait3A_71 = arith.constant 0 : i32
    %dma_wait3A_72 = tpu.memref_slice %arg7[%dma_wait3A_70, %dma_wait3A_71] : memref<163840x128xi32, #tpu.memory_space<hbm>> -> memref<128x128xi32, #tpu.memory_space<hbm>>
    %dma_wait3A_73 = arith.constant 0 : i32
    %dma_wait3A_74 = arith.constant 0 : i32
    %dma_wait3A_75 = tpu.memref_slice %arg11[%dma_wait3A_59, %dma_wait3A_73, %dma_wait3A_74] : memref<2x128x128xi32, #tpu.memory_space<vmem>> -> memref<1x128x128xi32, #tpu.memory_space<vmem>>
    %dma_wait3A_76 = tpu.memref_squeeze %dma_wait3A_75 : memref<1x128x128xi32, #tpu.memory_space<vmem>> -> memref<128x128xi32, #tpu.memory_space<vmem>>
    tpu.wait_dma2 semaphore(%dma_wait3A_69 : memref<!tpu.dma_semaphore, #tpu.memory_space<semaphore_mem>>) src(%dma_wait3A_76 : memref<128x128xi32, #tpu.memory_space<vmem>>) dst(%dma_wait3A_72 : memref<128x128xi32, #tpu.memory_space<hbm>>)
    return
  }
}

#map = affine_map<(d0, d1) -> (0, 0)>
#map1 = affine_map<(d0, d1) -> (0)>
module attributes {stable_mosaic.version = 14 : i64} {
  func.func @_sc_gather_body(%arg0: i32, %arg1: i32, %arg2: memref<10240x128xf32, #tpu.memory_space<hbm>>, %arg3: memref<10240x128xi32, #tpu.memory_space<hbm>>, %arg4: memref<159744xi32, #tpu.memory_space<hbm>>, %arg5: memref<159744xi32, #tpu.memory_space<hbm>>, %arg6: memref<159744x128xf32, #tpu.memory_space<hbm>>, %arg7: memref<159744x128xi32, #tpu.memory_space<hbm>>, %arg8: memref<128xi32, #tpu.memory_space<vmem>>, %arg9: memref<128xi32, #tpu.memory_space<vmem>>, %arg10: memref<2x128x128xf32, #tpu.memory_space<vmem>>, %arg11: memref<2x128x128xi32, #tpu.memory_space<vmem>>, %arg12: memref<2x!tpu.dma_semaphore, #tpu.memory_space<semaphore_mem>>) attributes {dimension_semantics = [#tpu.dimension_semantics<core_parallel>, #tpu.dimension_semantics<subcore_parallel>], iteration_bounds = array<i64: 2, 16>, scalar_prefetch = 0 : i64, scratch_operands = 5 : i64, tpu.core_type = #tpu.core_type<sc_vector_subcore>, window_params = [{transform_indices = #map}, {transform_indices = #map}, {transform_indices = #map1}, {transform_indices = #map1}, {transform_indices = #map}, {transform_indices = #map}]} {
    %mul3A = arith.constant 2 : i32
    %mul3A_0 = arith.muli %arg1, %mul3A : i32
    %add3A = arith.addi %mul3A_0, %arg0 : i32
    %scan3A = arith.constant 0 : i32
    %scan3A_1 = arith.constant 0 : i32
    %scan3A_2 = arith.constant 39 : i32
    %scan3A_3 = arith.addi %scan3A_1, %scan3A_2 : i32
    %scan3A_4 = arith.constant 1 : i32
    scf.for %scan3A_77 = %scan3A_1 to %scan3A_3 step %scan3A_4  : i32 {
      %jit3A = arith.constant 2 : i32
      %eq3A = arith.constant 0 : i32
      %eq3A_78 = arith.cmpi eq, %jit3A, %eq3A : i32
      %jit3A_79 = arith.constant 1 : i32
      %select_n3A = arith.select %eq3A_78, %jit3A_79, %jit3A : i32
      %rem3A = arith.remsi %scan3A_77, %select_n3A : i32
      %ne3A = arith.constant 0 : i32
      %ne3A_80 = arith.cmpi ne, %rem3A, %ne3A : i32
      %lt3A = arith.constant 0 : i32
      %lt3A_81 = arith.cmpi slt, %rem3A, %lt3A : i32
      %lt3A_82 = arith.constant 0 : i32
      %lt3A_83 = arith.cmpi slt, %select_n3A, %lt3A_82 : i32
      %ne3A_84 = arith.xori %lt3A_81, %lt3A_83 : i1
      %and3A = arith.andi %ne3A_84, %ne3A_80 : i1
      %add3A_85 = arith.addi %rem3A, %select_n3A : i32
      %select_n3A_86 = arith.select %and3A, %add3A_85, %rem3A : i32
      %mul3A_87 = arith.constant 32 : i32
      %mul3A_88 = arith.muli %scan3A_77, %mul3A_87 : i32
      %add3A_89 = arith.addi %mul3A_88, %add3A : i32
      %mul3A_90 = arith.constant 128 : i32
      %mul3A_91 = arith.muli %add3A_89, %mul3A_90 : i32
      %ge3A = arith.constant 2 : i32
      %ge3A_92 = arith.cmpi sge, %scan3A_77, %ge3A : i32
      %convert_element_type3A = arith.extui %ge3A_92 : i1 to i32
      %cond3A = arith.constant 0 : i32
      %cond3A_93 = arith.cmpi ne, %convert_element_type3A, %cond3A : i32
      scf.if %cond3A_93 {
        %dma_wait3A_121 = arith.constant 0 : i32
        %dma_wait3A_122 = arith.constant 0 : i32
        %dma_wait3A_123 = tpu.memref_slice %arg10[%select_n3A_86, %dma_wait3A_121, %dma_wait3A_122] : memref<2x128x128xf32, #tpu.memory_space<vmem>> -> memref<1x128x128xf32, #tpu.memory_space<vmem>>
        %dma_wait3A_124 = tpu.memref_squeeze %dma_wait3A_123 : memref<1x128x128xf32, #tpu.memory_space<vmem>> -> memref<128x128xf32, #tpu.memory_space<vmem>>
        %dma_wait3A_125 = arith.constant 0 : i32
        %dma_wait3A_126 = arith.constant 0 : i32
        %dma_wait3A_127 = tpu.memref_slice %arg6[%dma_wait3A_125, %dma_wait3A_126] : memref<159744x128xf32, #tpu.memory_space<hbm>> -> memref<128x128xf32, #tpu.memory_space<hbm>>
        %dma_wait3A_128 = tpu.memref_slice %arg12[%select_n3A_86] : memref<2x!tpu.dma_semaphore, #tpu.memory_space<semaphore_mem>> -> memref<1x!tpu.dma_semaphore, #tpu.memory_space<semaphore_mem>>
        %dma_wait3A_129 = tpu.memref_squeeze %dma_wait3A_128 : memref<1x!tpu.dma_semaphore, #tpu.memory_space<semaphore_mem>> -> memref<!tpu.dma_semaphore, #tpu.memory_space<semaphore_mem>>
        %dma_wait3A_130 = arith.constant 0 : i32
        %dma_wait3A_131 = arith.constant 0 : i32
        %dma_wait3A_132 = tpu.memref_slice %arg6[%dma_wait3A_130, %dma_wait3A_131] : memref<159744x128xf32, #tpu.memory_space<hbm>> -> memref<128x128xf32, #tpu.memory_space<hbm>>
        %dma_wait3A_133 = arith.constant 0 : i32
        %dma_wait3A_134 = arith.constant 0 : i32
        %dma_wait3A_135 = tpu.memref_slice %arg10[%select_n3A_86, %dma_wait3A_133, %dma_wait3A_134] : memref<2x128x128xf32, #tpu.memory_space<vmem>> -> memref<1x128x128xf32, #tpu.memory_space<vmem>>
        %dma_wait3A_136 = tpu.memref_squeeze %dma_wait3A_135 : memref<1x128x128xf32, #tpu.memory_space<vmem>> -> memref<128x128xf32, #tpu.memory_space<vmem>>
        tpu.wait_dma2 semaphore(%dma_wait3A_129 : memref<!tpu.dma_semaphore, #tpu.memory_space<semaphore_mem>>) src(%dma_wait3A_136 : memref<128x128xf32, #tpu.memory_space<vmem>>) dst(%dma_wait3A_132 : memref<128x128xf32, #tpu.memory_space<hbm>>)
        %dma_wait3A_137 = arith.constant 0 : i32
        %dma_wait3A_138 = arith.constant 0 : i32
        %dma_wait3A_139 = tpu.memref_slice %arg11[%select_n3A_86, %dma_wait3A_137, %dma_wait3A_138] : memref<2x128x128xi32, #tpu.memory_space<vmem>> -> memref<1x128x128xi32, #tpu.memory_space<vmem>>
        %dma_wait3A_140 = tpu.memref_squeeze %dma_wait3A_139 : memref<1x128x128xi32, #tpu.memory_space<vmem>> -> memref<128x128xi32, #tpu.memory_space<vmem>>
        %dma_wait3A_141 = arith.constant 0 : i32
        %dma_wait3A_142 = arith.constant 0 : i32
        %dma_wait3A_143 = tpu.memref_slice %arg7[%dma_wait3A_141, %dma_wait3A_142] : memref<159744x128xi32, #tpu.memory_space<hbm>> -> memref<128x128xi32, #tpu.memory_space<hbm>>
        %dma_wait3A_144 = tpu.memref_slice %arg12[%select_n3A_86] : memref<2x!tpu.dma_semaphore, #tpu.memory_space<semaphore_mem>> -> memref<1x!tpu.dma_semaphore, #tpu.memory_space<semaphore_mem>>
        %dma_wait3A_145 = tpu.memref_squeeze %dma_wait3A_144 : memref<1x!tpu.dma_semaphore, #tpu.memory_space<semaphore_mem>> -> memref<!tpu.dma_semaphore, #tpu.memory_space<semaphore_mem>>
        %dma_wait3A_146 = arith.constant 0 : i32
        %dma_wait3A_147 = arith.constant 0 : i32
        %dma_wait3A_148 = tpu.memref_slice %arg7[%dma_wait3A_146, %dma_wait3A_147] : memref<159744x128xi32, #tpu.memory_space<hbm>> -> memref<128x128xi32, #tpu.memory_space<hbm>>
        %dma_wait3A_149 = arith.constant 0 : i32
        %dma_wait3A_150 = arith.constant 0 : i32
        %dma_wait3A_151 = tpu.memref_slice %arg11[%select_n3A_86, %dma_wait3A_149, %dma_wait3A_150] : memref<2x128x128xi32, #tpu.memory_space<vmem>> -> memref<1x128x128xi32, #tpu.memory_space<vmem>>
        %dma_wait3A_152 = tpu.memref_squeeze %dma_wait3A_151 : memref<1x128x128xi32, #tpu.memory_space<vmem>> -> memref<128x128xi32, #tpu.memory_space<vmem>>
        tpu.wait_dma2 semaphore(%dma_wait3A_145 : memref<!tpu.dma_semaphore, #tpu.memory_space<semaphore_mem>>) src(%dma_wait3A_152 : memref<128x128xi32, #tpu.memory_space<vmem>>) dst(%dma_wait3A_148 : memref<128x128xi32, #tpu.memory_space<hbm>>)
      } else {
      }
      "tpu.region"() ({
        %run_scoped3A = tpu.sem_alloc : memref<!tpu.dma_semaphore, #tpu.memory_space<semaphore_mem>>
        %dma_start3A_121 = tpu.memref_slice %arg4[%mul3A_91] : memref<159744xi32, #tpu.memory_space<hbm>> -> memref<128xi32, #tpu.memory_space<hbm>>
        %dma_start3A_122 = tpu.memref_slice %arg4[%mul3A_91] : memref<159744xi32, #tpu.memory_space<hbm>> -> memref<128xi32, #tpu.memory_space<hbm>>
        tpu.enqueue_dma source(%dma_start3A_122 : memref<128xi32, #tpu.memory_space<hbm>>) target(%arg8 : memref<128xi32, #tpu.memory_space<vmem>>) target_semaphore(%run_scoped3A : memref<!tpu.dma_semaphore, #tpu.memory_space<semaphore_mem>>)
        %dma_wait3A_123 = tpu.memref_slice %arg4[%mul3A_91] : memref<159744xi32, #tpu.memory_space<hbm>> -> memref<128xi32, #tpu.memory_space<hbm>>
        %dma_wait3A_124 = tpu.memref_slice %arg4[%mul3A_91] : memref<159744xi32, #tpu.memory_space<hbm>> -> memref<128xi32, #tpu.memory_space<hbm>>
        tpu.wait_dma2 semaphore(%run_scoped3A : memref<!tpu.dma_semaphore, #tpu.memory_space<semaphore_mem>>) src(%dma_wait3A_124 : memref<128xi32, #tpu.memory_space<hbm>>) dst(%arg8 : memref<128xi32, #tpu.memory_space<vmem>>)
        tpu.yield
      }) : () -> ()
      "tpu.region"() ({
        %run_scoped3A = tpu.sem_alloc : memref<!tpu.dma_semaphore, #tpu.memory_space<semaphore_mem>>
        %dma_start3A_121 = tpu.memref_slice %arg5[%mul3A_91] : memref<159744xi32, #tpu.memory_space<hbm>> -> memref<128xi32, #tpu.memory_space<hbm>>
        %dma_start3A_122 = tpu.memref_slice %arg5[%mul3A_91] : memref<159744xi32, #tpu.memory_space<hbm>> -> memref<128xi32, #tpu.memory_space<hbm>>
        tpu.enqueue_dma source(%dma_start3A_122 : memref<128xi32, #tpu.memory_space<hbm>>) target(%arg9 : memref<128xi32, #tpu.memory_space<vmem>>) target_semaphore(%run_scoped3A : memref<!tpu.dma_semaphore, #tpu.memory_space<semaphore_mem>>)
        %dma_wait3A_123 = tpu.memref_slice %arg5[%mul3A_91] : memref<159744xi32, #tpu.memory_space<hbm>> -> memref<128xi32, #tpu.memory_space<hbm>>
        %dma_wait3A_124 = tpu.memref_slice %arg5[%mul3A_91] : memref<159744xi32, #tpu.memory_space<hbm>> -> memref<128xi32, #tpu.memory_space<hbm>>
        tpu.wait_dma2 semaphore(%run_scoped3A : memref<!tpu.dma_semaphore, #tpu.memory_space<semaphore_mem>>) src(%dma_wait3A_124 : memref<128xi32, #tpu.memory_space<hbm>>) dst(%arg9 : memref<128xi32, #tpu.memory_space<vmem>>)
        tpu.yield
      }) : () -> ()
      "tpu.region"() ({
        %run_scoped3A = tpu.sem_alloc : memref<!tpu.dma_semaphore, #tpu.memory_space<semaphore_mem>>
        %dma_start3A_121 = arith.constant 0 : i32
        %dma_start3A_122 = arith.constant 0 : i32
        %dma_start3A_123 = tpu.memref_slice %arg10[%select_n3A_86, %dma_start3A_121, %dma_start3A_122] : memref<2x128x128xf32, #tpu.memory_space<vmem>> -> memref<1x128x128xf32, #tpu.memory_space<vmem>>
        %dma_start3A_124 = tpu.memref_squeeze %dma_start3A_123 : memref<1x128x128xf32, #tpu.memory_space<vmem>> -> memref<128x128xf32, #tpu.memory_space<vmem>>
        %dma_start3A_125 = arith.constant 0 : i32
        %dma_start3A_126 = arith.constant 0 : i32
        %dma_start3A_127 = tpu.memref_slice %arg2[%dma_start3A_125, %dma_start3A_126] : memref<10240x128xf32, #tpu.memory_space<hbm>> -> memref<10240x128xf32, #tpu.memory_space<hbm>>
        tpu.enqueue_indirect_dma source(%dma_start3A_127 : memref<10240x128xf32, #tpu.memory_space<hbm>>) target(%dma_start3A_124 : memref<128x128xf32, #tpu.memory_space<vmem>>) offsets(%arg8 : memref<128xi32, #tpu.memory_space<vmem>>) semaphore(%run_scoped3A : memref<!tpu.dma_semaphore, #tpu.memory_space<semaphore_mem>>)
        %dma_wait3A_128 = arith.constant 0 : i32
        %dma_wait3A_129 = arith.constant 0 : i32
        %dma_wait3A_130 = tpu.memref_slice %arg10[%select_n3A_86, %dma_wait3A_128, %dma_wait3A_129] : memref<2x128x128xf32, #tpu.memory_space<vmem>> -> memref<1x128x128xf32, #tpu.memory_space<vmem>>
        %dma_wait3A_131 = tpu.memref_squeeze %dma_wait3A_130 : memref<1x128x128xf32, #tpu.memory_space<vmem>> -> memref<128x128xf32, #tpu.memory_space<vmem>>
        %dma_wait3A_132 = arith.constant 0 : i32
        %dma_wait3A_133 = arith.constant 0 : i32
        %dma_wait3A_134 = tpu.memref_slice %arg2[%dma_wait3A_132, %dma_wait3A_133] : memref<10240x128xf32, #tpu.memory_space<hbm>> -> memref<10240x128xf32, #tpu.memory_space<hbm>>
        tpu.wait_indirect_dma semaphore(%run_scoped3A : memref<!tpu.dma_semaphore, #tpu.memory_space<semaphore_mem>>) src(%dma_wait3A_134 : memref<10240x128xf32, #tpu.memory_space<hbm>>) dst(%dma_wait3A_131 : memref<128x128xf32, #tpu.memory_space<vmem>>)
        tpu.yield
      }) : () -> ()
      "tpu.region"() ({
        %run_scoped3A = tpu.sem_alloc : memref<!tpu.dma_semaphore, #tpu.memory_space<semaphore_mem>>
        %dma_start3A_121 = arith.constant 0 : i32
        %dma_start3A_122 = arith.constant 0 : i32
        %dma_start3A_123 = tpu.memref_slice %arg11[%select_n3A_86, %dma_start3A_121, %dma_start3A_122] : memref<2x128x128xi32, #tpu.memory_space<vmem>> -> memref<1x128x128xi32, #tpu.memory_space<vmem>>
        %dma_start3A_124 = tpu.memref_squeeze %dma_start3A_123 : memref<1x128x128xi32, #tpu.memory_space<vmem>> -> memref<128x128xi32, #tpu.memory_space<vmem>>
        %dma_start3A_125 = arith.constant 0 : i32
        %dma_start3A_126 = arith.constant 0 : i32
        %dma_start3A_127 = tpu.memref_slice %arg3[%dma_start3A_125, %dma_start3A_126] : memref<10240x128xi32, #tpu.memory_space<hbm>> -> memref<10240x128xi32, #tpu.memory_space<hbm>>
        tpu.enqueue_indirect_dma source(%dma_start3A_127 : memref<10240x128xi32, #tpu.memory_space<hbm>>) target(%dma_start3A_124 : memref<128x128xi32, #tpu.memory_space<vmem>>) offsets(%arg9 : memref<128xi32, #tpu.memory_space<vmem>>) semaphore(%run_scoped3A : memref<!tpu.dma_semaphore, #tpu.memory_space<semaphore_mem>>)
        %dma_wait3A_128 = arith.constant 0 : i32
        %dma_wait3A_129 = arith.constant 0 : i32
        %dma_wait3A_130 = tpu.memref_slice %arg11[%select_n3A_86, %dma_wait3A_128, %dma_wait3A_129] : memref<2x128x128xi32, #tpu.memory_space<vmem>> -> memref<1x128x128xi32, #tpu.memory_space<vmem>>
        %dma_wait3A_131 = tpu.memref_squeeze %dma_wait3A_130 : memref<1x128x128xi32, #tpu.memory_space<vmem>> -> memref<128x128xi32, #tpu.memory_space<vmem>>
        %dma_wait3A_132 = arith.constant 0 : i32
        %dma_wait3A_133 = arith.constant 0 : i32
        %dma_wait3A_134 = tpu.memref_slice %arg3[%dma_wait3A_132, %dma_wait3A_133] : memref<10240x128xi32, #tpu.memory_space<hbm>> -> memref<10240x128xi32, #tpu.memory_space<hbm>>
        tpu.wait_indirect_dma semaphore(%run_scoped3A : memref<!tpu.dma_semaphore, #tpu.memory_space<semaphore_mem>>) src(%dma_wait3A_134 : memref<10240x128xi32, #tpu.memory_space<hbm>>) dst(%dma_wait3A_131 : memref<128x128xi32, #tpu.memory_space<vmem>>)
        tpu.yield
      }) : () -> ()
      %dma_start3A = arith.constant 0 : i32
      %dma_start3A_94 = arith.constant 0 : i32
      %dma_start3A_95 = tpu.memref_slice %arg10[%select_n3A_86, %dma_start3A, %dma_start3A_94] : memref<2x128x128xf32, #tpu.memory_space<vmem>> -> memref<1x128x128xf32, #tpu.memory_space<vmem>>
      %dma_start3A_96 = tpu.memref_squeeze %dma_start3A_95 : memref<1x128x128xf32, #tpu.memory_space<vmem>> -> memref<128x128xf32, #tpu.memory_space<vmem>>
      %dma_start3A_97 = arith.constant 0 : i32
      %dma_start3A_98 = tpu.memref_slice %arg6[%mul3A_91, %dma_start3A_97] : memref<159744x128xf32, #tpu.memory_space<hbm>> -> memref<128x128xf32, #tpu.memory_space<hbm>>
      %dma_start3A_99 = tpu.memref_slice %arg12[%select_n3A_86] : memref<2x!tpu.dma_semaphore, #tpu.memory_space<semaphore_mem>> -> memref<1x!tpu.dma_semaphore, #tpu.memory_space<semaphore_mem>>
      %dma_start3A_100 = tpu.memref_squeeze %dma_start3A_99 : memref<1x!tpu.dma_semaphore, #tpu.memory_space<semaphore_mem>> -> memref<!tpu.dma_semaphore, #tpu.memory_space<semaphore_mem>>
      %dma_start3A_101 = arith.constant 0 : i32
      %dma_start3A_102 = tpu.memref_slice %arg6[%mul3A_91, %dma_start3A_101] : memref<159744x128xf32, #tpu.memory_space<hbm>> -> memref<128x128xf32, #tpu.memory_space<hbm>>
      %dma_start3A_103 = arith.constant 0 : i32
      %dma_start3A_104 = arith.constant 0 : i32
      %dma_start3A_105 = tpu.memref_slice %arg10[%select_n3A_86, %dma_start3A_103, %dma_start3A_104] : memref<2x128x128xf32, #tpu.memory_space<vmem>> -> memref<1x128x128xf32, #tpu.memory_space<vmem>>
      %dma_start3A_106 = tpu.memref_squeeze %dma_start3A_105 : memref<1x128x128xf32, #tpu.memory_space<vmem>> -> memref<128x128xf32, #tpu.memory_space<vmem>>
      tpu.enqueue_dma source(%dma_start3A_106 : memref<128x128xf32, #tpu.memory_space<vmem>>) target(%dma_start3A_102 : memref<128x128xf32, #tpu.memory_space<hbm>>) target_semaphore(%dma_start3A_100 : memref<!tpu.dma_semaphore, #tpu.memory_space<semaphore_mem>>)
      %dma_start3A_107 = arith.constant 0 : i32
      %dma_start3A_108 = arith.constant 0 : i32
      %dma_start3A_109 = tpu.memref_slice %arg11[%select_n3A_86, %dma_start3A_107, %dma_start3A_108] : memref<2x128x128xi32, #tpu.memory_space<vmem>> -> memref<1x128x128xi32, #tpu.memory_space<vmem>>
      %dma_start3A_110 = tpu.memref_squeeze %dma_start3A_109 : memref<1x128x128xi32, #tpu.memory_space<vmem>> -> memref<128x128xi32, #tpu.memory_space<vmem>>
      %dma_start3A_111 = arith.constant 0 : i32
      %dma_start3A_112 = tpu.memref_slice %arg7[%mul3A_91, %dma_start3A_111] : memref<159744x128xi32, #tpu.memory_space<hbm>> -> memref<128x128xi32, #tpu.memory_space<hbm>>
      %dma_start3A_113 = tpu.memref_slice %arg12[%select_n3A_86] : memref<2x!tpu.dma_semaphore, #tpu.memory_space<semaphore_mem>> -> memref<1x!tpu.dma_semaphore, #tpu.memory_space<semaphore_mem>>
      %dma_start3A_114 = tpu.memref_squeeze %dma_start3A_113 : memref<1x!tpu.dma_semaphore, #tpu.memory_space<semaphore_mem>> -> memref<!tpu.dma_semaphore, #tpu.memory_space<semaphore_mem>>
      %dma_start3A_115 = arith.constant 0 : i32
      %dma_start3A_116 = tpu.memref_slice %arg7[%mul3A_91, %dma_start3A_115] : memref<159744x128xi32, #tpu.memory_space<hbm>> -> memref<128x128xi32, #tpu.memory_space<hbm>>
      %dma_start3A_117 = arith.constant 0 : i32
      %dma_start3A_118 = arith.constant 0 : i32
      %dma_start3A_119 = tpu.memref_slice %arg11[%select_n3A_86, %dma_start3A_117, %dma_start3A_118] : memref<2x128x128xi32, #tpu.memory_space<vmem>> -> memref<1x128x128xi32, #tpu.memory_space<vmem>>
      %dma_start3A_120 = tpu.memref_squeeze %dma_start3A_119 : memref<1x128x128xi32, #tpu.memory_space<vmem>> -> memref<128x128xi32, #tpu.memory_space<vmem>>
      tpu.enqueue_dma source(%dma_start3A_120 : memref<128x128xi32, #tpu.memory_space<vmem>>) target(%dma_start3A_116 : memref<128x128xi32, #tpu.memory_space<hbm>>) target_semaphore(%dma_start3A_114 : memref<!tpu.dma_semaphore, #tpu.memory_space<semaphore_mem>>)
    }
    %scan3A_5 = arith.constant 39 : i32
    %dma_wait3A = arith.constant 0 : i32
    %dma_wait3A_6 = arith.constant 0 : i32
    %dma_wait3A_7 = arith.constant 0 : i32
    %dma_wait3A_8 = arith.constant 0 : i32
    %dma_wait3A_9 = tpu.memref_slice %arg10[%dma_wait3A, %dma_wait3A_7, %dma_wait3A_8] : memref<2x128x128xf32, #tpu.memory_space<vmem>> -> memref<1x128x128xf32, #tpu.memory_space<vmem>>
    %dma_wait3A_10 = tpu.memref_squeeze %dma_wait3A_9 : memref<1x128x128xf32, #tpu.memory_space<vmem>> -> memref<128x128xf32, #tpu.memory_space<vmem>>
    %dma_wait3A_11 = arith.constant 0 : i32
    %dma_wait3A_12 = arith.constant 0 : i32
    %dma_wait3A_13 = tpu.memref_slice %arg6[%dma_wait3A_11, %dma_wait3A_12] : memref<159744x128xf32, #tpu.memory_space<hbm>> -> memref<128x128xf32, #tpu.memory_space<hbm>>
    %dma_wait3A_14 = tpu.memref_slice %arg12[%dma_wait3A_6] : memref<2x!tpu.dma_semaphore, #tpu.memory_space<semaphore_mem>> -> memref<1x!tpu.dma_semaphore, #tpu.memory_space<semaphore_mem>>
    %dma_wait3A_15 = tpu.memref_squeeze %dma_wait3A_14 : memref<1x!tpu.dma_semaphore, #tpu.memory_space<semaphore_mem>> -> memref<!tpu.dma_semaphore, #tpu.memory_space<semaphore_mem>>
    %dma_wait3A_16 = arith.constant 0 : i32
    %dma_wait3A_17 = arith.constant 0 : i32
    %dma_wait3A_18 = tpu.memref_slice %arg6[%dma_wait3A_16, %dma_wait3A_17] : memref<159744x128xf32, #tpu.memory_space<hbm>> -> memref<128x128xf32, #tpu.memory_space<hbm>>
    %dma_wait3A_19 = arith.constant 0 : i32
    %dma_wait3A_20 = arith.constant 0 : i32
    %dma_wait3A_21 = tpu.memref_slice %arg10[%dma_wait3A, %dma_wait3A_19, %dma_wait3A_20] : memref<2x128x128xf32, #tpu.memory_space<vmem>> -> memref<1x128x128xf32, #tpu.memory_space<vmem>>
    %dma_wait3A_22 = tpu.memref_squeeze %dma_wait3A_21 : memref<1x128x128xf32, #tpu.memory_space<vmem>> -> memref<128x128xf32, #tpu.memory_space<vmem>>
    tpu.wait_dma2 semaphore(%dma_wait3A_15 : memref<!tpu.dma_semaphore, #tpu.memory_space<semaphore_mem>>) src(%dma_wait3A_22 : memref<128x128xf32, #tpu.memory_space<vmem>>) dst(%dma_wait3A_18 : memref<128x128xf32, #tpu.memory_space<hbm>>)
    %dma_wait3A_23 = arith.constant 0 : i32
    %dma_wait3A_24 = arith.constant 0 : i32
    %dma_wait3A_25 = arith.constant 0 : i32
    %dma_wait3A_26 = arith.constant 0 : i32
    %dma_wait3A_27 = tpu.memref_slice %arg11[%dma_wait3A_23, %dma_wait3A_25, %dma_wait3A_26] : memref<2x128x128xi32, #tpu.memory_space<vmem>> -> memref<1x128x128xi32, #tpu.memory_space<vmem>>
    %dma_wait3A_28 = tpu.memref_squeeze %dma_wait3A_27 : memref<1x128x128xi32, #tpu.memory_space<vmem>> -> memref<128x128xi32, #tpu.memory_space<vmem>>
    %dma_wait3A_29 = arith.constant 0 : i32
    %dma_wait3A_30 = arith.constant 0 : i32
    %dma_wait3A_31 = tpu.memref_slice %arg7[%dma_wait3A_29, %dma_wait3A_30] : memref<159744x128xi32, #tpu.memory_space<hbm>> -> memref<128x128xi32, #tpu.memory_space<hbm>>
    %dma_wait3A_32 = tpu.memref_slice %arg12[%dma_wait3A_24] : memref<2x!tpu.dma_semaphore, #tpu.memory_space<semaphore_mem>> -> memref<1x!tpu.dma_semaphore, #tpu.memory_space<semaphore_mem>>
    %dma_wait3A_33 = tpu.memref_squeeze %dma_wait3A_32 : memref<1x!tpu.dma_semaphore, #tpu.memory_space<semaphore_mem>> -> memref<!tpu.dma_semaphore, #tpu.memory_space<semaphore_mem>>
    %dma_wait3A_34 = arith.constant 0 : i32
    %dma_wait3A_35 = arith.constant 0 : i32
    %dma_wait3A_36 = tpu.memref_slice %arg7[%dma_wait3A_34, %dma_wait3A_35] : memref<159744x128xi32, #tpu.memory_space<hbm>> -> memref<128x128xi32, #tpu.memory_space<hbm>>
    %dma_wait3A_37 = arith.constant 0 : i32
    %dma_wait3A_38 = arith.constant 0 : i32
    %dma_wait3A_39 = tpu.memref_slice %arg11[%dma_wait3A_23, %dma_wait3A_37, %dma_wait3A_38] : memref<2x128x128xi32, #tpu.memory_space<vmem>> -> memref<1x128x128xi32, #tpu.memory_space<vmem>>
    %dma_wait3A_40 = tpu.memref_squeeze %dma_wait3A_39 : memref<1x128x128xi32, #tpu.memory_space<vmem>> -> memref<128x128xi32, #tpu.memory_space<vmem>>
    tpu.wait_dma2 semaphore(%dma_wait3A_33 : memref<!tpu.dma_semaphore, #tpu.memory_space<semaphore_mem>>) src(%dma_wait3A_40 : memref<128x128xi32, #tpu.memory_space<vmem>>) dst(%dma_wait3A_36 : memref<128x128xi32, #tpu.memory_space<hbm>>)
    %dma_wait3A_41 = arith.constant 1 : i32
    %dma_wait3A_42 = arith.constant 1 : i32
    %dma_wait3A_43 = arith.constant 0 : i32
    %dma_wait3A_44 = arith.constant 0 : i32
    %dma_wait3A_45 = tpu.memref_slice %arg10[%dma_wait3A_41, %dma_wait3A_43, %dma_wait3A_44] : memref<2x128x128xf32, #tpu.memory_space<vmem>> -> memref<1x128x128xf32, #tpu.memory_space<vmem>>
    %dma_wait3A_46 = tpu.memref_squeeze %dma_wait3A_45 : memref<1x128x128xf32, #tpu.memory_space<vmem>> -> memref<128x128xf32, #tpu.memory_space<vmem>>
    %dma_wait3A_47 = arith.constant 0 : i32
    %dma_wait3A_48 = arith.constant 0 : i32
    %dma_wait3A_49 = tpu.memref_slice %arg6[%dma_wait3A_47, %dma_wait3A_48] : memref<159744x128xf32, #tpu.memory_space<hbm>> -> memref<128x128xf32, #tpu.memory_space<hbm>>
    %dma_wait3A_50 = tpu.memref_slice %arg12[%dma_wait3A_42] : memref<2x!tpu.dma_semaphore, #tpu.memory_space<semaphore_mem>> -> memref<1x!tpu.dma_semaphore, #tpu.memory_space<semaphore_mem>>
    %dma_wait3A_51 = tpu.memref_squeeze %dma_wait3A_50 : memref<1x!tpu.dma_semaphore, #tpu.memory_space<semaphore_mem>> -> memref<!tpu.dma_semaphore, #tpu.memory_space<semaphore_mem>>
    %dma_wait3A_52 = arith.constant 0 : i32
    %dma_wait3A_53 = arith.constant 0 : i32
    %dma_wait3A_54 = tpu.memref_slice %arg6[%dma_wait3A_52, %dma_wait3A_53] : memref<159744x128xf32, #tpu.memory_space<hbm>> -> memref<128x128xf32, #tpu.memory_space<hbm>>
    %dma_wait3A_55 = arith.constant 0 : i32
    %dma_wait3A_56 = arith.constant 0 : i32
    %dma_wait3A_57 = tpu.memref_slice %arg10[%dma_wait3A_41, %dma_wait3A_55, %dma_wait3A_56] : memref<2x128x128xf32, #tpu.memory_space<vmem>> -> memref<1x128x128xf32, #tpu.memory_space<vmem>>
    %dma_wait3A_58 = tpu.memref_squeeze %dma_wait3A_57 : memref<1x128x128xf32, #tpu.memory_space<vmem>> -> memref<128x128xf32, #tpu.memory_space<vmem>>
    tpu.wait_dma2 semaphore(%dma_wait3A_51 : memref<!tpu.dma_semaphore, #tpu.memory_space<semaphore_mem>>) src(%dma_wait3A_58 : memref<128x128xf32, #tpu.memory_space<vmem>>) dst(%dma_wait3A_54 : memref<128x128xf32, #tpu.memory_space<hbm>>)
    %dma_wait3A_59 = arith.constant 1 : i32
    %dma_wait3A_60 = arith.constant 1 : i32
    %dma_wait3A_61 = arith.constant 0 : i32
    %dma_wait3A_62 = arith.constant 0 : i32
    %dma_wait3A_63 = tpu.memref_slice %arg11[%dma_wait3A_59, %dma_wait3A_61, %dma_wait3A_62] : memref<2x128x128xi32, #tpu.memory_space<vmem>> -> memref<1x128x128xi32, #tpu.memory_space<vmem>>
    %dma_wait3A_64 = tpu.memref_squeeze %dma_wait3A_63 : memref<1x128x128xi32, #tpu.memory_space<vmem>> -> memref<128x128xi32, #tpu.memory_space<vmem>>
    %dma_wait3A_65 = arith.constant 0 : i32
    %dma_wait3A_66 = arith.constant 0 : i32
    %dma_wait3A_67 = tpu.memref_slice %arg7[%dma_wait3A_65, %dma_wait3A_66] : memref<159744x128xi32, #tpu.memory_space<hbm>> -> memref<128x128xi32, #tpu.memory_space<hbm>>
    %dma_wait3A_68 = tpu.memref_slice %arg12[%dma_wait3A_60] : memref<2x!tpu.dma_semaphore, #tpu.memory_space<semaphore_mem>> -> memref<1x!tpu.dma_semaphore, #tpu.memory_space<semaphore_mem>>
    %dma_wait3A_69 = tpu.memref_squeeze %dma_wait3A_68 : memref<1x!tpu.dma_semaphore, #tpu.memory_space<semaphore_mem>> -> memref<!tpu.dma_semaphore, #tpu.memory_space<semaphore_mem>>
    %dma_wait3A_70 = arith.constant 0 : i32
    %dma_wait3A_71 = arith.constant 0 : i32
    %dma_wait3A_72 = tpu.memref_slice %arg7[%dma_wait3A_70, %dma_wait3A_71] : memref<159744x128xi32, #tpu.memory_space<hbm>> -> memref<128x128xi32, #tpu.memory_space<hbm>>
    %dma_wait3A_73 = arith.constant 0 : i32
    %dma_wait3A_74 = arith.constant 0 : i32
    %dma_wait3A_75 = tpu.memref_slice %arg11[%dma_wait3A_59, %dma_wait3A_73, %dma_wait3A_74] : memref<2x128x128xi32, #tpu.memory_space<vmem>> -> memref<1x128x128xi32, #tpu.memory_space<vmem>>
    %dma_wait3A_76 = tpu.memref_squeeze %dma_wait3A_75 : memref<1x128x128xi32, #tpu.memory_space<vmem>> -> memref<128x128xi32, #tpu.memory_space<vmem>>
    tpu.wait_dma2 semaphore(%dma_wait3A_69 : memref<!tpu.dma_semaphore, #tpu.memory_space<semaphore_mem>>) src(%dma_wait3A_76 : memref<128x128xi32, #tpu.memory_space<vmem>>) dst(%dma_wait3A_72 : memref<128x128xi32, #tpu.memory_space<hbm>>)
    return
  }
}

#map = affine_map<(d0, d1) -> (0, 0, 0)>
#map1 = affine_map<(d0, d1) -> (0)>
#map2 = affine_map<(d0, d1) -> (0, 0)>
module attributes {stable_mosaic.version = 14 : i64} {
  func.func @_sc_scatter_body(%arg0: i32, %arg1: i32, %arg2: memref<2x159744x128xf32, #tpu.memory_space<hbm>>, %arg3: memref<159744xi32, #tpu.memory_space<hbm>>, %arg4: memref<640x128xf32, #tpu.memory_space<hbm>>, %arg5: memref<2x10240x128xf32, #tpu.memory_space<hbm>>, %arg6: memref<2x128xi32, #tpu.memory_space<vmem>>, %arg7: memref<2x128x128xf32, #tpu.memory_space<vmem>>, %arg8: memref<10240x128xf32, #tpu.memory_space<vmem_shared>>, %arg9: memref<2x!tpu.dma_semaphore, #tpu.memory_space<semaphore_mem>>) attributes {dimension_semantics = [#tpu.dimension_semantics<core_parallel>, #tpu.dimension_semantics<subcore_parallel>], iteration_bounds = array<i64: 2, 16>, scalar_prefetch = 0 : i64, scratch_operands = 4 : i64, tpu.core_type = #tpu.core_type<sc_vector_subcore>, window_params = [{transform_indices = #map}, {transform_indices = #map1}, {transform_indices = #map2}, {transform_indices = #map}]} {
    %mul3A = arith.constant 640 : i32
    %mul3A_0 = arith.muli %arg1, %mul3A : i32
    "tpu.region"() ({
      %run_scoped3A = tpu.sem_alloc : memref<!tpu.dma_semaphore, #tpu.memory_space<semaphore_mem>>
      %dma_start3A = arith.constant 0 : i32
      %dma_start3A_36 = tpu.memref_slice %arg8[%mul3A_0, %dma_start3A] : memref<10240x128xf32, #tpu.memory_space<vmem_shared>> -> memref<640x128xf32, #tpu.memory_space<vmem_shared>>
      %dma_start3A_37 = arith.constant 0 : i32
      %dma_start3A_38 = arith.constant 0 : i32
      %dma_start3A_39 = tpu.memref_slice %arg4[%dma_start3A_37, %dma_start3A_38] : memref<640x128xf32, #tpu.memory_space<hbm>> -> memref<640x128xf32, #tpu.memory_space<hbm>>
      tpu.enqueue_dma source(%dma_start3A_39 : memref<640x128xf32, #tpu.memory_space<hbm>>) target(%dma_start3A_36 : memref<640x128xf32, #tpu.memory_space<vmem_shared>>) target_semaphore(%run_scoped3A : memref<!tpu.dma_semaphore, #tpu.memory_space<semaphore_mem>>)
      %dma_wait3A_40 = arith.constant 0 : i32
      %dma_wait3A_41 = tpu.memref_slice %arg8[%mul3A_0, %dma_wait3A_40] : memref<10240x128xf32, #tpu.memory_space<vmem_shared>> -> memref<640x128xf32, #tpu.memory_space<vmem_shared>>
      %dma_wait3A_42 = arith.constant 0 : i32
      %dma_wait3A_43 = arith.constant 0 : i32
      %dma_wait3A_44 = tpu.memref_slice %arg4[%dma_wait3A_42, %dma_wait3A_43] : memref<640x128xf32, #tpu.memory_space<hbm>> -> memref<640x128xf32, #tpu.memory_space<hbm>>
      tpu.wait_dma2 semaphore(%run_scoped3A : memref<!tpu.dma_semaphore, #tpu.memory_space<semaphore_mem>>) src(%dma_wait3A_44 : memref<640x128xf32, #tpu.memory_space<hbm>>) dst(%dma_wait3A_41 : memref<640x128xf32, #tpu.memory_space<vmem_shared>>)
      tpu.yield
    }) : () -> ()
    %barrier3A = arith.constant 0 : index
    tpu.barrier barrier_id(%barrier3A)
    %scan3A = arith.constant 0 : i32
    %scan3A_1 = arith.constant 0 : i32
    %scan3A_2 = arith.constant 78 : i32
    %scan3A_3 = arith.addi %scan3A_1, %scan3A_2 : i32
    %scan3A_4 = arith.constant 1 : i32
    scf.for %scan3A_36 = %scan3A_1 to %scan3A_3 step %scan3A_4  : i32 {
      %jit3A = arith.constant 2 : i32
      %eq3A = arith.constant 0 : i32
      %eq3A_37 = arith.cmpi eq, %jit3A, %eq3A : i32
      %jit3A_38 = arith.constant 1 : i32
      %select_n3A = arith.select %eq3A_37, %jit3A_38, %jit3A : i32
      %rem3A = arith.remsi %scan3A_36, %select_n3A : i32
      %ne3A = arith.constant 0 : i32
      %ne3A_39 = arith.cmpi ne, %rem3A, %ne3A : i32
      %lt3A = arith.constant 0 : i32
      %lt3A_40 = arith.cmpi slt, %rem3A, %lt3A : i32
      %lt3A_41 = arith.constant 0 : i32
      %lt3A_42 = arith.cmpi slt, %select_n3A, %lt3A_41 : i32
      %ne3A_43 = arith.xori %lt3A_40, %lt3A_42 : i1
      %and3A = arith.andi %ne3A_43, %ne3A_39 : i1
      %add3A = arith.addi %rem3A, %select_n3A : i32
      %select_n3A_44 = arith.select %and3A, %add3A, %rem3A : i32
      %mul3A_45 = arith.constant 16 : i32
      %mul3A_46 = arith.muli %scan3A_36, %mul3A_45 : i32
      %add3A_47 = arith.addi %mul3A_46, %arg1 : i32
      %mul3A_48 = arith.constant 128 : i32
      %mul3A_49 = arith.muli %add3A_47, %mul3A_48 : i32
      %ge3A = arith.constant 2 : i32
      %ge3A_50 = arith.cmpi sge, %scan3A_36, %ge3A : i32
      %convert_element_type3A = arith.extui %ge3A_50 : i1 to i32
      %cond3A = arith.constant 0 : i32
      %cond3A_51 = arith.cmpi ne, %convert_element_type3A, %cond3A : i32
      scf.if %cond3A_51 {
        %dma_wait3A_63 = arith.constant 0 : i32
        %dma_wait3A_64 = arith.constant 0 : i32
        %dma_wait3A_65 = tpu.memref_slice %arg7[%select_n3A_44, %dma_wait3A_63, %dma_wait3A_64] : memref<2x128x128xf32, #tpu.memory_space<vmem>> -> memref<1x128x128xf32, #tpu.memory_space<vmem>>
        %dma_wait3A_66 = tpu.memref_squeeze %dma_wait3A_65 : memref<1x128x128xf32, #tpu.memory_space<vmem>> -> memref<128x128xf32, #tpu.memory_space<vmem>>
        %dma_wait3A_67 = arith.constant 0 : i32
        %dma_wait3A_68 = tpu.memref_slice %arg6[%select_n3A_44, %dma_wait3A_67] : memref<2x128xi32, #tpu.memory_space<vmem>> -> memref<1x128xi32, #tpu.memory_space<vmem>>
        %dma_wait3A_69 = tpu.memref_squeeze %dma_wait3A_68 : memref<1x128xi32, #tpu.memory_space<vmem>> -> memref<128xi32, #tpu.memory_space<vmem>>
        %dma_wait3A_70 = arith.constant 0 : i32
        %dma_wait3A_71 = arith.constant 0 : i32
        %dma_wait3A_72 = tpu.memref_slice %arg8[%dma_wait3A_70, %dma_wait3A_71] : memref<10240x128xf32, #tpu.memory_space<vmem_shared>> -> memref<10240x128xf32, #tpu.memory_space<vmem_shared>>
        %dma_wait3A_73 = tpu.memref_slice %arg9[%select_n3A_44] : memref<2x!tpu.dma_semaphore, #tpu.memory_space<semaphore_mem>> -> memref<1x!tpu.dma_semaphore, #tpu.memory_space<semaphore_mem>>
        %dma_wait3A_74 = tpu.memref_squeeze %dma_wait3A_73 : memref<1x!tpu.dma_semaphore, #tpu.memory_space<semaphore_mem>> -> memref<!tpu.dma_semaphore, #tpu.memory_space<semaphore_mem>>
        tpu.wait_indirect_dma semaphore(%dma_wait3A_74 : memref<!tpu.dma_semaphore, #tpu.memory_space<semaphore_mem>>) src(%dma_wait3A_66 : memref<128x128xf32, #tpu.memory_space<vmem>>) dst(%dma_wait3A_72 : memref<10240x128xf32, #tpu.memory_space<vmem_shared>>)
      } else {
      }
      "tpu.region"() ({
        %run_scoped3A = tpu.sem_alloc : memref<!tpu.dma_semaphore, #tpu.memory_space<semaphore_mem>>
        %dma_start3A_63 = arith.constant 0 : i32
        %dma_start3A_64 = tpu.memref_slice %arg6[%select_n3A_44, %dma_start3A_63] : memref<2x128xi32, #tpu.memory_space<vmem>> -> memref<1x128xi32, #tpu.memory_space<vmem>>
        %dma_start3A_65 = tpu.memref_squeeze %dma_start3A_64 : memref<1x128xi32, #tpu.memory_space<vmem>> -> memref<128xi32, #tpu.memory_space<vmem>>
        %dma_start3A_66 = tpu.memref_slice %arg3[%mul3A_49] : memref<159744xi32, #tpu.memory_space<hbm>> -> memref<128xi32, #tpu.memory_space<hbm>>
        %dma_start3A_67 = arith.constant 0 : i32
        %dma_start3A_68 = tpu.memref_slice %arg6[%select_n3A_44, %dma_start3A_67] : memref<2x128xi32, #tpu.memory_space<vmem>> -> memref<1x128xi32, #tpu.memory_space<vmem>>
        %dma_start3A_69 = tpu.memref_squeeze %dma_start3A_68 : memref<1x128xi32, #tpu.memory_space<vmem>> -> memref<128xi32, #tpu.memory_space<vmem>>
        %dma_start3A_70 = tpu.memref_slice %arg3[%mul3A_49] : memref<159744xi32, #tpu.memory_space<hbm>> -> memref<128xi32, #tpu.memory_space<hbm>>
        tpu.enqueue_dma source(%dma_start3A_70 : memref<128xi32, #tpu.memory_space<hbm>>) target(%dma_start3A_69 : memref<128xi32, #tpu.memory_space<vmem>>) target_semaphore(%run_scoped3A : memref<!tpu.dma_semaphore, #tpu.memory_space<semaphore_mem>>)
        %dma_wait3A_71 = arith.constant 0 : i32
        %dma_wait3A_72 = tpu.memref_slice %arg6[%select_n3A_44, %dma_wait3A_71] : memref<2x128xi32, #tpu.memory_space<vmem>> -> memref<1x128xi32, #tpu.memory_space<vmem>>
        %dma_wait3A_73 = tpu.memref_squeeze %dma_wait3A_72 : memref<1x128xi32, #tpu.memory_space<vmem>> -> memref<128xi32, #tpu.memory_space<vmem>>
        %dma_wait3A_74 = tpu.memref_slice %arg3[%mul3A_49] : memref<159744xi32, #tpu.memory_space<hbm>> -> memref<128xi32, #tpu.memory_space<hbm>>
        %dma_wait3A_75 = arith.constant 0 : i32
        %dma_wait3A_76 = tpu.memref_slice %arg6[%select_n3A_44, %dma_wait3A_75] : memref<2x128xi32, #tpu.memory_space<vmem>> -> memref<1x128xi32, #tpu.memory_space<vmem>>
        %dma_wait3A_77 = tpu.memref_squeeze %dma_wait3A_76 : memref<1x128xi32, #tpu.memory_space<vmem>> -> memref<128xi32, #tpu.memory_space<vmem>>
        %dma_wait3A_78 = tpu.memref_slice %arg3[%mul3A_49] : memref<159744xi32, #tpu.memory_space<hbm>> -> memref<128xi32, #tpu.memory_space<hbm>>
        tpu.wait_dma2 semaphore(%run_scoped3A : memref<!tpu.dma_semaphore, #tpu.memory_space<semaphore_mem>>) src(%dma_wait3A_78 : memref<128xi32, #tpu.memory_space<hbm>>) dst(%dma_wait3A_77 : memref<128xi32, #tpu.memory_space<vmem>>)
        tpu.yield
      }) : () -> ()
      "tpu.region"() ({
        %run_scoped3A = tpu.sem_alloc : memref<!tpu.dma_semaphore, #tpu.memory_space<semaphore_mem>>
        %dma_start3A_63 = arith.constant 0 : i32
        %dma_start3A_64 = arith.constant 0 : i32
        %dma_start3A_65 = tpu.memref_slice %arg7[%select_n3A_44, %dma_start3A_63, %dma_start3A_64] : memref<2x128x128xf32, #tpu.memory_space<vmem>> -> memref<1x128x128xf32, #tpu.memory_space<vmem>>
        %dma_start3A_66 = tpu.memref_squeeze %dma_start3A_65 : memref<1x128x128xf32, #tpu.memory_space<vmem>> -> memref<128x128xf32, #tpu.memory_space<vmem>>
        %dma_start3A_67 = arith.constant 0 : i32
        %dma_start3A_68 = tpu.memref_slice %arg2[%arg0, %mul3A_49, %dma_start3A_67] : memref<2x159744x128xf32, #tpu.memory_space<hbm>> -> memref<1x128x128xf32, #tpu.memory_space<hbm>>
        %dma_start3A_69 = tpu.memref_squeeze %dma_start3A_68 : memref<1x128x128xf32, #tpu.memory_space<hbm>> -> memref<128x128xf32, #tpu.memory_space<hbm>>
        %dma_start3A_70 = arith.constant 0 : i32
        %dma_start3A_71 = arith.constant 0 : i32
        %dma_start3A_72 = tpu.memref_slice %arg7[%select_n3A_44, %dma_start3A_70, %dma_start3A_71] : memref<2x128x128xf32, #tpu.memory_space<vmem>> -> memref<1x128x128xf32, #tpu.memory_space<vmem>>
        %dma_start3A_73 = tpu.memref_squeeze %dma_start3A_72 : memref<1x128x128xf32, #tpu.memory_space<vmem>> -> memref<128x128xf32, #tpu.memory_space<vmem>>
        %dma_start3A_74 = arith.constant 0 : i32
        %dma_start3A_75 = tpu.memref_slice %arg2[%arg0, %mul3A_49, %dma_start3A_74] : memref<2x159744x128xf32, #tpu.memory_space<hbm>> -> memref<1x128x128xf32, #tpu.memory_space<hbm>>
        %dma_start3A_76 = tpu.memref_squeeze %dma_start3A_75 : memref<1x128x128xf32, #tpu.memory_space<hbm>> -> memref<128x128xf32, #tpu.memory_space<hbm>>
        tpu.enqueue_dma source(%dma_start3A_76 : memref<128x128xf32, #tpu.memory_space<hbm>>) target(%dma_start3A_73 : memref<128x128xf32, #tpu.memory_space<vmem>>) target_semaphore(%run_scoped3A : memref<!tpu.dma_semaphore, #tpu.memory_space<semaphore_mem>>)
        %dma_wait3A_77 = arith.constant 0 : i32
        %dma_wait3A_78 = arith.constant 0 : i32
        %dma_wait3A_79 = tpu.memref_slice %arg7[%select_n3A_44, %dma_wait3A_77, %dma_wait3A_78] : memref<2x128x128xf32, #tpu.memory_space<vmem>> -> memref<1x128x128xf32, #tpu.memory_space<vmem>>
        %dma_wait3A_80 = tpu.memref_squeeze %dma_wait3A_79 : memref<1x128x128xf32, #tpu.memory_space<vmem>> -> memref<128x128xf32, #tpu.memory_space<vmem>>
        %dma_wait3A_81 = arith.constant 0 : i32
        %dma_wait3A_82 = tpu.memref_slice %arg2[%arg0, %mul3A_49, %dma_wait3A_81] : memref<2x159744x128xf32, #tpu.memory_space<hbm>> -> memref<1x128x128xf32, #tpu.memory_space<hbm>>
        %dma_wait3A_83 = tpu.memref_squeeze %dma_wait3A_82 : memref<1x128x128xf32, #tpu.memory_space<hbm>> -> memref<128x128xf32, #tpu.memory_space<hbm>>
        %dma_wait3A_84 = arith.constant 0 : i32
        %dma_wait3A_85 = arith.constant 0 : i32
        %dma_wait3A_86 = tpu.memref_slice %arg7[%select_n3A_44, %dma_wait3A_84, %dma_wait3A_85] : memref<2x128x128xf32, #tpu.memory_space<vmem>> -> memref<1x128x128xf32, #tpu.memory_space<vmem>>
        %dma_wait3A_87 = tpu.memref_squeeze %dma_wait3A_86 : memref<1x128x128xf32, #tpu.memory_space<vmem>> -> memref<128x128xf32, #tpu.memory_space<vmem>>
        %dma_wait3A_88 = arith.constant 0 : i32
        %dma_wait3A_89 = tpu.memref_slice %arg2[%arg0, %mul3A_49, %dma_wait3A_88] : memref<2x159744x128xf32, #tpu.memory_space<hbm>> -> memref<1x128x128xf32, #tpu.memory_space<hbm>>
        %dma_wait3A_90 = tpu.memref_squeeze %dma_wait3A_89 : memref<1x128x128xf32, #tpu.memory_space<hbm>> -> memref<128x128xf32, #tpu.memory_space<hbm>>
        tpu.wait_dma2 semaphore(%run_scoped3A : memref<!tpu.dma_semaphore, #tpu.memory_space<semaphore_mem>>) src(%dma_wait3A_90 : memref<128x128xf32, #tpu.memory_space<hbm>>) dst(%dma_wait3A_87 : memref<128x128xf32, #tpu.memory_space<vmem>>)
        tpu.yield
      }) : () -> ()
      %dma_start3A = arith.constant 0 : i32
      %dma_start3A_52 = arith.constant 0 : i32
      %dma_start3A_53 = tpu.memref_slice %arg7[%select_n3A_44, %dma_start3A, %dma_start3A_52] : memref<2x128x128xf32, #tpu.memory_space<vmem>> -> memref<1x128x128xf32, #tpu.memory_space<vmem>>
      %dma_start3A_54 = tpu.memref_squeeze %dma_start3A_53 : memref<1x128x128xf32, #tpu.memory_space<vmem>> -> memref<128x128xf32, #tpu.memory_space<vmem>>
      %dma_start3A_55 = arith.constant 0 : i32
      %dma_start3A_56 = tpu.memref_slice %arg6[%select_n3A_44, %dma_start3A_55] : memref<2x128xi32, #tpu.memory_space<vmem>> -> memref<1x128xi32, #tpu.memory_space<vmem>>
      %dma_start3A_57 = tpu.memref_squeeze %dma_start3A_56 : memref<1x128xi32, #tpu.memory_space<vmem>> -> memref<128xi32, #tpu.memory_space<vmem>>
      %dma_start3A_58 = arith.constant 0 : i32
      %dma_start3A_59 = arith.constant 0 : i32
      %dma_start3A_60 = tpu.memref_slice %arg8[%dma_start3A_58, %dma_start3A_59] : memref<10240x128xf32, #tpu.memory_space<vmem_shared>> -> memref<10240x128xf32, #tpu.memory_space<vmem_shared>>
      %dma_start3A_61 = tpu.memref_slice %arg9[%select_n3A_44] : memref<2x!tpu.dma_semaphore, #tpu.memory_space<semaphore_mem>> -> memref<1x!tpu.dma_semaphore, #tpu.memory_space<semaphore_mem>>
      %dma_start3A_62 = tpu.memref_squeeze %dma_start3A_61 : memref<1x!tpu.dma_semaphore, #tpu.memory_space<semaphore_mem>> -> memref<!tpu.dma_semaphore, #tpu.memory_space<semaphore_mem>>
      tpu.enqueue_indirect_dma source(%dma_start3A_54 : memref<128x128xf32, #tpu.memory_space<vmem>>) target(%dma_start3A_60 : memref<10240x128xf32, #tpu.memory_space<vmem_shared>>) offsets(%dma_start3A_57 : memref<128xi32, #tpu.memory_space<vmem>>) semaphore(%dma_start3A_62 : memref<!tpu.dma_semaphore, #tpu.memory_space<semaphore_mem>>) {add = true}
    }
    %scan3A_5 = arith.constant 78 : i32
    %dma_wait3A = arith.constant 0 : i32
    %dma_wait3A_6 = arith.constant 0 : i32
    %dma_wait3A_7 = arith.constant 0 : i32
    %dma_wait3A_8 = arith.constant 0 : i32
    %dma_wait3A_9 = arith.constant 0 : i32
    %dma_wait3A_10 = tpu.memref_slice %arg7[%dma_wait3A, %dma_wait3A_8, %dma_wait3A_9] : memref<2x128x128xf32, #tpu.memory_space<vmem>> -> memref<1x128x128xf32, #tpu.memory_space<vmem>>
    %dma_wait3A_11 = tpu.memref_squeeze %dma_wait3A_10 : memref<1x128x128xf32, #tpu.memory_space<vmem>> -> memref<128x128xf32, #tpu.memory_space<vmem>>
    %dma_wait3A_12 = arith.constant 0 : i32
    %dma_wait3A_13 = tpu.memref_slice %arg6[%dma_wait3A_6, %dma_wait3A_12] : memref<2x128xi32, #tpu.memory_space<vmem>> -> memref<1x128xi32, #tpu.memory_space<vmem>>
    %dma_wait3A_14 = tpu.memref_squeeze %dma_wait3A_13 : memref<1x128xi32, #tpu.memory_space<vmem>> -> memref<128xi32, #tpu.memory_space<vmem>>
    %dma_wait3A_15 = arith.constant 0 : i32
    %dma_wait3A_16 = arith.constant 0 : i32
    %dma_wait3A_17 = tpu.memref_slice %arg8[%dma_wait3A_15, %dma_wait3A_16] : memref<10240x128xf32, #tpu.memory_space<vmem_shared>> -> memref<10240x128xf32, #tpu.memory_space<vmem_shared>>
    %dma_wait3A_18 = tpu.memref_slice %arg9[%dma_wait3A_7] : memref<2x!tpu.dma_semaphore, #tpu.memory_space<semaphore_mem>> -> memref<1x!tpu.dma_semaphore, #tpu.memory_space<semaphore_mem>>
    %dma_wait3A_19 = tpu.memref_squeeze %dma_wait3A_18 : memref<1x!tpu.dma_semaphore, #tpu.memory_space<semaphore_mem>> -> memref<!tpu.dma_semaphore, #tpu.memory_space<semaphore_mem>>
    tpu.wait_indirect_dma semaphore(%dma_wait3A_19 : memref<!tpu.dma_semaphore, #tpu.memory_space<semaphore_mem>>) src(%dma_wait3A_11 : memref<128x128xf32, #tpu.memory_space<vmem>>) dst(%dma_wait3A_17 : memref<10240x128xf32, #tpu.memory_space<vmem_shared>>)
    %dma_wait3A_20 = arith.constant 1 : i32
    %dma_wait3A_21 = arith.constant 1 : i32
    %dma_wait3A_22 = arith.constant 1 : i32
    %dma_wait3A_23 = arith.constant 0 : i32
    %dma_wait3A_24 = arith.constant 0 : i32
    %dma_wait3A_25 = tpu.memref_slice %arg7[%dma_wait3A_20, %dma_wait3A_23, %dma_wait3A_24] : memref<2x128x128xf32, #tpu.memory_space<vmem>> -> memref<1x128x128xf32, #tpu.memory_space<vmem>>
    %dma_wait3A_26 = tpu.memref_squeeze %dma_wait3A_25 : memref<1x128x128xf32, #tpu.memory_space<vmem>> -> memref<128x128xf32, #tpu.memory_space<vmem>>
    %dma_wait3A_27 = arith.constant 0 : i32
    %dma_wait3A_28 = tpu.memref_slice %arg6[%dma_wait3A_21, %dma_wait3A_27] : memref<2x128xi32, #tpu.memory_space<vmem>> -> memref<1x128xi32, #tpu.memory_space<vmem>>
    %dma_wait3A_29 = tpu.memref_squeeze %dma_wait3A_28 : memref<1x128xi32, #tpu.memory_space<vmem>> -> memref<128xi32, #tpu.memory_space<vmem>>
    %dma_wait3A_30 = arith.constant 0 : i32
    %dma_wait3A_31 = arith.constant 0 : i32
    %dma_wait3A_32 = tpu.memref_slice %arg8[%dma_wait3A_30, %dma_wait3A_31] : memref<10240x128xf32, #tpu.memory_space<vmem_shared>> -> memref<10240x128xf32, #tpu.memory_space<vmem_shared>>
    %dma_wait3A_33 = tpu.memref_slice %arg9[%dma_wait3A_22] : memref<2x!tpu.dma_semaphore, #tpu.memory_space<semaphore_mem>> -> memref<1x!tpu.dma_semaphore, #tpu.memory_space<semaphore_mem>>
    %dma_wait3A_34 = tpu.memref_squeeze %dma_wait3A_33 : memref<1x!tpu.dma_semaphore, #tpu.memory_space<semaphore_mem>> -> memref<!tpu.dma_semaphore, #tpu.memory_space<semaphore_mem>>
    tpu.wait_indirect_dma semaphore(%dma_wait3A_34 : memref<!tpu.dma_semaphore, #tpu.memory_space<semaphore_mem>>) src(%dma_wait3A_26 : memref<128x128xf32, #tpu.memory_space<vmem>>) dst(%dma_wait3A_32 : memref<10240x128xf32, #tpu.memory_space<vmem_shared>>)
    %barrier3A_35 = arith.constant 0 : index
    tpu.barrier barrier_id(%barrier3A_35)
    "tpu.region"() ({
      %run_scoped3A = tpu.sem_alloc : memref<!tpu.dma_semaphore, #tpu.memory_space<semaphore_mem>>
      %dma_start3A = arith.constant 0 : i32
      %dma_start3A_36 = tpu.memref_slice %arg5[%arg0, %mul3A_0, %dma_start3A] : memref<2x10240x128xf32, #tpu.memory_space<hbm>> -> memref<1x640x128xf32, #tpu.memory_space<hbm>>
      %dma_start3A_37 = tpu.memref_squeeze %dma_start3A_36 : memref<1x640x128xf32, #tpu.memory_space<hbm>> -> memref<640x128xf32, #tpu.memory_space<hbm>>
      %dma_start3A_38 = arith.constant 0 : i32
      %dma_start3A_39 = tpu.memref_slice %arg8[%mul3A_0, %dma_start3A_38] : memref<10240x128xf32, #tpu.memory_space<vmem_shared>> -> memref<640x128xf32, #tpu.memory_space<vmem_shared>>
      tpu.enqueue_dma source(%dma_start3A_39 : memref<640x128xf32, #tpu.memory_space<vmem_shared>>) target(%dma_start3A_37 : memref<640x128xf32, #tpu.memory_space<hbm>>) target_semaphore(%run_scoped3A : memref<!tpu.dma_semaphore, #tpu.memory_space<semaphore_mem>>)
      %dma_wait3A_40 = arith.constant 0 : i32
      %dma_wait3A_41 = tpu.memref_slice %arg5[%arg0, %mul3A_0, %dma_wait3A_40] : memref<2x10240x128xf32, #tpu.memory_space<hbm>> -> memref<1x640x128xf32, #tpu.memory_space<hbm>>
      %dma_wait3A_42 = tpu.memref_squeeze %dma_wait3A_41 : memref<1x640x128xf32, #tpu.memory_space<hbm>> -> memref<640x128xf32, #tpu.memory_space<hbm>>
      %dma_wait3A_43 = arith.constant 0 : i32
      %dma_wait3A_44 = tpu.memref_slice %arg8[%mul3A_0, %dma_wait3A_43] : memref<10240x128xf32, #tpu.memory_space<vmem_shared>> -> memref<640x128xf32, #tpu.memory_space<vmem_shared>>
      tpu.wait_dma2 semaphore(%run_scoped3A : memref<!tpu.dma_semaphore, #tpu.memory_space<semaphore_mem>>) src(%dma_wait3A_44 : memref<640x128xf32, #tpu.memory_space<vmem_shared>>) dst(%dma_wait3A_42 : memref<640x128xf32, #tpu.memory_space<hbm>>)
      tpu.yield
    }) : () -> ()
    return
  }
}

#map = affine_map<(d0, d1) -> (0, 0, 0)>
#map1 = affine_map<(d0, d1) -> (0)>
#map2 = affine_map<(d0, d1) -> (0, 0)>
module attributes {stable_mosaic.version = 14 : i64} {
  func.func @_sc_scatter_body(%arg0: i32, %arg1: i32, %arg2: memref<2x163840x128xf32, #tpu.memory_space<hbm>>, %arg3: memref<163840xi32, #tpu.memory_space<hbm>>, %arg4: memref<640x128xf32, #tpu.memory_space<hbm>>, %arg5: memref<2x10240x128xf32, #tpu.memory_space<hbm>>, %arg6: memref<2x128xi32, #tpu.memory_space<vmem>>, %arg7: memref<2x128x128xf32, #tpu.memory_space<vmem>>, %arg8: memref<10240x128xf32, #tpu.memory_space<vmem_shared>>, %arg9: memref<2x!tpu.dma_semaphore, #tpu.memory_space<semaphore_mem>>) attributes {dimension_semantics = [#tpu.dimension_semantics<core_parallel>, #tpu.dimension_semantics<subcore_parallel>], iteration_bounds = array<i64: 2, 16>, scalar_prefetch = 0 : i64, scratch_operands = 4 : i64, tpu.core_type = #tpu.core_type<sc_vector_subcore>, window_params = [{transform_indices = #map}, {transform_indices = #map1}, {transform_indices = #map2}, {transform_indices = #map}]} {
    %mul3A = arith.constant 640 : i32
    %mul3A_0 = arith.muli %arg1, %mul3A : i32
    "tpu.region"() ({
      %run_scoped3A = tpu.sem_alloc : memref<!tpu.dma_semaphore, #tpu.memory_space<semaphore_mem>>
      %dma_start3A = arith.constant 0 : i32
      %dma_start3A_36 = tpu.memref_slice %arg8[%mul3A_0, %dma_start3A] : memref<10240x128xf32, #tpu.memory_space<vmem_shared>> -> memref<640x128xf32, #tpu.memory_space<vmem_shared>>
      %dma_start3A_37 = arith.constant 0 : i32
      %dma_start3A_38 = arith.constant 0 : i32
      %dma_start3A_39 = tpu.memref_slice %arg4[%dma_start3A_37, %dma_start3A_38] : memref<640x128xf32, #tpu.memory_space<hbm>> -> memref<640x128xf32, #tpu.memory_space<hbm>>
      tpu.enqueue_dma source(%dma_start3A_39 : memref<640x128xf32, #tpu.memory_space<hbm>>) target(%dma_start3A_36 : memref<640x128xf32, #tpu.memory_space<vmem_shared>>) target_semaphore(%run_scoped3A : memref<!tpu.dma_semaphore, #tpu.memory_space<semaphore_mem>>)
      %dma_wait3A_40 = arith.constant 0 : i32
      %dma_wait3A_41 = tpu.memref_slice %arg8[%mul3A_0, %dma_wait3A_40] : memref<10240x128xf32, #tpu.memory_space<vmem_shared>> -> memref<640x128xf32, #tpu.memory_space<vmem_shared>>
      %dma_wait3A_42 = arith.constant 0 : i32
      %dma_wait3A_43 = arith.constant 0 : i32
      %dma_wait3A_44 = tpu.memref_slice %arg4[%dma_wait3A_42, %dma_wait3A_43] : memref<640x128xf32, #tpu.memory_space<hbm>> -> memref<640x128xf32, #tpu.memory_space<hbm>>
      tpu.wait_dma2 semaphore(%run_scoped3A : memref<!tpu.dma_semaphore, #tpu.memory_space<semaphore_mem>>) src(%dma_wait3A_44 : memref<640x128xf32, #tpu.memory_space<hbm>>) dst(%dma_wait3A_41 : memref<640x128xf32, #tpu.memory_space<vmem_shared>>)
      tpu.yield
    }) : () -> ()
    %barrier3A = arith.constant 0 : index
    tpu.barrier barrier_id(%barrier3A)
    %scan3A = arith.constant 0 : i32
    %scan3A_1 = arith.constant 0 : i32
    %scan3A_2 = arith.constant 80 : i32
    %scan3A_3 = arith.addi %scan3A_1, %scan3A_2 : i32
    %scan3A_4 = arith.constant 1 : i32
    scf.for %scan3A_36 = %scan3A_1 to %scan3A_3 step %scan3A_4  : i32 {
      %jit3A = arith.constant 2 : i32
      %eq3A = arith.constant 0 : i32
      %eq3A_37 = arith.cmpi eq, %jit3A, %eq3A : i32
      %jit3A_38 = arith.constant 1 : i32
      %select_n3A = arith.select %eq3A_37, %jit3A_38, %jit3A : i32
      %rem3A = arith.remsi %scan3A_36, %select_n3A : i32
      %ne3A = arith.constant 0 : i32
      %ne3A_39 = arith.cmpi ne, %rem3A, %ne3A : i32
      %lt3A = arith.constant 0 : i32
      %lt3A_40 = arith.cmpi slt, %rem3A, %lt3A : i32
      %lt3A_41 = arith.constant 0 : i32
      %lt3A_42 = arith.cmpi slt, %select_n3A, %lt3A_41 : i32
      %ne3A_43 = arith.xori %lt3A_40, %lt3A_42 : i1
      %and3A = arith.andi %ne3A_43, %ne3A_39 : i1
      %add3A = arith.addi %rem3A, %select_n3A : i32
      %select_n3A_44 = arith.select %and3A, %add3A, %rem3A : i32
      %mul3A_45 = arith.constant 16 : i32
      %mul3A_46 = arith.muli %scan3A_36, %mul3A_45 : i32
      %add3A_47 = arith.addi %mul3A_46, %arg1 : i32
      %mul3A_48 = arith.constant 128 : i32
      %mul3A_49 = arith.muli %add3A_47, %mul3A_48 : i32
      %ge3A = arith.constant 2 : i32
      %ge3A_50 = arith.cmpi sge, %scan3A_36, %ge3A : i32
      %convert_element_type3A = arith.extui %ge3A_50 : i1 to i32
      %cond3A = arith.constant 0 : i32
      %cond3A_51 = arith.cmpi ne, %convert_element_type3A, %cond3A : i32
      scf.if %cond3A_51 {
        %dma_wait3A_63 = arith.constant 0 : i32
        %dma_wait3A_64 = arith.constant 0 : i32
        %dma_wait3A_65 = tpu.memref_slice %arg7[%select_n3A_44, %dma_wait3A_63, %dma_wait3A_64] : memref<2x128x128xf32, #tpu.memory_space<vmem>> -> memref<1x128x128xf32, #tpu.memory_space<vmem>>
        %dma_wait3A_66 = tpu.memref_squeeze %dma_wait3A_65 : memref<1x128x128xf32, #tpu.memory_space<vmem>> -> memref<128x128xf32, #tpu.memory_space<vmem>>
        %dma_wait3A_67 = arith.constant 0 : i32
        %dma_wait3A_68 = tpu.memref_slice %arg6[%select_n3A_44, %dma_wait3A_67] : memref<2x128xi32, #tpu.memory_space<vmem>> -> memref<1x128xi32, #tpu.memory_space<vmem>>
        %dma_wait3A_69 = tpu.memref_squeeze %dma_wait3A_68 : memref<1x128xi32, #tpu.memory_space<vmem>> -> memref<128xi32, #tpu.memory_space<vmem>>
        %dma_wait3A_70 = arith.constant 0 : i32
        %dma_wait3A_71 = arith.constant 0 : i32
        %dma_wait3A_72 = tpu.memref_slice %arg8[%dma_wait3A_70, %dma_wait3A_71] : memref<10240x128xf32, #tpu.memory_space<vmem_shared>> -> memref<10240x128xf32, #tpu.memory_space<vmem_shared>>
        %dma_wait3A_73 = tpu.memref_slice %arg9[%select_n3A_44] : memref<2x!tpu.dma_semaphore, #tpu.memory_space<semaphore_mem>> -> memref<1x!tpu.dma_semaphore, #tpu.memory_space<semaphore_mem>>
        %dma_wait3A_74 = tpu.memref_squeeze %dma_wait3A_73 : memref<1x!tpu.dma_semaphore, #tpu.memory_space<semaphore_mem>> -> memref<!tpu.dma_semaphore, #tpu.memory_space<semaphore_mem>>
        tpu.wait_indirect_dma semaphore(%dma_wait3A_74 : memref<!tpu.dma_semaphore, #tpu.memory_space<semaphore_mem>>) src(%dma_wait3A_66 : memref<128x128xf32, #tpu.memory_space<vmem>>) dst(%dma_wait3A_72 : memref<10240x128xf32, #tpu.memory_space<vmem_shared>>)
      } else {
      }
      "tpu.region"() ({
        %run_scoped3A = tpu.sem_alloc : memref<!tpu.dma_semaphore, #tpu.memory_space<semaphore_mem>>
        %dma_start3A_63 = arith.constant 0 : i32
        %dma_start3A_64 = tpu.memref_slice %arg6[%select_n3A_44, %dma_start3A_63] : memref<2x128xi32, #tpu.memory_space<vmem>> -> memref<1x128xi32, #tpu.memory_space<vmem>>
        %dma_start3A_65 = tpu.memref_squeeze %dma_start3A_64 : memref<1x128xi32, #tpu.memory_space<vmem>> -> memref<128xi32, #tpu.memory_space<vmem>>
        %dma_start3A_66 = tpu.memref_slice %arg3[%mul3A_49] : memref<163840xi32, #tpu.memory_space<hbm>> -> memref<128xi32, #tpu.memory_space<hbm>>
        %dma_start3A_67 = arith.constant 0 : i32
        %dma_start3A_68 = tpu.memref_slice %arg6[%select_n3A_44, %dma_start3A_67] : memref<2x128xi32, #tpu.memory_space<vmem>> -> memref<1x128xi32, #tpu.memory_space<vmem>>
        %dma_start3A_69 = tpu.memref_squeeze %dma_start3A_68 : memref<1x128xi32, #tpu.memory_space<vmem>> -> memref<128xi32, #tpu.memory_space<vmem>>
        %dma_start3A_70 = tpu.memref_slice %arg3[%mul3A_49] : memref<163840xi32, #tpu.memory_space<hbm>> -> memref<128xi32, #tpu.memory_space<hbm>>
        tpu.enqueue_dma source(%dma_start3A_70 : memref<128xi32, #tpu.memory_space<hbm>>) target(%dma_start3A_69 : memref<128xi32, #tpu.memory_space<vmem>>) target_semaphore(%run_scoped3A : memref<!tpu.dma_semaphore, #tpu.memory_space<semaphore_mem>>)
        %dma_wait3A_71 = arith.constant 0 : i32
        %dma_wait3A_72 = tpu.memref_slice %arg6[%select_n3A_44, %dma_wait3A_71] : memref<2x128xi32, #tpu.memory_space<vmem>> -> memref<1x128xi32, #tpu.memory_space<vmem>>
        %dma_wait3A_73 = tpu.memref_squeeze %dma_wait3A_72 : memref<1x128xi32, #tpu.memory_space<vmem>> -> memref<128xi32, #tpu.memory_space<vmem>>
        %dma_wait3A_74 = tpu.memref_slice %arg3[%mul3A_49] : memref<163840xi32, #tpu.memory_space<hbm>> -> memref<128xi32, #tpu.memory_space<hbm>>
        %dma_wait3A_75 = arith.constant 0 : i32
        %dma_wait3A_76 = tpu.memref_slice %arg6[%select_n3A_44, %dma_wait3A_75] : memref<2x128xi32, #tpu.memory_space<vmem>> -> memref<1x128xi32, #tpu.memory_space<vmem>>
        %dma_wait3A_77 = tpu.memref_squeeze %dma_wait3A_76 : memref<1x128xi32, #tpu.memory_space<vmem>> -> memref<128xi32, #tpu.memory_space<vmem>>
        %dma_wait3A_78 = tpu.memref_slice %arg3[%mul3A_49] : memref<163840xi32, #tpu.memory_space<hbm>> -> memref<128xi32, #tpu.memory_space<hbm>>
        tpu.wait_dma2 semaphore(%run_scoped3A : memref<!tpu.dma_semaphore, #tpu.memory_space<semaphore_mem>>) src(%dma_wait3A_78 : memref<128xi32, #tpu.memory_space<hbm>>) dst(%dma_wait3A_77 : memref<128xi32, #tpu.memory_space<vmem>>)
        tpu.yield
      }) : () -> ()
      "tpu.region"() ({
        %run_scoped3A = tpu.sem_alloc : memref<!tpu.dma_semaphore, #tpu.memory_space<semaphore_mem>>
        %dma_start3A_63 = arith.constant 0 : i32
        %dma_start3A_64 = arith.constant 0 : i32
        %dma_start3A_65 = tpu.memref_slice %arg7[%select_n3A_44, %dma_start3A_63, %dma_start3A_64] : memref<2x128x128xf32, #tpu.memory_space<vmem>> -> memref<1x128x128xf32, #tpu.memory_space<vmem>>
        %dma_start3A_66 = tpu.memref_squeeze %dma_start3A_65 : memref<1x128x128xf32, #tpu.memory_space<vmem>> -> memref<128x128xf32, #tpu.memory_space<vmem>>
        %dma_start3A_67 = arith.constant 0 : i32
        %dma_start3A_68 = tpu.memref_slice %arg2[%arg0, %mul3A_49, %dma_start3A_67] : memref<2x163840x128xf32, #tpu.memory_space<hbm>> -> memref<1x128x128xf32, #tpu.memory_space<hbm>>
        %dma_start3A_69 = tpu.memref_squeeze %dma_start3A_68 : memref<1x128x128xf32, #tpu.memory_space<hbm>> -> memref<128x128xf32, #tpu.memory_space<hbm>>
        %dma_start3A_70 = arith.constant 0 : i32
        %dma_start3A_71 = arith.constant 0 : i32
        %dma_start3A_72 = tpu.memref_slice %arg7[%select_n3A_44, %dma_start3A_70, %dma_start3A_71] : memref<2x128x128xf32, #tpu.memory_space<vmem>> -> memref<1x128x128xf32, #tpu.memory_space<vmem>>
        %dma_start3A_73 = tpu.memref_squeeze %dma_start3A_72 : memref<1x128x128xf32, #tpu.memory_space<vmem>> -> memref<128x128xf32, #tpu.memory_space<vmem>>
        %dma_start3A_74 = arith.constant 0 : i32
        %dma_start3A_75 = tpu.memref_slice %arg2[%arg0, %mul3A_49, %dma_start3A_74] : memref<2x163840x128xf32, #tpu.memory_space<hbm>> -> memref<1x128x128xf32, #tpu.memory_space<hbm>>
        %dma_start3A_76 = tpu.memref_squeeze %dma_start3A_75 : memref<1x128x128xf32, #tpu.memory_space<hbm>> -> memref<128x128xf32, #tpu.memory_space<hbm>>
        tpu.enqueue_dma source(%dma_start3A_76 : memref<128x128xf32, #tpu.memory_space<hbm>>) target(%dma_start3A_73 : memref<128x128xf32, #tpu.memory_space<vmem>>) target_semaphore(%run_scoped3A : memref<!tpu.dma_semaphore, #tpu.memory_space<semaphore_mem>>)
        %dma_wait3A_77 = arith.constant 0 : i32
        %dma_wait3A_78 = arith.constant 0 : i32
        %dma_wait3A_79 = tpu.memref_slice %arg7[%select_n3A_44, %dma_wait3A_77, %dma_wait3A_78] : memref<2x128x128xf32, #tpu.memory_space<vmem>> -> memref<1x128x128xf32, #tpu.memory_space<vmem>>
        %dma_wait3A_80 = tpu.memref_squeeze %dma_wait3A_79 : memref<1x128x128xf32, #tpu.memory_space<vmem>> -> memref<128x128xf32, #tpu.memory_space<vmem>>
        %dma_wait3A_81 = arith.constant 0 : i32
        %dma_wait3A_82 = tpu.memref_slice %arg2[%arg0, %mul3A_49, %dma_wait3A_81] : memref<2x163840x128xf32, #tpu.memory_space<hbm>> -> memref<1x128x128xf32, #tpu.memory_space<hbm>>
        %dma_wait3A_83 = tpu.memref_squeeze %dma_wait3A_82 : memref<1x128x128xf32, #tpu.memory_space<hbm>> -> memref<128x128xf32, #tpu.memory_space<hbm>>
        %dma_wait3A_84 = arith.constant 0 : i32
        %dma_wait3A_85 = arith.constant 0 : i32
        %dma_wait3A_86 = tpu.memref_slice %arg7[%select_n3A_44, %dma_wait3A_84, %dma_wait3A_85] : memref<2x128x128xf32, #tpu.memory_space<vmem>> -> memref<1x128x128xf32, #tpu.memory_space<vmem>>
        %dma_wait3A_87 = tpu.memref_squeeze %dma_wait3A_86 : memref<1x128x128xf32, #tpu.memory_space<vmem>> -> memref<128x128xf32, #tpu.memory_space<vmem>>
        %dma_wait3A_88 = arith.constant 0 : i32
        %dma_wait3A_89 = tpu.memref_slice %arg2[%arg0, %mul3A_49, %dma_wait3A_88] : memref<2x163840x128xf32, #tpu.memory_space<hbm>> -> memref<1x128x128xf32, #tpu.memory_space<hbm>>
        %dma_wait3A_90 = tpu.memref_squeeze %dma_wait3A_89 : memref<1x128x128xf32, #tpu.memory_space<hbm>> -> memref<128x128xf32, #tpu.memory_space<hbm>>
        tpu.wait_dma2 semaphore(%run_scoped3A : memref<!tpu.dma_semaphore, #tpu.memory_space<semaphore_mem>>) src(%dma_wait3A_90 : memref<128x128xf32, #tpu.memory_space<hbm>>) dst(%dma_wait3A_87 : memref<128x128xf32, #tpu.memory_space<vmem>>)
        tpu.yield
      }) : () -> ()
      %dma_start3A = arith.constant 0 : i32
      %dma_start3A_52 = arith.constant 0 : i32
      %dma_start3A_53 = tpu.memref_slice %arg7[%select_n3A_44, %dma_start3A, %dma_start3A_52] : memref<2x128x128xf32, #tpu.memory_space<vmem>> -> memref<1x128x128xf32, #tpu.memory_space<vmem>>
      %dma_start3A_54 = tpu.memref_squeeze %dma_start3A_53 : memref<1x128x128xf32, #tpu.memory_space<vmem>> -> memref<128x128xf32, #tpu.memory_space<vmem>>
      %dma_start3A_55 = arith.constant 0 : i32
      %dma_start3A_56 = tpu.memref_slice %arg6[%select_n3A_44, %dma_start3A_55] : memref<2x128xi32, #tpu.memory_space<vmem>> -> memref<1x128xi32, #tpu.memory_space<vmem>>
      %dma_start3A_57 = tpu.memref_squeeze %dma_start3A_56 : memref<1x128xi32, #tpu.memory_space<vmem>> -> memref<128xi32, #tpu.memory_space<vmem>>
      %dma_start3A_58 = arith.constant 0 : i32
      %dma_start3A_59 = arith.constant 0 : i32
      %dma_start3A_60 = tpu.memref_slice %arg8[%dma_start3A_58, %dma_start3A_59] : memref<10240x128xf32, #tpu.memory_space<vmem_shared>> -> memref<10240x128xf32, #tpu.memory_space<vmem_shared>>
      %dma_start3A_61 = tpu.memref_slice %arg9[%select_n3A_44] : memref<2x!tpu.dma_semaphore, #tpu.memory_space<semaphore_mem>> -> memref<1x!tpu.dma_semaphore, #tpu.memory_space<semaphore_mem>>
      %dma_start3A_62 = tpu.memref_squeeze %dma_start3A_61 : memref<1x!tpu.dma_semaphore, #tpu.memory_space<semaphore_mem>> -> memref<!tpu.dma_semaphore, #tpu.memory_space<semaphore_mem>>
      tpu.enqueue_indirect_dma source(%dma_start3A_54 : memref<128x128xf32, #tpu.memory_space<vmem>>) target(%dma_start3A_60 : memref<10240x128xf32, #tpu.memory_space<vmem_shared>>) offsets(%dma_start3A_57 : memref<128xi32, #tpu.memory_space<vmem>>) semaphore(%dma_start3A_62 : memref<!tpu.dma_semaphore, #tpu.memory_space<semaphore_mem>>) {add = true}
    }
    %scan3A_5 = arith.constant 80 : i32
    %dma_wait3A = arith.constant 0 : i32
    %dma_wait3A_6 = arith.constant 0 : i32
    %dma_wait3A_7 = arith.constant 0 : i32
    %dma_wait3A_8 = arith.constant 0 : i32
    %dma_wait3A_9 = arith.constant 0 : i32
    %dma_wait3A_10 = tpu.memref_slice %arg7[%dma_wait3A, %dma_wait3A_8, %dma_wait3A_9] : memref<2x128x128xf32, #tpu.memory_space<vmem>> -> memref<1x128x128xf32, #tpu.memory_space<vmem>>
    %dma_wait3A_11 = tpu.memref_squeeze %dma_wait3A_10 : memref<1x128x128xf32, #tpu.memory_space<vmem>> -> memref<128x128xf32, #tpu.memory_space<vmem>>
    %dma_wait3A_12 = arith.constant 0 : i32
    %dma_wait3A_13 = tpu.memref_slice %arg6[%dma_wait3A_6, %dma_wait3A_12] : memref<2x128xi32, #tpu.memory_space<vmem>> -> memref<1x128xi32, #tpu.memory_space<vmem>>
    %dma_wait3A_14 = tpu.memref_squeeze %dma_wait3A_13 : memref<1x128xi32, #tpu.memory_space<vmem>> -> memref<128xi32, #tpu.memory_space<vmem>>
    %dma_wait3A_15 = arith.constant 0 : i32
    %dma_wait3A_16 = arith.constant 0 : i32
    %dma_wait3A_17 = tpu.memref_slice %arg8[%dma_wait3A_15, %dma_wait3A_16] : memref<10240x128xf32, #tpu.memory_space<vmem_shared>> -> memref<10240x128xf32, #tpu.memory_space<vmem_shared>>
    %dma_wait3A_18 = tpu.memref_slice %arg9[%dma_wait3A_7] : memref<2x!tpu.dma_semaphore, #tpu.memory_space<semaphore_mem>> -> memref<1x!tpu.dma_semaphore, #tpu.memory_space<semaphore_mem>>
    %dma_wait3A_19 = tpu.memref_squeeze %dma_wait3A_18 : memref<1x!tpu.dma_semaphore, #tpu.memory_space<semaphore_mem>> -> memref<!tpu.dma_semaphore, #tpu.memory_space<semaphore_mem>>
    tpu.wait_indirect_dma semaphore(%dma_wait3A_19 : memref<!tpu.dma_semaphore, #tpu.memory_space<semaphore_mem>>) src(%dma_wait3A_11 : memref<128x128xf32, #tpu.memory_space<vmem>>) dst(%dma_wait3A_17 : memref<10240x128xf32, #tpu.memory_space<vmem_shared>>)
    %dma_wait3A_20 = arith.constant 1 : i32
    %dma_wait3A_21 = arith.constant 1 : i32
    %dma_wait3A_22 = arith.constant 1 : i32
    %dma_wait3A_23 = arith.constant 0 : i32
    %dma_wait3A_24 = arith.constant 0 : i32
    %dma_wait3A_25 = tpu.memref_slice %arg7[%dma_wait3A_20, %dma_wait3A_23, %dma_wait3A_24] : memref<2x128x128xf32, #tpu.memory_space<vmem>> -> memref<1x128x128xf32, #tpu.memory_space<vmem>>
    %dma_wait3A_26 = tpu.memref_squeeze %dma_wait3A_25 : memref<1x128x128xf32, #tpu.memory_space<vmem>> -> memref<128x128xf32, #tpu.memory_space<vmem>>
    %dma_wait3A_27 = arith.constant 0 : i32
    %dma_wait3A_28 = tpu.memref_slice %arg6[%dma_wait3A_21, %dma_wait3A_27] : memref<2x128xi32, #tpu.memory_space<vmem>> -> memref<1x128xi32, #tpu.memory_space<vmem>>
    %dma_wait3A_29 = tpu.memref_squeeze %dma_wait3A_28 : memref<1x128xi32, #tpu.memory_space<vmem>> -> memref<128xi32, #tpu.memory_space<vmem>>
    %dma_wait3A_30 = arith.constant 0 : i32
    %dma_wait3A_31 = arith.constant 0 : i32
    %dma_wait3A_32 = tpu.memref_slice %arg8[%dma_wait3A_30, %dma_wait3A_31] : memref<10240x128xf32, #tpu.memory_space<vmem_shared>> -> memref<10240x128xf32, #tpu.memory_space<vmem_shared>>
    %dma_wait3A_33 = tpu.memref_slice %arg9[%dma_wait3A_22] : memref<2x!tpu.dma_semaphore, #tpu.memory_space<semaphore_mem>> -> memref<1x!tpu.dma_semaphore, #tpu.memory_space<semaphore_mem>>
    %dma_wait3A_34 = tpu.memref_squeeze %dma_wait3A_33 : memref<1x!tpu.dma_semaphore, #tpu.memory_space<semaphore_mem>> -> memref<!tpu.dma_semaphore, #tpu.memory_space<semaphore_mem>>
    tpu.wait_indirect_dma semaphore(%dma_wait3A_34 : memref<!tpu.dma_semaphore, #tpu.memory_space<semaphore_mem>>) src(%dma_wait3A_26 : memref<128x128xf32, #tpu.memory_space<vmem>>) dst(%dma_wait3A_32 : memref<10240x128xf32, #tpu.memory_space<vmem_shared>>)
    %barrier3A_35 = arith.constant 0 : index
    tpu.barrier barrier_id(%barrier3A_35)
    "tpu.region"() ({
      %run_scoped3A = tpu.sem_alloc : memref<!tpu.dma_semaphore, #tpu.memory_space<semaphore_mem>>
      %dma_start3A = arith.constant 0 : i32
      %dma_start3A_36 = tpu.memref_slice %arg5[%arg0, %mul3A_0, %dma_start3A] : memref<2x10240x128xf32, #tpu.memory_space<hbm>> -> memref<1x640x128xf32, #tpu.memory_space<hbm>>
      %dma_start3A_37 = tpu.memref_squeeze %dma_start3A_36 : memref<1x640x128xf32, #tpu.memory_space<hbm>> -> memref<640x128xf32, #tpu.memory_space<hbm>>
      %dma_start3A_38 = arith.constant 0 : i32
      %dma_start3A_39 = tpu.memref_slice %arg8[%mul3A_0, %dma_start3A_38] : memref<10240x128xf32, #tpu.memory_space<vmem_shared>> -> memref<640x128xf32, #tpu.memory_space<vmem_shared>>
      tpu.enqueue_dma source(%dma_start3A_39 : memref<640x128xf32, #tpu.memory_space<vmem_shared>>) target(%dma_start3A_37 : memref<640x128xf32, #tpu.memory_space<hbm>>) target_semaphore(%run_scoped3A : memref<!tpu.dma_semaphore, #tpu.memory_space<semaphore_mem>>)
      %dma_wait3A_40 = arith.constant 0 : i32
      %dma_wait3A_41 = tpu.memref_slice %arg5[%arg0, %mul3A_0, %dma_wait3A_40] : memref<2x10240x128xf32, #tpu.memory_space<hbm>> -> memref<1x640x128xf32, #tpu.memory_space<hbm>>
      %dma_wait3A_42 = tpu.memref_squeeze %dma_wait3A_41 : memref<1x640x128xf32, #tpu.memory_space<hbm>> -> memref<640x128xf32, #tpu.memory_space<hbm>>
      %dma_wait3A_43 = arith.constant 0 : i32
      %dma_wait3A_44 = tpu.memref_slice %arg8[%mul3A_0, %dma_wait3A_43] : memref<10240x128xf32, #tpu.memory_space<vmem_shared>> -> memref<640x128xf32, #tpu.memory_space<vmem_shared>>
      tpu.wait_dma2 semaphore(%run_scoped3A : memref<!tpu.dma_semaphore, #tpu.memory_space<semaphore_mem>>) src(%dma_wait3A_44 : memref<640x128xf32, #tpu.memory_space<vmem_shared>>) dst(%dma_wait3A_42 : memref<640x128xf32, #tpu.memory_space<hbm>>)
      tpu.yield
    }) : () -> ()
    return
  }
}

module attributes {stable_mosaic.version = 14 : i64} {
  func.func @_node0_body(%arg0: i32, %arg1: memref<1024x4xf32, #tpu.memory_space<vmem>>, %arg2: memref<4x64xf32, #tpu.memory_space<vmem>>, %arg3: memref<1x64xf32, #tpu.memory_space<vmem>>, %arg4: memref<64x128xf32, #tpu.memory_space<vmem>>, %arg5: memref<64x128xf32, #tpu.memory_space<vmem>>, %arg6: memref<64x128xf32, #tpu.memory_space<vmem>>, %arg7: memref<1024x128xf32, #tpu.memory_space<vmem>>, %arg8: memref<1024x128xi32, #tpu.memory_space<vmem>>) attributes {dimension_semantics = [#tpu.dimension_semantics<arbitrary>], iteration_bounds = array<i64: 10>, scalar_prefetch = 0 : i64, scratch_operands = 0 : i64, tpu.core_type = #tpu.core_type<tc>, window_params = [{transform_indices = @transform_0, window_bounds = array<i64: 1024, 4>}, {pipeline_mode = #tpu.pipeline_mode<synchronous>, transform_indices = @transform_1, window_bounds = array<i64: 4, 64>}, {pipeline_mode = #tpu.pipeline_mode<synchronous>, transform_indices = @transform_2, window_bounds = array<i64: 1, 64>}, {pipeline_mode = #tpu.pipeline_mode<synchronous>, transform_indices = @transform_3, window_bounds = array<i64: 64, 128>}, {pipeline_mode = #tpu.pipeline_mode<synchronous>, transform_indices = @transform_4, window_bounds = array<i64: 64, 128>}, {pipeline_mode = #tpu.pipeline_mode<synchronous>, transform_indices = @transform_5, window_bounds = array<i64: 64, 128>}, {transform_indices = @transform_6, window_bounds = array<i64: 1024, 128>}, {transform_indices = @transform_7, window_bounds = array<i64: 1024, 128>}]} {
    %get3A = arith.constant 0 : index
    %get3A_0 = arith.constant 0 : index
    %get3A_1 = vector.load %arg1[%get3A, %get3A_0] : memref<1024x4xf32, #tpu.memory_space<vmem>>, vector<1024x4xf32>
    %get3A_2 = arith.constant 0 : index
    %get3A_3 = arith.constant 0 : index
    %get3A_4 = vector.load %arg2[%get3A_2, %get3A_3] : memref<4x64xf32, #tpu.memory_space<vmem>>, vector<4x64xf32>
    %dot_general3A = arith.constant dense<0.000000e+00> : vector<1024x64xf32>
    %dot_general3A_5 = tpu.matmul %get3A_1, %get3A_4, %dot_general3A {dimension_numbers = #tpu.dot_dimension_numbers<[1], [0], [0], [1], [0, 0, 1, 1], [], []>, transpose_lhs_hint = false} : vector<1024x4xf32>, vector<4x64xf32>, vector<1024x64xf32> -> vector<1024x64xf32>
    %get3A_6 = arith.constant 0 : index
    %get3A_7 = arith.constant 0 : index
    %get3A_8 = vector.load %arg3[%get3A_6, %get3A_7] : memref<1x64xf32, #tpu.memory_space<vmem>>, vector<1x64xf32>
    %add3A = vector.broadcast %get3A_8 : vector<1x64xf32> to vector<1024x64xf32>
    %add3A_9 = arith.addf %dot_general3A_5, %add3A : vector<1024x64xf32>
    %get3A_10 = arith.constant 0 : index
    %get3A_11 = arith.constant 0 : index
    %get3A_12 = vector.load %arg4[%get3A_10, %get3A_11] : memref<64x128xf32, #tpu.memory_space<vmem>>, vector<64x128xf32>
    %dot_general3A_13 = arith.constant dense<0.000000e+00> : vector<1024x128xf32>
    %dot_general3A_14 = tpu.matmul %add3A_9, %get3A_12, %dot_general3A_13 {dimension_numbers = #tpu.dot_dimension_numbers<[1], [0], [0], [1], [0, 0, 1, 1], [], []>, transpose_lhs_hint = false} : vector<1024x64xf32>, vector<64x128xf32>, vector<1024x128xf32> -> vector<1024x128xf32>
    %get3A_15 = arith.constant 0 : index
    %get3A_16 = arith.constant 0 : index
    %get3A_17 = vector.load %arg5[%get3A_15, %get3A_16] : memref<64x128xf32, #tpu.memory_space<vmem>>, vector<64x128xf32>
    %dot_general3A_18 = arith.constant dense<0.000000e+00> : vector<1024x128xf32>
    %dot_general3A_19 = tpu.matmul %add3A_9, %get3A_17, %dot_general3A_18 {dimension_numbers = #tpu.dot_dimension_numbers<[1], [0], [0], [1], [0, 0, 1, 1], [], []>, transpose_lhs_hint = false} : vector<1024x64xf32>, vector<64x128xf32>, vector<1024x128xf32> -> vector<1024x128xf32>
    %get3A_20 = arith.constant 0 : index
    %get3A_21 = arith.constant 0 : index
    %get3A_22 = vector.load %arg6[%get3A_20, %get3A_21] : memref<64x128xf32, #tpu.memory_space<vmem>>, vector<64x128xf32>
    %dot_general3A_23 = arith.constant dense<0.000000e+00> : vector<1024x128xf32>
    %dot_general3A_24 = tpu.matmul %add3A_9, %get3A_22, %dot_general3A_23 {dimension_numbers = #tpu.dot_dimension_numbers<[1], [0], [0], [1], [0, 0, 1, 1], [], []>, transpose_lhs_hint = false} : vector<1024x64xf32>, vector<64x128xf32>, vector<1024x128xf32> -> vector<1024x128xf32>
    %convert_element_type3A = arith.truncf %dot_general3A_19 : vector<1024x128xf32> to vector<1024x128xbf16>
    %bitcast_convert_type3A = tpu.bitcast %convert_element_type3A : vector<1024x128xbf16> -> vector<1024x128xi16>
    %convert_element_type3A_25 = arith.truncf %dot_general3A_24 : vector<1024x128xf32> to vector<1024x128xbf16>
    %bitcast_convert_type3A_26 = tpu.bitcast %convert_element_type3A_25 : vector<1024x128xbf16> -> vector<1024x128xi16>
    %convert_element_type3A_27 = arith.extui %bitcast_convert_type3A : vector<1024x128xi16> to vector<1024x128xi32>
    %convert_element_type3A_28 = arith.extui %bitcast_convert_type3A_26 : vector<1024x128xi16> to vector<1024x128xi32>
    %shift_left3A = arith.constant 16 : i32
    %shift_left3A_29 = vector.broadcast %shift_left3A : i32 to vector<1024x128xi32>
    %shift_left3A_30 = arith.shli %convert_element_type3A_28, %shift_left3A_29 : vector<1024x128xi32>
    %or3A = arith.ori %convert_element_type3A_27, %shift_left3A_30 : vector<1024x128xi32>
    %swap3A = arith.constant 0 : index
    %swap3A_31 = arith.constant 0 : index
    %swap3A_32 = vector.load %arg7[%swap3A, %swap3A_31] : memref<1024x128xf32, #tpu.memory_space<vmem>>, vector<1024x128xf32>
    tpu.vector_store %arg7[%swap3A, %swap3A_31], %dot_general3A_14 {strides = array<i32>} : memref<1024x128xf32, #tpu.memory_space<vmem>>, vector<1024x128xf32>,
    %bitcast_convert_type3A_33 = tpu.bitcast %or3A : vector<1024x128xi32> -> vector<1024x128xi32>
    %swap3A_34 = arith.constant 0 : index
    %swap3A_35 = arith.constant 0 : index
    %swap3A_36 = vector.load %arg8[%swap3A_34, %swap3A_35] : memref<1024x128xi32, #tpu.memory_space<vmem>>, vector<1024x128xi32>
    tpu.vector_store %arg8[%swap3A_34, %swap3A_35], %bitcast_convert_type3A_33 {strides = array<i32>} : memref<1024x128xi32, #tpu.memory_space<vmem>>, vector<1024x128xi32>,
    return
  }
  func.func @transform_0(%arg0: i32) -> (i32, i32) {
    %c0_i32 = arith.constant 0 : i32
    %c0_i32_0 = arith.constant 0 : i32
    return %arg0, %c0_i32 : i32, i32
  }
  func.func @transform_1(%arg0: i32) -> (i32, i32) {
    %c0_i32 = arith.constant 0 : i32
    %c0_i32_0 = arith.constant 0 : i32
    %c0_i32_1 = arith.constant 0 : i32
    return %c0_i32, %c0_i32_0 : i32, i32
  }
  func.func @transform_2(%arg0: i32) -> (i32, i32) {
    %c0_i32 = arith.constant 0 : i32
    %c0_i32_0 = arith.constant 0 : i32
    %c0_i32_1 = arith.constant 0 : i32
    return %c0_i32, %c0_i32_0 : i32, i32
  }
  func.func @transform_3(%arg0: i32) -> (i32, i32) {
    %c0_i32 = arith.constant 0 : i32
    %c0_i32_0 = arith.constant 0 : i32
    %c0_i32_1 = arith.constant 0 : i32
    return %c0_i32, %c0_i32_0 : i32, i32
  }
  func.func @transform_4(%arg0: i32) -> (i32, i32) {
    %c0_i32 = arith.constant 0 : i32
    %c0_i32_0 = arith.constant 0 : i32
    %c0_i32_1 = arith.constant 0 : i32
    return %c0_i32, %c0_i32_0 : i32, i32
  }
  func.func @transform_5(%arg0: i32) -> (i32, i32) {
    %c0_i32 = arith.constant 0 : i32
    %c0_i32_0 = arith.constant 0 : i32
    %c0_i32_1 = arith.constant 0 : i32
    return %c0_i32, %c0_i32_0 : i32, i32
  }
  func.func @transform_6(%arg0: i32) -> (i32, i32) {
    %c0_i32 = arith.constant 0 : i32
    %c0_i32_0 = arith.constant 0 : i32
    return %arg0, %c0_i32 : i32, i32
  }
  func.func @transform_7(%arg0: i32) -> (i32, i32) {
    %c0_i32 = arith.constant 0 : i32
    %c0_i32_0 = arith.constant 0 : i32
    return %arg0, %c0_i32 : i32, i32
  }
}

module attributes {stable_mosaic.version = 14 : i64} {
  func.func @_edge_body(%arg0: i32, %arg1: memref<512x128xf32, #tpu.memory_space<vmem>>, %arg2: memref<512x128xi32, #tpu.memory_space<vmem>>, %arg3: memref<8x512xf32, #tpu.memory_space<vmem>>, %arg4: memref<16x64xf32, #tpu.memory_space<vmem>>, %arg5: memref<64x128xf32, #tpu.memory_space<vmem>>, %arg6: memref<64x128xf32, #tpu.memory_space<vmem>>, %arg7: memref<16x128xf32, #tpu.memory_space<vmem>>, %arg8: memref<2x512x128xf32, #tpu.memory_space<vmem>>) attributes {dimension_semantics = [#tpu.dimension_semantics<arbitrary>], iteration_bounds = array<i64: 312>, scalar_prefetch = 0 : i64, scratch_operands = 0 : i64, tpu.core_type = #tpu.core_type<tc>, window_params = [{transform_indices = @transform_0, window_bounds = array<i64: 512, 128>}, {transform_indices = @transform_1, window_bounds = array<i64: 512, 128>}, {transform_indices = @transform_2, window_bounds = array<i64: 8, 512>}, {pipeline_mode = #tpu.pipeline_mode<synchronous>, transform_indices = @transform_3, window_bounds = array<i64: 16, 64>}, {pipeline_mode = #tpu.pipeline_mode<synchronous>, transform_indices = @transform_4, window_bounds = array<i64: 64, 128>}, {pipeline_mode = #tpu.pipeline_mode<synchronous>, transform_indices = @transform_5, window_bounds = array<i64: 64, 128>}, {pipeline_mode = #tpu.pipeline_mode<synchronous>, transform_indices = @transform_6, window_bounds = array<i64: 16, 128>}, {transform_indices = @transform_7, window_bounds = array<i64: 2, 512, 128>}]} {
    %ge3A = arith.constant 305 : i32
    %ge3A_0 = arith.cmpi sge, %arg0, %ge3A : i32
    %convert_element_type3A = arith.extui %ge3A_0 : i1 to i32
    %cond3A = arith.constant 0 : i32
    %cond3A_1 = arith.cmpi ne, %convert_element_type3A, %cond3A : i32
    scf.if %cond3A_1 {
      %broadcast_in_dim3A = arith.constant 0.000000e+00 : f32
      %broadcast_in_dim3A_6 = vector.broadcast %broadcast_in_dim3A : f32 to vector<2x512x128xf32>
      %swap3A = arith.constant 0 : index
      %swap3A_7 = arith.constant 0 : index
      %swap3A_8 = arith.constant 0 : index
      %swap3A_9 = vector.load %arg8[%swap3A, %swap3A_7, %swap3A_8] : memref<2x512x128xf32, #tpu.memory_space<vmem>>, vector<2x512x128xf32>
      tpu.vector_store %arg8[%swap3A, %swap3A_7, %swap3A_8], %broadcast_in_dim3A_6 {strides = array<i32>} : memref<2x512x128xf32, #tpu.memory_space<vmem>>, vector<2x512x128xf32>,
    } else {
    }
    %lt3A = arith.constant 305 : i32
    %lt3A_2 = arith.cmpi slt, %arg0, %lt3A : i32
    %convert_element_type3A_3 = arith.extui %lt3A_2 : i1 to i32
    %cond3A_4 = arith.constant 0 : i32
    %cond3A_5 = arith.cmpi ne, %convert_element_type3A_3, %cond3A_4 : i32
    scf.if %cond3A_5 {
      %get3A = arith.constant 0 : index
      %get3A_6 = arith.constant 0 : index
      %get3A_7 = vector.load %arg1[%get3A, %get3A_6] : memref<512x128xf32, #tpu.memory_space<vmem>>, vector<512x128xf32>
      %get3A_8 = arith.constant 0 : index
      %get3A_9 = arith.constant 0 : index
      %get3A_10 = vector.load %arg2[%get3A_8, %get3A_9] : memref<512x128xi32, #tpu.memory_space<vmem>>, vector<512x128xi32>
      %bitcast_convert_type3A = tpu.bitcast %get3A_10 : vector<512x128xi32> -> vector<512x128xi32>
      %and3A = arith.constant 65535 : i32
      %and3A_11 = vector.broadcast %and3A : i32 to vector<512x128xi32>
      %and3A_12 = arith.andi %bitcast_convert_type3A, %and3A_11 : vector<512x128xi32>
      %convert_element_type3A_13 = arith.trunci %and3A_12 : vector<512x128xi32> to vector<512x128xi16>
      %bitcast_convert_type3A_14 = tpu.bitcast %convert_element_type3A_13 : vector<512x128xi16> -> vector<512x128xbf16>
      %convert_element_type3A_15 = arith.extf %bitcast_convert_type3A_14 : vector<512x128xbf16> to vector<512x128xf32>
      %shift_right_logical3A = arith.constant 16 : i32
      %shift_right_logical3A_16 = vector.broadcast %shift_right_logical3A : i32 to vector<512x128xi32>
      %shift_right_logical3A_17 = arith.shrui %bitcast_convert_type3A, %shift_right_logical3A_16 : vector<512x128xi32>
      %convert_element_type3A_18 = arith.trunci %shift_right_logical3A_17 : vector<512x128xi32> to vector<512x128xi16>
      %bitcast_convert_type3A_19 = tpu.bitcast %convert_element_type3A_18 : vector<512x128xi16> -> vector<512x128xbf16>
      %convert_element_type3A_20 = arith.extf %bitcast_convert_type3A_19 : vector<512x128xbf16> to vector<512x128xf32>
      %get3A_21 = arith.constant 0 : index
      %get3A_22 = arith.constant 0 : index
      %get3A_23 = vector.load %arg3[%get3A_21, %get3A_22] : memref<8x512xf32, #tpu.memory_space<vmem>>, vector<8x512xf32>
      %slice3A = vector.extract_strided_slice %get3A_23 {offsets = [0, 0], sizes = [1, 512], strides = [1, 1]} : vector<8x512xf32> to vector<1x512xf32>
      %slice3A_24 = vector.extract_strided_slice %get3A_23 {offsets = [1, 0], sizes = [1, 512], strides = [1, 1]} : vector<8x512xf32> to vector<1x512xf32>
      %slice3A_25 = vector.extract_strided_slice %get3A_23 {offsets = [2, 0], sizes = [1, 512], strides = [1, 1]} : vector<8x512xf32> to vector<1x512xf32>
      %mul3A = arith.mulf %slice3A, %slice3A : vector<1x512xf32>
      %mul3A_26 = arith.mulf %slice3A_24, %slice3A_24 : vector<1x512xf32>
      %add3A = arith.addf %mul3A, %mul3A_26 : vector<1x512xf32>
      %mul3A_27 = arith.mulf %slice3A_25, %slice3A_25 : vector<1x512xf32>
      %add3A_28 = arith.addf %add3A, %mul3A_27 : vector<1x512xf32>
      %add3A_29 = arith.constant 9.99999996E-13 : f32
      %add3A_30 = vector.broadcast %add3A_29 : f32 to vector<1x512xf32>
      %add3A_31 = arith.addf %add3A_28, %add3A_30 : vector<1x512xf32>
      %sqrt3A = math.sqrt %add3A_31 : vector<1x512xf32>
      %add3A_32 = arith.constant 9.99999971E-10 : f32
      %add3A_33 = vector.broadcast %add3A_32 : f32 to vector<1x512xf32>
      %add3A_34 = arith.addf %sqrt3A, %add3A_33 : vector<1x512xf32>
      %div3A = arith.constant 1.000000e+00 : f32
      %div3A_35 = vector.broadcast %div3A : f32 to vector<1x512xf32>
      %div3A_36 = arith.divf %div3A_35, %add3A_34 : vector<1x512xf32>
      %mul3A_37 = arith.mulf %slice3A, %div3A_36 : vector<1x512xf32>
      %mul3A_38 = arith.mulf %slice3A_24, %div3A_36 : vector<1x512xf32>
      %mul3A_39 = arith.mulf %slice3A_25, %div3A_36 : vector<1x512xf32>
      %iota3A = tpu.iota {dimensions = array<i32: 0>} : vector<16x512xi32>
      %convert_element_type3A_40 = arith.sitofp %iota3A : vector<16x512xi32> to vector<16x512xf32>
      %mul3A_41 = arith.constant 0.166666672 : f32
      %mul3A_42 = vector.broadcast %mul3A_41 : f32 to vector<16x512xf32>
      %mul3A_43 = arith.mulf %convert_element_type3A_40, %mul3A_42 : vector<16x512xf32>
      %broadcast_in_dim3A = vector.shape_cast %sqrt3A : vector<1x512xf32> to vector<1x512xf32>
      %broadcast_in_dim3A_44 = vector.broadcast %broadcast_in_dim3A : vector<1x512xf32> to vector<16x512xf32>
      %sub3A = arith.subf %broadcast_in_dim3A_44, %mul3A_43 : vector<16x512xf32>
      %mul3A_45 = arith.constant 6.400000e+00 : f32
      %mul3A_46 = vector.broadcast %mul3A_45 : f32 to vector<16x512xf32>
      %mul3A_47 = arith.mulf %sub3A, %mul3A_46 : vector<16x512xf32>
      %mul3A_48 = arith.mulf %mul3A_47, %mul3A_47 : vector<16x512xf32>
      %neg3A = arith.constant 0.000000e+00 : f32
      %neg3A_49 = vector.broadcast %neg3A : f32 to vector<16x512xf32>
      %neg3A_50 = arith.subf %neg3A_49, %mul3A_48 : vector<16x512xf32>
      %exp3A = math.exp %neg3A_50 : vector<16x512xf32>
      %lt3A_51 = arith.constant 2.500000e+00 : f32
      %lt3A_52 = vector.broadcast %lt3A_51 : f32 to vector<1x512xf32>
      %lt3A_53 = arith.cmpf olt, %sqrt3A, %lt3A_52 : vector<1x512xf32>
      %mul3A_54 = arith.constant 1.2566371 : f32
      %mul3A_55 = vector.broadcast %mul3A_54 : f32 to vector<1x512xf32>
      %mul3A_56 = arith.mulf %mul3A_55, %sqrt3A : vector<1x512xf32>
      %cos3A = math.cos %mul3A_56 : vector<1x512xf32>
      %add3A_57 = arith.constant 1.000000e+00 : f32
      %add3A_58 = vector.broadcast %add3A_57 : f32 to vector<1x512xf32>
      %add3A_59 = arith.addf %cos3A, %add3A_58 : vector<1x512xf32>
      %mul3A_60 = arith.constant 5.000000e-01 : f32
      %mul3A_61 = vector.broadcast %mul3A_60 : f32 to vector<1x512xf32>
      %mul3A_62 = arith.mulf %mul3A_61, %add3A_59 : vector<1x512xf32>
      %jit3A = arith.constant 0.000000e+00 : f32
      %broadcast_in_dim3A_63 = vector.broadcast %jit3A : f32 to vector<1x512xf32>
      %select_n3A = arith.select %lt3A_53, %mul3A_62, %broadcast_in_dim3A_63 : vector<1x512xi1>, vector<1x512xf32>
      %mul3A_64 = vector.broadcast %select_n3A : vector<1x512xf32> to vector<16x512xf32>
      %mul3A_65 = arith.mulf %exp3A, %mul3A_64 : vector<16x512xf32>
      %transpose3A = tpu.transpose %mul3A_65, [1, 0] : vector<16x512xf32> -> vector<512x16xf32>
      %get3A_66 = arith.constant 0 : index
      %get3A_67 = arith.constant 0 : index
      %get3A_68 = vector.load %arg4[%get3A_66, %get3A_67] : memref<16x64xf32, #tpu.memory_space<vmem>>, vector<16x64xf32>
      %dot_general3A = arith.constant dense<0.000000e+00> : vector<512x64xf32>
      %dot_general3A_69 = tpu.matmul %transpose3A, %get3A_68, %dot_general3A {dimension_numbers = #tpu.dot_dimension_numbers<[1], [0], [0], [1], [0, 0, 1, 1], [], []>, transpose_lhs_hint = false} : vector<512x16xf32>, vector<16x64xf32>, vector<512x64xf32> -> vector<512x64xf32>
      %neg3A_70 = arith.constant 0.000000e+00 : f32
      %neg3A_71 = vector.broadcast %neg3A_70 : f32 to vector<512x64xf32>
      %neg3A_72 = arith.subf %neg3A_71, %dot_general3A_69 : vector<512x64xf32>
      %exp3A_73 = math.exp %neg3A_72 : vector<512x64xf32>
      %add3A_74 = arith.constant 1.000000e+00 : f32
      %add3A_75 = vector.broadcast %add3A_74 : f32 to vector<512x64xf32>
      %add3A_76 = arith.addf %add3A_75, %exp3A_73 : vector<512x64xf32>
      %div3A_77 = arith.constant 1.000000e+00 : f32
      %div3A_78 = vector.broadcast %div3A_77 : f32 to vector<512x64xf32>
      %div3A_79 = arith.divf %div3A_78, %add3A_76 : vector<512x64xf32>
      %mul3A_80 = arith.mulf %dot_general3A_69, %div3A_79 : vector<512x64xf32>
      %get3A_81 = arith.constant 0 : index
      %get3A_82 = arith.constant 0 : index
      %get3A_83 = vector.load %arg5[%get3A_81, %get3A_82] : memref<64x128xf32, #tpu.memory_space<vmem>>, vector<64x128xf32>
      %dot_general3A_84 = arith.constant dense<0.000000e+00> : vector<512x128xf32>
      %dot_general3A_85 = tpu.matmul %mul3A_80, %get3A_83, %dot_general3A_84 {dimension_numbers = #tpu.dot_dimension_numbers<[1], [0], [0], [1], [0, 0, 1, 1], [], []>, transpose_lhs_hint = false} : vector<512x64xf32>, vector<64x128xf32>, vector<512x128xf32> -> vector<512x128xf32>
      %get3A_86 = arith.constant 0 : index
      %get3A_87 = arith.constant 0 : index
      %get3A_88 = vector.load %arg6[%get3A_86, %get3A_87] : memref<64x128xf32, #tpu.memory_space<vmem>>, vector<64x128xf32>
      %dot_general3A_89 = arith.constant dense<0.000000e+00> : vector<512x128xf32>
      %dot_general3A_90 = tpu.matmul %mul3A_80, %get3A_88, %dot_general3A_89 {dimension_numbers = #tpu.dot_dimension_numbers<[1], [0], [0], [1], [0, 0, 1, 1], [], []>, transpose_lhs_hint = false} : vector<512x64xf32>, vector<64x128xf32>, vector<512x128xf32> -> vector<512x128xf32>
      %broadcast_in_dim3A_91 = arith.constant 1.000000e+00 : f32
      %broadcast_in_dim3A_92 = vector.broadcast %broadcast_in_dim3A_91 : f32 to vector<1x512xf32>
      %mul3A_93 = arith.constant 1.73205078 : f32
      %mul3A_94 = vector.broadcast %mul3A_93 : f32 to vector<1x512xf32>
      %mul3A_95 = arith.mulf %mul3A_94, %mul3A_37 : vector<1x512xf32>
      %mul3A_96 = arith.mulf %mul3A_95, %mul3A_38 : vector<1x512xf32>
      %mul3A_97 = arith.constant 1.73205078 : f32
      %mul3A_98 = vector.broadcast %mul3A_97 : f32 to vector<1x512xf32>
      %mul3A_99 = arith.mulf %mul3A_98, %mul3A_38 : vector<1x512xf32>
      %mul3A_100 = arith.mulf %mul3A_99, %mul3A_39 : vector<1x512xf32>
      %mul3A_101 = arith.constant 3.000000e+00 : f32
      %mul3A_102 = vector.broadcast %mul3A_101 : f32 to vector<1x512xf32>
      %mul3A_103 = arith.mulf %mul3A_102, %mul3A_39 : vector<1x512xf32>
      %mul3A_104 = arith.mulf %mul3A_103, %mul3A_39 : vector<1x512xf32>
      %sub3A_105 = arith.constant 1.000000e+00 : f32
      %sub3A_106 = vector.broadcast %sub3A_105 : f32 to vector<1x512xf32>
      %sub3A_107 = arith.subf %mul3A_104, %sub3A_106 : vector<1x512xf32>
      %mul3A_108 = arith.constant 5.000000e-01 : f32
      %mul3A_109 = vector.broadcast %mul3A_108 : f32 to vector<1x512xf32>
      %mul3A_110 = arith.mulf %mul3A_109, %sub3A_107 : vector<1x512xf32>
      %mul3A_111 = arith.constant 1.73205078 : f32
      %mul3A_112 = vector.broadcast %mul3A_111 : f32 to vector<1x512xf32>
      %mul3A_113 = arith.mulf %mul3A_112, %mul3A_37 : vector<1x512xf32>
      %mul3A_114 = arith.mulf %mul3A_113, %mul3A_39 : vector<1x512xf32>
      %mul3A_115 = arith.mulf %mul3A_37, %mul3A_37 : vector<1x512xf32>
      %mul3A_116 = arith.mulf %mul3A_38, %mul3A_38 : vector<1x512xf32>
      %sub3A_117 = arith.subf %mul3A_115, %mul3A_116 : vector<1x512xf32>
      %mul3A_118 = arith.constant 0.866025388 : f32
      %mul3A_119 = vector.broadcast %mul3A_118 : f32 to vector<1x512xf32>
      %mul3A_120 = arith.mulf %mul3A_119, %sub3A_117 : vector<1x512xf32>
      %broadcast_in_dim3A_121 = arith.constant 0.000000e+00 : f32
      %broadcast_in_dim3A_122 = vector.broadcast %broadcast_in_dim3A_121 : f32 to vector<7x512xf32>
      %concatenate3A = tpu.concatenate %broadcast_in_dim3A_92, %mul3A_37, %mul3A_38, %mul3A_39, %mul3A_96, %mul3A_100, %mul3A_110, %mul3A_114, %mul3A_120, %broadcast_in_dim3A_122 in 0 : vector<1x512xf32>, vector<1x512xf32>, vector<1x512xf32>, vector<1x512xf32>, vector<1x512xf32>, vector<1x512xf32>, vector<1x512xf32>, vector<1x512xf32>, vector<1x512xf32>, vector<7x512xf32> -> vector<16x512xf32>
      %transpose3A_123 = tpu.transpose %concatenate3A, [1, 0] : vector<16x512xf32> -> vector<512x16xf32>
      %get3A_124 = arith.constant 0 : index
      %get3A_125 = arith.constant 0 : index
      %get3A_126 = vector.load %arg7[%get3A_124, %get3A_125] : memref<16x128xf32, #tpu.memory_space<vmem>>, vector<16x128xf32>
      %dot_general3A_127 = arith.constant dense<0.000000e+00> : vector<512x128xf32>
      %dot_general3A_128 = tpu.matmul %transpose3A_123, %get3A_126, %dot_general3A_127 {dimension_numbers = #tpu.dot_dimension_numbers<[1], [0], [0], [1], [0, 0, 1, 1], [], []>, transpose_lhs_hint = false} : vector<512x16xf32>, vector<16x128xf32>, vector<512x128xf32> -> vector<512x128xf32>
      %mul3A_129 = arith.mulf %convert_element_type3A_15, %dot_general3A_85 : vector<512x128xf32>
      %add3A_130 = arith.addf %mul3A_129, %dot_general3A_128 : vector<512x128xf32>
      %mul3A_131 = arith.mulf %convert_element_type3A_20, %dot_general3A_90 : vector<512x128xf32>
      %mul3A_132 = arith.mulf %get3A_7, %add3A_130 : vector<512x128xf32>
      %reduce_sum3A = arith.constant dense<0.000000e+00> : vector<512xf32>
      %reduce_sum3A_133 = vector.multi_reduction <add>, %mul3A_132, %reduce_sum3A [1] : vector<512x128xf32> to vector<512xf32>
      %broadcast_in_dim3A_134 = vector.shape_cast %reduce_sum3A_133 : vector<512xf32> to vector<512x1xf32>
      %mul3A_135 = arith.constant 0.0883883461 : f32
      %mul3A_136 = vector.broadcast %mul3A_135 : f32 to vector<512x1xf32>
      %mul3A_137 = arith.mulf %broadcast_in_dim3A_134, %mul3A_136 : vector<512x1xf32>
      %exp3A_138 = math.exp %mul3A_137 : vector<512x1xf32>
      %broadcast_in_dim3A_139 = arith.constant 0.000000e+00 : f32
      %broadcast_in_dim3A_140 = vector.broadcast %broadcast_in_dim3A_139 : f32 to vector<512x63xf32>
      %slice3A_141 = vector.extract_strided_slice %mul3A_131 {offsets = [0, 0], sizes = [512, 64], strides = [1, 1]} : vector<512x128xf32> to vector<512x64xf32>
      %mul3A_142 = vector.broadcast %exp3A_138 : vector<512x1xf32> to vector<512x64xf32>
      %mul3A_143 = arith.mulf %mul3A_142, %slice3A_141 : vector<512x64xf32>
      %concatenate3A_144 = tpu.concatenate %mul3A_143, %exp3A_138, %broadcast_in_dim3A_140 in 1 : vector<512x64xf32>, vector<512x1xf32>, vector<512x63xf32> -> vector<512x128xf32>
      %swap3A = arith.constant 0 : index
      %swap3A_145 = arith.constant 0 : index
      %swap3A_146 = arith.constant 0 : index
      %swap3A_147 = vector.load %arg8[%swap3A, %swap3A_145, %swap3A_146] : memref<2x512x128xf32, #tpu.memory_space<vmem>>, vector<1x512x128xf32>
      %swap3A_148 = vector.shape_cast %swap3A_147 : vector<1x512x128xf32> to vector<512x128xf32>
      %swap3A_149 = vector.shape_cast %concatenate3A_144 : vector<512x128xf32> to vector<1x512x128xf32>
      tpu.vector_store %arg8[%swap3A, %swap3A_145, %swap3A_146], %swap3A_149 {strides = array<i32>} : memref<2x512x128xf32, #tpu.memory_space<vmem>>, vector<1x512x128xf32>,
      %slice3A_150 = vector.extract_strided_slice %mul3A_131 {offsets = [0, 64], sizes = [512, 64], strides = [1, 1]} : vector<512x128xf32> to vector<512x64xf32>
      %mul3A_151 = vector.broadcast %exp3A_138 : vector<512x1xf32> to vector<512x64xf32>
      %mul3A_152 = arith.mulf %mul3A_151, %slice3A_150 : vector<512x64xf32>
      %concatenate3A_153 = tpu.concatenate %mul3A_152, %exp3A_138, %broadcast_in_dim3A_140 in 1 : vector<512x64xf32>, vector<512x1xf32>, vector<512x63xf32> -> vector<512x128xf32>
      %swap3A_154 = arith.constant 1 : index
      %swap3A_155 = arith.constant 0 : index
      %swap3A_156 = arith.constant 0 : index
      %swap3A_157 = vector.load %arg8[%swap3A_154, %swap3A_155, %swap3A_156] : memref<2x512x128xf32, #tpu.memory_space<vmem>>, vector<1x512x128xf32>
      %swap3A_158 = vector.shape_cast %swap3A_157 : vector<1x512x128xf32> to vector<512x128xf32>
      %swap3A_159 = vector.shape_cast %concatenate3A_153 : vector<512x128xf32> to vector<1x512x128xf32>
      tpu.vector_store %arg8[%swap3A_154, %swap3A_155, %swap3A_156], %swap3A_159 {strides = array<i32>} : memref<2x512x128xf32, #tpu.memory_space<vmem>>, vector<1x512x128xf32>,
    } else {
    }
    return
  }
  func.func @transform_0(%arg0: i32) -> (i32, i32) {
    %c0_i32 = arith.constant 0 : i32
    %c0_i32_0 = arith.constant 0 : i32
    return %arg0, %c0_i32 : i32, i32
  }
  func.func @transform_1(%arg0: i32) -> (i32, i32) {
    %c0_i32 = arith.constant 0 : i32
    %c0_i32_0 = arith.constant 0 : i32
    return %arg0, %c0_i32 : i32, i32
  }
  func.func @transform_2(%arg0: i32) -> (i32, i32) {
    %c0_i32 = arith.constant 0 : i32
    %c0_i32_0 = arith.constant 0 : i32
    return %c0_i32, %arg0 : i32, i32
  }
  func.func @transform_3(%arg0: i32) -> (i32, i32) {
    %c0_i32 = arith.constant 0 : i32
    %c0_i32_0 = arith.constant 0 : i32
    %c0_i32_1 = arith.constant 0 : i32
    return %c0_i32, %c0_i32_0 : i32, i32
  }
  func.func @transform_4(%arg0: i32) -> (i32, i32) {
    %c0_i32 = arith.constant 0 : i32
    %c0_i32_0 = arith.constant 0 : i32
    %c0_i32_1 = arith.constant 0 : i32
    return %c0_i32, %c0_i32_0 : i32, i32
  }
  func.func @transform_5(%arg0: i32) -> (i32, i32) {
    %c0_i32 = arith.constant 0 : i32
    %c0_i32_0 = arith.constant 0 : i32
    %c0_i32_1 = arith.constant 0 : i32
    return %c0_i32, %c0_i32_0 : i32, i32
  }
  func.func @transform_6(%arg0: i32) -> (i32, i32) {
    %c0_i32 = arith.constant 0 : i32
    %c0_i32_0 = arith.constant 0 : i32
    %c0_i32_1 = arith.constant 0 : i32
    return %c0_i32, %c0_i32_0 : i32, i32
  }
  func.func @transform_7(%arg0: i32) -> (i32, i32, i32) {
    %c0_i32 = arith.constant 0 : i32
    %c0_i32_0 = arith.constant 0 : i32
    %c0_i32_1 = arith.constant 0 : i32
    return %c0_i32, %arg0, %c0_i32_0 : i32, i32, i32
  }
}

module attributes {stable_mosaic.version = 14 : i64} {
  func.func @_edge_body(%arg0: i32, %arg1: memref<512x128xf32, #tpu.memory_space<vmem>>, %arg2: memref<512x128xi32, #tpu.memory_space<vmem>>, %arg3: memref<8x512xf32, #tpu.memory_space<vmem>>, %arg4: memref<16x64xf32, #tpu.memory_space<vmem>>, %arg5: memref<64x128xf32, #tpu.memory_space<vmem>>, %arg6: memref<64x128xf32, #tpu.memory_space<vmem>>, %arg7: memref<16x128xf32, #tpu.memory_space<vmem>>, %arg8: memref<2x512x128xf32, #tpu.memory_space<vmem>>) attributes {dimension_semantics = [#tpu.dimension_semantics<arbitrary>], iteration_bounds = array<i64: 320>, scalar_prefetch = 0 : i64, scratch_operands = 0 : i64, tpu.core_type = #tpu.core_type<tc>, window_params = [{transform_indices = @transform_0, window_bounds = array<i64: 512, 128>}, {transform_indices = @transform_1, window_bounds = array<i64: 512, 128>}, {transform_indices = @transform_2, window_bounds = array<i64: 8, 512>}, {pipeline_mode = #tpu.pipeline_mode<synchronous>, transform_indices = @transform_3, window_bounds = array<i64: 16, 64>}, {pipeline_mode = #tpu.pipeline_mode<synchronous>, transform_indices = @transform_4, window_bounds = array<i64: 64, 128>}, {pipeline_mode = #tpu.pipeline_mode<synchronous>, transform_indices = @transform_5, window_bounds = array<i64: 64, 128>}, {pipeline_mode = #tpu.pipeline_mode<synchronous>, transform_indices = @transform_6, window_bounds = array<i64: 16, 128>}, {transform_indices = @transform_7, window_bounds = array<i64: 2, 512, 128>}]} {
    %ge3A = arith.constant 320 : i32
    %ge3A_0 = arith.cmpi sge, %arg0, %ge3A : i32
    %convert_element_type3A = arith.extui %ge3A_0 : i1 to i32
    %cond3A = arith.constant 0 : i32
    %cond3A_1 = arith.cmpi ne, %convert_element_type3A, %cond3A : i32
    scf.if %cond3A_1 {
      %broadcast_in_dim3A = arith.constant 0.000000e+00 : f32
      %broadcast_in_dim3A_6 = vector.broadcast %broadcast_in_dim3A : f32 to vector<2x512x128xf32>
      %swap3A = arith.constant 0 : index
      %swap3A_7 = arith.constant 0 : index
      %swap3A_8 = arith.constant 0 : index
      %swap3A_9 = vector.load %arg8[%swap3A, %swap3A_7, %swap3A_8] : memref<2x512x128xf32, #tpu.memory_space<vmem>>, vector<2x512x128xf32>
      tpu.vector_store %arg8[%swap3A, %swap3A_7, %swap3A_8], %broadcast_in_dim3A_6 {strides = array<i32>} : memref<2x512x128xf32, #tpu.memory_space<vmem>>, vector<2x512x128xf32>,
    } else {
    }
    %lt3A = arith.constant 320 : i32
    %lt3A_2 = arith.cmpi slt, %arg0, %lt3A : i32
    %convert_element_type3A_3 = arith.extui %lt3A_2 : i1 to i32
    %cond3A_4 = arith.constant 0 : i32
    %cond3A_5 = arith.cmpi ne, %convert_element_type3A_3, %cond3A_4 : i32
    scf.if %cond3A_5 {
      %get3A = arith.constant 0 : index
      %get3A_6 = arith.constant 0 : index
      %get3A_7 = vector.load %arg1[%get3A, %get3A_6] : memref<512x128xf32, #tpu.memory_space<vmem>>, vector<512x128xf32>
      %get3A_8 = arith.constant 0 : index
      %get3A_9 = arith.constant 0 : index
      %get3A_10 = vector.load %arg2[%get3A_8, %get3A_9] : memref<512x128xi32, #tpu.memory_space<vmem>>, vector<512x128xi32>
      %bitcast_convert_type3A = tpu.bitcast %get3A_10 : vector<512x128xi32> -> vector<512x128xi32>
      %and3A = arith.constant 65535 : i32
      %and3A_11 = vector.broadcast %and3A : i32 to vector<512x128xi32>
      %and3A_12 = arith.andi %bitcast_convert_type3A, %and3A_11 : vector<512x128xi32>
      %convert_element_type3A_13 = arith.trunci %and3A_12 : vector<512x128xi32> to vector<512x128xi16>
      %bitcast_convert_type3A_14 = tpu.bitcast %convert_element_type3A_13 : vector<512x128xi16> -> vector<512x128xbf16>
      %convert_element_type3A_15 = arith.extf %bitcast_convert_type3A_14 : vector<512x128xbf16> to vector<512x128xf32>
      %shift_right_logical3A = arith.constant 16 : i32
      %shift_right_logical3A_16 = vector.broadcast %shift_right_logical3A : i32 to vector<512x128xi32>
      %shift_right_logical3A_17 = arith.shrui %bitcast_convert_type3A, %shift_right_logical3A_16 : vector<512x128xi32>
      %convert_element_type3A_18 = arith.trunci %shift_right_logical3A_17 : vector<512x128xi32> to vector<512x128xi16>
      %bitcast_convert_type3A_19 = tpu.bitcast %convert_element_type3A_18 : vector<512x128xi16> -> vector<512x128xbf16>
      %convert_element_type3A_20 = arith.extf %bitcast_convert_type3A_19 : vector<512x128xbf16> to vector<512x128xf32>
      %get3A_21 = arith.constant 0 : index
      %get3A_22 = arith.constant 0 : index
      %get3A_23 = vector.load %arg3[%get3A_21, %get3A_22] : memref<8x512xf32, #tpu.memory_space<vmem>>, vector<8x512xf32>
      %slice3A = vector.extract_strided_slice %get3A_23 {offsets = [0, 0], sizes = [1, 512], strides = [1, 1]} : vector<8x512xf32> to vector<1x512xf32>
      %slice3A_24 = vector.extract_strided_slice %get3A_23 {offsets = [1, 0], sizes = [1, 512], strides = [1, 1]} : vector<8x512xf32> to vector<1x512xf32>
      %slice3A_25 = vector.extract_strided_slice %get3A_23 {offsets = [2, 0], sizes = [1, 512], strides = [1, 1]} : vector<8x512xf32> to vector<1x512xf32>
      %mul3A = arith.mulf %slice3A, %slice3A : vector<1x512xf32>
      %mul3A_26 = arith.mulf %slice3A_24, %slice3A_24 : vector<1x512xf32>
      %add3A = arith.addf %mul3A, %mul3A_26 : vector<1x512xf32>
      %mul3A_27 = arith.mulf %slice3A_25, %slice3A_25 : vector<1x512xf32>
      %add3A_28 = arith.addf %add3A, %mul3A_27 : vector<1x512xf32>
      %add3A_29 = arith.constant 9.99999996E-13 : f32
      %add3A_30 = vector.broadcast %add3A_29 : f32 to vector<1x512xf32>
      %add3A_31 = arith.addf %add3A_28, %add3A_30 : vector<1x512xf32>
      %sqrt3A = math.sqrt %add3A_31 : vector<1x512xf32>
      %add3A_32 = arith.constant 9.99999971E-10 : f32
      %add3A_33 = vector.broadcast %add3A_32 : f32 to vector<1x512xf32>
      %add3A_34 = arith.addf %sqrt3A, %add3A_33 : vector<1x512xf32>
      %div3A = arith.constant 1.000000e+00 : f32
      %div3A_35 = vector.broadcast %div3A : f32 to vector<1x512xf32>
      %div3A_36 = arith.divf %div3A_35, %add3A_34 : vector<1x512xf32>
      %mul3A_37 = arith.mulf %slice3A, %div3A_36 : vector<1x512xf32>
      %mul3A_38 = arith.mulf %slice3A_24, %div3A_36 : vector<1x512xf32>
      %mul3A_39 = arith.mulf %slice3A_25, %div3A_36 : vector<1x512xf32>
      %iota3A = tpu.iota {dimensions = array<i32: 0>} : vector<16x512xi32>
      %convert_element_type3A_40 = arith.sitofp %iota3A : vector<16x512xi32> to vector<16x512xf32>
      %mul3A_41 = arith.constant 0.166666672 : f32
      %mul3A_42 = vector.broadcast %mul3A_41 : f32 to vector<16x512xf32>
      %mul3A_43 = arith.mulf %convert_element_type3A_40, %mul3A_42 : vector<16x512xf32>
      %broadcast_in_dim3A = vector.shape_cast %sqrt3A : vector<1x512xf32> to vector<1x512xf32>
      %broadcast_in_dim3A_44 = vector.broadcast %broadcast_in_dim3A : vector<1x512xf32> to vector<16x512xf32>
      %sub3A = arith.subf %broadcast_in_dim3A_44, %mul3A_43 : vector<16x512xf32>
      %mul3A_45 = arith.constant 6.400000e+00 : f32
      %mul3A_46 = vector.broadcast %mul3A_45 : f32 to vector<16x512xf32>
      %mul3A_47 = arith.mulf %sub3A, %mul3A_46 : vector<16x512xf32>
      %mul3A_48 = arith.mulf %mul3A_47, %mul3A_47 : vector<16x512xf32>
      %neg3A = arith.constant 0.000000e+00 : f32
      %neg3A_49 = vector.broadcast %neg3A : f32 to vector<16x512xf32>
      %neg3A_50 = arith.subf %neg3A_49, %mul3A_48 : vector<16x512xf32>
      %exp3A = math.exp %neg3A_50 : vector<16x512xf32>
      %lt3A_51 = arith.constant 2.500000e+00 : f32
      %lt3A_52 = vector.broadcast %lt3A_51 : f32 to vector<1x512xf32>
      %lt3A_53 = arith.cmpf olt, %sqrt3A, %lt3A_52 : vector<1x512xf32>
      %mul3A_54 = arith.constant 1.2566371 : f32
      %mul3A_55 = vector.broadcast %mul3A_54 : f32 to vector<1x512xf32>
      %mul3A_56 = arith.mulf %mul3A_55, %sqrt3A : vector<1x512xf32>
      %cos3A = math.cos %mul3A_56 : vector<1x512xf32>
      %add3A_57 = arith.constant 1.000000e+00 : f32
      %add3A_58 = vector.broadcast %add3A_57 : f32 to vector<1x512xf32>
      %add3A_59 = arith.addf %cos3A, %add3A_58 : vector<1x512xf32>
      %mul3A_60 = arith.constant 5.000000e-01 : f32
      %mul3A_61 = vector.broadcast %mul3A_60 : f32 to vector<1x512xf32>
      %mul3A_62 = arith.mulf %mul3A_61, %add3A_59 : vector<1x512xf32>
      %jit3A = arith.constant 0.000000e+00 : f32
      %broadcast_in_dim3A_63 = vector.broadcast %jit3A : f32 to vector<1x512xf32>
      %select_n3A = arith.select %lt3A_53, %mul3A_62, %broadcast_in_dim3A_63 : vector<1x512xi1>, vector<1x512xf32>
      %mul3A_64 = vector.broadcast %select_n3A : vector<1x512xf32> to vector<16x512xf32>
      %mul3A_65 = arith.mulf %exp3A, %mul3A_64 : vector<16x512xf32>
      %transpose3A = tpu.transpose %mul3A_65, [1, 0] : vector<16x512xf32> -> vector<512x16xf32>
      %get3A_66 = arith.constant 0 : index
      %get3A_67 = arith.constant 0 : index
      %get3A_68 = vector.load %arg4[%get3A_66, %get3A_67] : memref<16x64xf32, #tpu.memory_space<vmem>>, vector<16x64xf32>
      %dot_general3A = arith.constant dense<0.000000e+00> : vector<512x64xf32>
      %dot_general3A_69 = tpu.matmul %transpose3A, %get3A_68, %dot_general3A {dimension_numbers = #tpu.dot_dimension_numbers<[1], [0], [0], [1], [0, 0, 1, 1], [], []>, transpose_lhs_hint = false} : vector<512x16xf32>, vector<16x64xf32>, vector<512x64xf32> -> vector<512x64xf32>
      %neg3A_70 = arith.constant 0.000000e+00 : f32
      %neg3A_71 = vector.broadcast %neg3A_70 : f32 to vector<512x64xf32>
      %neg3A_72 = arith.subf %neg3A_71, %dot_general3A_69 : vector<512x64xf32>
      %exp3A_73 = math.exp %neg3A_72 : vector<512x64xf32>
      %add3A_74 = arith.constant 1.000000e+00 : f32
      %add3A_75 = vector.broadcast %add3A_74 : f32 to vector<512x64xf32>
      %add3A_76 = arith.addf %add3A_75, %exp3A_73 : vector<512x64xf32>
      %div3A_77 = arith.constant 1.000000e+00 : f32
      %div3A_78 = vector.broadcast %div3A_77 : f32 to vector<512x64xf32>
      %div3A_79 = arith.divf %div3A_78, %add3A_76 : vector<512x64xf32>
      %mul3A_80 = arith.mulf %dot_general3A_69, %div3A_79 : vector<512x64xf32>
      %get3A_81 = arith.constant 0 : index
      %get3A_82 = arith.constant 0 : index
      %get3A_83 = vector.load %arg5[%get3A_81, %get3A_82] : memref<64x128xf32, #tpu.memory_space<vmem>>, vector<64x128xf32>
      %dot_general3A_84 = arith.constant dense<0.000000e+00> : vector<512x128xf32>
      %dot_general3A_85 = tpu.matmul %mul3A_80, %get3A_83, %dot_general3A_84 {dimension_numbers = #tpu.dot_dimension_numbers<[1], [0], [0], [1], [0, 0, 1, 1], [], []>, transpose_lhs_hint = false} : vector<512x64xf32>, vector<64x128xf32>, vector<512x128xf32> -> vector<512x128xf32>
      %get3A_86 = arith.constant 0 : index
      %get3A_87 = arith.constant 0 : index
      %get3A_88 = vector.load %arg6[%get3A_86, %get3A_87] : memref<64x128xf32, #tpu.memory_space<vmem>>, vector<64x128xf32>
      %dot_general3A_89 = arith.constant dense<0.000000e+00> : vector<512x128xf32>
      %dot_general3A_90 = tpu.matmul %mul3A_80, %get3A_88, %dot_general3A_89 {dimension_numbers = #tpu.dot_dimension_numbers<[1], [0], [0], [1], [0, 0, 1, 1], [], []>, transpose_lhs_hint = false} : vector<512x64xf32>, vector<64x128xf32>, vector<512x128xf32> -> vector<512x128xf32>
      %broadcast_in_dim3A_91 = arith.constant 1.000000e+00 : f32
      %broadcast_in_dim3A_92 = vector.broadcast %broadcast_in_dim3A_91 : f32 to vector<1x512xf32>
      %mul3A_93 = arith.constant 1.73205078 : f32
      %mul3A_94 = vector.broadcast %mul3A_93 : f32 to vector<1x512xf32>
      %mul3A_95 = arith.mulf %mul3A_94, %mul3A_37 : vector<1x512xf32>
      %mul3A_96 = arith.mulf %mul3A_95, %mul3A_38 : vector<1x512xf32>
      %mul3A_97 = arith.constant 1.73205078 : f32
      %mul3A_98 = vector.broadcast %mul3A_97 : f32 to vector<1x512xf32>
      %mul3A_99 = arith.mulf %mul3A_98, %mul3A_38 : vector<1x512xf32>
      %mul3A_100 = arith.mulf %mul3A_99, %mul3A_39 : vector<1x512xf32>
      %mul3A_101 = arith.constant 3.000000e+00 : f32
      %mul3A_102 = vector.broadcast %mul3A_101 : f32 to vector<1x512xf32>
      %mul3A_103 = arith.mulf %mul3A_102, %mul3A_39 : vector<1x512xf32>
      %mul3A_104 = arith.mulf %mul3A_103, %mul3A_39 : vector<1x512xf32>
      %sub3A_105 = arith.constant 1.000000e+00 : f32
      %sub3A_106 = vector.broadcast %sub3A_105 : f32 to vector<1x512xf32>
      %sub3A_107 = arith.subf %mul3A_104, %sub3A_106 : vector<1x512xf32>
      %mul3A_108 = arith.constant 5.000000e-01 : f32
      %mul3A_109 = vector.broadcast %mul3A_108 : f32 to vector<1x512xf32>
      %mul3A_110 = arith.mulf %mul3A_109, %sub3A_107 : vector<1x512xf32>
      %mul3A_111 = arith.constant 1.73205078 : f32
      %mul3A_112 = vector.broadcast %mul3A_111 : f32 to vector<1x512xf32>
      %mul3A_113 = arith.mulf %mul3A_112, %mul3A_37 : vector<1x512xf32>
      %mul3A_114 = arith.mulf %mul3A_113, %mul3A_39 : vector<1x512xf32>
      %mul3A_115 = arith.mulf %mul3A_37, %mul3A_37 : vector<1x512xf32>
      %mul3A_116 = arith.mulf %mul3A_38, %mul3A_38 : vector<1x512xf32>
      %sub3A_117 = arith.subf %mul3A_115, %mul3A_116 : vector<1x512xf32>
      %mul3A_118 = arith.constant 0.866025388 : f32
      %mul3A_119 = vector.broadcast %mul3A_118 : f32 to vector<1x512xf32>
      %mul3A_120 = arith.mulf %mul3A_119, %sub3A_117 : vector<1x512xf32>
      %broadcast_in_dim3A_121 = arith.constant 0.000000e+00 : f32
      %broadcast_in_dim3A_122 = vector.broadcast %broadcast_in_dim3A_121 : f32 to vector<7x512xf32>
      %concatenate3A = tpu.concatenate %broadcast_in_dim3A_92, %mul3A_37, %mul3A_38, %mul3A_39, %mul3A_96, %mul3A_100, %mul3A_110, %mul3A_114, %mul3A_120, %broadcast_in_dim3A_122 in 0 : vector<1x512xf32>, vector<1x512xf32>, vector<1x512xf32>, vector<1x512xf32>, vector<1x512xf32>, vector<1x512xf32>, vector<1x512xf32>, vector<1x512xf32>, vector<1x512xf32>, vector<7x512xf32> -> vector<16x512xf32>
      %transpose3A_123 = tpu.transpose %concatenate3A, [1, 0] : vector<16x512xf32> -> vector<512x16xf32>
      %get3A_124 = arith.constant 0 : index
      %get3A_125 = arith.constant 0 : index
      %get3A_126 = vector.load %arg7[%get3A_124, %get3A_125] : memref<16x128xf32, #tpu.memory_space<vmem>>, vector<16x128xf32>
      %dot_general3A_127 = arith.constant dense<0.000000e+00> : vector<512x128xf32>
      %dot_general3A_128 = tpu.matmul %transpose3A_123, %get3A_126, %dot_general3A_127 {dimension_numbers = #tpu.dot_dimension_numbers<[1], [0], [0], [1], [0, 0, 1, 1], [], []>, transpose_lhs_hint = false} : vector<512x16xf32>, vector<16x128xf32>, vector<512x128xf32> -> vector<512x128xf32>
      %mul3A_129 = arith.mulf %convert_element_type3A_15, %dot_general3A_85 : vector<512x128xf32>
      %add3A_130 = arith.addf %mul3A_129, %dot_general3A_128 : vector<512x128xf32>
      %mul3A_131 = arith.mulf %convert_element_type3A_20, %dot_general3A_90 : vector<512x128xf32>
      %mul3A_132 = arith.mulf %get3A_7, %add3A_130 : vector<512x128xf32>
      %reduce_sum3A = arith.constant dense<0.000000e+00> : vector<512xf32>
      %reduce_sum3A_133 = vector.multi_reduction <add>, %mul3A_132, %reduce_sum3A [1] : vector<512x128xf32> to vector<512xf32>
      %broadcast_in_dim3A_134 = vector.shape_cast %reduce_sum3A_133 : vector<512xf32> to vector<512x1xf32>
      %mul3A_135 = arith.constant 0.0883883461 : f32
      %mul3A_136 = vector.broadcast %mul3A_135 : f32 to vector<512x1xf32>
      %mul3A_137 = arith.mulf %broadcast_in_dim3A_134, %mul3A_136 : vector<512x1xf32>
      %exp3A_138 = math.exp %mul3A_137 : vector<512x1xf32>
      %broadcast_in_dim3A_139 = arith.constant 0.000000e+00 : f32
      %broadcast_in_dim3A_140 = vector.broadcast %broadcast_in_dim3A_139 : f32 to vector<512x63xf32>
      %slice3A_141 = vector.extract_strided_slice %mul3A_131 {offsets = [0, 0], sizes = [512, 64], strides = [1, 1]} : vector<512x128xf32> to vector<512x64xf32>
      %mul3A_142 = vector.broadcast %exp3A_138 : vector<512x1xf32> to vector<512x64xf32>
      %mul3A_143 = arith.mulf %mul3A_142, %slice3A_141 : vector<512x64xf32>
      %concatenate3A_144 = tpu.concatenate %mul3A_143, %exp3A_138, %broadcast_in_dim3A_140 in 1 : vector<512x64xf32>, vector<512x1xf32>, vector<512x63xf32> -> vector<512x128xf32>
      %swap3A = arith.constant 0 : index
      %swap3A_145 = arith.constant 0 : index
      %swap3A_146 = arith.constant 0 : index
      %swap3A_147 = vector.load %arg8[%swap3A, %swap3A_145, %swap3A_146] : memref<2x512x128xf32, #tpu.memory_space<vmem>>, vector<1x512x128xf32>
      %swap3A_148 = vector.shape_cast %swap3A_147 : vector<1x512x128xf32> to vector<512x128xf32>
      %swap3A_149 = vector.shape_cast %concatenate3A_144 : vector<512x128xf32> to vector<1x512x128xf32>
      tpu.vector_store %arg8[%swap3A, %swap3A_145, %swap3A_146], %swap3A_149 {strides = array<i32>} : memref<2x512x128xf32, #tpu.memory_space<vmem>>, vector<1x512x128xf32>,
      %slice3A_150 = vector.extract_strided_slice %mul3A_131 {offsets = [0, 64], sizes = [512, 64], strides = [1, 1]} : vector<512x128xf32> to vector<512x64xf32>
      %mul3A_151 = vector.broadcast %exp3A_138 : vector<512x1xf32> to vector<512x64xf32>
      %mul3A_152 = arith.mulf %mul3A_151, %slice3A_150 : vector<512x64xf32>
      %concatenate3A_153 = tpu.concatenate %mul3A_152, %exp3A_138, %broadcast_in_dim3A_140 in 1 : vector<512x64xf32>, vector<512x1xf32>, vector<512x63xf32> -> vector<512x128xf32>
      %swap3A_154 = arith.constant 1 : index
      %swap3A_155 = arith.constant 0 : index
      %swap3A_156 = arith.constant 0 : index
      %swap3A_157 = vector.load %arg8[%swap3A_154, %swap3A_155, %swap3A_156] : memref<2x512x128xf32, #tpu.memory_space<vmem>>, vector<1x512x128xf32>
      %swap3A_158 = vector.shape_cast %swap3A_157 : vector<1x512x128xf32> to vector<512x128xf32>
      %swap3A_159 = vector.shape_cast %concatenate3A_153 : vector<512x128xf32> to vector<1x512x128xf32>
      tpu.vector_store %arg8[%swap3A_154, %swap3A_155, %swap3A_156], %swap3A_159 {strides = array<i32>} : memref<2x512x128xf32, #tpu.memory_space<vmem>>, vector<1x512x128xf32>,
    } else {
    }
    return
  }
  func.func @transform_0(%arg0: i32) -> (i32, i32) {
    %c0_i32 = arith.constant 0 : i32
    %c0_i32_0 = arith.constant 0 : i32
    return %arg0, %c0_i32 : i32, i32
  }
  func.func @transform_1(%arg0: i32) -> (i32, i32) {
    %c0_i32 = arith.constant 0 : i32
    %c0_i32_0 = arith.constant 0 : i32
    return %arg0, %c0_i32 : i32, i32
  }
  func.func @transform_2(%arg0: i32) -> (i32, i32) {
    %c0_i32 = arith.constant 0 : i32
    %c0_i32_0 = arith.constant 0 : i32
    return %c0_i32, %arg0 : i32, i32
  }
  func.func @transform_3(%arg0: i32) -> (i32, i32) {
    %c0_i32 = arith.constant 0 : i32
    %c0_i32_0 = arith.constant 0 : i32
    %c0_i32_1 = arith.constant 0 : i32
    return %c0_i32, %c0_i32_0 : i32, i32
  }
  func.func @transform_4(%arg0: i32) -> (i32, i32) {
    %c0_i32 = arith.constant 0 : i32
    %c0_i32_0 = arith.constant 0 : i32
    %c0_i32_1 = arith.constant 0 : i32
    return %c0_i32, %c0_i32_0 : i32, i32
  }
  func.func @transform_5(%arg0: i32) -> (i32, i32) {
    %c0_i32 = arith.constant 0 : i32
    %c0_i32_0 = arith.constant 0 : i32
    %c0_i32_1 = arith.constant 0 : i32
    return %c0_i32, %c0_i32_0 : i32, i32
  }
  func.func @transform_6(%arg0: i32) -> (i32, i32) {
    %c0_i32 = arith.constant 0 : i32
    %c0_i32_0 = arith.constant 0 : i32
    %c0_i32_1 = arith.constant 0 : i32
    return %c0_i32, %c0_i32_0 : i32, i32
  }
  func.func @transform_7(%arg0: i32) -> (i32, i32, i32) {
    %c0_i32 = arith.constant 0 : i32
    %c0_i32_0 = arith.constant 0 : i32
    %c0_i32_1 = arith.constant 0 : i32
    return %c0_i32, %arg0, %c0_i32_0 : i32, i32, i32
  }
}

module attributes {stable_mosaic.version = 14 : i64} {
  func.func @_node1_body(%arg0: i32, %arg1: memref<2x1024x128xf32, #tpu.memory_space<vmem>>, %arg2: memref<128x128xf32, #tpu.memory_space<vmem>>, %arg3: memref<128x128xf32, #tpu.memory_space<vmem>>, %arg4: memref<128x128xf32, #tpu.memory_space<vmem>>, %arg5: memref<1024x128xf32, #tpu.memory_space<vmem>>, %arg6: memref<1024x128xi32, #tpu.memory_space<vmem>>) attributes {dimension_semantics = [#tpu.dimension_semantics<arbitrary>], iteration_bounds = array<i64: 10>, scalar_prefetch = 0 : i64, scratch_operands = 0 : i64, tpu.core_type = #tpu.core_type<tc>, window_params = [{transform_indices = @transform_0, window_bounds = array<i64: 2, 1024, 128>}, {pipeline_mode = #tpu.pipeline_mode<synchronous>, transform_indices = @transform_1, window_bounds = array<i64: 128, 128>}, {pipeline_mode = #tpu.pipeline_mode<synchronous>, transform_indices = @transform_2, window_bounds = array<i64: 128, 128>}, {pipeline_mode = #tpu.pipeline_mode<synchronous>, transform_indices = @transform_3, window_bounds = array<i64: 128, 128>}, {transform_indices = @transform_4, window_bounds = array<i64: 1024, 128>}, {transform_indices = @transform_5, window_bounds = array<i64: 1024, 128>}]} {
    %get3A = arith.constant 0 : index
    %get3A_0 = arith.constant 0 : index
    %get3A_1 = arith.constant 0 : index
    %get3A_2 = vector.load %arg1[%get3A, %get3A_0, %get3A_1] : memref<2x1024x128xf32, #tpu.memory_space<vmem>>, vector<1x1024x128xf32>
    %get3A_3 = vector.shape_cast %get3A_2 : vector<1x1024x128xf32> to vector<1024x128xf32>
    %get3A_4 = arith.constant 1 : index
    %get3A_5 = arith.constant 0 : index
    %get3A_6 = arith.constant 0 : index
    %get3A_7 = vector.load %arg1[%get3A_4, %get3A_5, %get3A_6] : memref<2x1024x128xf32, #tpu.memory_space<vmem>>, vector<1x1024x128xf32>
    %get3A_8 = vector.shape_cast %get3A_7 : vector<1x1024x128xf32> to vector<1024x128xf32>
    %slice3A = vector.extract_strided_slice %get3A_3 {offsets = [0, 64], sizes = [1024, 1], strides = [1, 1]} : vector<1024x128xf32> to vector<1024x1xf32>
    %slice3A_9 = vector.extract_strided_slice %get3A_3 {offsets = [0, 0], sizes = [1024, 64], strides = [1, 1]} : vector<1024x128xf32> to vector<1024x64xf32>
    %slice3A_10 = vector.extract_strided_slice %get3A_8 {offsets = [0, 0], sizes = [1024, 64], strides = [1, 1]} : vector<1024x128xf32> to vector<1024x64xf32>
    %concatenate3A = tpu.concatenate %slice3A_9, %slice3A_10 in 1 : vector<1024x64xf32>, vector<1024x64xf32> -> vector<1024x128xf32>
    %add3A = arith.constant 9.99999971E-10 : f32
    %add3A_11 = vector.broadcast %add3A : f32 to vector<1024x1xf32>
    %add3A_12 = arith.addf %slice3A, %add3A_11 : vector<1024x1xf32>
    %div3A = arith.constant 1.000000e+00 : f32
    %div3A_13 = vector.broadcast %div3A : f32 to vector<1024x1xf32>
    %div3A_14 = arith.divf %div3A_13, %add3A_12 : vector<1024x1xf32>
    %mul3A = vector.broadcast %div3A_14 : vector<1024x1xf32> to vector<1024x128xf32>
    %mul3A_15 = arith.mulf %concatenate3A, %mul3A : vector<1024x128xf32>
    %get3A_16 = arith.constant 0 : index
    %get3A_17 = arith.constant 0 : index
    %get3A_18 = vector.load %arg2[%get3A_16, %get3A_17] : memref<128x128xf32, #tpu.memory_space<vmem>>, vector<128x128xf32>
    %dot_general3A = arith.constant dense<0.000000e+00> : vector<1024x128xf32>
    %dot_general3A_19 = tpu.matmul %mul3A_15, %get3A_18, %dot_general3A {dimension_numbers = #tpu.dot_dimension_numbers<[1], [0], [0], [1], [0, 0, 1, 1], [], []>, transpose_lhs_hint = false} : vector<1024x128xf32>, vector<128x128xf32>, vector<1024x128xf32> -> vector<1024x128xf32>
    %get3A_20 = arith.constant 0 : index
    %get3A_21 = arith.constant 0 : index
    %get3A_22 = vector.load %arg3[%get3A_20, %get3A_21] : memref<128x128xf32, #tpu.memory_space<vmem>>, vector<128x128xf32>
    %dot_general3A_23 = arith.constant dense<0.000000e+00> : vector<1024x128xf32>
    %dot_general3A_24 = tpu.matmul %mul3A_15, %get3A_22, %dot_general3A_23 {dimension_numbers = #tpu.dot_dimension_numbers<[1], [0], [0], [1], [0, 0, 1, 1], [], []>, transpose_lhs_hint = false} : vector<1024x128xf32>, vector<128x128xf32>, vector<1024x128xf32> -> vector<1024x128xf32>
    %get3A_25 = arith.constant 0 : index
    %get3A_26 = arith.constant 0 : index
    %get3A_27 = vector.load %arg4[%get3A_25, %get3A_26] : memref<128x128xf32, #tpu.memory_space<vmem>>, vector<128x128xf32>
    %dot_general3A_28 = arith.constant dense<0.000000e+00> : vector<1024x128xf32>
    %dot_general3A_29 = tpu.matmul %mul3A_15, %get3A_27, %dot_general3A_28 {dimension_numbers = #tpu.dot_dimension_numbers<[1], [0], [0], [1], [0, 0, 1, 1], [], []>, transpose_lhs_hint = false} : vector<1024x128xf32>, vector<128x128xf32>, vector<1024x128xf32> -> vector<1024x128xf32>
    %convert_element_type3A = arith.truncf %dot_general3A_24 : vector<1024x128xf32> to vector<1024x128xbf16>
    %bitcast_convert_type3A = tpu.bitcast %convert_element_type3A : vector<1024x128xbf16> -> vector<1024x128xi16>
    %convert_element_type3A_30 = arith.truncf %dot_general3A_29 : vector<1024x128xf32> to vector<1024x128xbf16>
    %bitcast_convert_type3A_31 = tpu.bitcast %convert_element_type3A_30 : vector<1024x128xbf16> -> vector<1024x128xi16>
    %convert_element_type3A_32 = arith.extui %bitcast_convert_type3A : vector<1024x128xi16> to vector<1024x128xi32>
    %convert_element_type3A_33 = arith.extui %bitcast_convert_type3A_31 : vector<1024x128xi16> to vector<1024x128xi32>
    %shift_left3A = arith.constant 16 : i32
    %shift_left3A_34 = vector.broadcast %shift_left3A : i32 to vector<1024x128xi32>
    %shift_left3A_35 = arith.shli %convert_element_type3A_33, %shift_left3A_34 : vector<1024x128xi32>
    %or3A = arith.ori %convert_element_type3A_32, %shift_left3A_35 : vector<1024x128xi32>
    %swap3A = arith.constant 0 : index
    %swap3A_36 = arith.constant 0 : index
    %swap3A_37 = vector.load %arg5[%swap3A, %swap3A_36] : memref<1024x128xf32, #tpu.memory_space<vmem>>, vector<1024x128xf32>
    tpu.vector_store %arg5[%swap3A, %swap3A_36], %dot_general3A_19 {strides = array<i32>} : memref<1024x128xf32, #tpu.memory_space<vmem>>, vector<1024x128xf32>,
    %bitcast_convert_type3A_38 = tpu.bitcast %or3A : vector<1024x128xi32> -> vector<1024x128xi32>
    %swap3A_39 = arith.constant 0 : index
    %swap3A_40 = arith.constant 0 : index
    %swap3A_41 = vector.load %arg6[%swap3A_39, %swap3A_40] : memref<1024x128xi32, #tpu.memory_space<vmem>>, vector<1024x128xi32>
    tpu.vector_store %arg6[%swap3A_39, %swap3A_40], %bitcast_convert_type3A_38 {strides = array<i32>} : memref<1024x128xi32, #tpu.memory_space<vmem>>, vector<1024x128xi32>,
    return
  }
  func.func @transform_0(%arg0: i32) -> (i32, i32, i32) {
    %c0_i32 = arith.constant 0 : i32
    %c0_i32_0 = arith.constant 0 : i32
    %c0_i32_1 = arith.constant 0 : i32
    return %c0_i32, %arg0, %c0_i32_0 : i32, i32, i32
  }
  func.func @transform_1(%arg0: i32) -> (i32, i32) {
    %c0_i32 = arith.constant 0 : i32
    %c0_i32_0 = arith.constant 0 : i32
    %c0_i32_1 = arith.constant 0 : i32
    return %c0_i32, %c0_i32_0 : i32, i32
  }
  func.func @transform_2(%arg0: i32) -> (i32, i32) {
    %c0_i32 = arith.constant 0 : i32
    %c0_i32_0 = arith.constant 0 : i32
    %c0_i32_1 = arith.constant 0 : i32
    return %c0_i32, %c0_i32_0 : i32, i32
  }
  func.func @transform_3(%arg0: i32) -> (i32, i32) {
    %c0_i32 = arith.constant 0 : i32
    %c0_i32_0 = arith.constant 0 : i32
    %c0_i32_1 = arith.constant 0 : i32
    return %c0_i32, %c0_i32_0 : i32, i32
  }
  func.func @transform_4(%arg0: i32) -> (i32, i32) {
    %c0_i32 = arith.constant 0 : i32
    %c0_i32_0 = arith.constant 0 : i32
    return %arg0, %c0_i32 : i32, i32
  }
  func.func @transform_5(%arg0: i32) -> (i32, i32) {
    %c0_i32 = arith.constant 0 : i32
    %c0_i32_0 = arith.constant 0 : i32
    return %arg0, %c0_i32 : i32, i32
  }
}

module attributes {stable_mosaic.version = 14 : i64} {
  func.func @_pool_body(%arg0: i32, %arg1: memref<2x1024x128xf32, #tpu.memory_space<vmem>>, %arg2: memref<1x1x1024xi32, #tpu.memory_space<vmem>>, %arg3: memref<64x128xf32, #tpu.memory_space<vmem>>, %arg4: memref<64x256xf32, #tpu.memory_space<vmem>>) attributes {dimension_semantics = [#tpu.dimension_semantics<arbitrary>], iteration_bounds = array<i64: 10>, scalar_prefetch = 0 : i64, scratch_operands = 1 : i64, tpu.core_type = #tpu.core_type<tc>, window_params = [{transform_indices = @transform_0, window_bounds = array<i64: 2, 1024, 128>}, {transform_indices = @transform_1, window_bounds = array<i64: 1, 1, 1024>}, {pipeline_mode = #tpu.pipeline_mode<synchronous>, transform_indices = @transform_2, window_bounds = array<i64: 64, 128>}]} {
    %eq3A = arith.constant 0 : i32
    %eq3A_0 = arith.cmpi eq, %arg0, %eq3A : i32
    %convert_element_type3A = arith.extui %eq3A_0 : i1 to i32
    %cond3A = arith.constant 0 : i32
    %cond3A_1 = arith.cmpi ne, %convert_element_type3A, %cond3A : i32
    scf.if %cond3A_1 {
      %broadcast_in_dim3A_43 = arith.constant 0.000000e+00 : f32
      %broadcast_in_dim3A_44 = vector.broadcast %broadcast_in_dim3A_43 : f32 to vector<64x256xf32>
      %swap3A_45 = arith.constant 0 : index
      %swap3A_46 = arith.constant 0 : index
      %swap3A_47 = vector.load %arg4[%swap3A_45, %swap3A_46] : memref<64x256xf32, #tpu.memory_space<vmem>>, vector<64x256xf32>
      tpu.vector_store %arg4[%swap3A_45, %swap3A_46], %broadcast_in_dim3A_44 {strides = array<i32>} : memref<64x256xf32, #tpu.memory_space<vmem>>, vector<64x256xf32>,
    } else {
    }
    %get3A = arith.constant 0 : index
    %get3A_2 = arith.constant 0 : index
    %get3A_3 = arith.constant 0 : index
    %get3A_4 = vector.load %arg1[%get3A, %get3A_2, %get3A_3] : memref<2x1024x128xf32, #tpu.memory_space<vmem>>, vector<1x1024x128xf32>
    %get3A_5 = vector.shape_cast %get3A_4 : vector<1x1024x128xf32> to vector<1024x128xf32>
    %get3A_6 = arith.constant 1 : index
    %get3A_7 = arith.constant 0 : index
    %get3A_8 = arith.constant 0 : index
    %get3A_9 = vector.load %arg1[%get3A_6, %get3A_7, %get3A_8] : memref<2x1024x128xf32, #tpu.memory_space<vmem>>, vector<1x1024x128xf32>
    %get3A_10 = vector.shape_cast %get3A_9 : vector<1x1024x128xf32> to vector<1024x128xf32>
    %slice3A = vector.extract_strided_slice %get3A_5 {offsets = [0, 64], sizes = [1024, 1], strides = [1, 1]} : vector<1024x128xf32> to vector<1024x1xf32>
    %slice3A_11 = vector.extract_strided_slice %get3A_5 {offsets = [0, 0], sizes = [1024, 64], strides = [1, 1]} : vector<1024x128xf32> to vector<1024x64xf32>
    %slice3A_12 = vector.extract_strided_slice %get3A_10 {offsets = [0, 0], sizes = [1024, 64], strides = [1, 1]} : vector<1024x128xf32> to vector<1024x64xf32>
    %concatenate3A = tpu.concatenate %slice3A_11, %slice3A_12 in 1 : vector<1024x64xf32>, vector<1024x64xf32> -> vector<1024x128xf32>
    %add3A = arith.constant 9.99999971E-10 : f32
    %add3A_13 = vector.broadcast %add3A : f32 to vector<1024x1xf32>
    %add3A_14 = arith.addf %slice3A, %add3A_13 : vector<1024x1xf32>
    %div3A = arith.constant 1.000000e+00 : f32
    %div3A_15 = vector.broadcast %div3A : f32 to vector<1024x1xf32>
    %div3A_16 = arith.divf %div3A_15, %add3A_14 : vector<1024x1xf32>
    %mul3A = vector.broadcast %div3A_16 : vector<1024x1xf32> to vector<1024x128xf32>
    %mul3A_17 = arith.mulf %concatenate3A, %mul3A : vector<1024x128xf32>
    %get3A_18 = arith.constant 0 : index
    %get3A_19 = arith.constant 0 : index
    %get3A_20 = arith.constant 0 : index
    %get3A_21 = vector.load %arg2[%get3A_18, %get3A_19, %get3A_20] : memref<1x1x1024xi32, #tpu.memory_space<vmem>>, vector<1x1x1024xi32>
    %get3A_22 = vector.shape_cast %get3A_21 : vector<1x1x1024xi32> to vector<1x1024xi32>
    %iota3A = tpu.iota {dimensions = array<i32: 0>} : vector<64x1024xi32>
    %eq3A_23 = vector.broadcast %get3A_22 : vector<1x1024xi32> to vector<64x1024xi32>
    %eq3A_24 = arith.cmpi eq, %iota3A, %eq3A_23 : vector<64x1024xi32>
    %convert_element_type3A_25 = arith.extui %eq3A_24 : vector<64x1024xi1> to vector<64x1024xi32>
    %convert_element_type3A_26 = arith.sitofp %convert_element_type3A_25 : vector<64x1024xi32> to vector<64x1024xf32>
    %broadcast_in_dim3A = arith.constant 1.000000e+00 : f32
    %broadcast_in_dim3A_27 = vector.broadcast %broadcast_in_dim3A : f32 to vector<1024x1xf32>
    %broadcast_in_dim3A_28 = arith.constant 0.000000e+00 : f32
    %broadcast_in_dim3A_29 = vector.broadcast %broadcast_in_dim3A_28 : f32 to vector<1024x127xf32>
    %concatenate3A_30 = tpu.concatenate %mul3A_17, %broadcast_in_dim3A_27, %broadcast_in_dim3A_29 in 1 : vector<1024x128xf32>, vector<1024x1xf32>, vector<1024x127xf32> -> vector<1024x256xf32>
    %get3A_31 = arith.constant 0 : index
    %get3A_32 = arith.constant 0 : index
    %get3A_33 = vector.load %arg4[%get3A_31, %get3A_32] : memref<64x256xf32, #tpu.memory_space<vmem>>, vector<64x256xf32>
    %dot_general3A = arith.constant dense<0.000000e+00> : vector<64x256xf32>
    %dot_general3A_34 = tpu.matmul %convert_element_type3A_26, %concatenate3A_30, %dot_general3A {dimension_numbers = #tpu.dot_dimension_numbers<[1], [0], [0], [1], [0, 0, 1, 1], [], []>, transpose_lhs_hint = false} : vector<64x1024xf32>, vector<1024x256xf32>, vector<64x256xf32> -> vector<64x256xf32>
    %add3A_35 = arith.addf %get3A_33, %dot_general3A_34 : vector<64x256xf32>
    %swap3A = arith.constant 0 : index
    %swap3A_36 = arith.constant 0 : index
    %swap3A_37 = vector.load %arg4[%swap3A, %swap3A_36] : memref<64x256xf32, #tpu.memory_space<vmem>>, vector<64x256xf32>
    tpu.vector_store %arg4[%swap3A, %swap3A_36], %add3A_35 {strides = array<i32>} : memref<64x256xf32, #tpu.memory_space<vmem>>, vector<64x256xf32>,
    %eq3A_38 = arith.constant 9 : i32
    %eq3A_39 = arith.cmpi eq, %arg0, %eq3A_38 : i32
    %convert_element_type3A_40 = arith.extui %eq3A_39 : i1 to i32
    %cond3A_41 = arith.constant 0 : i32
    %cond3A_42 = arith.cmpi ne, %convert_element_type3A_40, %cond3A_41 : i32
    scf.if %cond3A_42 {
      %get3A_43 = arith.constant 0 : index
      %get3A_44 = arith.constant 128 : index
      %get3A_45 = vector.load %arg4[%get3A_43, %get3A_44] : memref<64x256xf32, #tpu.memory_space<vmem>>, vector<64x1xf32>
      %get3A_46 = arith.constant 0 : index
      %get3A_47 = arith.constant 0 : index
      %get3A_48 = vector.load %arg4[%get3A_46, %get3A_47] : memref<64x256xf32, #tpu.memory_space<vmem>>, vector<64x128xf32>
      %max3A = arith.constant 1.000000e+00 : f32
      %max3A_49 = vector.broadcast %max3A : f32 to vector<64x1xf32>
      %max3A_50 = arith.maximumf %get3A_45, %max3A_49 : vector<64x1xf32>
      %div3A_51 = arith.constant 1.000000e+00 : f32
      %div3A_52 = vector.broadcast %div3A_51 : f32 to vector<64x1xf32>
      %div3A_53 = arith.divf %div3A_52, %max3A_50 : vector<64x1xf32>
      %mul3A_54 = vector.broadcast %div3A_53 : vector<64x1xf32> to vector<64x128xf32>
      %mul3A_55 = arith.mulf %get3A_48, %mul3A_54 : vector<64x128xf32>
      %swap3A_56 = arith.constant 0 : index
      %swap3A_57 = arith.constant 0 : index
      %swap3A_58 = vector.load %arg3[%swap3A_56, %swap3A_57] : memref<64x128xf32, #tpu.memory_space<vmem>>, vector<64x128xf32>
      tpu.vector_store %arg3[%swap3A_56, %swap3A_57], %mul3A_55 {strides = array<i32>} : memref<64x128xf32, #tpu.memory_space<vmem>>, vector<64x128xf32>,
    } else {
    }
    return
  }
  func.func @transform_0(%arg0: i32) -> (i32, i32, i32) {
    %c0_i32 = arith.constant 0 : i32
    %c0_i32_0 = arith.constant 0 : i32
    %c0_i32_1 = arith.constant 0 : i32
    return %c0_i32, %arg0, %c0_i32_0 : i32, i32, i32
  }
  func.func @transform_1(%arg0: i32) -> (i32, i32, i32) {
    %c0_i32 = arith.constant 0 : i32
    %c0_i32_0 = arith.constant 0 : i32
    %c0_i32_1 = arith.constant 0 : i32
    return %arg0, %c0_i32, %c0_i32_0 : i32, i32, i32
  }
  func.func @transform_2(%arg0: i32) -> (i32, i32) {
    %c0_i32 = arith.constant 0 : i32
    %c0_i32_0 = arith.constant 0 : i32
    %c0_i32_1 = arith.constant 0 : i32
    return %c0_i32, %c0_i32_0 : i32, i32
  }
}

</mosaic_0001>

<sc_bundles>
// kernel: kernel.18.cloned.1.call-start
scs
__scs_entry_jumppad:
0x0: {  	(pc) =	sbr.rel $0x88, $3  }
0x1: {  	(tag) =	ssettag $0x0;
	lr =	simm.s32 $0x1  }
0x2: {  	[smem:$0x3F8D] =	sst lr;
	_ =	strace $0xD0000000  }
0x3: {  	_ = 	snop  }
0x4: {  	_ = 	snop  }
0x5: {  	_ = 	snop  }
0x6: {  	_ = 	snop  }
0x7: {  	_ = 	snop  }
__scs_overlays_trampoline_lowered:
0x8: {  	[smem:$0x3F9C] =	sst s0  }
0x9: {  	[smem:$0x3F9D] =	sst s1  }
0xa: {  	[smem:$0x3F9E] =	sst s2  }
0xb: {  	[smem:$0x3F9F] =	sst s3  }
0xc: {  	[smem:$0x3FA0] =	sst s4  }
0xd: {  	[smem:$0x3FA1] =	sst s5  }
0xe: {  	[smem:$0x3FA2] =	sst s6  }
0xf: {  	[smem:$0x3FA3] =	sst s7  }
0x10: {  	[smem:$0x3FA4] =	sst s8  }
0x11: {  	[smem:$0x3FA5] =	sst s9;
	s0 =	simm.s32 @!p0 $0x0  }
0x12: {  	s1 =	sld [smem:$0x3F8B];
	s0 =	simm.s32 @p0 $0x1  }
0x13: {  	[smem:$0x3FA6] =	sst s0;
	s0 =	simm.s32 @!p1 $0x0  }
0x14: {  	s2 =	sld [smem:$0x3F8A];
	s0 =	simm.s32 @p1 $0x1  }
0x15: {  	[smem:$0x3FA7] =	sst s0;
	s0 =	simm.s32 @!p2 $0x0  }
0x16: {  	s3 =	sld [smem:$0x3FDB];
	s0 =	simm.s32 @p2 $0x1  }
0x17: {  	s4 =	simm.s32 $0x1BF5;
	[smem:$0x3FA9] =	sst s0  }
0x18: {  	s0 =	sld [smem:$0x3F8C];
	_ =	swait.ge [sflag:s4], $0x0  }
0x19: {  	s7 =	sld [smem:$0x3F8D]  }
0x1a: {  	s8 =	sadd.s32 $0xFFFFE003, lr  }
0x1b: {  	s9 =	sadd.s32 $0xFFFFFEF7, lr;
	s5 =	simm.s32 $0xFFFFFFFF;
	p2 =	slt.u32 s8, $0xFFFFF086  }
0x1c: {  	p1 =	slt.u32 s9, $0xF7A;
	s5 =	simm.s32 @!p2 $0x0  }
0x1d: {  	s5 =	simm.s32 @p1 $0x1;
	p0 =	seq.s32 s7, s2  }
0x1e: {  	s7 =	smul.u32 @!p0 $0xF7A, s2;
	p2 =	seq.s32 @!p0 s5, $0x0  }
0x1f: {  	s9 =	smul.u32 $0xF7A, s1;
	s8 =	simm.s32 @!p0 $0x1BF5;
	p2 =	por !p2, p0  }
0x20: {  	[sflag:s8] =	ssyncset.s32 @!p0 $0xFFFFF086;
	s6 =	sadd.s32 @!p0 s3, s7;
	s7 =	simm.s32 @!p0 $0x108  }
0x21: {  	s3 =	sadd.s32 s3, s9;
	s6 =	sadd.s32 @!p0 $0x88, s6;
	s7 =	simm.s32 @p2 $0x1082  }
0x22: {  	[simem:s7], [sflag:s8] =	dma.local @!p0 [hbm:s6], $0xF7A  }
0x23: {  	s9 =	sor.u32 $0xD0000000, s2;
	s6 =	simm.s32 $0x108;
	_ =	swait.ge @!p0 [sflag:s8], $0x0  }
0x24: {  	s3 =	sadd.s32 $0x88, s3;
	s6 =	simm.s32 @!p1 $0x1082;
	[sflag:s4] =	ssyncset.s32 $0xFFFFF086  }
0x25: {  	[simem:s6], [sflag:s4] =	dma.local [hbm:s3], $0xF7A  }
0x26: {  	[smem:$0x3F8D] =	sst s1;
	(tag) =	ssettag s2;
	_ =	strace s9  }
0x27: {  	s1 =	sld [smem:$0x3F9D]  }
0x28: {  	s2 =	sld [smem:$0x3F9E]  }
0x29: {  	s4 =	sld [smem:$0x3FA0]  }
0x2a: {  	p0 =	seq.s32 s5, $0x0;
	s5 =	sld [smem:$0x3FA1]  }
0x2b: {  	s6 =	sld [smem:$0x3FA2]  }
0x2c: {  	s7 =	sld [smem:$0x3FA3]  }
0x2d: {  	s3 =	simm.s32 $0x108;
	s8 =	sld [smem:$0x3FA4]  }
0x2e: {  	s3 =	simm.s32 @!p0 $0x1082;
	s9 =	sld [smem:$0x3FA5]  }
0x2f: {  	lr =	sadd.s32 s0, s3;
	s0 =	sld [smem:$0x3F9C]  }
0x30: {  	s3 =	sld [smem:$0x3F9F]  }
0x31: {  	[smem:$0x3FA8] =	sst s10  }
0x32: {  	s10 =	sld [smem:$0x3FA6];
	_ =	sdelay $0x3  }
0x33: {  	p0 =	seq.s32 s10, $0x1;
	s10 =	sld [smem:$0x3FA8];
	_ =	sdelay $0x3  }
0x34: {  	[smem:$0x3FA8] =	sst s10  }
0x35: {  	s10 =	sld [smem:$0x3FA7];
	_ =	sdelay $0x3  }
0x36: {  	p1 =	seq.s32 s10, $0x1;
	s10 =	sld [smem:$0x3FA8];
	_ =	sdelay $0x3  }
0x37: {  	[smem:$0x3FA8] =	sst s10  }
0x38: {  	s10 =	sld [smem:$0x3FA9]  }
0x39: {  	_ = 	snop;
	(pc) =	sbr.ind lr, $3  }
0x3a: {  	_ = 	snop  }
0x3b: {  	_ = 	snop  }
0x3c: {  	p2 =	seq.s32 s10, $0x1;
	s10 =	sld [smem:$0x3FA8]  }
0x3d: {  	_ =	shalt  }
0x3e: {  	_ =	shalt  }
0x3f: {  	_ =	shalt  }
0x40: {  	_ =	shalt  }
0x41: {  	_ =	shalt  }
0x42: {  	_ =	shalt  }
0x43: {  	_ =	shalt  }
0x44: {  	_ =	shalt  }
0x45: {  	_ =	shalt  }
0x46: {  	_ =	shalt  }
0x47: {  	_ =	shalt  }
0x48: {  	_ =	shalt  }
0x49: {  	_ =	shalt  }
0x4a: {  	_ =	shalt  }
0x4b: {  	_ =	shalt  }
0x4c: {  	_ =	shalt  }
0x4d: {  	_ =	shalt  }
0x4e: {  	_ =	shalt  }
0x4f: {  	_ =	shalt  }
0x50: {  	_ =	shalt  }
0x51: {  	_ =	shalt  }
0x52: {  	_ =	shalt  }
0x53: {  	_ =	shalt  }
0x54: {  	_ =	shalt  }
0x55: {  	_ =	shalt  }
0x56: {  	_ =	shalt  }
0x57: {  	_ =	shalt  }
0x58: {  	_ =	shalt  }
0x59: {  	_ =	shalt  }
0x5a: {  	_ =	shalt  }
0x5b: {  	_ =	shalt  }
0x5c: {  	_ =	shalt  }
0x5d: {  	_ =	shalt  }
0x5e: {  	_ =	shalt  }
0x5f: {  	_ =	shalt  }
0x60: {  	_ =	shalt  }
0x61: {  	_ =	shalt  }
0x62: {  	_ =	shalt  }
0x63: {  	_ =	shalt  }
0x64: {  	_ =	shalt  }
0x65: {  	_ =	shalt  }
0x66: {  	_ =	shalt  }
0x67: {  	_ =	shalt  }
0x68: {  	_ =	shalt  }
0x69: {  	_ =	shalt  }
0x6a: {  	_ =	shalt  }
0x6b: {  	_ =	shalt  }
0x6c: {  	_ =	shalt  }
0x6d: {  	_ =	shalt  }
0x6e: {  	_ =	shalt  }
0x6f: {  	_ =	shalt  }
0x70: {  	_ =	shalt  }
0x71: {  	_ =	shalt  }
0x72: {  	_ =	shalt  }
0x73: {  	_ =	shalt  }
0x74: {  	_ =	shalt  }
0x75: {  	_ =	shalt  }
0x76: {  	_ =	shalt  }
0x77: {  	_ =	shalt  }
0x78: {  	_ =	shalt  }
0x79: {  	_ =	shalt  }
0x7a: {  	_ =	shalt  }
0x7b: {  	_ =	shalt  }
0x7c: {  	_ =	shalt  }
0x7d: {  	_ =	shalt  }
0x7e: {  	_ =	shalt  }
0x7f: {  	_ =	shalt  }
0x80: {  	_ =	shalt  }
0x81: {  	_ =	shalt  }
0x82: {  	_ =	shalt  }
0x83: {  	_ =	shalt  }
0x84: {  	_ =	shalt  }
0x85: {  	_ =	shalt  }
0x86: {  	_ =	shalt  }
0x87: {  	_ =	shalt  }
.Lfunc_end0:
.L_simem_size_0:
called_computation_lowered:
.L_overlay_start_0:
0x88: {  	s2 =	sld [smem:$0x3FD9]  }
0x89: {  	s3 =	sld [smem:$0x3FFE];
	_ =	sdelay $0x1  }
0x8a: {  	s1 =	srdreg.scid  }
0x8b: {  	s0 =	sand.u32 $0x1, s1  }
0x8c: {  	s16 =	sshll.u32 s0, $0xA;
	s2 =	sadd.s32 s3, s2  }
0x8d: {  	s2 =	sadd.s32 s2, s16  }
0x8e: {  	[smem:$0x3FB4] =	sst s2  }
0x8f: {  	_ = 	snop  }
0x90: {  	(tm) =	ssettm $0x1  }
0x91: {  	s17 =	sld [smem:$0x3FFB];
	_ =	sdelay $0x3  }
0x92: {  	_ =	strace s17  }
0x93: {  	s2 =	sld [smem:$0x3FFC];
	_ =	sdelay $0x3  }
0x94: {  	_ =	strace s2  }
0x95: {  	s2 =	sld [smem:$0x3FFD];
	_ =	sdelay $0x3  }
0x96: {  	_ =	strace s2  }
0x97: {  	_ =	strace $0x8FFFFFFF  }
0x98: {  	s18 =	sld [smem:$0x3FDB];
	_ =	sdelay $0x1  }
0x99: {  	s19 =	simm.s32 $_scs_section_size  }
0x9a: {  	s4 =	simm.s32 $_size__tile_overlayer_lowered;
	s5 =	simm.s32 $_tile_overlayer_lowered  }
0x9b: {  	s22 =	simm.s32 $0x1BFF;
	s21 =	sshll.u32 s5, $0x1;
	s2 =	sadd.s32 s19, s18  }
0x9c: {  	s6 =	simm.s32 $0x0;
	s20 =	sshll.u32 s4, $0x1;
	s4 =	sadd.s32 s21, s2  }
0x9d: {  	[timem:s6], [sflag:s22] =	dma.local [hbm:s4], s20  }
0x9e: {  	_ =	swait.ge [sflag:s22], s20  }
0x9f: {  	s3 =	ssub.s32 $0x0, s20;
	[sflag:s22] =	ssyncset.done $0x0  }
0xa0: {  	[sflag:s22] =	ssyncadd.s32 s3;
	_ =	sdelay $0x1  }
0xa1: {  	s23 =	simm.s32 $0x1B8B  }
0xa2: {  	_ =	swait.ge [sflag:s23], $0x1  }
0xa3: {  	[sflag:s23] =	ssyncset.done $0x0  }
0xa4: {  	s25 =	simm.s32 $0x1B8E;
	s24 =	sld [smem:$0x3FFE];
	[sflag:s23] =	ssyncadd.s32 $0xFFFFFFFF  }
0xa5: {  	s26 =	simm.s32 $execute0_lowered;
	[smem:$0x3FD2] =	sst s25  }
0xa6: {  	s4 =	sshll.u32 s26, $0x1;
	_ =	strace $0x80000046;
	[dreg:$0x1] =	wrdreg $0xFFFFFFFF  }
0xa7: {  	s28 =	simm.s32 $_size_execute0_lowered;
	s2 =	sadd.s32 s2, s4;
	[dreg:$0x0] =	wrdreg $0x0  }
0xa8: {  	s4 =	sshll.u32 s28, $0x1;
	[dreg:$0x2] =	wrdreg s2  }
0xa9: {  	[dreg:$0x3] =	wrdreg s4  }
0xaa: {  	[dreg:$0x4] =	wrdreg $0xC0  }
0xab: {  	_ =	task [dreg:s6], $0x5FFFF  }
0xac: {  	[dreg:$0x1] =	wrdreg $0xFFFFFFFF  }
0xad: {  	[dreg:$0x0] =	wrdreg $0x60  }
0xae: {  	[dreg:$0x2] =	wrdreg s24  }
0xaf: {  	[dreg:$0x3] =	wrdreg $0xA  }
0xb0: {  	_ =	task.clear_ibuf [dreg:s6], $0x4FFFF;
	_ =	strace $0x90000046  }
0xb1: {  	s29 =	simm.s32 $0xA;
	_ =	strace $0x80000048  }
0xb2: {  	_ =	swait.ge [sflag:s29], $0x1  }
0xb3: {  	[sflag:s29] =	ssyncadd.s32 $0xFFFFFFFF  }
0xb4: {  	_ =	strace $0x90000048  }
0xb5: {  	_ =	sfence  }
0xb6: {  	s30 =	sld [smem:$0x0];
	_ =	sdelay $0x2  }
0xb7: {  	s31 =	sshll.u32 s1, $0xD;
	s1 =	sshrl.u32 s1, $0x2  }
0xb8: {  	s3 =	sand.u32 $0x4000, s31;
	s1 =	sadd.s32 s1, s30  }
0xb9: {  	s0 =	sor.u32 s3, s0;
	s1 =	sshll.u32 s1, $0x11  }
0xba: {  	s0 =	sor.u32 s1, s0  }
0xbb: {  	s0 =	sadd.s32 $0x8F2B, s0  }
0xbc: {  	[sflag:s0] =	ssyncadd.remote.s32 $0x1  }
0xbd: {  	_ =	sfence.sel $0xFFFF  }
0xbe: {  	[dreg:$0x0] =	wrdreg $0xFFFFFFFF;
	(pc) =	sbr.abs _section_cstart, $3  }
0xbf: {  	[dreg:$0x1] =	wrdreg $0xFFFFFFFF  }
0xc0: {  	_ =	task.clear_ibuf [dreg:s6], $0x2FFFF;
	_ =	strace $0x9FFFFFFF  }
0xc1: {  	(tm) =	ssettm $0x7FFFFFFF  }
tec
execute0_lowered:
.L_overlay_start_1:
0x0: {  	(tag) =	ssettag $0x1  }
0x1: {  	s6 =	rddreg [dreg:$0x0]  }
0x2: {  	s0 =	rddreg [dreg:$0x1];
	s1 =	simm.s32 $0x0;
	s5 =	srdreg.scid  }
0x3: {  	s2 =	stileid.u32;
	s12 =	simm.s32 $0x5000;
	s13 =	simm.s32 $0x7800  }
0x4: {  	s14 =	simm.s32 $0x7880;
	s15 =	simm.s32 $0x7900;
	s16 =	simm.s32 $0x7980  }
0x5: {  	s17 =	simm.s32 $0x7A00;
	s18 =	simm.s32 $0x0;
	[smem:$0x7FF] =	sst s1  }
0x6: {  	s3 =	sadd.s32 $0x1C800, s6;
	s4 =	sadd.s32 $0x1C200, s6;
	s5 =	sand.u32 $0x1, s5  }
0x7: {  	s7 =	sshll.u32 s2, $0x8;
	_ =	strace $0x80000047;
	s8 =	sshll.u32 s5, $0x7  }
0x8: {  	s9 =	ssub.s32 $0x2, s5;
	s5 =	sadd.s32 $0x1BC00, s6;
	s10 =	sor.u32 s8, s7  }
0x9: {  	s11 =	sshrl.u32 s9, $0x1;
	s7 =	sadd.s32 s7, s6;
	s10 =	sshrl.u32 s10, $0x3  }
0xa: {  	s9 =	ssub.s32 s9, s11;
	s7 =	sadd.s32 s8, s7;
	s11 =	simm.s32 $0x2800  }
0xb: {  	s10 =	sadd.s32 s10, s6;
	s6 =	smax.u32 s9, $0x1;
	s7 =	sadd.s32 $0x1CE00, s7  }
0xc: {  	s8 =	sadd.s32 $0x11E00, s10;
	s9 =	sadd.s32 $0x8000, s10;
	s10 =	simm.s32 $0x1  }
.LBB2_1:
0xd: {  	[tilespmem:s1], [sflag:$0x1] =	stream.linear.gather [hbm4b:s3+s1], $0x2800, $0x38;
	[tilespmem:$0x7A80] =	vst v63  }
0xe: {  	_ =	swait.ge [sflag:s10], $0x2800  }
0xf: {  	[sflag:s10] =	ssyncset.done $0x0  }
0x10: {  	[sflag:s10] =	ssyncadd.s32 $0xFFFFD800  }
0x11: {  	[tilespmem:s11], [sflag:$0x1] =	stream.linear.gather [hbm4b:s4+s1], $0x2800, $0x38;
	[tilespmem:$0x7A80] =	vst v63  }
0x12: {  	_ =	swait.ge [sflag:s10], $0x2800  }
0x13: {  	[sflag:s10] =	ssyncset.done $0x0  }
0x14: {  	[sflag:s10] =	ssyncadd.s32 $0xFFFFD800  }
0x15: {  	[tilespmem:s12], [sflag:$0x1] =	stream.linear.gather [hbm4b:s5+s1], $0x2800, $0x38;
	[tilespmem:$0x7A80] =	vst v63  }
0x16: {  	_ =	swait.ge [sflag:s10], $0x2800  }
0x17: {  	[sflag:s10] =	ssyncset.done $0x0  }
0x18: {  	[sflag:s10] =	ssyncadd.s32 $0xFFFFD800  }
0x19: {  	[tilespmem:s13], [sflag:$0x1] =	stream.linear.gather [hbm4b:s9+s1], $0x80, $0x38;
	[tilespmem:$0x7A80] =	vst v63  }
0x1a: {  	_ =	swait.ge [sflag:s10], $0x80  }
0x1b: {  	[sflag:s10] =	ssyncset.done $0x0  }
0x1c: {  	[sflag:s10] =	ssyncadd.s32 $0xFFFFFF80  }
0x1d: {  	[tilespmem:s14], [sflag:$0x1] =	stream.linear.gather [hbm4b:s8+s1], $0x80, $0x38;
	[tilespmem:$0x7A80] =	vst v63  }
0x1e: {  	_ =	swait.ge [sflag:s10], $0x80  }
0x1f: {  	[sflag:s10] =	ssyncset.done $0x0  }
0x20: {  	[sflag:s10] =	ssyncadd.s32 $0xFFFFFF80  }
0x21: {  	v0 =	vld [tilespmem:$0x7880]  }
0x22: {  	v1 =	vld [tilespmem:$0x7800];
	_ =	sdelay $0x6  }
0x23: {  	v2 =	vld.idx.msk [tilespmem:v0+s1+$0x0], $0xffff  }
0x24: {  	v3 =	vld.idx.msk [tilespmem:v1+s1+$0x0], $0xffff;
	_ =	sdelay $0x4  }
0x25: {  	v2 =	vsub.f32 v2, v3;
	_ =	sdelay $0x1  }
0x26: {  	[tilespmem:$0x7900] =	vst v2  }
0x27: {  	v2 =	vld.idx.msk [tilespmem:v0+s11+$0x0], $0xffff  }
0x28: {  	v3 =	vld.idx.msk [tilespmem:v1+s11+$0x0], $0xffff;
	_ =	sdelay $0x4  }
0x29: {  	v2 =	vsub.f32 v2, v3;
	_ =	sdelay $0x1  }
0x2a: {  	[tilespmem:$0x7980] =	vst v2;
	v2 =	vld [tilespmem:$0x7890]  }
0x2b: {  	v0 =	vld.idx.msk [tilespmem:v0+s12+$0x0], $0xffff  }
0x2c: {  	v1 =	vld.idx.msk [tilespmem:v1+s12+$0x0], $0xffff  }
0x2d: {  	v3 =	vld [tilespmem:$0x7810];
	_ =	sdelay $0x3  }
0x2e: {  	v0 =	vsub.f32 v0, v1;
	_ =	sdelay $0x1  }
0x2f: {  	[tilespmem:$0x7A00] =	vst v0  }
0x30: {  	v0 =	vld.idx.msk [tilespmem:v2+s1+$0x0], $0xffff  }
0x31: {  	v1 =	vld.idx.msk [tilespmem:v3+s1+$0x0], $0xffff;
	_ =	sdelay $0x4  }
0x32: {  	v0 =	vsub.f32 v0, v1;
	_ =	sdelay $0x1  }
0x33: {  	[tilespmem:$0x7910] =	vst v0  }
0x34: {  	v0 =	vld.idx.msk [tilespmem:v2+s11+$0x0], $0xffff  }
0x35: {  	v1 =	vld.idx.msk [tilespmem:v3+s11+$0x0], $0xffff;
	_ =	sdelay $0x4  }
0x36: {  	v0 =	vsub.f32 v0, v1;
	_ =	sdelay $0x1  }
0x37: {  	[tilespmem:$0x7990] =	vst v0  }
0x38: {  	v0 =	vld.idx.msk [tilespmem:v2+s12+$0x0], $0xffff  }
0x39: {  	v1 =	vld.idx.msk [tilespmem:v3+s12+$0x0], $0xffff  }
0x3a: {  	v2 =	vld [tilespmem:$0x78A0]  }
0x3b: {  	v3 =	vld [tilespmem:$0x7820];
	_ =	sdelay $0x3  }
0x3c: {  	v0 =	vsub.f32 v0, v1;
	_ =	sdelay $0x1  }
0x3d: {  	[tilespmem:$0x7A10] =	vst v0  }
0x3e: {  	v0 =	vld.idx.msk [tilespmem:v2+s1+$0x0], $0xffff  }
0x3f: {  	v1 =	vld.idx.msk [tilespmem:v3+s1+$0x0], $0xffff;
	_ =	sdelay $0x4  }
0x40: {  	v0 =	vsub.f32 v0, v1;
	_ =	sdelay $0x1  }
0x41: {  	[tilespmem:$0x7920] =	vst v0  }
0x42: {  	v0 =	vld.idx.msk [tilespmem:v2+s11+$0x0], $0xffff  }
0x43: {  	v1 =	vld.idx.msk [tilespmem:v3+s11+$0x0], $0xffff;
	_ =	sdelay $0x4  }
0x44: {  	v0 =	vsub.f32 v0, v1;
	_ =	sdelay $0x1  }
0x45: {  	[tilespmem:$0x79A0] =	vst v0  }
0x46: {  	v0 =	vld.idx.msk [tilespmem:v2+s12+$0x0], $0xffff  }
0x47: {  	v1 =	vld.idx.msk [tilespmem:v3+s12+$0x0], $0xffff  }
0x48: {  	v2 =	vld [tilespmem:$0x78B0]  }
0x49: {  	v3 =	vld [tilespmem:$0x7830];
	_ =	sdelay $0x3  }
0x4a: {  	v0 =	vsub.f32 v0, v1;
	_ =	sdelay $0x1  }
0x4b: {  	[tilespmem:$0x7A20] =	vst v0  }
0x4c: {  	v0 =	vld.idx.msk [tilespmem:v2+s1+$0x0], $0xffff  }
0x4d: {  	v1 =	vld.idx.msk [tilespmem:v3+s1+$0x0], $0xffff;
	_ =	sdelay $0x4  }
0x4e: {  	v0 =	vsub.f32 v0, v1;
	_ =	sdelay $0x1  }
0x4f: {  	[tilespmem:$0x7930] =	vst v0  }
0x50: {  	v0 =	vld.idx.msk [tilespmem:v2+s11+$0x0], $0xffff  }
0x51: {  	v1 =	vld.idx.msk [tilespmem:v3+s11+$0x0], $0xffff;
	_ =	sdelay $0x4  }
0x52: {  	v0 =	vsub.f32 v0, v1;
	_ =	sdelay $0x1  }
0x53: {  	[tilespmem:$0x79B0] =	vst v0  }
0x54: {  	v0 =	vld.idx.msk [tilespmem:v2+s12+$0x0], $0xffff  }
0x55: {  	v1 =	vld.idx.msk [tilespmem:v3+s12+$0x0], $0xffff  }
0x56: {  	v2 =	vld [tilespmem:$0x78C0]  }
0x57: {  	v3 =	vld [tilespmem:$0x7840];
	_ =	sdelay $0x3  }
0x58: {  	v0 =	vsub.f32 v0, v1;
	_ =	sdelay $0x1  }
0x59: {  	[tilespmem:$0x7A30] =	vst v0  }
0x5a: {  	v0 =	vld.idx.msk [tilespmem:v2+s1+$0x0], $0xffff  }
0x5b: {  	v1 =	vld.idx.msk [tilespmem:v3+s1+$0x0], $0xffff;
	_ =	sdelay $0x4  }
0x5c: {  	v0 =	vsub.f32 v0, v1;
	_ =	sdelay $0x1  }
0x5d: {  	[tilespmem:$0x7940] =	vst v0  }
0x5e: {  	v0 =	vld.idx.msk [tilespmem:v2+s11+$0x0], $0xffff  }
0x5f: {  	v1 =	vld.idx.msk [tilespmem:v3+s11+$0x0], $0xffff;
	_ =	sdelay $0x4  }
0x60: {  	v0 =	vsub.f32 v0, v1;
	_ =	sdelay $0x1  }
0x61: {  	[tilespmem:$0x79C0] =	vst v0  }
0x62: {  	v0 =	vld.idx.msk [tilespmem:v2+s12+$0x0], $0xffff  }
0x63: {  	v1 =	vld.idx.msk [tilespmem:v3+s12+$0x0], $0xffff  }
0x64: {  	v2 =	vld [tilespmem:$0x78D0]  }
0x65: {  	v3 =	vld [tilespmem:$0x7850];
	_ =	sdelay $0x3  }
0x66: {  	v0 =	vsub.f32 v0, v1;
	_ =	sdelay $0x1  }
0x67: {  	[tilespmem:$0x7A40] =	vst v0  }
0x68: {  	v0 =	vld.idx.msk [tilespmem:v2+s1+$0x0], $0xffff  }
0x69: {  	v1 =	vld.idx.msk [tilespmem:v3+s1+$0x0], $0xffff;
	_ =	sdelay $0x4  }
0x6a: {  	v0 =	vsub.f32 v0, v1;
	_ =	sdelay $0x1  }
0x6b: {  	[tilespmem:$0x7950] =	vst v0  }
0x6c: {  	v0 =	vld.idx.msk [tilespmem:v2+s11+$0x0], $0xffff  }
0x6d: {  	v1 =	vld.idx.msk [tilespmem:v3+s11+$0x0], $0xffff;
	_ =	sdelay $0x4  }
0x6e: {  	v0 =	vsub.f32 v0, v1;
	_ =	sdelay $0x1  }
0x6f: {  	[tilespmem:$0x79D0] =	vst v0  }
0x70: {  	v0 =	vld.idx.msk [tilespmem:v2+s12+$0x0], $0xffff  }
0x71: {  	v1 =	vld.idx.msk [tilespmem:v3+s12+$0x0], $0xffff  }
0x72: {  	v2 =	vld [tilespmem:$0x78E0]  }
0x73: {  	v3 =	vld [tilespmem:$0x7860];
	_ =	sdelay $0x3  }
0x74: {  	v0 =	vsub.f32 v0, v1;
	_ =	sdelay $0x1  }
0x75: {  	[tilespmem:$0x7A50] =	vst v0  }
0x76: {  	v0 =	vld.idx.msk [tilespmem:v2+s1+$0x0], $0xffff  }
0x77: {  	v1 =	vld.idx.msk [tilespmem:v3+s1+$0x0], $0xffff;
	_ =	sdelay $0x4  }
0x78: {  	v0 =	vsub.f32 v0, v1;
	_ =	sdelay $0x1  }
0x79: {  	[tilespmem:$0x7960] =	vst v0  }
0x7a: {  	v0 =	vld.idx.msk [tilespmem:v2+s11+$0x0], $0xffff  }
0x7b: {  	v1 =	vld.idx.msk [tilespmem:v3+s11+$0x0], $0xffff;
	_ =	sdelay $0x4  }
0x7c: {  	v0 =	vsub.f32 v0, v1;
	_ =	sdelay $0x1  }
0x7d: {  	[tilespmem:$0x79E0] =	vst v0;
	v0 =	vld [tilespmem:$0x78F0]  }
0x7e: {  	v2 =	vld.idx.msk [tilespmem:v2+s12+$0x0], $0xffff  }
0x7f: {  	v3 =	vld.idx.msk [tilespmem:v3+s12+$0x0], $0xffff  }
0x80: {  	v1 =	vld [tilespmem:$0x7870];
	_ =	sdelay $0x3  }
0x81: {  	v2 =	vsub.f32 v2, v3;
	_ =	sdelay $0x1  }
0x82: {  	[tilespmem:$0x7A60] =	vst v2  }
0x83: {  	v2 =	vld.idx.msk [tilespmem:v0+s1+$0x0], $0xffff  }
0x84: {  	v3 =	vld.idx.msk [tilespmem:v1+s1+$0x0], $0xffff;
	_ =	sdelay $0x4  }
0x85: {  	v2 =	vsub.f32 v2, v3;
	_ =	sdelay $0x1  }
0x86: {  	[tilespmem:$0x7970] =	vst v2  }
0x87: {  	v2 =	vld.idx.msk [tilespmem:v0+s11+$0x0], $0xffff  }
0x88: {  	v3 =	vld.idx.msk [tilespmem:v1+s11+$0x0], $0xffff  }
0x89: {  	s25 =	sadd.s32 $0x0, s7;
	s19 =	simm.s32 $0x1000;
	s20 =	smov.u32 s8  }
0x8a: {  	s21 =	smov.u32 s9;
	s24 =	sadd.s32 $0x10, s25;
	s23 =	sadd.s32 $0x20, s25  }
.LBB2_2:
0x8b: {  	_ =	sdelay $0x1  }
0x8c: {  	p0 =	sne.s32 s19, $0x4E000;
	s20 =	sadd.s32 $0x200, s20;
	s21 =	sadd.s32 $0x200, s21;
	v2 =	vsub.f32 v2, v3  }
0x8d: {  	s22 =	smov.u32 s19;
	s19 =	sadd.s32 $0x1000, s19  }
0x8e: {  	[tilespmem:$0x79F0] =	vst v2  }
0x8f: {  	v0 =	vld.idx.msk [tilespmem:v0+s12+$0x0], $0xffff  }
0x90: {  	v1 =	vld.idx.msk [tilespmem:v1+s12+$0x0], $0xffff;
	_ =	sdelay $0x5  }
0x91: {  	v0 =	vsub.f32 v0, v1;
	_ =	sdelay $0x1  }
0x92: {  	[tilespmem:$0x7A70] =	vst v0  }
0x93: {  	[hbm4b:s25+s1] =	stream.linear.scatter [tilespmem:s15], [sflag:$0x1], $0x80, $0x38;
	[tilespmem:$0x7A80] =	vst v63  }
0x94: {  	_ =	swait.ge [sflag:s10], $0x80  }
0x95: {  	[sflag:s10] =	ssyncset.done $0x0  }
0x96: {  	[sflag:s10] =	ssyncadd.s32 $0xFFFFFF80  }
0x97: {  	[hbm4b:s24+s1] =	stream.linear.scatter [tilespmem:s16], [sflag:$0x1], $0x80, $0x38;
	[tilespmem:$0x7A80] =	vst v63  }
0x98: {  	_ =	swait.ge [sflag:s10], $0x80  }
0x99: {  	[sflag:s10] =	ssyncset.done $0x0  }
0x9a: {  	[sflag:s10] =	ssyncadd.s32 $0xFFFFFF80  }
0x9b: {  	[hbm4b:s23+s1] =	stream.linear.scatter [tilespmem:s17], [sflag:$0x1], $0x80, $0x38;
	[tilespmem:$0x7A80] =	vst v63  }
0x9c: {  	_ =	swait.ge [sflag:s10], $0x80  }
0x9d: {  	[sflag:s10] =	ssyncset.done $0x0  }
0x9e: {  	[sflag:s10] =	ssyncadd.s32 $0xFFFFFF80  }
0x9f: {  	[tilespmem:s13], [sflag:$0x1] =	stream.linear.gather [hbm4b:s21+s1], $0x80, $0x38;
	[tilespmem:$0x7A80] =	vst v63  }
0xa0: {  	_ =	swait.ge [sflag:s10], $0x80  }
0xa1: {  	[sflag:s10] =	ssyncset.done $0x0  }
0xa2: {  	[sflag:s10] =	ssyncadd.s32 $0xFFFFFF80  }
0xa3: {  	[tilespmem:s14], [sflag:$0x1] =	stream.linear.gather [hbm4b:s20+s1], $0x80, $0x38;
	[tilespmem:$0x7A80] =	vst v63  }
0xa4: {  	_ =	swait.ge [sflag:s10], $0x80  }
0xa5: {  	[sflag:s10] =	ssyncset.done $0x0  }
0xa6: {  	[sflag:s10] =	ssyncadd.s32 $0xFFFFFF80  }
0xa7: {  	v0 =	vld [tilespmem:$0x7880]  }
0xa8: {  	v1 =	vld [tilespmem:$0x7800];
	_ =	sdelay $0x6  }
0xa9: {  	v2 =	vld.idx.msk [tilespmem:v0+s1+$0x0], $0xffff  }
0xaa: {  	v3 =	vld.idx.msk [tilespmem:v1+s1+$0x0], $0xffff;
	_ =	sdelay $0x5  }
0xab: {  	v2 =	vsub.f32 v2, v3;
	_ =	sdelay $0x1  }
0xac: {  	[tilespmem:$0x7900] =	vst v2  }
0xad: {  	v2 =	vld.idx.msk [tilespmem:v0+s11+$0x0], $0xffff  }
0xae: {  	v3 =	vld.idx.msk [tilespmem:v1+s11+$0x0], $0xffff;
	_ =	sdelay $0x5  }
0xaf: {  	v2 =	vsub.f32 v2, v3;
	_ =	sdelay $0x1  }
0xb0: {  	[tilespmem:$0x7980] =	vst v2  }
0xb1: {  	v0 =	vld.idx.msk [tilespmem:v0+s12+$0x0], $0xffff  }
0xb2: {  	v1 =	vld.idx.msk [tilespmem:v1+s12+$0x0], $0xffff  }
0xb3: {  	v2 =	vld [tilespmem:$0x7890]  }
0xb4: {  	v3 =	vld [tilespmem:$0x7810];
	_ =	sdelay $0x3  }
0xb5: {  	v0 =	vsub.f32 v0, v1;
	_ =	sdelay $0x1  }
0xb6: {  	[tilespmem:$0x7A00] =	vst v0  }
0xb7: {  	v0 =	vld.idx.msk [tilespmem:v2+s1+$0x0], $0xffff  }
0xb8: {  	v1 =	vld.idx.msk [tilespmem:v3+s1+$0x0], $0xffff;
	_ =	sdelay $0x5  }
0xb9: {  	v0 =	vsub.f32 v0, v1;
	_ =	sdelay $0x1  }
0xba: {  	[tilespmem:$0x7910] =	vst v0  }
0xbb: {  	v0 =	vld.idx.msk [tilespmem:v2+s11+$0x0], $0xffff  }
0xbc: {  	v1 =	vld.idx.msk [tilespmem:v3+s11+$0x0], $0xffff;
	_ =	sdelay $0x5  }
0xbd: {  	v0 =	vsub.f32 v0, v1;
	_ =	sdelay $0x1  }
0xbe: {  	[tilespmem:$0x7990] =	vst v0  }
0xbf: {  	v0 =	vld.idx.msk [tilespmem:v2+s12+$0x0], $0xffff  }
0xc0: {  	v1 =	vld.idx.msk [tilespmem:v3+s12+$0x0], $0xffff  }
0xc1: {  	v2 =	vld [tilespmem:$0x78A0]  }
0xc2: {  	v3 =	vld [tilespmem:$0x7820];
	_ =	sdelay $0x3  }
0xc3: {  	v0 =	vsub.f32 v0, v1;
	_ =	sdelay $0x1  }
0xc4: {  	[tilespmem:$0x7A10] =	vst v0  }
0xc5: {  	v0 =	vld.idx.msk [tilespmem:v2+s1+$0x0], $0xffff  }
0xc6: {  	v1 =	vld.idx.msk [tilespmem:v3+s1+$0x0], $0xffff;
	_ =	sdelay $0x5  }
0xc7: {  	v0 =	vsub.f32 v0, v1;
	_ =	sdelay $0x1  }
0xc8: {  	[tilespmem:$0x7920] =	vst v0  }
0xc9: {  	v0 =	vld.idx.msk [tilespmem:v2+s11+$0x0], $0xffff  }
0xca: {  	v1 =	vld.idx.msk [tilespmem:v3+s11+$0x0], $0xffff;
	_ =	sdelay $0x5  }
0xcb: {  	v0 =	vsub.f32 v0, v1;
	_ =	sdelay $0x1  }
0xcc: {  	[tilespmem:$0x79A0] =	vst v0  }
0xcd: {  	v0 =	vld.idx.msk [tilespmem:v2+s12+$0x0], $0xffff  }
0xce: {  	v1 =	vld.idx.msk [tilespmem:v3+s12+$0x0], $0xffff  }
0xcf: {  	v2 =	vld [tilespmem:$0x78B0]  }
0xd0: {  	v3 =	vld [tilespmem:$0x7830];
	_ =	sdelay $0x3  }
0xd1: {  	v0 =	vsub.f32 v0, v1;
	_ =	sdelay $0x1  }
0xd2: {  	[tilespmem:$0x7A20] =	vst v0  }
0xd3: {  	v0 =	vld.idx.msk [tilespmem:v2+s1+$0x0], $0xffff  }
0xd4: {  	v1 =	vld.idx.msk [tilespmem:v3+s1+$0x0], $0xffff;
	_ =	sdelay $0x5  }
0xd5: {  	v0 =	vsub.f32 v0, v1;
	_ =	sdelay $0x1  }
0xd6: {  	[tilespmem:$0x7930] =	vst v0  }
0xd7: {  	v0 =	vld.idx.msk [tilespmem:v2+s11+$0x0], $0xffff  }
0xd8: {  	v1 =	vld.idx.msk [tilespmem:v3+s11+$0x0], $0xffff;
	_ =	sdelay $0x5  }
0xd9: {  	v0 =	vsub.f32 v0, v1;
	_ =	sdelay $0x1  }
0xda: {  	[tilespmem:$0x79B0] =	vst v0  }
0xdb: {  	v0 =	vld.idx.msk [tilespmem:v2+s12+$0x0], $0xffff  }
0xdc: {  	v1 =	vld.idx.msk [tilespmem:v3+s12+$0x0], $0xffff  }
0xdd: {  	v2 =	vld [tilespmem:$0x78C0]  }
0xde: {  	v3 =	vld [tilespmem:$0x7840];
	_ =	sdelay $0x3  }
0xdf: {  	v0 =	vsub.f32 v0, v1;
	_ =	sdelay $0x1  }
0xe0: {  	[tilespmem:$0x7A30] =	vst v0  }
0xe1: {  	v0 =	vld.idx.msk [tilespmem:v2+s1+$0x0], $0xffff  }
0xe2: {  	v1 =	vld.idx.msk [tilespmem:v3+s1+$0x0], $0xffff;
	_ =	sdelay $0x5  }
0xe3: {  	v0 =	vsub.f32 v0, v1;
	_ =	sdelay $0x1  }
0xe4: {  	[tilespmem:$0x7940] =	vst v0  }
0xe5: {  	v0 =	vld.idx.msk [tilespmem:v2+s11+$0x0], $0xffff  }
0xe6: {  	v1 =	vld.idx.msk [tilespmem:v3+s11+$0x0], $0xffff;
	_ =	sdelay $0x5  }
0xe7: {  	v0 =	vsub.f32 v0, v1;
	_ =	sdelay $0x1  }
0xe8: {  	[tilespmem:$0x79C0] =	vst v0  }
0xe9: {  	v0 =	vld.idx.msk [tilespmem:v2+s12+$0x0], $0xffff  }
0xea: {  	v1 =	vld.idx.msk [tilespmem:v3+s12+$0x0], $0xffff  }
0xeb: {  	v2 =	vld [tilespmem:$0x78D0]  }
0xec: {  	v3 =	vld [tilespmem:$0x7850];
	_ =	sdelay $0x3  }
0xed: {  	v0 =	vsub.f32 v0, v1;
	_ =	sdelay $0x1  }
0xee: {  	[tilespmem:$0x7A40] =	vst v0  }
0xef: {  	v0 =	vld.idx.msk [tilespmem:v2+s1+$0x0], $0xffff  }
0xf0: {  	v1 =	vld.idx.msk [tilespmem:v3+s1+$0x0], $0xffff;
	_ =	sdelay $0x5  }
0xf1: {  	v0 =	vsub.f32 v0, v1;
	_ =	sdelay $0x1  }
0xf2: {  	[tilespmem:$0x7950] =	vst v0  }
0xf3: {  	v0 =	vld.idx.msk [tilespmem:v2+s11+$0x0], $0xffff  }
0xf4: {  	v1 =	vld.idx.msk [tilespmem:v3+s11+$0x0], $0xffff;
	_ =	sdelay $0x5  }
0xf5: {  	v0 =	vsub.f32 v0, v1;
	_ =	sdelay $0x1  }
0xf6: {  	[tilespmem:$0x79D0] =	vst v0  }
0xf7: {  	v0 =	vld.idx.msk [tilespmem:v2+s12+$0x0], $0xffff  }
0xf8: {  	v1 =	vld.idx.msk [tilespmem:v3+s12+$0x0], $0xffff  }
0xf9: {  	v2 =	vld [tilespmem:$0x78E0]  }
0xfa: {  	v3 =	vld [tilespmem:$0x7860];
	_ =	sdelay $0x3  }
0xfb: {  	v0 =	vsub.f32 v0, v1;
	_ =	sdelay $0x1  }
0xfc: {  	[tilespmem:$0x7A50] =	vst v0  }
0xfd: {  	v0 =	vld.idx.msk [tilespmem:v2+s1+$0x0], $0xffff  }
0xfe: {  	v1 =	vld.idx.msk [tilespmem:v3+s1+$0x0], $0xffff;
	_ =	sdelay $0x5  }
0xff: {  	v0 =	vsub.f32 v0, v1;
	_ =	sdelay $0x1  }
0x100: {  	[tilespmem:$0x7960] =	vst v0  }
0x101: {  	v0 =	vld.idx.msk [tilespmem:v2+s11+$0x0], $0xffff  }
0x102: {  	v1 =	vld.idx.msk [tilespmem:v3+s11+$0x0], $0xffff;
	_ =	sdelay $0x5  }
0x103: {  	v0 =	vsub.f32 v0, v1;
	_ =	sdelay $0x1  }
0x104: {  	[tilespmem:$0x79E0] =	vst v0  }
0x105: {  	v2 =	vld.idx.msk [tilespmem:v2+s12+$0x0], $0xffff  }
0x106: {  	v3 =	vld.idx.msk [tilespmem:v3+s12+$0x0], $0xffff  }
0x107: {  	v0 =	vld [tilespmem:$0x78F0]  }
0x108: {  	v1 =	vld [tilespmem:$0x7870];
	_ =	sdelay $0x3  }
0x109: {  	v2 =	vsub.f32 v2, v3;
	_ =	sdelay $0x1  }
0x10a: {  	[tilespmem:$0x7A60] =	vst v2  }
0x10b: {  	v2 =	vld.idx.msk [tilespmem:v0+s1+$0x0], $0xffff  }
0x10c: {  	v3 =	vld.idx.msk [tilespmem:v1+s1+$0x0], $0xffff;
	_ =	sdelay $0x3  }
0x10d: {  	s25 =	sadd.s32 s22, s7;
	_ =	sdelay $0x1  }
0x10e: {  	v2 =	vsub.f32 v2, v3;
	_ =	sdelay $0x1  }
.Ltmp0:
0x10f: {  	s24 =	sadd.s32 $0x10, s25;
	[tilespmem:$0x7970] =	vst v2;
	(pc) =	sbr.rel @p0 .LBB2_2-.Ltmp0, $3  }
0x110: {  	v2 =	vld.idx.msk [tilespmem:v0+s11+$0x0], $0xffff  }
0x111: {  	v3 =	vld.idx.msk [tilespmem:v1+s11+$0x0], $0xffff;
	_ =	sdelay $0x1  }
0x112: {  	s23 =	sadd.s32 $0x20, s25  }
0x113: {  	_ =	sdelay $0x1  }
0x114: {  	v2 =	vsub.f32 v2, v3;
	_ =	sdelay $0x1  }
0x115: {  	[tilespmem:$0x79F0] =	vst v2  }
0x116: {  	v0 =	vld.idx.msk [tilespmem:v0+s12+$0x0], $0xffff  }
0x117: {  	v1 =	vld.idx.msk [tilespmem:v1+s12+$0x0], $0xffff;
	_ =	sdelay $0x4  }
0x118: {  	v0 =	vsub.f32 v0, v1;
	_ =	sdelay $0x1  }
0x119: {  	[tilespmem:$0x7A70] =	vst v0  }
0x11a: {  	[hbm4b:s25+s1] =	stream.linear.scatter [tilespmem:s15], [sflag:$0x1], $0x80, $0x38;
	[tilespmem:$0x7A80] =	vst v63  }
0x11b: {  	_ =	swait.ge [sflag:s10], $0x80  }
0x11c: {  	[sflag:s10] =	ssyncset.done $0x0  }
0x11d: {  	[sflag:s10] =	ssyncadd.s32 $0xFFFFFF80  }
0x11e: {  	[hbm4b:s24+s1] =	stream.linear.scatter [tilespmem:s16], [sflag:$0x1], $0x80, $0x38;
	[tilespmem:$0x7A80] =	vst v63  }
0x11f: {  	s18 =	sadd.s32 $0x1, s18;
	_ =	swait.ge [sflag:s10], $0x80  }
0x120: {  	p0 =	sne.s32 s18, s6;
	[sflag:s10] =	ssyncset.done $0x0  }
.Ltmp1:
0x121: {  	[sflag:s10] =	ssyncadd.s32 $0xFFFFFF80;
	(pc) =	sbr.rel @p0 .LBB2_1-.Ltmp1, $4  }
0x122: {  	[hbm4b:s23+s1] =	stream.linear.scatter [tilespmem:s17], [sflag:$0x1], $0x80, $0x38;
	[tilespmem:$0x7A80] =	vst v63  }
0x123: {  	_ =	swait.ge [sflag:s10], $0x80  }
0x124: {  	[sflag:s10] =	ssyncset.done $0x0  }
0x125: {  	[sflag:s10] =	ssyncadd.s32 $0xFFFFFF80  }
0x126: {  	_ =	sfence.sel $0x180000  }
0x127: {  	[bflag:$0x0] =	sbarrier.arrive $0xFFFF  }
0x128: {  	p0 =	sne.s32 s2, $0x0;
	_ =	strace $0x90000047  }
0x129: {  	s0 =	sadd.s32 @!p0 $0x100000, s0;
	[bflag:$0x2] =	sbarrier.arrive $0xFFFF  }
0x12a: {  	[sflag:s0] =	ssyncadd.tile.s32 @!p0 $0x1;
	_ =	shalt  }
.Lfunc_end2:
_tile_overlayer_lowered:
.L_overlay_start_2:
0x12b: {  	(tag) =	ssettag $0x2  }
0x12c: {  	s0 =	rddreg [dreg:$0x0];
	s2 =	stileid.u32  }
0x12d: {  	s1 =	rddreg [dreg:$0x1];
	p0 =	sne.s32 s2, $0x0  }
0x12e: {  	s3 =	rddreg [dreg:$0x2];
	[bflag:$0x3] =	sbarrier.arrive $0xFFFF;
	s2 =	simm.s32 @!p0 $0x1C01  }
0x12f: {  	[timem:s3], [sflag:s2] =	dma.local @!p0 [hbm:s0], s1  }
0x130: {  	s0 =	simm.s32 @!p0 $0x1  }
0x131: {  	_ =	swait.ge @!p0 [sflag:s0], s1  }
0x132: {  	s1 =	ssub.s32 @!p0 $0x0, s1;
	[sflag:s0] =	ssyncset.done @!p0 $0x0  }
0x133: {  	[sflag:s0] =	ssyncadd.s32 @!p0 s1  }
0x134: {  	[bflag:$0x3] =	sbarrier.arrive $0xFFFF  }
0x135: {  	_ =	shalt  }

// kernel: kernel.21.cloned.1.call-start
scs
__scs_entry_jumppad:
0x0: {  	(pc) =	sbr.rel $0x88, $3  }
0x1: {  	(tag) =	ssettag $0x0;
	lr =	simm.s32 $0x1  }
0x2: {  	[smem:$0x3F8D] =	sst lr;
	_ =	strace $0xD0000000  }
0x3: {  	_ = 	snop  }
0x4: {  	_ = 	snop  }
0x5: {  	_ = 	snop  }
0x6: {  	_ = 	snop  }
0x7: {  	_ = 	snop  }
__scs_overlays_trampoline_lowered:
0x8: {  	[smem:$0x3F9C] =	sst s0  }
0x9: {  	[smem:$0x3F9D] =	sst s1  }
0xa: {  	[smem:$0x3F9E] =	sst s2  }
0xb: {  	[smem:$0x3F9F] =	sst s3  }
0xc: {  	[smem:$0x3FA0] =	sst s4  }
0xd: {  	[smem:$0x3FA1] =	sst s5  }
0xe: {  	[smem:$0x3FA2] =	sst s6  }
0xf: {  	[smem:$0x3FA3] =	sst s7  }
0x10: {  	[smem:$0x3FA4] =	sst s8  }
0x11: {  	[smem:$0x3FA5] =	sst s9;
	s0 =	simm.s32 @!p0 $0x0  }
0x12: {  	s1 =	sld [smem:$0x3F8B];
	s0 =	simm.s32 @p0 $0x1  }
0x13: {  	[smem:$0x3FA6] =	sst s0;
	s0 =	simm.s32 @!p1 $0x0  }
0x14: {  	s2 =	sld [smem:$0x3F8A];
	s0 =	simm.s32 @p1 $0x1  }
0x15: {  	[smem:$0x3FA7] =	sst s0;
	s0 =	simm.s32 @!p2 $0x0  }
0x16: {  	s3 =	sld [smem:$0x3FDB];
	s0 =	simm.s32 @p2 $0x1  }
0x17: {  	s4 =	simm.s32 $0x1BF5;
	[smem:$0x3FA9] =	sst s0  }
0x18: {  	s0 =	sld [smem:$0x3F8C];
	_ =	swait.ge [sflag:s4], $0x0  }
0x19: {  	s7 =	sld [smem:$0x3F8D]  }
0x1a: {  	s8 =	sadd.s32 $0xFFFFE003, lr  }
0x1b: {  	s9 =	sadd.s32 $0xFFFFFEF7, lr;
	s5 =	simm.s32 $0xFFFFFFFF;
	p2 =	slt.u32 s8, $0xFFFFF086  }
0x1c: {  	p1 =	slt.u32 s9, $0xF7A;
	s5 =	simm.s32 @!p2 $0x0  }
0x1d: {  	s5 =	simm.s32 @p1 $0x1;
	p0 =	seq.s32 s7, s2  }
0x1e: {  	s7 =	smul.u32 @!p0 $0xF7A, s2;
	p2 =	seq.s32 @!p0 s5, $0x0  }
0x1f: {  	s9 =	smul.u32 $0xF7A, s1;
	s8 =	simm.s32 @!p0 $0x1BF5;
	p2 =	por !p2, p0  }
0x20: {  	[sflag:s8] =	ssyncset.s32 @!p0 $0xFFFFF086;
	s6 =	sadd.s32 @!p0 s3, s7;
	s7 =	simm.s32 @!p0 $0x108  }
0x21: {  	s3 =	sadd.s32 s3, s9;
	s6 =	sadd.s32 @!p0 $0x88, s6;
	s7 =	simm.s32 @p2 $0x1082  }
0x22: {  	[simem:s7], [sflag:s8] =	dma.local @!p0 [hbm:s6], $0xF7A  }
0x23: {  	s9 =	sor.u32 $0xD0000000, s2;
	s6 =	simm.s32 $0x108;
	_ =	swait.ge @!p0 [sflag:s8], $0x0  }
0x24: {  	s3 =	sadd.s32 $0x88, s3;
	s6 =	simm.s32 @!p1 $0x1082;
	[sflag:s4] =	ssyncset.s32 $0xFFFFF086  }
0x25: {  	[simem:s6], [sflag:s4] =	dma.local [hbm:s3], $0xF7A  }
0x26: {  	[smem:$0x3F8D] =	sst s1;
	(tag) =	ssettag s2;
	_ =	strace s9  }
0x27: {  	s1 =	sld [smem:$0x3F9D]  }
0x28: {  	s2 =	sld [smem:$0x3F9E]  }
0x29: {  	s4 =	sld [smem:$0x3FA0]  }
0x2a: {  	p0 =	seq.s32 s5, $0x0;
	s5 =	sld [smem:$0x3FA1]  }
0x2b: {  	s6 =	sld [smem:$0x3FA2]  }
0x2c: {  	s7 =	sld [smem:$0x3FA3]  }
0x2d: {  	s3 =	simm.s32 $0x108;
	s8 =	sld [smem:$0x3FA4]  }
0x2e: {  	s3 =	simm.s32 @!p0 $0x1082;
	s9 =	sld [smem:$0x3FA5]  }
0x2f: {  	lr =	sadd.s32 s0, s3;
	s0 =	sld [smem:$0x3F9C]  }
0x30: {  	s3 =	sld [smem:$0x3F9F]  }
0x31: {  	[smem:$0x3FA8] =	sst s10  }
0x32: {  	s10 =	sld [smem:$0x3FA6];
	_ =	sdelay $0x3  }
0x33: {  	p0 =	seq.s32 s10, $0x1;
	s10 =	sld [smem:$0x3FA8];
	_ =	sdelay $0x3  }
0x34: {  	[smem:$0x3FA8] =	sst s10  }
0x35: {  	s10 =	sld [smem:$0x3FA7];
	_ =	sdelay $0x3  }
0x36: {  	p1 =	seq.s32 s10, $0x1;
	s10 =	sld [smem:$0x3FA8];
	_ =	sdelay $0x3  }
0x37: {  	[smem:$0x3FA8] =	sst s10  }
0x38: {  	s10 =	sld [smem:$0x3FA9]  }
0x39: {  	_ = 	snop;
	(pc) =	sbr.ind lr, $3  }
0x3a: {  	_ = 	snop  }
0x3b: {  	_ = 	snop  }
0x3c: {  	p2 =	seq.s32 s10, $0x1;
	s10 =	sld [smem:$0x3FA8]  }
0x3d: {  	_ =	shalt  }
0x3e: {  	_ =	shalt  }
0x3f: {  	_ =	shalt  }
0x40: {  	_ =	shalt  }
0x41: {  	_ =	shalt  }
0x42: {  	_ =	shalt  }
0x43: {  	_ =	shalt  }
0x44: {  	_ =	shalt  }
0x45: {  	_ =	shalt  }
0x46: {  	_ =	shalt  }
0x47: {  	_ =	shalt  }
0x48: {  	_ =	shalt  }
0x49: {  	_ =	shalt  }
0x4a: {  	_ =	shalt  }
0x4b: {  	_ =	shalt  }
0x4c: {  	_ =	shalt  }
0x4d: {  	_ =	shalt  }
0x4e: {  	_ =	shalt  }
0x4f: {  	_ =	shalt  }
0x50: {  	_ =	shalt  }
0x51: {  	_ =	shalt  }
0x52: {  	_ =	shalt  }
0x53: {  	_ =	shalt  }
0x54: {  	_ =	shalt  }
0x55: {  	_ =	shalt  }
0x56: {  	_ =	shalt  }
0x57: {  	_ =	shalt  }
0x58: {  	_ =	shalt  }
0x59: {  	_ =	shalt  }
0x5a: {  	_ =	shalt  }
0x5b: {  	_ =	shalt  }
0x5c: {  	_ =	shalt  }
0x5d: {  	_ =	shalt  }
0x5e: {  	_ =	shalt  }
0x5f: {  	_ =	shalt  }
0x60: {  	_ =	shalt  }
0x61: {  	_ =	shalt  }
0x62: {  	_ =	shalt  }
0x63: {  	_ =	shalt  }
0x64: {  	_ =	shalt  }
0x65: {  	_ =	shalt  }
0x66: {  	_ =	shalt  }
0x67: {  	_ =	shalt  }
0x68: {  	_ =	shalt  }
0x69: {  	_ =	shalt  }
0x6a: {  	_ =	shalt  }
0x6b: {  	_ =	shalt  }
0x6c: {  	_ =	shalt  }
0x6d: {  	_ =	shalt  }
0x6e: {  	_ =	shalt  }
0x6f: {  	_ =	shalt  }
0x70: {  	_ =	shalt  }
0x71: {  	_ =	shalt  }
0x72: {  	_ =	shalt  }
0x73: {  	_ =	shalt  }
0x74: {  	_ =	shalt  }
0x75: {  	_ =	shalt  }
0x76: {  	_ =	shalt  }
0x77: {  	_ =	shalt  }
0x78: {  	_ =	shalt  }
0x79: {  	_ =	shalt  }
0x7a: {  	_ =	shalt  }
0x7b: {  	_ =	shalt  }
0x7c: {  	_ =	shalt  }
0x7d: {  	_ =	shalt  }
0x7e: {  	_ =	shalt  }
0x7f: {  	_ =	shalt  }
0x80: {  	_ =	shalt  }
0x81: {  	_ =	shalt  }
0x82: {  	_ =	shalt  }
0x83: {  	_ =	shalt  }
0x84: {  	_ =	shalt  }
0x85: {  	_ =	shalt  }
0x86: {  	_ =	shalt  }
0x87: {  	_ =	shalt  }
.Lfunc_end0:
.L_simem_size_0:
called_computation.1_lowered:
.L_overlay_start_0:
0x88: {  	s2 =	sld [smem:$0x3FD9]  }
0x89: {  	s3 =	sld [smem:$0x3FFE];
	_ =	sdelay $0x1  }
0x8a: {  	s1 =	srdreg.scid  }
0x8b: {  	s0 =	sand.u32 $0x1, s1  }
0x8c: {  	s17 =	sshll.u32 s0, $0xA;
	s2 =	sadd.s32 s3, s2  }
0x8d: {  	s2 =	sadd.s32 s2, s17  }
0x8e: {  	[smem:$0x3FB4] =	sst s2  }
0x8f: {  	_ = 	snop  }
0x90: {  	(tm) =	ssettm $0x1  }
0x91: {  	s18 =	sld [smem:$0x3FFB];
	_ =	sdelay $0x3  }
0x92: {  	_ =	strace s18  }
0x93: {  	s2 =	sld [smem:$0x3FFC];
	_ =	sdelay $0x3  }
0x94: {  	_ =	strace s2  }
0x95: {  	s2 =	sld [smem:$0x3FFD];
	_ =	sdelay $0x3  }
0x96: {  	_ =	strace s2  }
0x97: {  	_ =	strace $0x8FFFFFFF  }
0x98: {  	s19 =	sld [smem:$0x3FDB];
	_ =	sdelay $0x1  }
0x99: {  	s20 =	simm.s32 $_scs_section_size  }
0x9a: {  	s4 =	simm.s32 $_size__tile_overlayer_lowered;
	s5 =	simm.s32 $_tile_overlayer_lowered  }
0x9b: {  	s6 =	simm.s32 $0x1BFF;
	s21 =	sshll.u32 s5, $0x1;
	s3 =	sadd.s32 s20, s19  }
0x9c: {  	s22 =	simm.s32 $0x0;
	s4 =	sshll.u32 s4, $0x1;
	s5 =	sadd.s32 s21, s3  }
0x9d: {  	[timem:s22], [sflag:s6] =	dma.local [hbm:s5], s4  }
0x9e: {  	_ =	swait.ge [sflag:s6], s4  }
0x9f: {  	s4 =	ssub.s32 $0x0, s4;
	[sflag:s6] =	ssyncset.done $0x0  }
0xa0: {  	[sflag:s6] =	ssyncadd.s32 s4;
	_ =	sdelay $0x1  }
0xa1: {  	s23 =	simm.s32 $0x1B8B  }
0xa2: {  	_ =	swait.ge [sflag:s23], $0x1  }
0xa3: {  	[sflag:s23] =	ssyncset.done $0x0  }
0xa4: {  	[sflag:s23] =	ssyncadd.s32 $0xFFFFFFFF  }
0xa5: {  	s4 =	sld [smem:$0x0]  }
0xa6: {  	s5 =	sand.u32 $0xFFFFFFFE, s1  }
0xa7: {  	p0 =	sne.s32 s1, s5  }
0xa8: {  	s5 =	sshll.u32 @p0 s5, $0xE  }
0xa9: {  	s5 =	sadd.s32 @p0 $0x11B8D, s5;
	s6 =	sshll.u32 @p0 s4, $0x11  }
0xaa: {  	s5 =	sor.u32 @p0 s6, s5  }
0xab: {  	[sflag:s5] =	ssyncadd.remote.s32 @p0 $0x1;
	_ =	sdelay $0x1  }
0xac: {  	s5 =	simm.s32 @p0 $0x1B8D  }
0xad: {  	_ =	swait.eq @p0 [sflag:s5], $0x1  }
0xae: {  	[sflag:s5] =	ssyncadd.s32 @p0 $0xFFFFFFFF  }
0xaf: {  	s6 =	sshll.u32 @!p0 s1, $0xE  }
0xb0: {  	s6 =	sor.u32 @!p0 $0x4000, s6;
	s5 =	simm.s32 @!p0 $0x1B8D  }
0xb1: {  	s4 =	sshll.u32 @!p0 s4, $0x11;
	s6 =	sadd.s32 @!p0 $0x11B8D, s6;
	_ =	swait.eq @!p0 [sflag:s5], $0x1  }
0xb2: {  	s4 =	sor.u32 @!p0 s4, s6;
	[sflag:s5] =	ssyncadd.s32 @!p0 $0xFFFFFFFF  }
0xb3: {  	s25 =	simm.s32 $0x1B8E;
	s24 =	sld [smem:$0x3FFE];
	[sflag:s4] =	ssyncadd.remote.s32 @!p0 $0x1  }
0xb4: {  	s26 =	simm.s32 $execute0_lowered;
	[smem:$0x3FD2] =	sst s25  }
0xb5: {  	s5 =	sshll.u32 s26, $0x1;
	_ =	strace $0x8000004C;
	[dreg:$0x1] =	wrdreg $0xFFFFFFFF  }
0xb6: {  	s28 =	simm.s32 $_size_execute0_lowered;
	s3 =	sadd.s32 s3, s5;
	[dreg:$0x0] =	wrdreg $0x0  }
0xb7: {  	s5 =	sshll.u32 s28, $0x1;
	[dreg:$0x2] =	wrdreg s3  }
0xb8: {  	[dreg:$0x3] =	wrdreg s5  }
0xb9: {  	[dreg:$0x4] =	wrdreg $0xC0  }
0xba: {  	_ =	task [dreg:s22], $0x5FFFF  }
0xbb: {  	[dreg:$0x1] =	wrdreg $0xFFFFFFFF  }
0xbc: {  	[dreg:$0x0] =	wrdreg $0x60  }
0xbd: {  	[dreg:$0x2] =	wrdreg s24  }
0xbe: {  	[dreg:$0x3] =	wrdreg $0x9  }
0xbf: {  	_ =	task.clear_ibuf [dreg:s22], $0x4FFFF;
	_ =	strace $0x9000004C  }
0xc0: {  	s29 =	simm.s32 $0x9;
	_ =	strace $0x8000004E  }
0xc1: {  	_ =	swait.ge [sflag:s29], $0x1  }
0xc2: {  	[sflag:s29] =	ssyncadd.s32 $0xFFFFFFFF  }
0xc3: {  	_ =	strace $0x9000004E  }
0xc4: {  	_ =	sfence  }
0xc5: {  	s30 =	sld [smem:$0x0];
	_ =	sdelay $0x2  }
0xc6: {  	s31 =	sshll.u32 s1, $0xD;
	s1 =	sshrl.u32 s1, $0x2  }
0xc7: {  	s4 =	sand.u32 $0x4000, s31;
	s1 =	sadd.s32 s1, s30  }
0xc8: {  	s0 =	sor.u32 s4, s0;
	s1 =	sshll.u32 s1, $0x11  }
0xc9: {  	s0 =	sor.u32 s1, s0  }
0xca: {  	s0 =	sadd.s32 $0x8F2B, s0  }
0xcb: {  	[sflag:s0] =	ssyncadd.remote.s32 $0x1  }
0xcc: {  	_ =	sfence.sel $0xFFFF  }
0xcd: {  	[dreg:$0x0] =	wrdreg $0xFFFFFFFF;
	(pc) =	sbr.abs _section_cstart, $3  }
0xce: {  	[dreg:$0x1] =	wrdreg $0xFFFFFFFF  }
0xcf: {  	_ =	task.clear_ibuf [dreg:s22], $0x2FFFF;
	_ =	strace $0x9FFFFFFF  }
0xd0: {  	(tm) =	ssettm $0x7FFFFFFF  }
0xd1: {  	_ =	shalt  }
tec
execute0_lowered:
.L_overlay_start_1:
0x0: {  	(tag) =	ssettag $0x1  }
0x1: {  	s5 =	rddreg [dreg:$0x0]  }
0x2: {  	s0 =	rddreg [dreg:$0x1]  }
0x3: {  	s3 =	srdreg.scid;
	s2 =	simm.s32 $0x0;
	s1 =	stileid.u32  }
0x4: {  	s11 =	simm.s32 $0x80;
	s12 =	simm.s32 $0x1;
	s13 =	simm.s32 $0x2  }
0x5: {  	s14 =	simm.s32 $0x0;
	s6 =	sand.u32 $0x1, s3;
	[smem:$0x7FF] =	sst s2  }
0x6: {  	s30 =	sshll.u32 s1, $0x8;
	s3 =	sadd.s32 $0x6BE00, s5;
	s8 =	sshll.u32 s1, $0xC  }
0x7: {  	s4 =	sshll.u32 s6, $0x7;
	_ =	strace $0x8000004D;
	s9 =	ssub.s32 $0x2, s6  }
0x8: {  	s8 =	sadd.s32 s8, s5;
	s6 =	sshll.u32 s6, $0xB;
	s7 =	sor.u32 s4, s30  }
0x9: {  	s4 =	sadd.s32 $0x93E00, s5;
	s31 =	sshrl.u32 s9, $0x1;
	s10 =	sadd.s32 s6, s8  }
0xa: {  	s7 =	sshrl.u32 s7, $0x3;
	s9 =	ssub.s32 s9, s31;
	s8 =	sadd.s32 $0x5AFA00, s10  }
0xb: {  	s7 =	sadd.s32 s7, s5;
	s6 =	smax.u32 s9, $0x1;
	s9 =	sadd.s32 $0x82FA00, s10  }
0xc: {  	s10 =	simm.s32 $0x3;
	s5 =	sadd.s32 $0x5A5A00, s7;
	s7 =	sadd.s32 $0x5AAA00, s7  }
.LBB2_1:
0xd: {  	p0 =	por $0x1, $0x1  }
0xe: {  	s16 =	sand.u32 $0x1, s2;
	p0 =	por p0, p0  }
0xf: {  	s15 =	sadd.s32 @!p0 $0x1, s16  }
0x10: {  	_ =	swait.ge @!p0 [sflag:s15], $0x4000  }
0x11: {  	[sflag:s15] =	ssyncset.done @!p0 $0x0  }
0x12: {  	[sflag:s15] =	ssyncadd.s32 @!p0 $0xFFFFC000  }
0x13: {  	_ =	swait.ge @!p0 [sflag:s15], $0x4000  }
0x14: {  	[sflag:s15] =	ssyncset.done @!p0 $0x0  }
0x15: {  	[sflag:s15] =	ssyncadd.s32 @!p0 $0xFFFFC000  }
0x16: {  	[tilespmem:s2], [sflag:$0x3] =	stream.linear.gather [hbm4b:s7+s2], $0x80, $0x38;
	[tilespmem:$0x10100] =	vst v63  }
0x17: {  	_ =	swait.ge [sflag:s10], $0x80  }
0x18: {  	[sflag:s10] =	ssyncset.done $0x0  }
0x19: {  	[sflag:s10] =	ssyncadd.s32 $0xFFFFFF80  }
0x1a: {  	[tilespmem:s11], [sflag:$0x3] =	stream.linear.gather [hbm4b:s5+s2], $0x80, $0x38;
	[tilespmem:$0x10100] =	vst v63  }
0x1b: {  	_ =	swait.ge [sflag:s10], $0x80  }
0x1c: {  	s30 =	sshll.u32 s16, $0xE;
	[sflag:s10] =	ssyncset.done $0x0  }
0x1d: {  	s18 =	sor.u32 $0x100, s30;
	[sflag:s10] =	ssyncadd.s32 $0xFFFFFF80  }
0x1e: {  	[tilespmem:s18], [sflag:$0x3] =	stream.indirect.gather [hbm4b:s3+s11], $0x80, s2, s11, $0xb8;
	[tilespmem:$0x10100] =	vst v63  }
0x1f: {  	_ =	swait.ge [sflag:s10], $0x4000  }
0x20: {  	s31 =	simm.s32 $0x1;
	p6 =	por $0x1, $0x1;
	[sflag:s10] =	ssyncset.done $0x0  }
0x21: {  	s21 =	simm.s32 $0x2;
	s23 =	sor.u32 $0x8100, s30;
	[sflag:s10] =	ssyncadd.s32 $0xFFFFC000  }
0x22: {  	[tilespmem:s23], [sflag:$0x3] =	stream.indirect.gather [hbm4b:s4+s11], $0x80, s11, s11, $0xb8;
	[tilespmem:$0x10100] =	vst v63  }
0x23: {  	s19 =	sadd.s32 $0x200, s5;
	s20 =	sadd.s32 $0x200, s7;
	_ =	swait.ge [sflag:s10], $0x4000  }
0x24: {  	s22 =	smov.u32 s9;
	s24 =	sadd.s32 $0x1, s16;
	[sflag:s10] =	ssyncset.done $0x0  }
0x25: {  	s16 =	sadd.s32 $0x10000, s9;
	s15 =	sand.u32 $0x1, s31;
	[sflag:s10] =	ssyncadd.s32 $0xFFFFC000  }
0x26: {  	[hbm4b:s8+s2] =	stream.linear.scatter [tilespmem:s18], [sflag:s24], $0x4000, $0x38;
	[tilespmem:$0x10100] =	vst v63  }
0x27: {  	p0 =	por p6, p6;
	s17 =	sshll.u32 s15, $0xE;
	s18 =	sadd.s32 $0x10000, s8  }
.LBB2_2:
0x28: {  	[hbm4b:s22+s2] =	stream.linear.scatter [tilespmem:s23], [sflag:s24], $0x4000, $0x38;
	[tilespmem:$0x10100] =	vst v63  }
0x29: {  	s22 =	sand.u32 $0x1, s21;
	p2 =	slt.u32 s21, $0x2;
	s23 =	sadd.s32 @!p0 $0x1, s15  }
0x2a: {  	s21 =	sadd.s32 $0x1, s21;
	s24 =	sshll.u32 s22, $0xE;
	_ =	swait.ge @!p0 [sflag:s23], $0x4000  }
0x2b: {  	s25 =	smov.u32 s15;
	p1 =	sne.s32 s21, $0x28;
	[sflag:s23] =	ssyncset.done @!p0 $0x0  }
0x2c: {  	s15 =	smov.u32 s22;
	s22 =	smov.u32 s16;
	[sflag:s23] =	ssyncadd.s32 @!p0 $0xFFFFC000  }
0x2d: {  	_ =	swait.ge @!p0 [sflag:s23], $0x4000  }
0x2e: {  	[sflag:s23] =	ssyncset.done @!p0 $0x0  }
0x2f: {  	[sflag:s23] =	ssyncadd.s32 @!p0 $0xFFFFC000;
	p0 =	por p2, p2  }
0x30: {  	[tilespmem:s2], [sflag:$0x3] =	stream.linear.gather [hbm4b:s20+s2], $0x80, $0x38;
	[tilespmem:$0x10100] =	vst v63  }
0x31: {  	_ =	swait.ge [sflag:s10], $0x80  }
0x32: {  	[sflag:s10] =	ssyncset.done $0x0  }
0x33: {  	[sflag:s10] =	ssyncadd.s32 $0xFFFFFF80  }
0x34: {  	[tilespmem:s11], [sflag:$0x3] =	stream.linear.gather [hbm4b:s19+s2], $0x80, $0x38;
	[tilespmem:$0x10100] =	vst v63  }
0x35: {  	_ =	swait.ge [sflag:s10], $0x80  }
0x36: {  	[sflag:s10] =	ssyncset.done $0x0  }
0x37: {  	s26 =	sor.u32 $0x100, s17;
	[sflag:s10] =	ssyncadd.s32 $0xFFFFFF80  }
0x38: {  	[tilespmem:s26], [sflag:$0x3] =	stream.indirect.gather [hbm4b:s3+s11], $0x80, s2, s11, $0xb8;
	[tilespmem:$0x10100] =	vst v63  }
0x39: {  	_ =	swait.ge [sflag:s10], $0x4000  }
0x3a: {  	[sflag:s10] =	ssyncset.done $0x0  }
0x3b: {  	s23 =	sor.u32 $0x8100, s17;
	s17 =	smov.u32 s24;
	[sflag:s10] =	ssyncadd.s32 $0xFFFFC000  }
0x3c: {  	[tilespmem:s23], [sflag:$0x3] =	stream.indirect.gather [hbm4b:s4+s11], $0x80, s11, s11, $0xb8;
	[tilespmem:$0x10100] =	vst v63  }
.Ltmp0:
0x3d: {  	_ =	swait.ge [sflag:s10], $0x4000;
	(pc) =	sbr.rel @p1 .LBB2_2-.Ltmp0, $4  }
0x3e: {  	[sflag:s10] =	ssyncset.done $0x0  }
0x3f: {  	s16 =	sadd.s32 $0x10000, s16;
	s24 =	sadd.s32 $0x1, s25;
	[sflag:s10] =	ssyncadd.s32 $0xFFFFC000  }
0x40: {  	[hbm4b:s18+s2] =	stream.linear.scatter [tilespmem:s26], [sflag:s24], $0x4000, $0x38;
	[tilespmem:$0x10100] =	vst v63  }
0x41: {  	s20 =	sadd.s32 $0x200, s20;
	s19 =	sadd.s32 $0x200, s19;
	s18 =	sadd.s32 $0x10000, s18  }
0x42: {  	[hbm4b:s22+s2] =	stream.linear.scatter [tilespmem:s23], [sflag:s24], $0x4000, $0x38;
	[tilespmem:$0x10100] =	vst v63  }
0x43: {  	s21 =	sadd.s32 @!p0 $0x1, s15  }
0x44: {  	_ =	swait.ge @!p0 [sflag:s21], $0x4000  }
0x45: {  	[sflag:s21] =	ssyncset.done @!p0 $0x0  }
0x46: {  	[sflag:s21] =	ssyncadd.s32 @!p0 $0xFFFFC000  }
0x47: {  	_ =	swait.ge @!p0 [sflag:s21], $0x4000  }
0x48: {  	[sflag:s21] =	ssyncset.done @!p0 $0x0  }
0x49: {  	[sflag:s21] =	ssyncadd.s32 @!p0 $0xFFFFC000  }
0x4a: {  	[tilespmem:s2], [sflag:$0x3] =	stream.linear.gather [hbm4b:s20+s2], $0x80, $0x38;
	[tilespmem:$0x10100] =	vst v63  }
0x4b: {  	_ =	swait.ge [sflag:s10], $0x80  }
0x4c: {  	[sflag:s10] =	ssyncset.done $0x0  }
0x4d: {  	[sflag:s10] =	ssyncadd.s32 $0xFFFFFF80  }
0x4e: {  	[tilespmem:s11], [sflag:$0x3] =	stream.linear.gather [hbm4b:s19+s2], $0x80, $0x38;
	[tilespmem:$0x10100] =	vst v63  }
0x4f: {  	_ =	swait.ge [sflag:s10], $0x80  }
0x50: {  	[sflag:s10] =	ssyncset.done $0x0  }
0x51: {  	s29 =	sor.u32 $0x100, s17;
	[sflag:s10] =	ssyncadd.s32 $0xFFFFFF80  }
0x52: {  	[tilespmem:s29], [sflag:$0x3] =	stream.indirect.gather [hbm4b:s3+s11], $0x80, s2, s11, $0xb8;
	[tilespmem:$0x10100] =	vst v63  }
0x53: {  	_ =	swait.ge [sflag:s10], $0x4000  }
0x54: {  	[sflag:s10] =	ssyncset.done $0x0  }
0x55: {  	s30 =	sor.u32 $0x8100, s17;
	[sflag:s10] =	ssyncadd.s32 $0xFFFFC000  }
0x56: {  	[tilespmem:s30], [sflag:$0x3] =	stream.indirect.gather [hbm4b:s4+s11], $0x80, s11, s11, $0xb8;
	[tilespmem:$0x10100] =	vst v63  }
0x57: {  	_ =	swait.ge [sflag:s10], $0x4000  }
0x58: {  	[sflag:s10] =	ssyncset.done $0x0  }
0x59: {  	s31 =	sadd.s32 $0x1, s15;
	[sflag:s10] =	ssyncadd.s32 $0xFFFFC000  }
0x5a: {  	[hbm4b:s18+s2] =	stream.linear.scatter [tilespmem:s29], [sflag:s31], $0x4000, $0x38;
	[tilespmem:$0x10100] =	vst v63  }
0x5b: {  	_ = 	snop  }
0x5c: {  	[hbm4b:s16+s2] =	stream.linear.scatter [tilespmem:s30], [sflag:s31], $0x4000, $0x38;
	[tilespmem:$0x10100] =	vst v63  }
0x5d: {  	_ =	swait.ge [sflag:s12], $0x4000  }
0x5e: {  	[sflag:s12] =	ssyncset.done $0x0  }
0x5f: {  	[sflag:s12] =	ssyncadd.s32 $0xFFFFC000  }
0x60: {  	_ =	swait.ge [sflag:s12], $0x4000  }
0x61: {  	[sflag:s12] =	ssyncset.done $0x0  }
0x62: {  	s14 =	sadd.s32 $0x1, s14;
	[sflag:s12] =	ssyncadd.s32 $0xFFFFC000  }
0x63: {  	p0 =	sne.s32 s14, s6;
	_ =	swait.ge [sflag:s13], $0x4000  }
.Ltmp1:
0x64: {  	[sflag:s13] =	ssyncset.done $0x0;
	(pc) =	sbr.rel @p0 .LBB2_1-.Ltmp1, $4  }
0x65: {  	[sflag:s13] =	ssyncadd.s32 $0xFFFFC000  }
0x66: {  	_ =	swait.ge [sflag:s13], $0x4000  }
0x67: {  	[sflag:s13] =	ssyncset.done $0x0  }
0x68: {  	[sflag:s13] =	ssyncadd.s32 $0xFFFFC000  }
0x69: {  	_ =	sfence.sel $0x180000  }
0x6a: {  	[bflag:$0x0] =	sbarrier.arrive $0xFFFF  }
0x6b: {  	p0 =	sne.s32 s1, $0x0;
	_ =	strace $0x9000004D  }
0x6c: {  	s0 =	sadd.s32 @!p0 $0x100000, s0;
	[bflag:$0x2] =	sbarrier.arrive $0xFFFF  }
0x6d: {  	[sflag:s0] =	ssyncadd.tile.s32 @!p0 $0x1;
	_ =	shalt  }
.Lfunc_end2:
_tile_overlayer_lowered:
.L_overlay_start_2:
0x6e: {  	(tag) =	ssettag $0x2  }
0x6f: {  	s0 =	rddreg [dreg:$0x0];
	s2 =	stileid.u32  }
0x70: {  	s1 =	rddreg [dreg:$0x1];
	p0 =	sne.s32 s2, $0x0  }
0x71: {  	s3 =	rddreg [dreg:$0x2];
	[bflag:$0x3] =	sbarrier.arrive $0xFFFF;
	s2 =	simm.s32 @!p0 $0x1C03  }
0x72: {  	[timem:s3], [sflag:s2] =	dma.local @!p0 [hbm:s0], s1  }
0x73: {  	s0 =	simm.s32 @!p0 $0x3  }
0x74: {  	_ =	swait.ge @!p0 [sflag:s0], s1  }
0x75: {  	s1 =	ssub.s32 @!p0 $0x0, s1;
	[sflag:s0] =	ssyncset.done @!p0 $0x0  }
0x76: {  	[sflag:s0] =	ssyncadd.s32 @!p0 s1  }
0x77: {  	[bflag:$0x3] =	sbarrier.arrive $0xFFFF  }
0x78: {  	_ =	shalt  }

// kernel: kernel.24.cloned.1.call-start
scs
__scs_entry_jumppad:
0x0: {  	(pc) =	sbr.rel $0x88, $3  }
0x1: {  	(tag) =	ssettag $0x0;
	lr =	simm.s32 $0x1  }
0x2: {  	[smem:$0x3F8D] =	sst lr;
	_ =	strace $0xD0000000  }
0x3: {  	_ = 	snop  }
0x4: {  	_ = 	snop  }
0x5: {  	_ = 	snop  }
0x6: {  	_ = 	snop  }
0x7: {  	_ = 	snop  }
__scs_overlays_trampoline_lowered:
0x8: {  	[smem:$0x3F9C] =	sst s0  }
0x9: {  	[smem:$0x3F9D] =	sst s1  }
0xa: {  	[smem:$0x3F9E] =	sst s2  }
0xb: {  	[smem:$0x3F9F] =	sst s3  }
0xc: {  	[smem:$0x3FA0] =	sst s4  }
0xd: {  	[smem:$0x3FA1] =	sst s5  }
0xe: {  	[smem:$0x3FA2] =	sst s6  }
0xf: {  	[smem:$0x3FA3] =	sst s7  }
0x10: {  	[smem:$0x3FA4] =	sst s8  }
0x11: {  	[smem:$0x3FA5] =	sst s9;
	s0 =	simm.s32 @!p0 $0x0  }
0x12: {  	s1 =	sld [smem:$0x3F8B];
	s0 =	simm.s32 @p0 $0x1  }
0x13: {  	[smem:$0x3FA6] =	sst s0;
	s0 =	simm.s32 @!p1 $0x0  }
0x14: {  	s2 =	sld [smem:$0x3F8A];
	s0 =	simm.s32 @p1 $0x1  }
0x15: {  	[smem:$0x3FA7] =	sst s0;
	s0 =	simm.s32 @!p2 $0x0  }
0x16: {  	s3 =	sld [smem:$0x3FDB];
	s0 =	simm.s32 @p2 $0x1  }
0x17: {  	s4 =	simm.s32 $0x1BF5;
	[smem:$0x3FA9] =	sst s0  }
0x18: {  	s0 =	sld [smem:$0x3F8C];
	_ =	swait.ge [sflag:s4], $0x0  }
0x19: {  	s7 =	sld [smem:$0x3F8D]  }
0x1a: {  	s8 =	sadd.s32 $0xFFFFE003, lr  }
0x1b: {  	s9 =	sadd.s32 $0xFFFFFEF7, lr;
	s5 =	simm.s32 $0xFFFFFFFF;
	p2 =	slt.u32 s8, $0xFFFFF086  }
0x1c: {  	p1 =	slt.u32 s9, $0xF7A;
	s5 =	simm.s32 @!p2 $0x0  }
0x1d: {  	s5 =	simm.s32 @p1 $0x1;
	p0 =	seq.s32 s7, s2  }
0x1e: {  	s7 =	smul.u32 @!p0 $0xF7A, s2;
	p2 =	seq.s32 @!p0 s5, $0x0  }
0x1f: {  	s9 =	smul.u32 $0xF7A, s1;
	s8 =	simm.s32 @!p0 $0x1BF5;
	p2 =	por !p2, p0  }
0x20: {  	[sflag:s8] =	ssyncset.s32 @!p0 $0xFFFFF086;
	s6 =	sadd.s32 @!p0 s3, s7;
	s7 =	simm.s32 @!p0 $0x108  }
0x21: {  	s3 =	sadd.s32 s3, s9;
	s6 =	sadd.s32 @!p0 $0x88, s6;
	s7 =	simm.s32 @p2 $0x1082  }
0x22: {  	[simem:s7], [sflag:s8] =	dma.local @!p0 [hbm:s6], $0xF7A  }
0x23: {  	s9 =	sor.u32 $0xD0000000, s2;
	s6 =	simm.s32 $0x108;
	_ =	swait.ge @!p0 [sflag:s8], $0x0  }
0x24: {  	s3 =	sadd.s32 $0x88, s3;
	s6 =	simm.s32 @!p1 $0x1082;
	[sflag:s4] =	ssyncset.s32 $0xFFFFF086  }
0x25: {  	[simem:s6], [sflag:s4] =	dma.local [hbm:s3], $0xF7A  }
0x26: {  	[smem:$0x3F8D] =	sst s1;
	(tag) =	ssettag s2;
	_ =	strace s9  }
0x27: {  	s1 =	sld [smem:$0x3F9D]  }
0x28: {  	s2 =	sld [smem:$0x3F9E]  }
0x29: {  	s4 =	sld [smem:$0x3FA0]  }
0x2a: {  	p0 =	seq.s32 s5, $0x0;
	s5 =	sld [smem:$0x3FA1]  }
0x2b: {  	s6 =	sld [smem:$0x3FA2]  }
0x2c: {  	s7 =	sld [smem:$0x3FA3]  }
0x2d: {  	s3 =	simm.s32 $0x108;
	s8 =	sld [smem:$0x3FA4]  }
0x2e: {  	s3 =	simm.s32 @!p0 $0x1082;
	s9 =	sld [smem:$0x3FA5]  }
0x2f: {  	lr =	sadd.s32 s0, s3;
	s0 =	sld [smem:$0x3F9C]  }
0x30: {  	s3 =	sld [smem:$0x3F9F]  }
0x31: {  	[smem:$0x3FA8] =	sst s10  }
0x32: {  	s10 =	sld [smem:$0x3FA6];
	_ =	sdelay $0x3  }
0x33: {  	p0 =	seq.s32 s10, $0x1;
	s10 =	sld [smem:$0x3FA8];
	_ =	sdelay $0x3  }
0x34: {  	[smem:$0x3FA8] =	sst s10  }
0x35: {  	s10 =	sld [smem:$0x3FA7];
	_ =	sdelay $0x3  }
0x36: {  	p1 =	seq.s32 s10, $0x1;
	s10 =	sld [smem:$0x3FA8];
	_ =	sdelay $0x3  }
0x37: {  	[smem:$0x3FA8] =	sst s10  }
0x38: {  	s10 =	sld [smem:$0x3FA9]  }
0x39: {  	_ = 	snop;
	(pc) =	sbr.ind lr, $3  }
0x3a: {  	_ = 	snop  }
0x3b: {  	_ = 	snop  }
0x3c: {  	p2 =	seq.s32 s10, $0x1;
	s10 =	sld [smem:$0x3FA8]  }
0x3d: {  	_ =	shalt  }
0x3e: {  	_ =	shalt  }
0x3f: {  	_ =	shalt  }
0x40: {  	_ =	shalt  }
0x41: {  	_ =	shalt  }
0x42: {  	_ =	shalt  }
0x43: {  	_ =	shalt  }
0x44: {  	_ =	shalt  }
0x45: {  	_ =	shalt  }
0x46: {  	_ =	shalt  }
0x47: {  	_ =	shalt  }
0x48: {  	_ =	shalt  }
0x49: {  	_ =	shalt  }
0x4a: {  	_ =	shalt  }
0x4b: {  	_ =	shalt  }
0x4c: {  	_ =	shalt  }
0x4d: {  	_ =	shalt  }
0x4e: {  	_ =	shalt  }
0x4f: {  	_ =	shalt  }
0x50: {  	_ =	shalt  }
0x51: {  	_ =	shalt  }
0x52: {  	_ =	shalt  }
0x53: {  	_ =	shalt  }
0x54: {  	_ =	shalt  }
0x55: {  	_ =	shalt  }
0x56: {  	_ =	shalt  }
0x57: {  	_ =	shalt  }
0x58: {  	_ =	shalt  }
0x59: {  	_ =	shalt  }
0x5a: {  	_ =	shalt  }
0x5b: {  	_ =	shalt  }
0x5c: {  	_ =	shalt  }
0x5d: {  	_ =	shalt  }
0x5e: {  	_ =	shalt  }
0x5f: {  	_ =	shalt  }
0x60: {  	_ =	shalt  }
0x61: {  	_ =	shalt  }
0x62: {  	_ =	shalt  }
0x63: {  	_ =	shalt  }
0x64: {  	_ =	shalt  }
0x65: {  	_ =	shalt  }
0x66: {  	_ =	shalt  }
0x67: {  	_ =	shalt  }
0x68: {  	_ =	shalt  }
0x69: {  	_ =	shalt  }
0x6a: {  	_ =	shalt  }
0x6b: {  	_ =	shalt  }
0x6c: {  	_ =	shalt  }
0x6d: {  	_ =	shalt  }
0x6e: {  	_ =	shalt  }
0x6f: {  	_ =	shalt  }
0x70: {  	_ =	shalt  }
0x71: {  	_ =	shalt  }
0x72: {  	_ =	shalt  }
0x73: {  	_ =	shalt  }
0x74: {  	_ =	shalt  }
0x75: {  	_ =	shalt  }
0x76: {  	_ =	shalt  }
0x77: {  	_ =	shalt  }
0x78: {  	_ =	shalt  }
0x79: {  	_ =	shalt  }
0x7a: {  	_ =	shalt  }
0x7b: {  	_ =	shalt  }
0x7c: {  	_ =	shalt  }
0x7d: {  	_ =	shalt  }
0x7e: {  	_ =	shalt  }
0x7f: {  	_ =	shalt  }
0x80: {  	_ =	shalt  }
0x81: {  	_ =	shalt  }
0x82: {  	_ =	shalt  }
0x83: {  	_ =	shalt  }
0x84: {  	_ =	shalt  }
0x85: {  	_ =	shalt  }
0x86: {  	_ =	shalt  }
0x87: {  	_ =	shalt  }
.Lfunc_end0:
.L_simem_size_0:
called_computation.2_lowered:
.L_overlay_start_0:
0x88: {  	s2 =	sld [smem:$0x3FD9]  }
0x89: {  	s3 =	sld [smem:$0x3FFE];
	_ =	sdelay $0x1  }
0x8a: {  	s1 =	srdreg.scid  }
0x8b: {  	s0 =	sand.u32 $0x1, s1  }
0x8c: {  	s17 =	sshll.u32 s0, $0xA;
	s2 =	sadd.s32 s3, s2  }
0x8d: {  	s2 =	sadd.s32 s2, s17  }
0x8e: {  	[smem:$0x3FB4] =	sst s2  }
0x8f: {  	_ = 	snop  }
0x90: {  	(tm) =	ssettm $0x1  }
0x91: {  	s18 =	sld [smem:$0x3FFB];
	_ =	sdelay $0x3  }
0x92: {  	_ =	strace s18  }
0x93: {  	s2 =	sld [smem:$0x3FFC];
	_ =	sdelay $0x3  }
0x94: {  	_ =	strace s2  }
0x95: {  	s2 =	sld [smem:$0x3FFD];
	_ =	sdelay $0x3  }
0x96: {  	_ =	strace s2  }
0x97: {  	_ =	strace $0x8FFFFFFF  }
0x98: {  	s19 =	sld [smem:$0x3FDB];
	_ =	sdelay $0x1  }
0x99: {  	s20 =	simm.s32 $_scs_section_size  }
0x9a: {  	s4 =	simm.s32 $_size__tile_overlayer_lowered;
	s5 =	simm.s32 $_tile_overlayer_lowered  }
0x9b: {  	s6 =	simm.s32 $0x1BFF;
	s21 =	sshll.u32 s5, $0x1;
	s3 =	sadd.s32 s20, s19  }
0x9c: {  	s22 =	simm.s32 $0x0;
	s4 =	sshll.u32 s4, $0x1;
	s5 =	sadd.s32 s21, s3  }
0x9d: {  	[timem:s22], [sflag:s6] =	dma.local [hbm:s5], s4  }
0x9e: {  	_ =	swait.ge [sflag:s6], s4  }
0x9f: {  	s4 =	ssub.s32 $0x0, s4;
	[sflag:s6] =	ssyncset.done $0x0  }
0xa0: {  	[sflag:s6] =	ssyncadd.s32 s4;
	_ =	sdelay $0x1  }
0xa1: {  	s23 =	simm.s32 $0x1B8B  }
0xa2: {  	_ =	swait.ge [sflag:s23], $0x1  }
0xa3: {  	[sflag:s23] =	ssyncset.done $0x0  }
0xa4: {  	[sflag:s23] =	ssyncadd.s32 $0xFFFFFFFF  }
0xa5: {  	s4 =	sld [smem:$0x0]  }
0xa6: {  	s5 =	sand.u32 $0xFFFFFFFE, s1  }
0xa7: {  	p0 =	sne.s32 s1, s5  }
0xa8: {  	s5 =	sshll.u32 @p0 s5, $0xE  }
0xa9: {  	s5 =	sadd.s32 @p0 $0x11B8D, s5;
	s6 =	sshll.u32 @p0 s4, $0x11  }
0xaa: {  	s5 =	sor.u32 @p0 s6, s5  }
0xab: {  	[sflag:s5] =	ssyncadd.remote.s32 @p0 $0x1;
	_ =	sdelay $0x1  }
0xac: {  	s5 =	simm.s32 @p0 $0x1B8D  }
0xad: {  	_ =	swait.eq @p0 [sflag:s5], $0x1  }
0xae: {  	[sflag:s5] =	ssyncadd.s32 @p0 $0xFFFFFFFF  }
0xaf: {  	s6 =	sshll.u32 @!p0 s1, $0xE  }
0xb0: {  	s6 =	sor.u32 @!p0 $0x4000, s6;
	s5 =	simm.s32 @!p0 $0x1B8D  }
0xb1: {  	s4 =	sshll.u32 @!p0 s4, $0x11;
	s6 =	sadd.s32 @!p0 $0x11B8D, s6;
	_ =	swait.eq @!p0 [sflag:s5], $0x1  }
0xb2: {  	s4 =	sor.u32 @!p0 s4, s6;
	[sflag:s5] =	ssyncadd.s32 @!p0 $0xFFFFFFFF  }
0xb3: {  	s25 =	simm.s32 $0x1B8E;
	s24 =	sld [smem:$0x3FFE];
	[sflag:s4] =	ssyncadd.remote.s32 @!p0 $0x1  }
0xb4: {  	s26 =	simm.s32 $execute0_lowered;
	[smem:$0x3FD2] =	sst s25  }
0xb5: {  	s5 =	sshll.u32 s26, $0x1;
	_ =	strace $0x80000049;
	[dreg:$0x1] =	wrdreg $0xFFFFFFFF  }
0xb6: {  	s28 =	simm.s32 $_size_execute0_lowered;
	s3 =	sadd.s32 s3, s5;
	[dreg:$0x0] =	wrdreg $0x0  }
0xb7: {  	s5 =	sshll.u32 s28, $0x1;
	[dreg:$0x2] =	wrdreg s3  }
0xb8: {  	[dreg:$0x3] =	wrdreg s5  }
0xb9: {  	[dreg:$0x4] =	wrdreg $0xC0  }
0xba: {  	_ =	task [dreg:s22], $0x5FFFF  }
0xbb: {  	[dreg:$0x1] =	wrdreg $0xFFFFFFFF  }
0xbc: {  	[dreg:$0x0] =	wrdreg $0x60  }
0xbd: {  	[dreg:$0x2] =	wrdreg s24  }
0xbe: {  	[dreg:$0x3] =	wrdreg $0xB  }
0xbf: {  	_ =	task.clear_ibuf [dreg:s22], $0x4FFFF;
	_ =	strace $0x90000049  }
0xc0: {  	s29 =	simm.s32 $0xB;
	_ =	strace $0x8000004B  }
0xc1: {  	_ =	swait.ge [sflag:s29], $0x1  }
0xc2: {  	[sflag:s29] =	ssyncadd.s32 $0xFFFFFFFF  }
0xc3: {  	_ =	strace $0x9000004B  }
0xc4: {  	_ =	sfence  }
0xc5: {  	s30 =	sld [smem:$0x0];
	_ =	sdelay $0x2  }
0xc6: {  	s31 =	sshll.u32 s1, $0xD;
	s1 =	sshrl.u32 s1, $0x2  }
0xc7: {  	s4 =	sand.u32 $0x4000, s31;
	s1 =	sadd.s32 s1, s30  }
0xc8: {  	s0 =	sor.u32 s4, s0;
	s1 =	sshll.u32 s1, $0x11  }
0xc9: {  	s0 =	sor.u32 s1, s0  }
0xca: {  	s0 =	sadd.s32 $0x8F2B, s0  }
0xcb: {  	[sflag:s0] =	ssyncadd.remote.s32 $0x1  }
0xcc: {  	_ =	sfence.sel $0xFFFF  }
0xcd: {  	[dreg:$0x0] =	wrdreg $0xFFFFFFFF;
	(pc) =	sbr.abs _section_cstart, $3  }
0xce: {  	[dreg:$0x1] =	wrdreg $0xFFFFFFFF  }
0xcf: {  	_ =	task.clear_ibuf [dreg:s22], $0x2FFFF;
	_ =	strace $0x9FFFFFFF  }
0xd0: {  	(tm) =	ssettm $0x7FFFFFFF  }
0xd1: {  	_ =	shalt  }
tec
execute0_lowered:
.L_overlay_start_1:
0x0: {  	(tag) =	ssettag $0x1  }
0x1: {  	s5 =	rddreg [dreg:$0x0]  }
0x2: {  	s0 =	rddreg [dreg:$0x1]  }
0x3: {  	s2 =	simm.s32 $0x0;
	s3 =	srdreg.scid;
	s1 =	stileid.u32  }
0x4: {  	s11 =	simm.s32 $0x80;
	s12 =	simm.s32 $0x1;
	s13 =	simm.s32 $0x2  }
0x5: {  	s14 =	simm.s32 $0x0;
	[smem:$0x7FF] =	sst s2;
	s6 =	sand.u32 $0x1, s3  }
0x6: {  	s3 =	sadd.s32 $0x6BE00, s5;
	s7 =	sshll.u32 s1, $0x8;
	s4 =	sadd.s32 $0x93E00, s5  }
0x7: {  	s9 =	sshll.u32 s1, $0xC;
	_ =	strace $0x8000004A;
	s8 =	sshll.u32 s6, $0x7  }
0x8: {  	s31 =	ssub.s32 $0x2, s6;
	s9 =	sadd.s32 s9, s5;
	s6 =	sshll.u32 s6, $0xB  }
0x9: {  	s7 =	sor.u32 s8, s7;
	s10 =	sshrl.u32 s31, $0x1;
	s9 =	sadd.s32 s6, s9  }
0xa: {  	s7 =	sshrl.u32 s7, $0x3;
	s8 =	ssub.s32 s31, s10;
	s10 =	simm.s32 $0x3  }
0xb: {  	s7 =	sadd.s32 s7, s5;
	s5 =	smax.u32 s8, $0x1;
	s8 =	sadd.s32 $0xC5A00, s9  }
0xc: {  	s9 =	sadd.s32 $0x335A00, s9;
	s6 =	sadd.s32 $0xBBE00, s7;
	s7 =	sadd.s32 $0xC0C00, s7  }
.LBB2_1:
0xd: {  	p0 =	por $0x1, $0x1  }
0xe: {  	s16 =	sand.u32 $0x1, s2;
	p0 =	por p0, p0  }
0xf: {  	s15 =	sadd.s32 @!p0 $0x1, s16  }
0x10: {  	_ =	swait.ge @!p0 [sflag:s15], $0x4000  }
0x11: {  	[sflag:s15] =	ssyncset.done @!p0 $0x0  }
0x12: {  	[sflag:s15] =	ssyncadd.s32 @!p0 $0xFFFFC000  }
0x13: {  	_ =	swait.ge @!p0 [sflag:s15], $0x4000  }
0x14: {  	[sflag:s15] =	ssyncset.done @!p0 $0x0  }
0x15: {  	[sflag:s15] =	ssyncadd.s32 @!p0 $0xFFFFC000  }
0x16: {  	[tilespmem:s2], [sflag:$0x3] =	stream.linear.gather [hbm4b:s7+s2], $0x80, $0x38;
	[tilespmem:$0x10100] =	vst v63  }
0x17: {  	_ =	swait.ge [sflag:s10], $0x80  }
0x18: {  	[sflag:s10] =	ssyncset.done $0x0  }
0x19: {  	[sflag:s10] =	ssyncadd.s32 $0xFFFFFF80  }
0x1a: {  	[tilespmem:s11], [sflag:$0x3] =	stream.linear.gather [hbm4b:s6+s2], $0x80, $0x38;
	[tilespmem:$0x10100] =	vst v63  }
0x1b: {  	_ =	swait.ge [sflag:s10], $0x80  }
0x1c: {  	s30 =	sshll.u32 s16, $0xE;
	[sflag:s10] =	ssyncset.done $0x0  }
0x1d: {  	s18 =	sor.u32 $0x100, s30;
	[sflag:s10] =	ssyncadd.s32 $0xFFFFFF80  }
0x1e: {  	[tilespmem:s18], [sflag:$0x3] =	stream.indirect.gather [hbm4b:s3+s11], $0x80, s2, s11, $0xb8;
	[tilespmem:$0x10100] =	vst v63  }
0x1f: {  	_ =	swait.ge [sflag:s10], $0x4000  }
0x20: {  	s31 =	simm.s32 $0x1;
	p6 =	por $0x1, $0x1;
	[sflag:s10] =	ssyncset.done $0x0  }
0x21: {  	s21 =	simm.s32 $0x2;
	s23 =	sor.u32 $0x8100, s30;
	[sflag:s10] =	ssyncadd.s32 $0xFFFFC000  }
0x22: {  	[tilespmem:s23], [sflag:$0x3] =	stream.indirect.gather [hbm4b:s4+s11], $0x80, s11, s11, $0xb8;
	[tilespmem:$0x10100] =	vst v63  }
0x23: {  	s19 =	sadd.s32 $0x200, s6;
	s20 =	sadd.s32 $0x200, s7;
	_ =	swait.ge [sflag:s10], $0x4000  }
0x24: {  	s22 =	smov.u32 s9;
	s24 =	sadd.s32 $0x1, s16;
	[sflag:s10] =	ssyncset.done $0x0  }
0x25: {  	s16 =	sadd.s32 $0x10000, s9;
	s15 =	sand.u32 $0x1, s31;
	[sflag:s10] =	ssyncadd.s32 $0xFFFFC000  }
0x26: {  	[hbm4b:s8+s2] =	stream.linear.scatter [tilespmem:s18], [sflag:s24], $0x4000, $0x38;
	[tilespmem:$0x10100] =	vst v63  }
0x27: {  	p0 =	por p6, p6;
	s17 =	sshll.u32 s15, $0xE;
	s18 =	sadd.s32 $0x10000, s8  }
.LBB2_2:
0x28: {  	[hbm4b:s22+s2] =	stream.linear.scatter [tilespmem:s23], [sflag:s24], $0x4000, $0x38;
	[tilespmem:$0x10100] =	vst v63  }
0x29: {  	s22 =	sand.u32 $0x1, s21;
	p2 =	slt.u32 s21, $0x2;
	s23 =	sadd.s32 @!p0 $0x1, s15  }
0x2a: {  	s21 =	sadd.s32 $0x1, s21;
	s24 =	sshll.u32 s22, $0xE;
	_ =	swait.ge @!p0 [sflag:s23], $0x4000  }
0x2b: {  	s25 =	smov.u32 s15;
	p1 =	sne.s32 s21, $0x27;
	[sflag:s23] =	ssyncset.done @!p0 $0x0  }
0x2c: {  	s15 =	smov.u32 s22;
	s22 =	smov.u32 s16;
	[sflag:s23] =	ssyncadd.s32 @!p0 $0xFFFFC000  }
0x2d: {  	_ =	swait.ge @!p0 [sflag:s23], $0x4000  }
0x2e: {  	[sflag:s23] =	ssyncset.done @!p0 $0x0  }
0x2f: {  	[sflag:s23] =	ssyncadd.s32 @!p0 $0xFFFFC000;
	p0 =	por p2, p2  }
0x30: {  	[tilespmem:s2], [sflag:$0x3] =	stream.linear.gather [hbm4b:s20+s2], $0x80, $0x38;
	[tilespmem:$0x10100] =	vst v63  }
0x31: {  	_ =	swait.ge [sflag:s10], $0x80  }
0x32: {  	[sflag:s10] =	ssyncset.done $0x0  }
0x33: {  	[sflag:s10] =	ssyncadd.s32 $0xFFFFFF80  }
0x34: {  	[tilespmem:s11], [sflag:$0x3] =	stream.linear.gather [hbm4b:s19+s2], $0x80, $0x38;
	[tilespmem:$0x10100] =	vst v63  }
0x35: {  	_ =	swait.ge [sflag:s10], $0x80  }
0x36: {  	[sflag:s10] =	ssyncset.done $0x0  }
0x37: {  	s26 =	sor.u32 $0x100, s17;
	[sflag:s10] =	ssyncadd.s32 $0xFFFFFF80  }
0x38: {  	[tilespmem:s26], [sflag:$0x3] =	stream.indirect.gather [hbm4b:s3+s11], $0x80, s2, s11, $0xb8;
	[tilespmem:$0x10100] =	vst v63  }
0x39: {  	_ =	swait.ge [sflag:s10], $0x4000  }
0x3a: {  	[sflag:s10] =	ssyncset.done $0x0  }
0x3b: {  	s23 =	sor.u32 $0x8100, s17;
	s17 =	smov.u32 s24;
	[sflag:s10] =	ssyncadd.s32 $0xFFFFC000  }
0x3c: {  	[tilespmem:s23], [sflag:$0x3] =	stream.indirect.gather [hbm4b:s4+s11], $0x80, s11, s11, $0xb8;
	[tilespmem:$0x10100] =	vst v63  }
.Ltmp0:
0x3d: {  	_ =	swait.ge [sflag:s10], $0x4000;
	(pc) =	sbr.rel @p1 .LBB2_2-.Ltmp0, $4  }
0x3e: {  	[sflag:s10] =	ssyncset.done $0x0  }
0x3f: {  	s16 =	sadd.s32 $0x10000, s16;
	s24 =	sadd.s32 $0x1, s25;
	[sflag:s10] =	ssyncadd.s32 $0xFFFFC000  }
0x40: {  	[hbm4b:s18+s2] =	stream.linear.scatter [tilespmem:s26], [sflag:s24], $0x4000, $0x38;
	[tilespmem:$0x10100] =	vst v63  }
0x41: {  	s20 =	sadd.s32 $0x200, s20;
	s19 =	sadd.s32 $0x200, s19;
	s18 =	sadd.s32 $0x10000, s18  }
0x42: {  	[hbm4b:s22+s2] =	stream.linear.scatter [tilespmem:s23], [sflag:s24], $0x4000, $0x38;
	[tilespmem:$0x10100] =	vst v63  }
0x43: {  	s21 =	sadd.s32 @!p0 $0x1, s15  }
0x44: {  	_ =	swait.ge @!p0 [sflag:s21], $0x4000  }
0x45: {  	[sflag:s21] =	ssyncset.done @!p0 $0x0  }
0x46: {  	[sflag:s21] =	ssyncadd.s32 @!p0 $0xFFFFC000  }
0x47: {  	_ =	swait.ge @!p0 [sflag:s21], $0x4000  }
0x48: {  	[sflag:s21] =	ssyncset.done @!p0 $0x0  }
0x49: {  	[sflag:s21] =	ssyncadd.s32 @!p0 $0xFFFFC000  }
0x4a: {  	[tilespmem:s2], [sflag:$0x3] =	stream.linear.gather [hbm4b:s20+s2], $0x80, $0x38;
	[tilespmem:$0x10100] =	vst v63  }
0x4b: {  	_ =	swait.ge [sflag:s10], $0x80  }
0x4c: {  	[sflag:s10] =	ssyncset.done $0x0  }
0x4d: {  	[sflag:s10] =	ssyncadd.s32 $0xFFFFFF80  }
0x4e: {  	[tilespmem:s11], [sflag:$0x3] =	stream.linear.gather [hbm4b:s19+s2], $0x80, $0x38;
	[tilespmem:$0x10100] =	vst v63  }
0x4f: {  	_ =	swait.ge [sflag:s10], $0x80  }
0x50: {  	[sflag:s10] =	ssyncset.done $0x0  }
0x51: {  	s29 =	sor.u32 $0x100, s17;
	[sflag:s10] =	ssyncadd.s32 $0xFFFFFF80  }
0x52: {  	[tilespmem:s29], [sflag:$0x3] =	stream.indirect.gather [hbm4b:s3+s11], $0x80, s2, s11, $0xb8;
	[tilespmem:$0x10100] =	vst v63  }
0x53: {  	_ =	swait.ge [sflag:s10], $0x4000  }
0x54: {  	[sflag:s10] =	ssyncset.done $0x0  }
0x55: {  	s30 =	sor.u32 $0x8100, s17;
	[sflag:s10] =	ssyncadd.s32 $0xFFFFC000  }
0x56: {  	[tilespmem:s30], [sflag:$0x3] =	stream.indirect.gather [hbm4b:s4+s11], $0x80, s11, s11, $0xb8;
	[tilespmem:$0x10100] =	vst v63  }
0x57: {  	_ =	swait.ge [sflag:s10], $0x4000  }
0x58: {  	[sflag:s10] =	ssyncset.done $0x0  }
0x59: {  	s31 =	sadd.s32 $0x1, s15;
	[sflag:s10] =	ssyncadd.s32 $0xFFFFC000  }
0x5a: {  	[hbm4b:s18+s2] =	stream.linear.scatter [tilespmem:s29], [sflag:s31], $0x4000, $0x38;
	[tilespmem:$0x10100] =	vst v63  }
0x5b: {  	_ = 	snop  }
0x5c: {  	[hbm4b:s16+s2] =	stream.linear.scatter [tilespmem:s30], [sflag:s31], $0x4000, $0x38;
	[tilespmem:$0x10100] =	vst v63  }
0x5d: {  	_ =	swait.ge [sflag:s12], $0x4000  }
0x5e: {  	[sflag:s12] =	ssyncset.done $0x0  }
0x5f: {  	[sflag:s12] =	ssyncadd.s32 $0xFFFFC000  }
0x60: {  	_ =	swait.ge [sflag:s12], $0x4000  }
0x61: {  	[sflag:s12] =	ssyncset.done $0x0  }
0x62: {  	s14 =	sadd.s32 $0x1, s14;
	[sflag:s12] =	ssyncadd.s32 $0xFFFFC000  }
0x63: {  	p0 =	sne.s32 s14, s5;
	_ =	swait.ge [sflag:s13], $0x4000  }
.Ltmp1:
0x64: {  	[sflag:s13] =	ssyncset.done $0x0;
	(pc) =	sbr.rel @p0 .LBB2_1-.Ltmp1, $4  }
0x65: {  	[sflag:s13] =	ssyncadd.s32 $0xFFFFC000  }
0x66: {  	_ =	swait.ge [sflag:s13], $0x4000  }
0x67: {  	[sflag:s13] =	ssyncset.done $0x0  }
0x68: {  	[sflag:s13] =	ssyncadd.s32 $0xFFFFC000  }
0x69: {  	_ =	sfence.sel $0x180000  }
0x6a: {  	[bflag:$0x0] =	sbarrier.arrive $0xFFFF  }
0x6b: {  	p0 =	sne.s32 s1, $0x0;
	_ =	strace $0x9000004A  }
0x6c: {  	s0 =	sadd.s32 @!p0 $0x100000, s0;
	[bflag:$0x2] =	sbarrier.arrive $0xFFFF  }
0x6d: {  	[sflag:s0] =	ssyncadd.tile.s32 @!p0 $0x1;
	_ =	shalt  }
.Lfunc_end2:
_tile_overlayer_lowered:
.L_overlay_start_2:
0x6e: {  	(tag) =	ssettag $0x2  }
0x6f: {  	s0 =	rddreg [dreg:$0x0];
	s2 =	stileid.u32  }
0x70: {  	s1 =	rddreg [dreg:$0x1];
	p0 =	sne.s32 s2, $0x0  }
0x71: {  	s3 =	rddreg [dreg:$0x2];
	[bflag:$0x3] =	sbarrier.arrive $0xFFFF;
	s2 =	simm.s32 @!p0 $0x1C03  }
0x72: {  	[timem:s3], [sflag:s2] =	dma.local @!p0 [hbm:s0], s1  }
0x73: {  	s0 =	simm.s32 @!p0 $0x3  }
0x74: {  	_ =	swait.ge @!p0 [sflag:s0], s1  }
0x75: {  	s1 =	ssub.s32 @!p0 $0x0, s1;
	[sflag:s0] =	ssyncset.done @!p0 $0x0  }
0x76: {  	[sflag:s0] =	ssyncadd.s32 @!p0 s1  }
0x77: {  	[bflag:$0x3] =	sbarrier.arrive $0xFFFF  }
0x78: {  	_ =	shalt  }

// kernel: kernel.27.cloned.1.call-start
scs
__scs_entry_jumppad:
0x0: {  	(pc) =	sbr.rel $0x88, $3  }
0x1: {  	(tag) =	ssettag $0x0;
	lr =	simm.s32 $0x1  }
0x2: {  	[smem:$0x3F8D] =	sst lr;
	_ =	strace $0xD0000000  }
0x3: {  	_ = 	snop  }
0x4: {  	_ = 	snop  }
0x5: {  	_ = 	snop  }
0x6: {  	_ = 	snop  }
0x7: {  	_ = 	snop  }
__scs_overlays_trampoline_lowered:
0x8: {  	[smem:$0x3F9C] =	sst s0  }
0x9: {  	[smem:$0x3F9D] =	sst s1  }
0xa: {  	[smem:$0x3F9E] =	sst s2  }
0xb: {  	[smem:$0x3F9F] =	sst s3  }
0xc: {  	[smem:$0x3FA0] =	sst s4  }
0xd: {  	[smem:$0x3FA1] =	sst s5  }
0xe: {  	[smem:$0x3FA2] =	sst s6  }
0xf: {  	[smem:$0x3FA3] =	sst s7  }
0x10: {  	[smem:$0x3FA4] =	sst s8  }
0x11: {  	[smem:$0x3FA5] =	sst s9;
	s0 =	simm.s32 @!p0 $0x0  }
0x12: {  	s1 =	sld [smem:$0x3F8B];
	s0 =	simm.s32 @p0 $0x1  }
0x13: {  	[smem:$0x3FA6] =	sst s0;
	s0 =	simm.s32 @!p1 $0x0  }
0x14: {  	s2 =	sld [smem:$0x3F8A];
	s0 =	simm.s32 @p1 $0x1  }
0x15: {  	[smem:$0x3FA7] =	sst s0;
	s0 =	simm.s32 @!p2 $0x0  }
0x16: {  	s3 =	sld [smem:$0x3FDB];
	s0 =	simm.s32 @p2 $0x1  }
0x17: {  	s4 =	simm.s32 $0x1BF5;
	[smem:$0x3FA9] =	sst s0  }
0x18: {  	s0 =	sld [smem:$0x3F8C];
	_ =	swait.ge [sflag:s4], $0x0  }
0x19: {  	s7 =	sld [smem:$0x3F8D]  }
0x1a: {  	s8 =	sadd.s32 $0xFFFFE003, lr  }
0x1b: {  	s9 =	sadd.s32 $0xFFFFFEF7, lr;
	s5 =	simm.s32 $0xFFFFFFFF;
	p2 =	slt.u32 s8, $0xFFFFF086  }
0x1c: {  	p1 =	slt.u32 s9, $0xF7A;
	s5 =	simm.s32 @!p2 $0x0  }
0x1d: {  	s5 =	simm.s32 @p1 $0x1;
	p0 =	seq.s32 s7, s2  }
0x1e: {  	s7 =	smul.u32 @!p0 $0xF7A, s2;
	p2 =	seq.s32 @!p0 s5, $0x0  }
0x1f: {  	s9 =	smul.u32 $0xF7A, s1;
	s8 =	simm.s32 @!p0 $0x1BF5;
	p2 =	por !p2, p0  }
0x20: {  	[sflag:s8] =	ssyncset.s32 @!p0 $0xFFFFF086;
	s6 =	sadd.s32 @!p0 s3, s7;
	s7 =	simm.s32 @!p0 $0x108  }
0x21: {  	s3 =	sadd.s32 s3, s9;
	s6 =	sadd.s32 @!p0 $0x88, s6;
	s7 =	simm.s32 @p2 $0x1082  }
0x22: {  	[simem:s7], [sflag:s8] =	dma.local @!p0 [hbm:s6], $0xF7A  }
0x23: {  	s9 =	sor.u32 $0xD0000000, s2;
	s6 =	simm.s32 $0x108;
	_ =	swait.ge @!p0 [sflag:s8], $0x0  }
0x24: {  	s3 =	sadd.s32 $0x88, s3;
	s6 =	simm.s32 @!p1 $0x1082;
	[sflag:s4] =	ssyncset.s32 $0xFFFFF086  }
0x25: {  	[simem:s6], [sflag:s4] =	dma.local [hbm:s3], $0xF7A  }
0x26: {  	[smem:$0x3F8D] =	sst s1;
	(tag) =	ssettag s2;
	_ =	strace s9  }
0x27: {  	s1 =	sld [smem:$0x3F9D]  }
0x28: {  	s2 =	sld [smem:$0x3F9E]  }
0x29: {  	s4 =	sld [smem:$0x3FA0]  }
0x2a: {  	p0 =	seq.s32 s5, $0x0;
	s5 =	sld [smem:$0x3FA1]  }
0x2b: {  	s6 =	sld [smem:$0x3FA2]  }
0x2c: {  	s7 =	sld [smem:$0x3FA3]  }
0x2d: {  	s3 =	simm.s32 $0x108;
	s8 =	sld [smem:$0x3FA4]  }
0x2e: {  	s3 =	simm.s32 @!p0 $0x1082;
	s9 =	sld [smem:$0x3FA5]  }
0x2f: {  	lr =	sadd.s32 s0, s3;
	s0 =	sld [smem:$0x3F9C]  }
0x30: {  	s3 =	sld [smem:$0x3F9F]  }
0x31: {  	[smem:$0x3FA8] =	sst s10  }
0x32: {  	s10 =	sld [smem:$0x3FA6];
	_ =	sdelay $0x3  }
0x33: {  	p0 =	seq.s32 s10, $0x1;
	s10 =	sld [smem:$0x3FA8];
	_ =	sdelay $0x3  }
0x34: {  	[smem:$0x3FA8] =	sst s10  }
0x35: {  	s10 =	sld [smem:$0x3FA7];
	_ =	sdelay $0x3  }
0x36: {  	p1 =	seq.s32 s10, $0x1;
	s10 =	sld [smem:$0x3FA8];
	_ =	sdelay $0x3  }
0x37: {  	[smem:$0x3FA8] =	sst s10  }
0x38: {  	s10 =	sld [smem:$0x3FA9]  }
0x39: {  	_ = 	snop;
	(pc) =	sbr.ind lr, $3  }
0x3a: {  	_ = 	snop  }
0x3b: {  	_ = 	snop  }
0x3c: {  	p2 =	seq.s32 s10, $0x1;
	s10 =	sld [smem:$0x3FA8]  }
0x3d: {  	_ =	shalt  }
0x3e: {  	_ =	shalt  }
0x3f: {  	_ =	shalt  }
0x40: {  	_ =	shalt  }
0x41: {  	_ =	shalt  }
0x42: {  	_ =	shalt  }
0x43: {  	_ =	shalt  }
0x44: {  	_ =	shalt  }
0x45: {  	_ =	shalt  }
0x46: {  	_ =	shalt  }
0x47: {  	_ =	shalt  }
0x48: {  	_ =	shalt  }
0x49: {  	_ =	shalt  }
0x4a: {  	_ =	shalt  }
0x4b: {  	_ =	shalt  }
0x4c: {  	_ =	shalt  }
0x4d: {  	_ =	shalt  }
0x4e: {  	_ =	shalt  }
0x4f: {  	_ =	shalt  }
0x50: {  	_ =	shalt  }
0x51: {  	_ =	shalt  }
0x52: {  	_ =	shalt  }
0x53: {  	_ =	shalt  }
0x54: {  	_ =	shalt  }
0x55: {  	_ =	shalt  }
0x56: {  	_ =	shalt  }
0x57: {  	_ =	shalt  }
0x58: {  	_ =	shalt  }
0x59: {  	_ =	shalt  }
0x5a: {  	_ =	shalt  }
0x5b: {  	_ =	shalt  }
0x5c: {  	_ =	shalt  }
0x5d: {  	_ =	shalt  }
0x5e: {  	_ =	shalt  }
0x5f: {  	_ =	shalt  }
0x60: {  	_ =	shalt  }
0x61: {  	_ =	shalt  }
0x62: {  	_ =	shalt  }
0x63: {  	_ =	shalt  }
0x64: {  	_ =	shalt  }
0x65: {  	_ =	shalt  }
0x66: {  	_ =	shalt  }
0x67: {  	_ =	shalt  }
0x68: {  	_ =	shalt  }
0x69: {  	_ =	shalt  }
0x6a: {  	_ =	shalt  }
0x6b: {  	_ =	shalt  }
0x6c: {  	_ =	shalt  }
0x6d: {  	_ =	shalt  }
0x6e: {  	_ =	shalt  }
0x6f: {  	_ =	shalt  }
0x70: {  	_ =	shalt  }
0x71: {  	_ =	shalt  }
0x72: {  	_ =	shalt  }
0x73: {  	_ =	shalt  }
0x74: {  	_ =	shalt  }
0x75: {  	_ =	shalt  }
0x76: {  	_ =	shalt  }
0x77: {  	_ =	shalt  }
0x78: {  	_ =	shalt  }
0x79: {  	_ =	shalt  }
0x7a: {  	_ =	shalt  }
0x7b: {  	_ =	shalt  }
0x7c: {  	_ =	shalt  }
0x7d: {  	_ =	shalt  }
0x7e: {  	_ =	shalt  }
0x7f: {  	_ =	shalt  }
0x80: {  	_ =	shalt  }
0x81: {  	_ =	shalt  }
0x82: {  	_ =	shalt  }
0x83: {  	_ =	shalt  }
0x84: {  	_ =	shalt  }
0x85: {  	_ =	shalt  }
0x86: {  	_ =	shalt  }
0x87: {  	_ =	shalt  }
.Lfunc_end0:
.L_simem_size_0:
called_computation.3_lowered:
.L_overlay_start_0:
0x88: {  	s2 =	sld [smem:$0x3FD9]  }
0x89: {  	s3 =	sld [smem:$0x3FFE];
	_ =	sdelay $0x1  }
0x8a: {  	s1 =	srdreg.scid  }
0x8b: {  	s0 =	sand.u32 $0x1, s1  }
0x8c: {  	s17 =	sshll.u32 s0, $0xA;
	s2 =	sadd.s32 s3, s2  }
0x8d: {  	s2 =	sadd.s32 s2, s17  }
0x8e: {  	[smem:$0x3FB4] =	sst s2  }
0x8f: {  	_ = 	snop  }
0x90: {  	(tm) =	ssettm $0x1  }
0x91: {  	s18 =	sld [smem:$0x3FFB];
	_ =	sdelay $0x3  }
0x92: {  	_ =	strace s18  }
0x93: {  	s2 =	sld [smem:$0x3FFC];
	_ =	sdelay $0x3  }
0x94: {  	_ =	strace s2  }
0x95: {  	s2 =	sld [smem:$0x3FFD];
	_ =	sdelay $0x3  }
0x96: {  	_ =	strace s2  }
0x97: {  	_ =	strace $0x8FFFFFFF  }
0x98: {  	s19 =	sld [smem:$0x3FDB];
	_ =	sdelay $0x1  }
0x99: {  	s20 =	simm.s32 $_scs_section_size  }
0x9a: {  	s4 =	simm.s32 $_size__tile_overlayer_lowered;
	s5 =	simm.s32 $_tile_overlayer_lowered  }
0x9b: {  	s6 =	simm.s32 $0x1BFF;
	s21 =	sshll.u32 s5, $0x1;
	s3 =	sadd.s32 s20, s19  }
0x9c: {  	s22 =	simm.s32 $0x0;
	s4 =	sshll.u32 s4, $0x1;
	s5 =	sadd.s32 s21, s3  }
0x9d: {  	[timem:s22], [sflag:s6] =	dma.local [hbm:s5], s4  }
0x9e: {  	_ =	swait.ge [sflag:s6], s4  }
0x9f: {  	s4 =	ssub.s32 $0x0, s4;
	[sflag:s6] =	ssyncset.done $0x0  }
0xa0: {  	[sflag:s6] =	ssyncadd.s32 s4;
	_ =	sdelay $0x1  }
0xa1: {  	s23 =	simm.s32 $0x1B8B  }
0xa2: {  	_ =	swait.ge [sflag:s23], $0x1  }
0xa3: {  	[sflag:s23] =	ssyncset.done $0x0  }
0xa4: {  	[sflag:s23] =	ssyncadd.s32 $0xFFFFFFFF  }
0xa5: {  	s4 =	sld [smem:$0x0]  }
0xa6: {  	s5 =	sand.u32 $0xFFFFFFFE, s1  }
0xa7: {  	p0 =	sne.s32 s1, s5  }
0xa8: {  	s5 =	sshll.u32 @p0 s5, $0xE  }
0xa9: {  	s5 =	sadd.s32 @p0 $0x11B8D, s5;
	s6 =	sshll.u32 @p0 s4, $0x11  }
0xaa: {  	s5 =	sor.u32 @p0 s6, s5  }
0xab: {  	[sflag:s5] =	ssyncadd.remote.s32 @p0 $0x1;
	_ =	sdelay $0x1  }
0xac: {  	s5 =	simm.s32 @p0 $0x1B8D  }
0xad: {  	_ =	swait.eq @p0 [sflag:s5], $0x1  }
0xae: {  	[sflag:s5] =	ssyncadd.s32 @p0 $0xFFFFFFFF  }
0xaf: {  	s6 =	sshll.u32 @!p0 s1, $0xE  }
0xb0: {  	s6 =	sor.u32 @!p0 $0x4000, s6;
	s5 =	simm.s32 @!p0 $0x1B8D  }
0xb1: {  	s4 =	sshll.u32 @!p0 s4, $0x11;
	s6 =	sadd.s32 @!p0 $0x11B8D, s6;
	_ =	swait.eq @!p0 [sflag:s5], $0x1  }
0xb2: {  	s4 =	sor.u32 @!p0 s4, s6;
	[sflag:s5] =	ssyncadd.s32 @!p0 $0xFFFFFFFF  }
0xb3: {  	s25 =	simm.s32 $0x1B8E;
	s24 =	sld [smem:$0x3FFE];
	[sflag:s4] =	ssyncadd.remote.s32 @!p0 $0x1  }
0xb4: {  	s26 =	simm.s32 $execute0_lowered;
	[smem:$0x3FD2] =	sst s25  }
0xb5: {  	s5 =	sshll.u32 s26, $0x1;
	_ =	strace $0x80000052;
	[dreg:$0x1] =	wrdreg $0xFFFFFFFF  }
0xb6: {  	s28 =	simm.s32 $_size_execute0_lowered;
	s3 =	sadd.s32 s3, s5;
	[dreg:$0x0] =	wrdreg $0x0  }
0xb7: {  	s5 =	sshll.u32 s28, $0x1;
	[dreg:$0x2] =	wrdreg s3  }
0xb8: {  	[dreg:$0x3] =	wrdreg s5  }
0xb9: {  	[dreg:$0x4] =	wrdreg $0xC0  }
0xba: {  	_ =	task [dreg:s22], $0x5FFFF  }
0xbb: {  	[dreg:$0x1] =	wrdreg $0xFFFFFFFF  }
0xbc: {  	[dreg:$0x0] =	wrdreg $0x60  }
0xbd: {  	[dreg:$0x2] =	wrdreg s24  }
0xbe: {  	[dreg:$0x3] =	wrdreg $0x81000  }
0xbf: {  	[dreg:$0x4] =	wrdreg $0x9  }
0xc0: {  	_ =	task.clear_ibuf [dreg:s22], $0x5FFFF;
	_ =	strace $0x90000052  }
0xc1: {  	s29 =	simm.s32 $0x9;
	_ =	strace $0x80000054  }
0xc2: {  	_ =	swait.ge [sflag:s29], $0x1  }
0xc3: {  	[sflag:s29] =	ssyncadd.s32 $0xFFFFFFFF  }
0xc4: {  	_ =	strace $0x90000054  }
0xc5: {  	_ =	sfence  }
0xc6: {  	s30 =	sld [smem:$0x0];
	_ =	sdelay $0x2  }
0xc7: {  	s31 =	sshll.u32 s1, $0xD;
	s1 =	sshrl.u32 s1, $0x2  }
0xc8: {  	s4 =	sand.u32 $0x4000, s31;
	s1 =	sadd.s32 s1, s30  }
0xc9: {  	s0 =	sor.u32 s4, s0;
	s1 =	sshll.u32 s1, $0x11  }
0xca: {  	s0 =	sor.u32 s1, s0  }
0xcb: {  	s0 =	sadd.s32 $0x8F2B, s0  }
0xcc: {  	[sflag:s0] =	ssyncadd.remote.s32 $0x1  }
0xcd: {  	_ =	sfence.sel $0xFFFF  }
0xce: {  	[dreg:$0x0] =	wrdreg $0xFFFFFFFF;
	(pc) =	sbr.abs _section_cstart, $3  }
0xcf: {  	[dreg:$0x1] =	wrdreg $0xFFFFFFFF  }
0xd0: {  	_ =	task.clear_ibuf [dreg:s22], $0x2FFFF;
	_ =	strace $0x9FFFFFFF  }
0xd1: {  	(tm) =	ssettm $0x7FFFFFFF  }
tec
execute0_lowered:
.L_overlay_start_1:
0x0: {  	(tag) =	ssettag $0x1  }
0x1: {  	s5 =	rddreg [dreg:$0x0]  }
0x2: {  	s1 =	rddreg [dreg:$0x1]  }
0x3: {  	s2 =	srdreg.scid;
	s3 =	simm.s32 $0x0;
	s17 =	simm.s32 $0x80  }
0x4: {  	s18 =	simm.s32 $0x4100;
	s19 =	simm.s32 $0x1;
	s20 =	simm.s32 $0x2  }
0x5: {  	s6 =	sand.u32 $0x1, s2;
	s2 =	stileid.u32;
	s12 =	sadd.s32 $0xFB6A00, s5  }
0x6: {  	[smem:$0x7FF] =	sst s3;
	s10 =	sadd.s32 $0x5AAA00, s5;
	s4 =	smul.u32 $0x140000, s6  }
0x7: {  	s21 =	simm.s32 $0x0;
	s7 =	smul.u32 $0x14000, s2;
	_ =	strace $0x80000053  }
0x8: {  	s8 =	smul.u32 $0x50000, s2;
	s9 =	ssub.s32 $0x2, s6;
	s25 =	sshll.u32 s2, $0x6  }
0x9: {  	s26 =	sshll.u32 s2, $0x7;
	s11 =	smul.u32 $0x1400000, s6;
	s28 =	sshll.u32 s2, $0xE  }
0xa: {  	s13 =	sshll.u32 s2, $0x4;
	s24 =	sshrl.u32 s9, $0x1;
	s16 =	sor.u32 $0x800, s26  }
0xb: {  	s7 =	sadd.s32 s7, s4;
	s4 =	sadd.s32 $0x8000, s5;
	s8 =	sshrl.u32 s8, $0x2  }
0xc: {  	s9 =	ssub.s32 s9, s24;
	s15 =	sor.u32 s11, s28;
	s29 =	sshll.u32 s16, $0x7  }
0xd: {  	s31 =	sshrl.u32 s16, $0x3;
	s16 =	simm.s32 $0x100;
	s7 =	sshrl.u32 s7, $0x3  }
0xe: {  	s14 =	sadd.s32 s8, s1;
	s8 =	sadd.s32 s10, s13;
	s11 =	sor.u32 s11, s29  }
0xf: {  	s30 =	sor.u32 $0x80000, s15;
	s10 =	sadd.s32 s10, s31;
	s7 =	sadd.s32 s7, s5  }
0x10: {  	s5 =	sor.u32 $0x1C03, s25;
	s11 =	sshrl.u32 s11, $0x3;
	s13 =	sshrl.u32 s30, $0x3  }
0x11: {  	s14 =	sshrl.u32 s14, $0x3;
	s6 =	sadd.s32 $0x32800, s7;
	s7 =	smax.u32 s9, $0x1  }
0x12: {  	s9 =	sshrl.u32 s15, $0x3;
	s11 =	sadd.s32 s12, s11;
	s15 =	simm.s32 $0x3  }
0x13: {  	s9 =	sadd.s32 s12, s9;
	s12 =	sadd.s32 s13, s12;
	s13 =	sadd.s32 $0x200, s8  }
.LBB2_1:
0x14: {  	[spmem:s14], [sflag:s5] =	dma.local [hbm:s4], $0x2800  }
0x15: {  	_ =	swait.ge [sflag:s15], $0x2800  }
0x16: {  	[sflag:s15] =	ssyncset.done $0x0  }
0x17: {  	[sflag:s15] =	ssyncadd.s32 $0xFFFFD800  }
0x18: {  	[bflag:$0x0] =	sbarrier.arrive $0xFFFF  }
0x19: {  	[tilespmem:s3], [sflag:$0x3] =	stream.linear.gather [hbm4b:s8+s3], $0x80, $0x38;
	[tilespmem:$0x1C100] =	vst v63  }
0x1a: {  	_ =	swait.ge [sflag:s15], $0x80  }
0x1b: {  	[sflag:s15] =	ssyncset.done $0x0  }
0x1c: {  	[sflag:s15] =	ssyncadd.s32 $0xFFFFFF80  }
0x1d: {  	[tilespmem:s16], [sflag:$0x3] =	stream.linear.gather [hbm4b:s9+s3], $0x4000, $0x38;
	[tilespmem:$0x1C100] =	vst v63  }
0x1e: {  	_ =	swait.ge [sflag:s15], $0x4000  }
0x1f: {  	[sflag:s15] =	ssyncset.done $0x0  }
0x20: {  	[sflag:s15] =	ssyncadd.s32 $0xFFFFC000  }
0x21: {  	[spmem:s1] =	stream.indirect.scatter.add.f32 [tilespmem:s16], [sflag:$0x1], $0x80, s3, s17, $0xb8;
	[tilespmem:$0x1C100] =	vst v63  }
0x22: {  	_ = 	snop  }
0x23: {  	[tilespmem:s17], [sflag:$0x3] =	stream.linear.gather [hbm4b:s10+s3], $0x80, $0x38;
	[tilespmem:$0x1C100] =	vst v63  }
0x24: {  	_ =	swait.ge [sflag:s15], $0x80  }
0x25: {  	[sflag:s15] =	ssyncset.done $0x0  }
0x26: {  	[sflag:s15] =	ssyncadd.s32 $0xFFFFFF80  }
0x27: {  	[tilespmem:s18], [sflag:$0x3] =	stream.linear.gather [hbm4b:s11+s3], $0x4000, $0x38;
	[tilespmem:$0x1C100] =	vst v63  }
0x28: {  	_ =	swait.ge [sflag:s15], $0x4000  }
0x29: {  	s23 =	sand.u32 $0x1, s20;
	[sflag:s15] =	ssyncset.done $0x0  }
0x2a: {  	s22 =	sadd.s32 $0x1, s23;
	[sflag:s15] =	ssyncadd.s32 $0xFFFFC000  }
0x2b: {  	[spmem:s1] =	stream.indirect.scatter.add.f32 [tilespmem:s18], [sflag:$0x2], $0x80, s17, s17, $0xb8;
	[tilespmem:$0x1C100] =	vst v63  }
0x2c: {  	_ =	swait.ge [sflag:s22], $0x4000  }
0x2d: {  	[sflag:s22] =	ssyncset.done $0x0  }
0x2e: {  	s25 =	sshll.u32 s23, $0x7;
	[sflag:s22] =	ssyncadd.s32 $0xFFFFC000  }
0x2f: {  	[tilespmem:s25], [sflag:$0x3] =	stream.linear.gather [hbm4b:s13+s3], $0x80, $0x38;
	[tilespmem:$0x1C100] =	vst v63  }
0x30: {  	_ =	swait.ge [sflag:s15], $0x80  }
0x31: {  	s23 =	sshll.u32 s23, $0xE;
	[sflag:s15] =	ssyncset.done $0x0  }
0x32: {  	s26 =	simm.s32 $0x3;
	s28 =	sor.u32 $0x100, s23;
	[sflag:s15] =	ssyncadd.s32 $0xFFFFFF80  }
0x33: {  	[tilespmem:s28], [sflag:$0x3] =	stream.linear.gather [hbm4b:s12+s3], $0x4000, $0x38;
	[tilespmem:$0x1C100] =	vst v63  }
0x34: {  	s29 =	simm.s32 $0x4;
	s24 =	sadd.s32 $0x100, s13;
	_ =	swait.ge [sflag:s15], $0x4000  }
0x35: {  	s26 =	sand.u32 $0x1, s26;
	s23 =	sadd.s32 $0x8000, s12;
	[sflag:s15] =	ssyncset.done $0x0  }
.LBB2_2:
0x36: {  	s30 =	sadd.s32 $0x1, s26  }
0x37: {  	[sflag:s15] =	ssyncadd.s32 $0xFFFFC000;
	s31 =	smov.u32 s29;
	s0 =	sadd.s32 $0x1, s29  }
0x38: {  	[spmem:s1] =	stream.indirect.scatter.add.f32 [tilespmem:s28], [sflag:s22], $0x80, s25, s17, $0xb8;
	[tilespmem:$0x1C100] =	vst v63  }
0x39: {  	p0 =	sne.s32 s29, $0x4F;
	s22 =	smov.u32 s30;
	_ =	swait.ge [sflag:s30], $0x4000  }
0x3a: {  	[sflag:s22] =	ssyncset.done $0x0  }
0x3b: {  	s25 =	sshll.u32 s26, $0x7;
	[sflag:s22] =	ssyncadd.s32 $0xFFFFC000  }
0x3c: {  	[tilespmem:s25], [sflag:$0x3] =	stream.linear.gather [hbm4b:s24+s3], $0x80, $0x38;
	[tilespmem:$0x1C100] =	vst v63  }
0x3d: {  	_ =	swait.ge [sflag:s15], $0x80  }
.Ltmp0:
0x3e: {  	s26 =	sshll.u32 s26, $0xE;
	[sflag:s15] =	ssyncset.done $0x0;
	(pc) =	sbr.rel @p0 .LBB2_2-.Ltmp0, $4  }
0x3f: {  	s28 =	sor.u32 $0x100, s26;
	[sflag:s15] =	ssyncadd.s32 $0xFFFFFF80  }
0x40: {  	[tilespmem:s28], [sflag:$0x3] =	stream.linear.gather [hbm4b:s23+s3], $0x4000, $0x38;
	[tilespmem:$0x1C100] =	vst v63  }
0x41: {  	s29 =	smov.u32 s0;
	s24 =	sadd.s32 $0x100, s24;
	_ =	swait.ge [sflag:s15], $0x4000  }
0x42: {  	s26 =	sand.u32 $0x1, s31;
	s23 =	sadd.s32 $0x8000, s23;
	[sflag:s15] =	ssyncset.done $0x0  }
0x43: {  	s0 =	sadd.s32 $0x1, s26;
	[sflag:s15] =	ssyncadd.s32 $0xFFFFC000  }
0x44: {  	[spmem:s1] =	stream.indirect.scatter.add.f32 [tilespmem:s28], [sflag:s22], $0x80, s25, s17, $0xb8;
	[tilespmem:$0x1C100] =	vst v63  }
0x45: {  	_ =	swait.ge [sflag:s0], $0x4000  }
0x46: {  	[sflag:s0] =	ssyncset.done $0x0  }
0x47: {  	s30 =	sshll.u32 s26, $0x7;
	[sflag:s0] =	ssyncadd.s32 $0xFFFFC000  }
0x48: {  	[tilespmem:s30], [sflag:$0x3] =	stream.linear.gather [hbm4b:s24+s3], $0x80, $0x38;
	[tilespmem:$0x1C100] =	vst v63  }
0x49: {  	_ =	swait.ge [sflag:s15], $0x80  }
0x4a: {  	s31 =	sshll.u32 s26, $0xE;
	[sflag:s15] =	ssyncset.done $0x0  }
0x4b: {  	s24 =	sor.u32 $0x100, s31;
	[sflag:s15] =	ssyncadd.s32 $0xFFFFFF80  }
0x4c: {  	[tilespmem:s24], [sflag:$0x3] =	stream.linear.gather [hbm4b:s23+s3], $0x4000, $0x38;
	[tilespmem:$0x1C100] =	vst v63  }
0x4d: {  	_ =	swait.ge [sflag:s15], $0x4000  }
0x4e: {  	[sflag:s15] =	ssyncset.done $0x0  }
0x4f: {  	[sflag:s15] =	ssyncadd.s32 $0xFFFFC000  }
0x50: {  	[spmem:s1] =	stream.indirect.scatter.add.f32 [tilespmem:s24], [sflag:s0], $0x80, s30, s17, $0xb8;
	[tilespmem:$0x1C100] =	vst v63  }
0x51: {  	_ =	swait.ge [sflag:s19], $0x4000  }
0x52: {  	[sflag:s19] =	ssyncset.done $0x0  }
0x53: {  	[sflag:s19] =	ssyncadd.s32 $0xFFFFC000  }
0x54: {  	_ =	swait.ge [sflag:s20], $0x4000  }
0x55: {  	s21 =	sadd.s32 $0x1, s21;
	[sflag:s20] =	ssyncset.done $0x0  }
0x56: {  	p0 =	sne.s32 s21, s7;
	[sflag:s20] =	ssyncadd.s32 $0xFFFFC000  }
.Ltmp1:
0x57: {  	[bflag:$0x0] =	sbarrier.arrive $0xFFFF;
	(pc) =	sbr.rel @p0 .LBB2_1-.Ltmp1, $4  }
0x58: {  	[hbm:s6], [sflag:s5] =	dma.local [spmem:s14], $0x2800  }
0x59: {  	_ =	swait.ge [sflag:s15], $0x2800  }
0x5a: {  	[sflag:s15] =	ssyncset.done $0x0  }
0x5b: {  	[sflag:s15] =	ssyncadd.s32 $0xFFFFD800  }
0x5c: {  	_ =	sfence.sel $0x180000  }
0x5d: {  	[bflag:$0x0] =	sbarrier.arrive $0xFFFF  }
0x5e: {  	_ =	strace $0x90000053  }
0x5f: {  	[bflag:$0x2] =	sbarrier.arrive $0xFFFF  }
0x60: {  	p0 =	sne.s32 s2, $0x0;
	s0 =	rddreg [dreg:$0x2]  }
0x61: {  	s0 =	sadd.s32 @!p0 $0x100000, s0  }
0x62: {  	[sflag:s0] =	ssyncadd.tile.s32 @!p0 $0x1;
	_ =	shalt  }
.Lfunc_end2:
_tile_overlayer_lowered:
.L_overlay_start_2:
0x63: {  	(tag) =	ssettag $0x2  }
0x64: {  	s0 =	rddreg [dreg:$0x0];
	s2 =	stileid.u32  }
0x65: {  	s1 =	rddreg [dreg:$0x1];
	p0 =	sne.s32 s2, $0x0  }
0x66: {  	s3 =	rddreg [dreg:$0x2];
	[bflag:$0x3] =	sbarrier.arrive $0xFFFF;
	s2 =	simm.s32 @!p0 $0x1C03  }
0x67: {  	[timem:s3], [sflag:s2] =	dma.local @!p0 [hbm:s0], s1  }
0x68: {  	s0 =	simm.s32 @!p0 $0x3  }
0x69: {  	_ =	swait.ge @!p0 [sflag:s0], s1  }
0x6a: {  	s1 =	ssub.s32 @!p0 $0x0, s1;
	[sflag:s0] =	ssyncset.done @!p0 $0x0  }
0x6b: {  	[sflag:s0] =	ssyncadd.s32 @!p0 s1  }
0x6c: {  	[bflag:$0x3] =	sbarrier.arrive $0xFFFF  }
0x6d: {  	_ =	shalt  }

// kernel: kernel.30.cloned.1.call-start
scs
__scs_entry_jumppad:
0x0: {  	(pc) =	sbr.rel $0x88, $3  }
0x1: {  	(tag) =	ssettag $0x0;
	lr =	simm.s32 $0x1  }
0x2: {  	[smem:$0x3F8D] =	sst lr;
	_ =	strace $0xD0000000  }
0x3: {  	_ = 	snop  }
0x4: {  	_ = 	snop  }
0x5: {  	_ = 	snop  }
0x6: {  	_ = 	snop  }
0x7: {  	_ = 	snop  }
__scs_overlays_trampoline_lowered:
0x8: {  	[smem:$0x3F9C] =	sst s0  }
0x9: {  	[smem:$0x3F9D] =	sst s1  }
0xa: {  	[smem:$0x3F9E] =	sst s2  }
0xb: {  	[smem:$0x3F9F] =	sst s3  }
0xc: {  	[smem:$0x3FA0] =	sst s4  }
0xd: {  	[smem:$0x3FA1] =	sst s5  }
0xe: {  	[smem:$0x3FA2] =	sst s6  }
0xf: {  	[smem:$0x3FA3] =	sst s7  }
0x10: {  	[smem:$0x3FA4] =	sst s8  }
0x11: {  	[smem:$0x3FA5] =	sst s9;
	s0 =	simm.s32 @!p0 $0x0  }
0x12: {  	s1 =	sld [smem:$0x3F8B];
	s0 =	simm.s32 @p0 $0x1  }
0x13: {  	[smem:$0x3FA6] =	sst s0;
	s0 =	simm.s32 @!p1 $0x0  }
0x14: {  	s2 =	sld [smem:$0x3F8A];
	s0 =	simm.s32 @p1 $0x1  }
0x15: {  	[smem:$0x3FA7] =	sst s0;
	s0 =	simm.s32 @!p2 $0x0  }
0x16: {  	s3 =	sld [smem:$0x3FDB];
	s0 =	simm.s32 @p2 $0x1  }
0x17: {  	s4 =	simm.s32 $0x1BF5;
	[smem:$0x3FA9] =	sst s0  }
0x18: {  	s0 =	sld [smem:$0x3F8C];
	_ =	swait.ge [sflag:s4], $0x0  }
0x19: {  	s7 =	sld [smem:$0x3F8D]  }
0x1a: {  	s8 =	sadd.s32 $0xFFFFE003, lr  }
0x1b: {  	s9 =	sadd.s32 $0xFFFFFEF7, lr;
	s5 =	simm.s32 $0xFFFFFFFF;
	p2 =	slt.u32 s8, $0xFFFFF086  }
0x1c: {  	p1 =	slt.u32 s9, $0xF7A;
	s5 =	simm.s32 @!p2 $0x0  }
0x1d: {  	s5 =	simm.s32 @p1 $0x1;
	p0 =	seq.s32 s7, s2  }
0x1e: {  	s7 =	smul.u32 @!p0 $0xF7A, s2;
	p2 =	seq.s32 @!p0 s5, $0x0  }
0x1f: {  	s9 =	smul.u32 $0xF7A, s1;
	s8 =	simm.s32 @!p0 $0x1BF5;
	p2 =	por !p2, p0  }
0x20: {  	[sflag:s8] =	ssyncset.s32 @!p0 $0xFFFFF086;
	s6 =	sadd.s32 @!p0 s3, s7;
	s7 =	simm.s32 @!p0 $0x108  }
0x21: {  	s3 =	sadd.s32 s3, s9;
	s6 =	sadd.s32 @!p0 $0x88, s6;
	s7 =	simm.s32 @p2 $0x1082  }
0x22: {  	[simem:s7], [sflag:s8] =	dma.local @!p0 [hbm:s6], $0xF7A  }
0x23: {  	s9 =	sor.u32 $0xD0000000, s2;
	s6 =	simm.s32 $0x108;
	_ =	swait.ge @!p0 [sflag:s8], $0x0  }
0x24: {  	s3 =	sadd.s32 $0x88, s3;
	s6 =	simm.s32 @!p1 $0x1082;
	[sflag:s4] =	ssyncset.s32 $0xFFFFF086  }
0x25: {  	[simem:s6], [sflag:s4] =	dma.local [hbm:s3], $0xF7A  }
0x26: {  	[smem:$0x3F8D] =	sst s1;
	(tag) =	ssettag s2;
	_ =	strace s9  }
0x27: {  	s1 =	sld [smem:$0x3F9D]  }
0x28: {  	s2 =	sld [smem:$0x3F9E]  }
0x29: {  	s4 =	sld [smem:$0x3FA0]  }
0x2a: {  	p0 =	seq.s32 s5, $0x0;
	s5 =	sld [smem:$0x3FA1]  }
0x2b: {  	s6 =	sld [smem:$0x3FA2]  }
0x2c: {  	s7 =	sld [smem:$0x3FA3]  }
0x2d: {  	s3 =	simm.s32 $0x108;
	s8 =	sld [smem:$0x3FA4]  }
0x2e: {  	s3 =	simm.s32 @!p0 $0x1082;
	s9 =	sld [smem:$0x3FA5]  }
0x2f: {  	lr =	sadd.s32 s0, s3;
	s0 =	sld [smem:$0x3F9C]  }
0x30: {  	s3 =	sld [smem:$0x3F9F]  }
0x31: {  	[smem:$0x3FA8] =	sst s10  }
0x32: {  	s10 =	sld [smem:$0x3FA6];
	_ =	sdelay $0x3  }
0x33: {  	p0 =	seq.s32 s10, $0x1;
	s10 =	sld [smem:$0x3FA8];
	_ =	sdelay $0x3  }
0x34: {  	[smem:$0x3FA8] =	sst s10  }
0x35: {  	s10 =	sld [smem:$0x3FA7];
	_ =	sdelay $0x3  }
0x36: {  	p1 =	seq.s32 s10, $0x1;
	s10 =	sld [smem:$0x3FA8];
	_ =	sdelay $0x3  }
0x37: {  	[smem:$0x3FA8] =	sst s10  }
0x38: {  	s10 =	sld [smem:$0x3FA9]  }
0x39: {  	_ = 	snop;
	(pc) =	sbr.ind lr, $3  }
0x3a: {  	_ = 	snop  }
0x3b: {  	_ = 	snop  }
0x3c: {  	p2 =	seq.s32 s10, $0x1;
	s10 =	sld [smem:$0x3FA8]  }
0x3d: {  	_ =	shalt  }
0x3e: {  	_ =	shalt  }
0x3f: {  	_ =	shalt  }
0x40: {  	_ =	shalt  }
0x41: {  	_ =	shalt  }
0x42: {  	_ =	shalt  }
0x43: {  	_ =	shalt  }
0x44: {  	_ =	shalt  }
0x45: {  	_ =	shalt  }
0x46: {  	_ =	shalt  }
0x47: {  	_ =	shalt  }
0x48: {  	_ =	shalt  }
0x49: {  	_ =	shalt  }
0x4a: {  	_ =	shalt  }
0x4b: {  	_ =	shalt  }
0x4c: {  	_ =	shalt  }
0x4d: {  	_ =	shalt  }
0x4e: {  	_ =	shalt  }
0x4f: {  	_ =	shalt  }
0x50: {  	_ =	shalt  }
0x51: {  	_ =	shalt  }
0x52: {  	_ =	shalt  }
0x53: {  	_ =	shalt  }
0x54: {  	_ =	shalt  }
0x55: {  	_ =	shalt  }
0x56: {  	_ =	shalt  }
0x57: {  	_ =	shalt  }
0x58: {  	_ =	shalt  }
0x59: {  	_ =	shalt  }
0x5a: {  	_ =	shalt  }
0x5b: {  	_ =	shalt  }
0x5c: {  	_ =	shalt  }
0x5d: {  	_ =	shalt  }
0x5e: {  	_ =	shalt  }
0x5f: {  	_ =	shalt  }
0x60: {  	_ =	shalt  }
0x61: {  	_ =	shalt  }
0x62: {  	_ =	shalt  }
0x63: {  	_ =	shalt  }
0x64: {  	_ =	shalt  }
0x65: {  	_ =	shalt  }
0x66: {  	_ =	shalt  }
0x67: {  	_ =	shalt  }
0x68: {  	_ =	shalt  }
0x69: {  	_ =	shalt  }
0x6a: {  	_ =	shalt  }
0x6b: {  	_ =	shalt  }
0x6c: {  	_ =	shalt  }
0x6d: {  	_ =	shalt  }
0x6e: {  	_ =	shalt  }
0x6f: {  	_ =	shalt  }
0x70: {  	_ =	shalt  }
0x71: {  	_ =	shalt  }
0x72: {  	_ =	shalt  }
0x73: {  	_ =	shalt  }
0x74: {  	_ =	shalt  }
0x75: {  	_ =	shalt  }
0x76: {  	_ =	shalt  }
0x77: {  	_ =	shalt  }
0x78: {  	_ =	shalt  }
0x79: {  	_ =	shalt  }
0x7a: {  	_ =	shalt  }
0x7b: {  	_ =	shalt  }
0x7c: {  	_ =	shalt  }
0x7d: {  	_ =	shalt  }
0x7e: {  	_ =	shalt  }
0x7f: {  	_ =	shalt  }
0x80: {  	_ =	shalt  }
0x81: {  	_ =	shalt  }
0x82: {  	_ =	shalt  }
0x83: {  	_ =	shalt  }
0x84: {  	_ =	shalt  }
0x85: {  	_ =	shalt  }
0x86: {  	_ =	shalt  }
0x87: {  	_ =	shalt  }
.Lfunc_end0:
.L_simem_size_0:
called_computation.4_lowered:
.L_overlay_start_0:
0x88: {  	s2 =	sld [smem:$0x3FD9]  }
0x89: {  	s3 =	sld [smem:$0x3FFE];
	_ =	sdelay $0x1  }
0x8a: {  	s1 =	srdreg.scid  }
0x8b: {  	s0 =	sand.u32 $0x1, s1  }
0x8c: {  	s17 =	sshll.u32 s0, $0xA;
	s2 =	sadd.s32 s3, s2  }
0x8d: {  	s2 =	sadd.s32 s2, s17  }
0x8e: {  	[smem:$0x3FB4] =	sst s2  }
0x8f: {  	_ = 	snop  }
0x90: {  	(tm) =	ssettm $0x1  }
0x91: {  	s18 =	sld [smem:$0x3FFB];
	_ =	sdelay $0x3  }
0x92: {  	_ =	strace s18  }
0x93: {  	s2 =	sld [smem:$0x3FFC];
	_ =	sdelay $0x3  }
0x94: {  	_ =	strace s2  }
0x95: {  	s2 =	sld [smem:$0x3FFD];
	_ =	sdelay $0x3  }
0x96: {  	_ =	strace s2  }
0x97: {  	_ =	strace $0x8FFFFFFF  }
0x98: {  	s19 =	sld [smem:$0x3FDB];
	_ =	sdelay $0x1  }
0x99: {  	s20 =	simm.s32 $_scs_section_size  }
0x9a: {  	s4 =	simm.s32 $_size__tile_overlayer_lowered;
	s5 =	simm.s32 $_tile_overlayer_lowered  }
0x9b: {  	s6 =	simm.s32 $0x1BFF;
	s21 =	sshll.u32 s5, $0x1;
	s3 =	sadd.s32 s20, s19  }
0x9c: {  	s22 =	simm.s32 $0x0;
	s4 =	sshll.u32 s4, $0x1;
	s5 =	sadd.s32 s21, s3  }
0x9d: {  	[timem:s22], [sflag:s6] =	dma.local [hbm:s5], s4  }
0x9e: {  	_ =	swait.ge [sflag:s6], s4  }
0x9f: {  	s4 =	ssub.s32 $0x0, s4;
	[sflag:s6] =	ssyncset.done $0x0  }
0xa0: {  	[sflag:s6] =	ssyncadd.s32 s4;
	_ =	sdelay $0x1  }
0xa1: {  	s23 =	simm.s32 $0x1B8B  }
0xa2: {  	_ =	swait.ge [sflag:s23], $0x1  }
0xa3: {  	[sflag:s23] =	ssyncset.done $0x0  }
0xa4: {  	[sflag:s23] =	ssyncadd.s32 $0xFFFFFFFF  }
0xa5: {  	s4 =	sld [smem:$0x0]  }
0xa6: {  	s5 =	sand.u32 $0xFFFFFFFE, s1  }
0xa7: {  	p0 =	sne.s32 s1, s5  }
0xa8: {  	s5 =	sshll.u32 @p0 s5, $0xE  }
0xa9: {  	s5 =	sadd.s32 @p0 $0x11B8D, s5;
	s6 =	sshll.u32 @p0 s4, $0x11  }
0xaa: {  	s5 =	sor.u32 @p0 s6, s5  }
0xab: {  	[sflag:s5] =	ssyncadd.remote.s32 @p0 $0x1;
	_ =	sdelay $0x1  }
0xac: {  	s5 =	simm.s32 @p0 $0x1B8D  }
0xad: {  	_ =	swait.eq @p0 [sflag:s5], $0x1  }
0xae: {  	[sflag:s5] =	ssyncadd.s32 @p0 $0xFFFFFFFF  }
0xaf: {  	s6 =	sshll.u32 @!p0 s1, $0xE  }
0xb0: {  	s6 =	sor.u32 @!p0 $0x4000, s6;
	s5 =	simm.s32 @!p0 $0x1B8D  }
0xb1: {  	s4 =	sshll.u32 @!p0 s4, $0x11;
	s6 =	sadd.s32 @!p0 $0x11B8D, s6;
	_ =	swait.eq @!p0 [sflag:s5], $0x1  }
0xb2: {  	s4 =	sor.u32 @!p0 s4, s6;
	[sflag:s5] =	ssyncadd.s32 @!p0 $0xFFFFFFFF  }
0xb3: {  	s25 =	simm.s32 $0x1B8E;
	s24 =	sld [smem:$0x3FFE];
	[sflag:s4] =	ssyncadd.remote.s32 @!p0 $0x1  }
0xb4: {  	s26 =	simm.s32 $execute0_lowered;
	[smem:$0x3FD2] =	sst s25  }
0xb5: {  	s5 =	sshll.u32 s26, $0x1;
	_ =	strace $0x8000004F;
	[dreg:$0x1] =	wrdreg $0xFFFFFFFF  }
0xb6: {  	s28 =	simm.s32 $_size_execute0_lowered;
	s3 =	sadd.s32 s3, s5;
	[dreg:$0x0] =	wrdreg $0x0  }
0xb7: {  	s5 =	sshll.u32 s28, $0x1;
	[dreg:$0x2] =	wrdreg s3  }
0xb8: {  	[dreg:$0x3] =	wrdreg s5  }
0xb9: {  	[dreg:$0x4] =	wrdreg $0xC0  }
0xba: {  	_ =	task [dreg:s22], $0x5FFFF  }
0xbb: {  	[dreg:$0x1] =	wrdreg $0xFFFFFFFF  }
0xbc: {  	[dreg:$0x0] =	wrdreg $0x60  }
0xbd: {  	[dreg:$0x2] =	wrdreg s24  }
0xbe: {  	[dreg:$0x3] =	wrdreg $0x81000  }
0xbf: {  	[dreg:$0x4] =	wrdreg $0xA  }
0xc0: {  	_ =	task.clear_ibuf [dreg:s22], $0x5FFFF;
	_ =	strace $0x9000004F  }
0xc1: {  	s29 =	simm.s32 $0xA;
	_ =	strace $0x80000051  }
0xc2: {  	_ =	swait.ge [sflag:s29], $0x1  }
0xc3: {  	[sflag:s29] =	ssyncadd.s32 $0xFFFFFFFF  }
0xc4: {  	_ =	strace $0x90000051  }
0xc5: {  	_ =	sfence  }
0xc6: {  	s30 =	sld [smem:$0x0];
	_ =	sdelay $0x2  }
0xc7: {  	s31 =	sshll.u32 s1, $0xD;
	s1 =	sshrl.u32 s1, $0x2  }
0xc8: {  	s4 =	sand.u32 $0x4000, s31;
	s1 =	sadd.s32 s1, s30  }
0xc9: {  	s0 =	sor.u32 s4, s0;
	s1 =	sshll.u32 s1, $0x11  }
0xca: {  	s0 =	sor.u32 s1, s0  }
0xcb: {  	s0 =	sadd.s32 $0x8F2B, s0  }
0xcc: {  	[sflag:s0] =	ssyncadd.remote.s32 $0x1  }
0xcd: {  	_ =	sfence.sel $0xFFFF  }
0xce: {  	[dreg:$0x0] =	wrdreg $0xFFFFFFFF;
	(pc) =	sbr.abs _section_cstart, $3  }
0xcf: {  	[dreg:$0x1] =	wrdreg $0xFFFFFFFF  }
0xd0: {  	_ =	task.clear_ibuf [dreg:s22], $0x2FFFF;
	_ =	strace $0x9FFFFFFF  }
0xd1: {  	(tm) =	ssettm $0x7FFFFFFF  }
tec
execute0_lowered:
.L_overlay_start_1:
0x0: {  	(tag) =	ssettag $0x1  }
0x1: {  	s5 =	rddreg [dreg:$0x0]  }
0x2: {  	s1 =	rddreg [dreg:$0x1]  }
0x3: {  	s2 =	srdreg.scid;
	s3 =	simm.s32 $0x0;
	s17 =	simm.s32 $0x80  }
0x4: {  	s18 =	simm.s32 $0x4100;
	s19 =	simm.s32 $0x1;
	s20 =	simm.s32 $0x2  }
0x5: {  	s21 =	simm.s32 $0x0;
	s6 =	sand.u32 $0x1, s2;
	s2 =	stileid.u32  }
0x6: {  	[smem:$0x7FF] =	sst s3;
	s12 =	sadd.s32 $0xAD6A00, s5;
	s4 =	smul.u32 $0x140000, s6  }
0x7: {  	s10 =	sadd.s32 $0xC0C00, s5;
	s7 =	smul.u32 $0x14000, s2;
	_ =	strace $0x80000050  }
0x8: {  	s8 =	smul.u32 $0x50000, s2;
	s9 =	ssub.s32 $0x2, s6;
	s25 =	sshll.u32 s2, $0x6  }
0x9: {  	s26 =	sshll.u32 s2, $0x7;
	s11 =	smul.u32 $0x1380000, s6;
	s28 =	sshll.u32 s2, $0xE  }
0xa: {  	s13 =	sshll.u32 s2, $0x4;
	s24 =	sshrl.u32 s9, $0x1;
	s16 =	sor.u32 $0x800, s26  }
0xb: {  	s7 =	sadd.s32 s7, s4;
	s4 =	sadd.s32 $0x8000, s5;
	s8 =	sshrl.u32 s8, $0x2  }
0xc: {  	s9 =	ssub.s32 s9, s24;
	s15 =	sor.u32 s11, s28;
	s29 =	sshll.u32 s16, $0x7  }
0xd: {  	s31 =	sshrl.u32 s16, $0x3;
	s16 =	simm.s32 $0x100;
	s7 =	sshrl.u32 s7, $0x3  }
0xe: {  	s14 =	sadd.s32 s8, s1;
	s8 =	sadd.s32 s10, s13;
	s11 =	sor.u32 s11, s29  }
0xf: {  	s30 =	sadd.s32 $0x80000, s15;
	s10 =	sadd.s32 s10, s31;
	s7 =	sadd.s32 s7, s5  }
0x10: {  	s5 =	sor.u32 $0x1C03, s25;
	s11 =	sshrl.u32 s11, $0x3;
	s13 =	sshrl.u32 s30, $0x3  }
0x11: {  	s14 =	sshrl.u32 s14, $0x3;
	s6 =	sadd.s32 $0xC5A00, s7;
	s7 =	smax.u32 s9, $0x1  }
0x12: {  	s9 =	sshrl.u32 s15, $0x3;
	s11 =	sadd.s32 s12, s11;
	s15 =	simm.s32 $0x3  }
0x13: {  	s9 =	sadd.s32 s12, s9;
	s12 =	sadd.s32 s13, s12;
	s13 =	sadd.s32 $0x200, s8  }
.LBB2_1:
0x14: {  	[spmem:s14], [sflag:s5] =	dma.local [hbm:s4], $0x2800  }
0x15: {  	_ =	swait.ge [sflag:s15], $0x2800  }
0x16: {  	[sflag:s15] =	ssyncset.done $0x0  }
0x17: {  	[sflag:s15] =	ssyncadd.s32 $0xFFFFD800  }
0x18: {  	[bflag:$0x0] =	sbarrier.arrive $0xFFFF  }
0x19: {  	[tilespmem:s3], [sflag:$0x3] =	stream.linear.gather [hbm4b:s8+s3], $0x80, $0x38;
	[tilespmem:$0x1C100] =	vst v63  }
0x1a: {  	_ =	swait.ge [sflag:s15], $0x80  }
0x1b: {  	[sflag:s15] =	ssyncset.done $0x0  }
0x1c: {  	[sflag:s15] =	ssyncadd.s32 $0xFFFFFF80  }
0x1d: {  	[tilespmem:s16], [sflag:$0x3] =	stream.linear.gather [hbm4b:s9+s3], $0x4000, $0x38;
	[tilespmem:$0x1C100] =	vst v63  }
0x1e: {  	_ =	swait.ge [sflag:s15], $0x4000  }
0x1f: {  	[sflag:s15] =	ssyncset.done $0x0  }
0x20: {  	[sflag:s15] =	ssyncadd.s32 $0xFFFFC000  }
0x21: {  	[spmem:s1] =	stream.indirect.scatter.add.f32 [tilespmem:s16], [sflag:$0x1], $0x80, s3, s17, $0xb8;
	[tilespmem:$0x1C100] =	vst v63  }
0x22: {  	_ = 	snop  }
0x23: {  	[tilespmem:s17], [sflag:$0x3] =	stream.linear.gather [hbm4b:s10+s3], $0x80, $0x38;
	[tilespmem:$0x1C100] =	vst v63  }
0x24: {  	_ =	swait.ge [sflag:s15], $0x80  }
0x25: {  	[sflag:s15] =	ssyncset.done $0x0  }
0x26: {  	[sflag:s15] =	ssyncadd.s32 $0xFFFFFF80  }
0x27: {  	[tilespmem:s18], [sflag:$0x3] =	stream.linear.gather [hbm4b:s11+s3], $0x4000, $0x38;
	[tilespmem:$0x1C100] =	vst v63  }
0x28: {  	_ =	swait.ge [sflag:s15], $0x4000  }
0x29: {  	s23 =	sand.u32 $0x1, s20;
	[sflag:s15] =	ssyncset.done $0x0  }
0x2a: {  	s22 =	sadd.s32 $0x1, s23;
	[sflag:s15] =	ssyncadd.s32 $0xFFFFC000  }
0x2b: {  	[spmem:s1] =	stream.indirect.scatter.add.f32 [tilespmem:s18], [sflag:$0x2], $0x80, s17, s17, $0xb8;
	[tilespmem:$0x1C100] =	vst v63  }
0x2c: {  	_ =	swait.ge [sflag:s22], $0x4000  }
0x2d: {  	[sflag:s22] =	ssyncset.done $0x0  }
0x2e: {  	s25 =	sshll.u32 s23, $0x7;
	[sflag:s22] =	ssyncadd.s32 $0xFFFFC000  }
0x2f: {  	[tilespmem:s25], [sflag:$0x3] =	stream.linear.gather [hbm4b:s13+s3], $0x80, $0x38;
	[tilespmem:$0x1C100] =	vst v63  }
0x30: {  	_ =	swait.ge [sflag:s15], $0x80  }
0x31: {  	s23 =	sshll.u32 s23, $0xE;
	[sflag:s15] =	ssyncset.done $0x0  }
0x32: {  	s26 =	simm.s32 $0x3;
	s28 =	sor.u32 $0x100, s23;
	[sflag:s15] =	ssyncadd.s32 $0xFFFFFF80  }
0x33: {  	[tilespmem:s28], [sflag:$0x3] =	stream.linear.gather [hbm4b:s12+s3], $0x4000, $0x38;
	[tilespmem:$0x1C100] =	vst v63  }
0x34: {  	s29 =	simm.s32 $0x4;
	s24 =	sadd.s32 $0x100, s13;
	_ =	swait.ge [sflag:s15], $0x4000  }
0x35: {  	s26 =	sand.u32 $0x1, s26;
	s23 =	sadd.s32 $0x8000, s12;
	[sflag:s15] =	ssyncset.done $0x0  }
.LBB2_2:
0x36: {  	s30 =	sadd.s32 $0x1, s26  }
0x37: {  	[sflag:s15] =	ssyncadd.s32 $0xFFFFC000;
	s31 =	smov.u32 s29;
	s0 =	sadd.s32 $0x1, s29  }
0x38: {  	[spmem:s1] =	stream.indirect.scatter.add.f32 [tilespmem:s28], [sflag:s22], $0x80, s25, s17, $0xb8;
	[tilespmem:$0x1C100] =	vst v63  }
0x39: {  	p0 =	sne.s32 s29, $0x4D;
	s22 =	smov.u32 s30;
	_ =	swait.ge [sflag:s30], $0x4000  }
0x3a: {  	[sflag:s22] =	ssyncset.done $0x0  }
0x3b: {  	s25 =	sshll.u32 s26, $0x7;
	[sflag:s22] =	ssyncadd.s32 $0xFFFFC000  }
0x3c: {  	[tilespmem:s25], [sflag:$0x3] =	stream.linear.gather [hbm4b:s24+s3], $0x80, $0x38;
	[tilespmem:$0x1C100] =	vst v63  }
0x3d: {  	_ =	swait.ge [sflag:s15], $0x80  }
.Ltmp0:
0x3e: {  	s26 =	sshll.u32 s26, $0xE;
	[sflag:s15] =	ssyncset.done $0x0;
	(pc) =	sbr.rel @p0 .LBB2_2-.Ltmp0, $4  }
0x3f: {  	s28 =	sor.u32 $0x100, s26;
	[sflag:s15] =	ssyncadd.s32 $0xFFFFFF80  }
0x40: {  	[tilespmem:s28], [sflag:$0x3] =	stream.linear.gather [hbm4b:s23+s3], $0x4000, $0x38;
	[tilespmem:$0x1C100] =	vst v63  }
0x41: {  	s29 =	smov.u32 s0;
	s24 =	sadd.s32 $0x100, s24;
	_ =	swait.ge [sflag:s15], $0x4000  }
0x42: {  	s26 =	sand.u32 $0x1, s31;
	s23 =	sadd.s32 $0x8000, s23;
	[sflag:s15] =	ssyncset.done $0x0  }
0x43: {  	s0 =	sadd.s32 $0x1, s26;
	[sflag:s15] =	ssyncadd.s32 $0xFFFFC000  }
0x44: {  	[spmem:s1] =	stream.indirect.scatter.add.f32 [tilespmem:s28], [sflag:s22], $0x80, s25, s17, $0xb8;
	[tilespmem:$0x1C100] =	vst v63  }
0x45: {  	_ =	swait.ge [sflag:s0], $0x4000  }
0x46: {  	[sflag:s0] =	ssyncset.done $0x0  }
0x47: {  	s30 =	sshll.u32 s26, $0x7;
	[sflag:s0] =	ssyncadd.s32 $0xFFFFC000  }
0x48: {  	[tilespmem:s30], [sflag:$0x3] =	stream.linear.gather [hbm4b:s24+s3], $0x80, $0x38;
	[tilespmem:$0x1C100] =	vst v63  }
0x49: {  	_ =	swait.ge [sflag:s15], $0x80  }
0x4a: {  	s31 =	sshll.u32 s26, $0xE;
	[sflag:s15] =	ssyncset.done $0x0  }
0x4b: {  	s24 =	sor.u32 $0x100, s31;
	[sflag:s15] =	ssyncadd.s32 $0xFFFFFF80  }
0x4c: {  	[tilespmem:s24], [sflag:$0x3] =	stream.linear.gather [hbm4b:s23+s3], $0x4000, $0x38;
	[tilespmem:$0x1C100] =	vst v63  }
0x4d: {  	_ =	swait.ge [sflag:s15], $0x4000  }
0x4e: {  	[sflag:s15] =	ssyncset.done $0x0  }
0x4f: {  	[sflag:s15] =	ssyncadd.s32 $0xFFFFC000  }
0x50: {  	[spmem:s1] =	stream.indirect.scatter.add.f32 [tilespmem:s24], [sflag:s0], $0x80, s30, s17, $0xb8;
	[tilespmem:$0x1C100] =	vst v63  }
0x51: {  	_ =	swait.ge [sflag:s19], $0x4000  }
0x52: {  	[sflag:s19] =	ssyncset.done $0x0  }
0x53: {  	[sflag:s19] =	ssyncadd.s32 $0xFFFFC000  }
0x54: {  	_ =	swait.ge [sflag:s20], $0x4000  }
0x55: {  	s21 =	sadd.s32 $0x1, s21;
	[sflag:s20] =	ssyncset.done $0x0  }
0x56: {  	p0 =	sne.s32 s21, s7;
	[sflag:s20] =	ssyncadd.s32 $0xFFFFC000  }
.Ltmp1:
0x57: {  	[bflag:$0x0] =	sbarrier.arrive $0xFFFF;
	(pc) =	sbr.rel @p0 .LBB2_1-.Ltmp1, $4  }
0x58: {  	[hbm:s6], [sflag:s5] =	dma.local [spmem:s14], $0x2800  }
0x59: {  	_ =	swait.ge [sflag:s15], $0x2800  }
0x5a: {  	[sflag:s15] =	ssyncset.done $0x0  }
0x5b: {  	[sflag:s15] =	ssyncadd.s32 $0xFFFFD800  }
0x5c: {  	_ =	sfence.sel $0x180000  }
0x5d: {  	[bflag:$0x0] =	sbarrier.arrive $0xFFFF  }
0x5e: {  	_ =	strace $0x90000050  }
0x5f: {  	[bflag:$0x2] =	sbarrier.arrive $0xFFFF  }
0x60: {  	p0 =	sne.s32 s2, $0x0;
	s0 =	rddreg [dreg:$0x2]  }
0x61: {  	s0 =	sadd.s32 @!p0 $0x100000, s0  }
0x62: {  	[sflag:s0] =	ssyncadd.tile.s32 @!p0 $0x1;
	_ =	shalt  }
.Lfunc_end2:
_tile_overlayer_lowered:
.L_overlay_start_2:
0x63: {  	(tag) =	ssettag $0x2  }
0x64: {  	s0 =	rddreg [dreg:$0x0];
	s2 =	stileid.u32  }
0x65: {  	s1 =	rddreg [dreg:$0x1];
	p0 =	sne.s32 s2, $0x0  }
0x66: {  	s3 =	rddreg [dreg:$0x2];
	[bflag:$0x3] =	sbarrier.arrive $0xFFFF;
	s2 =	simm.s32 @!p0 $0x1C03  }
0x67: {  	[timem:s3], [sflag:s2] =	dma.local @!p0 [hbm:s0], s1  }
0x68: {  	s0 =	simm.s32 @!p0 $0x3  }
0x69: {  	_ =	swait.ge @!p0 [sflag:s0], s1  }
0x6a: {  	s1 =	ssub.s32 @!p0 $0x0, s1;
	[sflag:s0] =	ssyncset.done @!p0 $0x0  }
0x6b: {  	[sflag:s0] =	ssyncadd.s32 @!p0 s1  }
0x6c: {  	[bflag:$0x3] =	sbarrier.arrive $0xFFFF  }
0x6d: {  	_ =	shalt  }

// kernel: kernel.33.cloned.1.call-start
scs
__scs_entry_jumppad:
0x0: {  	(pc) =	sbr.rel $0x88, $3  }
0x1: {  	(tag) =	ssettag $0x0;
	lr =	simm.s32 $0x1  }
0x2: {  	[smem:$0x3F8D] =	sst lr;
	_ =	strace $0xD0000000  }
0x3: {  	_ = 	snop  }
0x4: {  	_ = 	snop  }
0x5: {  	_ = 	snop  }
0x6: {  	_ = 	snop  }
0x7: {  	_ = 	snop  }
__scs_overlays_trampoline_lowered:
0x8: {  	[smem:$0x3F9C] =	sst s0  }
0x9: {  	[smem:$0x3F9D] =	sst s1  }
0xa: {  	[smem:$0x3F9E] =	sst s2  }
0xb: {  	[smem:$0x3F9F] =	sst s3  }
0xc: {  	[smem:$0x3FA0] =	sst s4  }
0xd: {  	[smem:$0x3FA1] =	sst s5  }
0xe: {  	[smem:$0x3FA2] =	sst s6  }
0xf: {  	[smem:$0x3FA3] =	sst s7  }
0x10: {  	[smem:$0x3FA4] =	sst s8  }
0x11: {  	[smem:$0x3FA5] =	sst s9;
	s0 =	simm.s32 @!p0 $0x0  }
0x12: {  	s1 =	sld [smem:$0x3F8B];
	s0 =	simm.s32 @p0 $0x1  }
0x13: {  	[smem:$0x3FA6] =	sst s0;
	s0 =	simm.s32 @!p1 $0x0  }
0x14: {  	s2 =	sld [smem:$0x3F8A];
	s0 =	simm.s32 @p1 $0x1  }
0x15: {  	[smem:$0x3FA7] =	sst s0;
	s0 =	simm.s32 @!p2 $0x0  }
0x16: {  	s3 =	sld [smem:$0x3FDB];
	s0 =	simm.s32 @p2 $0x1  }
0x17: {  	s4 =	simm.s32 $0x1BF5;
	[smem:$0x3FA9] =	sst s0  }
0x18: {  	s0 =	sld [smem:$0x3F8C];
	_ =	swait.ge [sflag:s4], $0x0  }
0x19: {  	s7 =	sld [smem:$0x3F8D]  }
0x1a: {  	s8 =	sadd.s32 $0xFFFFE003, lr  }
0x1b: {  	s9 =	sadd.s32 $0xFFFFFEF7, lr;
	s5 =	simm.s32 $0xFFFFFFFF;
	p2 =	slt.u32 s8, $0xFFFFF086  }
0x1c: {  	p1 =	slt.u32 s9, $0xF7A;
	s5 =	simm.s32 @!p2 $0x0  }
0x1d: {  	s5 =	simm.s32 @p1 $0x1;
	p0 =	seq.s32 s7, s2  }
0x1e: {  	s7 =	smul.u32 @!p0 $0xF7A, s2;
	p2 =	seq.s32 @!p0 s5, $0x0  }
0x1f: {  	s9 =	smul.u32 $0xF7A, s1;
	s8 =	simm.s32 @!p0 $0x1BF5;
	p2 =	por !p2, p0  }
0x20: {  	[sflag:s8] =	ssyncset.s32 @!p0 $0xFFFFF086;
	s6 =	sadd.s32 @!p0 s3, s7;
	s7 =	simm.s32 @!p0 $0x108  }
0x21: {  	s3 =	sadd.s32 s3, s9;
	s6 =	sadd.s32 @!p0 $0x88, s6;
	s7 =	simm.s32 @p2 $0x1082  }
0x22: {  	[simem:s7], [sflag:s8] =	dma.local @!p0 [hbm:s6], $0xF7A  }
0x23: {  	s9 =	sor.u32 $0xD0000000, s2;
	s6 =	simm.s32 $0x108;
	_ =	swait.ge @!p0 [sflag:s8], $0x0  }
0x24: {  	s3 =	sadd.s32 $0x88, s3;
	s6 =	simm.s32 @!p1 $0x1082;
	[sflag:s4] =	ssyncset.s32 $0xFFFFF086  }
0x25: {  	[simem:s6], [sflag:s4] =	dma.local [hbm:s3], $0xF7A  }
0x26: {  	[smem:$0x3F8D] =	sst s1;
	(tag) =	ssettag s2;
	_ =	strace s9  }
0x27: {  	s1 =	sld [smem:$0x3F9D]  }
0x28: {  	s2 =	sld [smem:$0x3F9E]  }
0x29: {  	s4 =	sld [smem:$0x3FA0]  }
0x2a: {  	p0 =	seq.s32 s5, $0x0;
	s5 =	sld [smem:$0x3FA1]  }
0x2b: {  	s6 =	sld [smem:$0x3FA2]  }
0x2c: {  	s7 =	sld [smem:$0x3FA3]  }
0x2d: {  	s3 =	simm.s32 $0x108;
	s8 =	sld [smem:$0x3FA4]  }
0x2e: {  	s3 =	simm.s32 @!p0 $0x1082;
	s9 =	sld [smem:$0x3FA5]  }
0x2f: {  	lr =	sadd.s32 s0, s3;
	s0 =	sld [smem:$0x3F9C]  }
0x30: {  	s3 =	sld [smem:$0x3F9F]  }
0x31: {  	[smem:$0x3FA8] =	sst s10  }
0x32: {  	s10 =	sld [smem:$0x3FA6];
	_ =	sdelay $0x3  }
0x33: {  	p0 =	seq.s32 s10, $0x1;
	s10 =	sld [smem:$0x3FA8];
	_ =	sdelay $0x3  }
0x34: {  	[smem:$0x3FA8] =	sst s10  }
0x35: {  	s10 =	sld [smem:$0x3FA7];
	_ =	sdelay $0x3  }
0x36: {  	p1 =	seq.s32 s10, $0x1;
	s10 =	sld [smem:$0x3FA8];
	_ =	sdelay $0x3  }
0x37: {  	[smem:$0x3FA8] =	sst s10  }
0x38: {  	s10 =	sld [smem:$0x3FA9]  }
0x39: {  	_ = 	snop;
	(pc) =	sbr.ind lr, $3  }
0x3a: {  	_ = 	snop  }
0x3b: {  	_ = 	snop  }
0x3c: {  	p2 =	seq.s32 s10, $0x1;
	s10 =	sld [smem:$0x3FA8]  }
0x3d: {  	_ =	shalt  }
0x3e: {  	_ =	shalt  }
0x3f: {  	_ =	shalt  }
0x40: {  	_ =	shalt  }
0x41: {  	_ =	shalt  }
0x42: {  	_ =	shalt  }
0x43: {  	_ =	shalt  }
0x44: {  	_ =	shalt  }
0x45: {  	_ =	shalt  }
0x46: {  	_ =	shalt  }
0x47: {  	_ =	shalt  }
0x48: {  	_ =	shalt  }
0x49: {  	_ =	shalt  }
0x4a: {  	_ =	shalt  }
0x4b: {  	_ =	shalt  }
0x4c: {  	_ =	shalt  }
0x4d: {  	_ =	shalt  }
0x4e: {  	_ =	shalt  }
0x4f: {  	_ =	shalt  }
0x50: {  	_ =	shalt  }
0x51: {  	_ =	shalt  }
0x52: {  	_ =	shalt  }
0x53: {  	_ =	shalt  }
0x54: {  	_ =	shalt  }
0x55: {  	_ =	shalt  }
0x56: {  	_ =	shalt  }
0x57: {  	_ =	shalt  }
0x58: {  	_ =	shalt  }
0x59: {  	_ =	shalt  }
0x5a: {  	_ =	shalt  }
0x5b: {  	_ =	shalt  }
0x5c: {  	_ =	shalt  }
0x5d: {  	_ =	shalt  }
0x5e: {  	_ =	shalt  }
0x5f: {  	_ =	shalt  }
0x60: {  	_ =	shalt  }
0x61: {  	_ =	shalt  }
0x62: {  	_ =	shalt  }
0x63: {  	_ =	shalt  }
0x64: {  	_ =	shalt  }
0x65: {  	_ =	shalt  }
0x66: {  	_ =	shalt  }
0x67: {  	_ =	shalt  }
0x68: {  	_ =	shalt  }
0x69: {  	_ =	shalt  }
0x6a: {  	_ =	shalt  }
0x6b: {  	_ =	shalt  }
0x6c: {  	_ =	shalt  }
0x6d: {  	_ =	shalt  }
0x6e: {  	_ =	shalt  }
0x6f: {  	_ =	shalt  }
0x70: {  	_ =	shalt  }
0x71: {  	_ =	shalt  }
0x72: {  	_ =	shalt  }
0x73: {  	_ =	shalt  }
0x74: {  	_ =	shalt  }
0x75: {  	_ =	shalt  }
0x76: {  	_ =	shalt  }
0x77: {  	_ =	shalt  }
0x78: {  	_ =	shalt  }
0x79: {  	_ =	shalt  }
0x7a: {  	_ =	shalt  }
0x7b: {  	_ =	shalt  }
0x7c: {  	_ =	shalt  }
0x7d: {  	_ =	shalt  }
0x7e: {  	_ =	shalt  }
0x7f: {  	_ =	shalt  }
0x80: {  	_ =	shalt  }
0x81: {  	_ =	shalt  }
0x82: {  	_ =	shalt  }
0x83: {  	_ =	shalt  }
0x84: {  	_ =	shalt  }
0x85: {  	_ =	shalt  }
0x86: {  	_ =	shalt  }
0x87: {  	_ =	shalt  }
.Lfunc_end0:
.L_simem_size_0:
called_computation.5_lowered:
.L_overlay_start_0:
0x88: {  	s2 =	sld [smem:$0x3FD9]  }
0x89: {  	s3 =	sld [smem:$0x3FFE];
	_ =	sdelay $0x1  }
0x8a: {  	s1 =	srdreg.scid  }
0x8b: {  	s0 =	sand.u32 $0x1, s1  }
0x8c: {  	s17 =	sshll.u32 s0, $0xA;
	s2 =	sadd.s32 s3, s2  }
0x8d: {  	s2 =	sadd.s32 s2, s17  }
0x8e: {  	[smem:$0x3FB4] =	sst s2  }
0x8f: {  	_ = 	snop  }
0x90: {  	(tm) =	ssettm $0x1  }
0x91: {  	s18 =	sld [smem:$0x3FFB];
	_ =	sdelay $0x3  }
0x92: {  	_ =	strace s18  }
0x93: {  	s2 =	sld [smem:$0x3FFC];
	_ =	sdelay $0x3  }
0x94: {  	_ =	strace s2  }
0x95: {  	s2 =	sld [smem:$0x3FFD];
	_ =	sdelay $0x3  }
0x96: {  	_ =	strace s2  }
0x97: {  	_ =	strace $0x8FFFFFFF  }
0x98: {  	s19 =	sld [smem:$0x3FDB];
	_ =	sdelay $0x1  }
0x99: {  	s20 =	simm.s32 $_scs_section_size  }
0x9a: {  	s4 =	simm.s32 $_size__tile_overlayer_lowered;
	s5 =	simm.s32 $_tile_overlayer_lowered  }
0x9b: {  	s6 =	simm.s32 $0x1BFF;
	s21 =	sshll.u32 s5, $0x1;
	s3 =	sadd.s32 s20, s19  }
0x9c: {  	s22 =	simm.s32 $0x0;
	s4 =	sshll.u32 s4, $0x1;
	s5 =	sadd.s32 s21, s3  }
0x9d: {  	[timem:s22], [sflag:s6] =	dma.local [hbm:s5], s4  }
0x9e: {  	_ =	swait.ge [sflag:s6], s4  }
0x9f: {  	s4 =	ssub.s32 $0x0, s4;
	[sflag:s6] =	ssyncset.done $0x0  }
0xa0: {  	[sflag:s6] =	ssyncadd.s32 s4;
	_ =	sdelay $0x1  }
0xa1: {  	s23 =	simm.s32 $0x1B8B  }
0xa2: {  	_ =	swait.ge [sflag:s23], $0x1  }
0xa3: {  	[sflag:s23] =	ssyncset.done $0x0  }
0xa4: {  	[sflag:s23] =	ssyncadd.s32 $0xFFFFFFFF  }
0xa5: {  	s4 =	sld [smem:$0x0]  }
0xa6: {  	s5 =	sand.u32 $0xFFFFFFFE, s1  }
0xa7: {  	p0 =	sne.s32 s1, s5  }
0xa8: {  	s5 =	sshll.u32 @p0 s5, $0xE  }
0xa9: {  	s5 =	sadd.s32 @p0 $0x11B8D, s5;
	s6 =	sshll.u32 @p0 s4, $0x11  }
0xaa: {  	s5 =	sor.u32 @p0 s6, s5  }
0xab: {  	[sflag:s5] =	ssyncadd.remote.s32 @p0 $0x1;
	_ =	sdelay $0x1  }
0xac: {  	s5 =	simm.s32 @p0 $0x1B8D  }
0xad: {  	_ =	swait.eq @p0 [sflag:s5], $0x1  }
0xae: {  	[sflag:s5] =	ssyncadd.s32 @p0 $0xFFFFFFFF  }
0xaf: {  	s6 =	sshll.u32 @!p0 s1, $0xE  }
0xb0: {  	s6 =	sor.u32 @!p0 $0x4000, s6;
	s5 =	simm.s32 @!p0 $0x1B8D  }
0xb1: {  	s4 =	sshll.u32 @!p0 s4, $0x11;
	s6 =	sadd.s32 @!p0 $0x11B8D, s6;
	_ =	swait.eq @!p0 [sflag:s5], $0x1  }
0xb2: {  	s4 =	sor.u32 @!p0 s4, s6;
	[sflag:s5] =	ssyncadd.s32 @!p0 $0xFFFFFFFF  }
0xb3: {  	s25 =	simm.s32 $0x1B8E;
	s24 =	sld [smem:$0x3FFE];
	[sflag:s4] =	ssyncadd.remote.s32 @!p0 $0x1  }
0xb4: {  	s26 =	simm.s32 $execute0_lowered;
	[smem:$0x3FD2] =	sst s25  }
0xb5: {  	s5 =	sshll.u32 s26, $0x1;
	_ =	strace $0x80000058;
	[dreg:$0x1] =	wrdreg $0xFFFFFFFF  }
0xb6: {  	s28 =	simm.s32 $_size_execute0_lowered;
	s3 =	sadd.s32 s3, s5;
	[dreg:$0x0] =	wrdreg $0x0  }
0xb7: {  	s5 =	sshll.u32 s28, $0x1;
	[dreg:$0x2] =	wrdreg s3  }
0xb8: {  	[dreg:$0x3] =	wrdreg s5  }
0xb9: {  	[dreg:$0x4] =	wrdreg $0xC0  }
0xba: {  	_ =	task [dreg:s22], $0x5FFFF  }
0xbb: {  	[dreg:$0x1] =	wrdreg $0xFFFFFFFF  }
0xbc: {  	[dreg:$0x0] =	wrdreg $0x60  }
0xbd: {  	[dreg:$0x2] =	wrdreg s24  }
0xbe: {  	[dreg:$0x3] =	wrdreg $0x9  }
0xbf: {  	_ =	task.clear_ibuf [dreg:s22], $0x4FFFF;
	_ =	strace $0x90000058  }
0xc0: {  	s29 =	simm.s32 $0x9;
	_ =	strace $0x8000005A  }
0xc1: {  	_ =	swait.ge [sflag:s29], $0x1  }
0xc2: {  	[sflag:s29] =	ssyncadd.s32 $0xFFFFFFFF  }
0xc3: {  	_ =	strace $0x9000005A  }
0xc4: {  	_ =	sfence  }
0xc5: {  	s30 =	sld [smem:$0x0];
	_ =	sdelay $0x2  }
0xc6: {  	s31 =	sshll.u32 s1, $0xD;
	s1 =	sshrl.u32 s1, $0x2  }
0xc7: {  	s4 =	sand.u32 $0x4000, s31;
	s1 =	sadd.s32 s1, s30  }
0xc8: {  	s0 =	sor.u32 s4, s0;
	s1 =	sshll.u32 s1, $0x11  }
0xc9: {  	s0 =	sor.u32 s1, s0  }
0xca: {  	s0 =	sadd.s32 $0x8F2B, s0  }
0xcb: {  	[sflag:s0] =	ssyncadd.remote.s32 $0x1  }
0xcc: {  	_ =	sfence.sel $0xFFFF  }
0xcd: {  	[dreg:$0x0] =	wrdreg $0xFFFFFFFF;
	(pc) =	sbr.abs _section_cstart, $3  }
0xce: {  	[dreg:$0x1] =	wrdreg $0xFFFFFFFF  }
0xcf: {  	_ =	task.clear_ibuf [dreg:s22], $0x2FFFF;
	_ =	strace $0x9FFFFFFF  }
0xd0: {  	(tm) =	ssettm $0x7FFFFFFF  }
0xd1: {  	_ =	shalt  }
tec
execute0_lowered:
.L_overlay_start_1:
0x0: {  	(tag) =	ssettag $0x1  }
0x1: {  	s5 =	rddreg [dreg:$0x0]  }
0x2: {  	s0 =	rddreg [dreg:$0x1]  }
0x3: {  	s3 =	srdreg.scid;
	s2 =	simm.s32 $0x0;
	s1 =	stileid.u32  }
0x4: {  	s11 =	simm.s32 $0x80;
	s12 =	simm.s32 $0x1;
	s13 =	simm.s32 $0x2  }
0x5: {  	s14 =	simm.s32 $0x0;
	s6 =	sand.u32 $0x1, s3;
	[smem:$0x7FF] =	sst s2  }
0x6: {  	s30 =	sshll.u32 s1, $0x8;
	s3 =	sadd.s32 $0x32800, s5;
	s8 =	sshll.u32 s1, $0xC  }
0x7: {  	s4 =	sshll.u32 s6, $0x7;
	_ =	strace $0x80000059;
	s9 =	ssub.s32 $0x2, s6  }
0x8: {  	s8 =	sadd.s32 s8, s5;
	s6 =	sshll.u32 s6, $0xB;
	s7 =	sor.u32 s4, s30  }
0x9: {  	s4 =	sadd.s32 $0x5A800, s5;
	s31 =	sshrl.u32 s9, $0x1;
	s10 =	sadd.s32 s6, s8  }
0xa: {  	s7 =	sshrl.u32 s7, $0x3;
	s9 =	ssub.s32 s9, s31;
	s8 =	sadd.s32 $0x5AFA00, s10  }
0xb: {  	s7 =	sadd.s32 s7, s5;
	s6 =	smax.u32 s9, $0x1;
	s9 =	sadd.s32 $0x82FA00, s10  }
0xc: {  	s10 =	simm.s32 $0x3;
	s5 =	sadd.s32 $0x5A5A00, s7;
	s7 =	sadd.s32 $0x5AAA00, s7  }
.LBB2_1:
0xd: {  	p0 =	por $0x1, $0x1  }
0xe: {  	s16 =	sand.u32 $0x1, s2;
	p0 =	por p0, p0  }
0xf: {  	s15 =	sadd.s32 @!p0 $0x1, s16  }
0x10: {  	_ =	swait.ge @!p0 [sflag:s15], $0x4000  }
0x11: {  	[sflag:s15] =	ssyncset.done @!p0 $0x0  }
0x12: {  	[sflag:s15] =	ssyncadd.s32 @!p0 $0xFFFFC000  }
0x13: {  	_ =	swait.ge @!p0 [sflag:s15], $0x4000  }
0x14: {  	[sflag:s15] =	ssyncset.done @!p0 $0x0  }
0x15: {  	[sflag:s15] =	ssyncadd.s32 @!p0 $0xFFFFC000  }
0x16: {  	[tilespmem:s2], [sflag:$0x3] =	stream.linear.gather [hbm4b:s7+s2], $0x80, $0x38;
	[tilespmem:$0x10100] =	vst v63  }
0x17: {  	_ =	swait.ge [sflag:s10], $0x80  }
0x18: {  	[sflag:s10] =	ssyncset.done $0x0  }
0x19: {  	[sflag:s10] =	ssyncadd.s32 $0xFFFFFF80  }
0x1a: {  	[tilespmem:s11], [sflag:$0x3] =	stream.linear.gather [hbm4b:s5+s2], $0x80, $0x38;
	[tilespmem:$0x10100] =	vst v63  }
0x1b: {  	_ =	swait.ge [sflag:s10], $0x80  }
0x1c: {  	s30 =	sshll.u32 s16, $0xE;
	[sflag:s10] =	ssyncset.done $0x0  }
0x1d: {  	s18 =	sor.u32 $0x100, s30;
	[sflag:s10] =	ssyncadd.s32 $0xFFFFFF80  }
0x1e: {  	[tilespmem:s18], [sflag:$0x3] =	stream.indirect.gather [hbm4b:s3+s11], $0x80, s2, s11, $0xb8;
	[tilespmem:$0x10100] =	vst v63  }
0x1f: {  	_ =	swait.ge [sflag:s10], $0x4000  }
0x20: {  	s31 =	simm.s32 $0x1;
	p6 =	por $0x1, $0x1;
	[sflag:s10] =	ssyncset.done $0x0  }
0x21: {  	s21 =	simm.s32 $0x2;
	s23 =	sor.u32 $0x8100, s30;
	[sflag:s10] =	ssyncadd.s32 $0xFFFFC000  }
0x22: {  	[tilespmem:s23], [sflag:$0x3] =	stream.indirect.gather [hbm4b:s4+s11], $0x80, s11, s11, $0xb8;
	[tilespmem:$0x10100] =	vst v63  }
0x23: {  	s19 =	sadd.s32 $0x200, s5;
	s20 =	sadd.s32 $0x200, s7;
	_ =	swait.ge [sflag:s10], $0x4000  }
0x24: {  	s22 =	smov.u32 s9;
	s24 =	sadd.s32 $0x1, s16;
	[sflag:s10] =	ssyncset.done $0x0  }
0x25: {  	s16 =	sadd.s32 $0x10000, s9;
	s15 =	sand.u32 $0x1, s31;
	[sflag:s10] =	ssyncadd.s32 $0xFFFFC000  }
0x26: {  	[hbm4b:s8+s2] =	stream.linear.scatter [tilespmem:s18], [sflag:s24], $0x4000, $0x38;
	[tilespmem:$0x10100] =	vst v63  }
0x27: {  	p0 =	por p6, p6;
	s17 =	sshll.u32 s15, $0xE;
	s18 =	sadd.s32 $0x10000, s8  }
.LBB2_2:
0x28: {  	[hbm4b:s22+s2] =	stream.linear.scatter [tilespmem:s23], [sflag:s24], $0x4000, $0x38;
	[tilespmem:$0x10100] =	vst v63  }
0x29: {  	s22 =	sand.u32 $0x1, s21;
	p2 =	slt.u32 s21, $0x2;
	s23 =	sadd.s32 @!p0 $0x1, s15  }
0x2a: {  	s21 =	sadd.s32 $0x1, s21;
	s24 =	sshll.u32 s22, $0xE;
	_ =	swait.ge @!p0 [sflag:s23], $0x4000  }
0x2b: {  	s25 =	smov.u32 s15;
	p1 =	sne.s32 s21, $0x28;
	[sflag:s23] =	ssyncset.done @!p0 $0x0  }
0x2c: {  	s15 =	smov.u32 s22;
	s22 =	smov.u32 s16;
	[sflag:s23] =	ssyncadd.s32 @!p0 $0xFFFFC000  }
0x2d: {  	_ =	swait.ge @!p0 [sflag:s23], $0x4000  }
0x2e: {  	[sflag:s23] =	ssyncset.done @!p0 $0x0  }
0x2f: {  	[sflag:s23] =	ssyncadd.s32 @!p0 $0xFFFFC000;
	p0 =	por p2, p2  }
0x30: {  	[tilespmem:s2], [sflag:$0x3] =	stream.linear.gather [hbm4b:s20+s2], $0x80, $0x38;
	[tilespmem:$0x10100] =	vst v63  }
0x31: {  	_ =	swait.ge [sflag:s10], $0x80  }
0x32: {  	[sflag:s10] =	ssyncset.done $0x0  }
0x33: {  	[sflag:s10] =	ssyncadd.s32 $0xFFFFFF80  }
0x34: {  	[tilespmem:s11], [sflag:$0x3] =	stream.linear.gather [hbm4b:s19+s2], $0x80, $0x38;
	[tilespmem:$0x10100] =	vst v63  }
0x35: {  	_ =	swait.ge [sflag:s10], $0x80  }
0x36: {  	[sflag:s10] =	ssyncset.done $0x0  }
0x37: {  	s26 =	sor.u32 $0x100, s17;
	[sflag:s10] =	ssyncadd.s32 $0xFFFFFF80  }
0x38: {  	[tilespmem:s26], [sflag:$0x3] =	stream.indirect.gather [hbm4b:s3+s11], $0x80, s2, s11, $0xb8;
	[tilespmem:$0x10100] =	vst v63  }
0x39: {  	_ =	swait.ge [sflag:s10], $0x4000  }
0x3a: {  	[sflag:s10] =	ssyncset.done $0x0  }
0x3b: {  	s23 =	sor.u32 $0x8100, s17;
	s17 =	smov.u32 s24;
	[sflag:s10] =	ssyncadd.s32 $0xFFFFC000  }
0x3c: {  	[tilespmem:s23], [sflag:$0x3] =	stream.indirect.gather [hbm4b:s4+s11], $0x80, s11, s11, $0xb8;
	[tilespmem:$0x10100] =	vst v63  }
.Ltmp0:
0x3d: {  	_ =	swait.ge [sflag:s10], $0x4000;
	(pc) =	sbr.rel @p1 .LBB2_2-.Ltmp0, $4  }
0x3e: {  	[sflag:s10] =	ssyncset.done $0x0  }
0x3f: {  	s16 =	sadd.s32 $0x10000, s16;
	s24 =	sadd.s32 $0x1, s25;
	[sflag:s10] =	ssyncadd.s32 $0xFFFFC000  }
0x40: {  	[hbm4b:s18+s2] =	stream.linear.scatter [tilespmem:s26], [sflag:s24], $0x4000, $0x38;
	[tilespmem:$0x10100] =	vst v63  }
0x41: {  	s20 =	sadd.s32 $0x200, s20;
	s19 =	sadd.s32 $0x200, s19;
	s18 =	sadd.s32 $0x10000, s18  }
0x42: {  	[hbm4b:s22+s2] =	stream.linear.scatter [tilespmem:s23], [sflag:s24], $0x4000, $0x38;
	[tilespmem:$0x10100] =	vst v63  }
0x43: {  	s21 =	sadd.s32 @!p0 $0x1, s15  }
0x44: {  	_ =	swait.ge @!p0 [sflag:s21], $0x4000  }
0x45: {  	[sflag:s21] =	ssyncset.done @!p0 $0x0  }
0x46: {  	[sflag:s21] =	ssyncadd.s32 @!p0 $0xFFFFC000  }
0x47: {  	_ =	swait.ge @!p0 [sflag:s21], $0x4000  }
0x48: {  	[sflag:s21] =	ssyncset.done @!p0 $0x0  }
0x49: {  	[sflag:s21] =	ssyncadd.s32 @!p0 $0xFFFFC000  }
0x4a: {  	[tilespmem:s2], [sflag:$0x3] =	stream.linear.gather [hbm4b:s20+s2], $0x80, $0x38;
	[tilespmem:$0x10100] =	vst v63  }
0x4b: {  	_ =	swait.ge [sflag:s10], $0x80  }
0x4c: {  	[sflag:s10] =	ssyncset.done $0x0  }
0x4d: {  	[sflag:s10] =	ssyncadd.s32 $0xFFFFFF80  }
0x4e: {  	[tilespmem:s11], [sflag:$0x3] =	stream.linear.gather [hbm4b:s19+s2], $0x80, $0x38;
	[tilespmem:$0x10100] =	vst v63  }
0x4f: {  	_ =	swait.ge [sflag:s10], $0x80  }
0x50: {  	[sflag:s10] =	ssyncset.done $0x0  }
0x51: {  	s29 =	sor.u32 $0x100, s17;
	[sflag:s10] =	ssyncadd.s32 $0xFFFFFF80  }
0x52: {  	[tilespmem:s29], [sflag:$0x3] =	stream.indirect.gather [hbm4b:s3+s11], $0x80, s2, s11, $0xb8;
	[tilespmem:$0x10100] =	vst v63  }
0x53: {  	_ =	swait.ge [sflag:s10], $0x4000  }
0x54: {  	[sflag:s10] =	ssyncset.done $0x0  }
0x55: {  	s30 =	sor.u32 $0x8100, s17;
	[sflag:s10] =	ssyncadd.s32 $0xFFFFC000  }
0x56: {  	[tilespmem:s30], [sflag:$0x3] =	stream.indirect.gather [hbm4b:s4+s11], $0x80, s11, s11, $0xb8;
	[tilespmem:$0x10100] =	vst v63  }
0x57: {  	_ =	swait.ge [sflag:s10], $0x4000  }
0x58: {  	[sflag:s10] =	ssyncset.done $0x0  }
0x59: {  	s31 =	sadd.s32 $0x1, s15;
	[sflag:s10] =	ssyncadd.s32 $0xFFFFC000  }
0x5a: {  	[hbm4b:s18+s2] =	stream.linear.scatter [tilespmem:s29], [sflag:s31], $0x4000, $0x38;
	[tilespmem:$0x10100] =	vst v63  }
0x5b: {  	_ = 	snop  }
0x5c: {  	[hbm4b:s16+s2] =	stream.linear.scatter [tilespmem:s30], [sflag:s31], $0x4000, $0x38;
	[tilespmem:$0x10100] =	vst v63  }
0x5d: {  	_ =	swait.ge [sflag:s12], $0x4000  }
0x5e: {  	[sflag:s12] =	ssyncset.done $0x0  }
0x5f: {  	[sflag:s12] =	ssyncadd.s32 $0xFFFFC000  }
0x60: {  	_ =	swait.ge [sflag:s12], $0x4000  }
0x61: {  	[sflag:s12] =	ssyncset.done $0x0  }
0x62: {  	s14 =	sadd.s32 $0x1, s14;
	[sflag:s12] =	ssyncadd.s32 $0xFFFFC000  }
0x63: {  	p0 =	sne.s32 s14, s6;
	_ =	swait.ge [sflag:s13], $0x4000  }
.Ltmp1:
0x64: {  	[sflag:s13] =	ssyncset.done $0x0;
	(pc) =	sbr.rel @p0 .LBB2_1-.Ltmp1, $4  }
0x65: {  	[sflag:s13] =	ssyncadd.s32 $0xFFFFC000  }
0x66: {  	_ =	swait.ge [sflag:s13], $0x4000  }
0x67: {  	[sflag:s13] =	ssyncset.done $0x0  }
0x68: {  	[sflag:s13] =	ssyncadd.s32 $0xFFFFC000  }
0x69: {  	_ =	sfence.sel $0x180000  }
0x6a: {  	[bflag:$0x0] =	sbarrier.arrive $0xFFFF  }
0x6b: {  	p0 =	sne.s32 s1, $0x0;
	_ =	strace $0x90000059  }
0x6c: {  	s0 =	sadd.s32 @!p0 $0x100000, s0;
	[bflag:$0x2] =	sbarrier.arrive $0xFFFF  }
0x6d: {  	[sflag:s0] =	ssyncadd.tile.s32 @!p0 $0x1;
	_ =	shalt  }
.Lfunc_end2:
_tile_overlayer_lowered:
.L_overlay_start_2:
0x6e: {  	(tag) =	ssettag $0x2  }
0x6f: {  	s0 =	rddreg [dreg:$0x0];
	s2 =	stileid.u32  }
0x70: {  	s1 =	rddreg [dreg:$0x1];
	p0 =	sne.s32 s2, $0x0  }
0x71: {  	s3 =	rddreg [dreg:$0x2];
	[bflag:$0x3] =	sbarrier.arrive $0xFFFF;
	s2 =	simm.s32 @!p0 $0x1C03  }
0x72: {  	[timem:s3], [sflag:s2] =	dma.local @!p0 [hbm:s0], s1  }
0x73: {  	s0 =	simm.s32 @!p0 $0x3  }
0x74: {  	_ =	swait.ge @!p0 [sflag:s0], s1  }
0x75: {  	s1 =	ssub.s32 @!p0 $0x0, s1;
	[sflag:s0] =	ssyncset.done @!p0 $0x0  }
0x76: {  	[sflag:s0] =	ssyncadd.s32 @!p0 s1  }
0x77: {  	[bflag:$0x3] =	sbarrier.arrive $0xFFFF  }
0x78: {  	_ =	shalt  }

// kernel: kernel.36.cloned.1.call-start
scs
__scs_entry_jumppad:
0x0: {  	(pc) =	sbr.rel $0x88, $3  }
0x1: {  	(tag) =	ssettag $0x0;
	lr =	simm.s32 $0x1  }
0x2: {  	[smem:$0x3F8D] =	sst lr;
	_ =	strace $0xD0000000  }
0x3: {  	_ = 	snop  }
0x4: {  	_ = 	snop  }
0x5: {  	_ = 	snop  }
0x6: {  	_ = 	snop  }
0x7: {  	_ = 	snop  }
__scs_overlays_trampoline_lowered:
0x8: {  	[smem:$0x3F9C] =	sst s0  }
0x9: {  	[smem:$0x3F9D] =	sst s1  }
0xa: {  	[smem:$0x3F9E] =	sst s2  }
0xb: {  	[smem:$0x3F9F] =	sst s3  }
0xc: {  	[smem:$0x3FA0] =	sst s4  }
0xd: {  	[smem:$0x3FA1] =	sst s5  }
0xe: {  	[smem:$0x3FA2] =	sst s6  }
0xf: {  	[smem:$0x3FA3] =	sst s7  }
0x10: {  	[smem:$0x3FA4] =	sst s8  }
0x11: {  	[smem:$0x3FA5] =	sst s9;
	s0 =	simm.s32 @!p0 $0x0  }
0x12: {  	s1 =	sld [smem:$0x3F8B];
	s0 =	simm.s32 @p0 $0x1  }
0x13: {  	[smem:$0x3FA6] =	sst s0;
	s0 =	simm.s32 @!p1 $0x0  }
0x14: {  	s2 =	sld [smem:$0x3F8A];
	s0 =	simm.s32 @p1 $0x1  }
0x15: {  	[smem:$0x3FA7] =	sst s0;
	s0 =	simm.s32 @!p2 $0x0  }
0x16: {  	s3 =	sld [smem:$0x3FDB];
	s0 =	simm.s32 @p2 $0x1  }
0x17: {  	s4 =	simm.s32 $0x1BF5;
	[smem:$0x3FA9] =	sst s0  }
0x18: {  	s0 =	sld [smem:$0x3F8C];
	_ =	swait.ge [sflag:s4], $0x0  }
0x19: {  	s7 =	sld [smem:$0x3F8D]  }
0x1a: {  	s8 =	sadd.s32 $0xFFFFE003, lr  }
0x1b: {  	s9 =	sadd.s32 $0xFFFFFEF7, lr;
	s5 =	simm.s32 $0xFFFFFFFF;
	p2 =	slt.u32 s8, $0xFFFFF086  }
0x1c: {  	p1 =	slt.u32 s9, $0xF7A;
	s5 =	simm.s32 @!p2 $0x0  }
0x1d: {  	s5 =	simm.s32 @p1 $0x1;
	p0 =	seq.s32 s7, s2  }
0x1e: {  	s7 =	smul.u32 @!p0 $0xF7A, s2;
	p2 =	seq.s32 @!p0 s5, $0x0  }
0x1f: {  	s9 =	smul.u32 $0xF7A, s1;
	s8 =	simm.s32 @!p0 $0x1BF5;
	p2 =	por !p2, p0  }
0x20: {  	[sflag:s8] =	ssyncset.s32 @!p0 $0xFFFFF086;
	s6 =	sadd.s32 @!p0 s3, s7;
	s7 =	simm.s32 @!p0 $0x108  }
0x21: {  	s3 =	sadd.s32 s3, s9;
	s6 =	sadd.s32 @!p0 $0x88, s6;
	s7 =	simm.s32 @p2 $0x1082  }
0x22: {  	[simem:s7], [sflag:s8] =	dma.local @!p0 [hbm:s6], $0xF7A  }
0x23: {  	s9 =	sor.u32 $0xD0000000, s2;
	s6 =	simm.s32 $0x108;
	_ =	swait.ge @!p0 [sflag:s8], $0x0  }
0x24: {  	s3 =	sadd.s32 $0x88, s3;
	s6 =	simm.s32 @!p1 $0x1082;
	[sflag:s4] =	ssyncset.s32 $0xFFFFF086  }
0x25: {  	[simem:s6], [sflag:s4] =	dma.local [hbm:s3], $0xF7A  }
0x26: {  	[smem:$0x3F8D] =	sst s1;
	(tag) =	ssettag s2;
	_ =	strace s9  }
0x27: {  	s1 =	sld [smem:$0x3F9D]  }
0x28: {  	s2 =	sld [smem:$0x3F9E]  }
0x29: {  	s4 =	sld [smem:$0x3FA0]  }
0x2a: {  	p0 =	seq.s32 s5, $0x0;
	s5 =	sld [smem:$0x3FA1]  }
0x2b: {  	s6 =	sld [smem:$0x3FA2]  }
0x2c: {  	s7 =	sld [smem:$0x3FA3]  }
0x2d: {  	s3 =	simm.s32 $0x108;
	s8 =	sld [smem:$0x3FA4]  }
0x2e: {  	s3 =	simm.s32 @!p0 $0x1082;
	s9 =	sld [smem:$0x3FA5]  }
0x2f: {  	lr =	sadd.s32 s0, s3;
	s0 =	sld [smem:$0x3F9C]  }
0x30: {  	s3 =	sld [smem:$0x3F9F]  }
0x31: {  	[smem:$0x3FA8] =	sst s10  }
0x32: {  	s10 =	sld [smem:$0x3FA6];
	_ =	sdelay $0x3  }
0x33: {  	p0 =	seq.s32 s10, $0x1;
	s10 =	sld [smem:$0x3FA8];
	_ =	sdelay $0x3  }
0x34: {  	[smem:$0x3FA8] =	sst s10  }
0x35: {  	s10 =	sld [smem:$0x3FA7];
	_ =	sdelay $0x3  }
0x36: {  	p1 =	seq.s32 s10, $0x1;
	s10 =	sld [smem:$0x3FA8];
	_ =	sdelay $0x3  }
0x37: {  	[smem:$0x3FA8] =	sst s10  }
0x38: {  	s10 =	sld [smem:$0x3FA9]  }
0x39: {  	_ = 	snop;
	(pc) =	sbr.ind lr, $3  }
0x3a: {  	_ = 	snop  }
0x3b: {  	_ = 	snop  }
0x3c: {  	p2 =	seq.s32 s10, $0x1;
	s10 =	sld [smem:$0x3FA8]  }
0x3d: {  	_ =	shalt  }
0x3e: {  	_ =	shalt  }
0x3f: {  	_ =	shalt  }
0x40: {  	_ =	shalt  }
0x41: {  	_ =	shalt  }
0x42: {  	_ =	shalt  }
0x43: {  	_ =	shalt  }
0x44: {  	_ =	shalt  }
0x45: {  	_ =	shalt  }
0x46: {  	_ =	shalt  }
0x47: {  	_ =	shalt  }
0x48: {  	_ =	shalt  }
0x49: {  	_ =	shalt  }
0x4a: {  	_ =	shalt  }
0x4b: {  	_ =	shalt  }
0x4c: {  	_ =	shalt  }
0x4d: {  	_ =	shalt  }
0x4e: {  	_ =	shalt  }
0x4f: {  	_ =	shalt  }
0x50: {  	_ =	shalt  }
0x51: {  	_ =	shalt  }
0x52: {  	_ =	shalt  }
0x53: {  	_ =	shalt  }
0x54: {  	_ =	shalt  }
0x55: {  	_ =	shalt  }
0x56: {  	_ =	shalt  }
0x57: {  	_ =	shalt  }
0x58: {  	_ =	shalt  }
0x59: {  	_ =	shalt  }
0x5a: {  	_ =	shalt  }
0x5b: {  	_ =	shalt  }
0x5c: {  	_ =	shalt  }
0x5d: {  	_ =	shalt  }
0x5e: {  	_ =	shalt  }
0x5f: {  	_ =	shalt  }
0x60: {  	_ =	shalt  }
0x61: {  	_ =	shalt  }
0x62: {  	_ =	shalt  }
0x63: {  	_ =	shalt  }
0x64: {  	_ =	shalt  }
0x65: {  	_ =	shalt  }
0x66: {  	_ =	shalt  }
0x67: {  	_ =	shalt  }
0x68: {  	_ =	shalt  }
0x69: {  	_ =	shalt  }
0x6a: {  	_ =	shalt  }
0x6b: {  	_ =	shalt  }
0x6c: {  	_ =	shalt  }
0x6d: {  	_ =	shalt  }
0x6e: {  	_ =	shalt  }
0x6f: {  	_ =	shalt  }
0x70: {  	_ =	shalt  }
0x71: {  	_ =	shalt  }
0x72: {  	_ =	shalt  }
0x73: {  	_ =	shalt  }
0x74: {  	_ =	shalt  }
0x75: {  	_ =	shalt  }
0x76: {  	_ =	shalt  }
0x77: {  	_ =	shalt  }
0x78: {  	_ =	shalt  }
0x79: {  	_ =	shalt  }
0x7a: {  	_ =	shalt  }
0x7b: {  	_ =	shalt  }
0x7c: {  	_ =	shalt  }
0x7d: {  	_ =	shalt  }
0x7e: {  	_ =	shalt  }
0x7f: {  	_ =	shalt  }
0x80: {  	_ =	shalt  }
0x81: {  	_ =	shalt  }
0x82: {  	_ =	shalt  }
0x83: {  	_ =	shalt  }
0x84: {  	_ =	shalt  }
0x85: {  	_ =	shalt  }
0x86: {  	_ =	shalt  }
0x87: {  	_ =	shalt  }
.Lfunc_end0:
.L_simem_size_0:
called_computation.6_lowered:
.L_overlay_start_0:
0x88: {  	s2 =	sld [smem:$0x3FD9]  }
0x89: {  	s3 =	sld [smem:$0x3FFE];
	_ =	sdelay $0x1  }
0x8a: {  	s1 =	srdreg.scid  }
0x8b: {  	s0 =	sand.u32 $0x1, s1  }
0x8c: {  	s16 =	sshll.u32 s0, $0xA;
	s2 =	sadd.s32 s3, s2  }
0x8d: {  	s2 =	sadd.s32 s2, s16  }
0x8e: {  	[smem:$0x3FB4] =	sst s2  }
0x8f: {  	_ = 	snop  }
0x90: {  	(tm) =	ssettm $0x1  }
0x91: {  	s17 =	sld [smem:$0x3FFB];
	_ =	sdelay $0x3  }
0x92: {  	_ =	strace s17  }
0x93: {  	s2 =	sld [smem:$0x3FFC];
	_ =	sdelay $0x3  }
0x94: {  	_ =	strace s2  }
0x95: {  	s2 =	sld [smem:$0x3FFD];
	_ =	sdelay $0x3  }
0x96: {  	_ =	strace s2  }
0x97: {  	_ =	strace $0x8FFFFFFF  }
0x98: {  	s18 =	sld [smem:$0x3FDB];
	_ =	sdelay $0x1  }
0x99: {  	s19 =	simm.s32 $_scs_section_size  }
0x9a: {  	s4 =	simm.s32 $_size__tile_overlayer_lowered;
	s5 =	simm.s32 $_tile_overlayer_lowered  }
0x9b: {  	s22 =	simm.s32 $0x1BFF;
	s21 =	sshll.u32 s5, $0x1;
	s2 =	sadd.s32 s19, s18  }
0x9c: {  	s6 =	simm.s32 $0x0;
	s20 =	sshll.u32 s4, $0x1;
	s4 =	sadd.s32 s21, s2  }
0x9d: {  	[timem:s6], [sflag:s22] =	dma.local [hbm:s4], s20  }
0x9e: {  	_ =	swait.ge [sflag:s22], s20  }
0x9f: {  	s3 =	ssub.s32 $0x0, s20;
	[sflag:s22] =	ssyncset.done $0x0  }
0xa0: {  	[sflag:s22] =	ssyncadd.s32 s3;
	_ =	sdelay $0x1  }
0xa1: {  	s23 =	simm.s32 $0x1B8B  }
0xa2: {  	_ =	swait.ge [sflag:s23], $0x1  }
0xa3: {  	[sflag:s23] =	ssyncset.done $0x0  }
0xa4: {  	s25 =	simm.s32 $0x1B8E;
	s24 =	sld [smem:$0x3FFE];
	[sflag:s23] =	ssyncadd.s32 $0xFFFFFFFF  }
0xa5: {  	s26 =	simm.s32 $execute0_lowered;
	[smem:$0x3FD2] =	sst s25  }
0xa6: {  	s4 =	sshll.u32 s26, $0x1;
	_ =	strace $0x80000055;
	[dreg:$0x1] =	wrdreg $0xFFFFFFFF  }
0xa7: {  	s28 =	simm.s32 $_size_execute0_lowered;
	s2 =	sadd.s32 s2, s4;
	[dreg:$0x0] =	wrdreg $0x0  }
0xa8: {  	s4 =	sshll.u32 s28, $0x1;
	[dreg:$0x2] =	wrdreg s2  }
0xa9: {  	[dreg:$0x3] =	wrdreg s4  }
0xaa: {  	[dreg:$0x4] =	wrdreg $0xC0  }
0xab: {  	_ =	task [dreg:s6], $0x5FFFF  }
0xac: {  	[dreg:$0x1] =	wrdreg $0xFFFFFFFF  }
0xad: {  	[dreg:$0x0] =	wrdreg $0x60  }
0xae: {  	[dreg:$0x2] =	wrdreg s24  }
0xaf: {  	[dreg:$0x3] =	wrdreg $0xA  }
0xb0: {  	_ =	task.clear_ibuf [dreg:s6], $0x4FFFF;
	_ =	strace $0x90000055  }
0xb1: {  	s29 =	simm.s32 $0xA;
	_ =	strace $0x80000057  }
0xb2: {  	_ =	swait.ge [sflag:s29], $0x1  }
0xb3: {  	[sflag:s29] =	ssyncadd.s32 $0xFFFFFFFF  }
0xb4: {  	_ =	strace $0x90000057  }
0xb5: {  	_ =	sfence  }
0xb6: {  	s30 =	sld [smem:$0x0];
	_ =	sdelay $0x2  }
0xb7: {  	s31 =	sshll.u32 s1, $0xD;
	s1 =	sshrl.u32 s1, $0x2  }
0xb8: {  	s3 =	sand.u32 $0x4000, s31;
	s1 =	sadd.s32 s1, s30  }
0xb9: {  	s0 =	sor.u32 s3, s0;
	s1 =	sshll.u32 s1, $0x11  }
0xba: {  	s0 =	sor.u32 s1, s0  }
0xbb: {  	s0 =	sadd.s32 $0x8F2B, s0  }
0xbc: {  	[sflag:s0] =	ssyncadd.remote.s32 $0x1  }
0xbd: {  	_ =	sfence.sel $0xFFFF  }
0xbe: {  	[dreg:$0x0] =	wrdreg $0xFFFFFFFF;
	(pc) =	sbr.abs _section_cstart, $3  }
0xbf: {  	[dreg:$0x1] =	wrdreg $0xFFFFFFFF  }
0xc0: {  	_ =	task.clear_ibuf [dreg:s6], $0x2FFFF;
	_ =	strace $0x9FFFFFFF  }
0xc1: {  	(tm) =	ssettm $0x7FFFFFFF  }
tec
execute0_lowered:
.L_overlay_start_1:
0x0: {  	(tag) =	ssettag $0x1  }
0x1: {  	s5 =	rddreg [dreg:$0x0]  }
0x2: {  	s0 =	rddreg [dreg:$0x1]  }
0x3: {  	s2 =	simm.s32 $0x0;
	s3 =	srdreg.scid;
	s1 =	stileid.u32  }
0x4: {  	s11 =	simm.s32 $0x80;
	s12 =	simm.s32 $0x1;
	s13 =	simm.s32 $0x2  }
0x5: {  	s14 =	simm.s32 $0x0;
	[smem:$0x7FF] =	sst s2;
	s6 =	sand.u32 $0x1, s3  }
0x6: {  	s3 =	sadd.s32 $0x32800, s5;
	s7 =	sshll.u32 s1, $0x8;
	s4 =	sadd.s32 $0x5A800, s5  }
0x7: {  	s9 =	sshll.u32 s1, $0xC;
	_ =	strace $0x80000056;
	s8 =	sshll.u32 s6, $0x7  }
0x8: {  	s31 =	ssub.s32 $0x2, s6;
	s9 =	sadd.s32 s9, s5;
	s6 =	sshll.u32 s6, $0xB  }
0x9: {  	s7 =	sor.u32 s8, s7;
	s10 =	sshrl.u32 s31, $0x1;
	s9 =	sadd.s32 s6, s9  }
0xa: {  	s7 =	sshrl.u32 s7, $0x3;
	s8 =	ssub.s32 s31, s10;
	s10 =	simm.s32 $0x3  }
0xb: {  	s7 =	sadd.s32 s7, s5;
	s5 =	smax.u32 s8, $0x1;
	s8 =	sadd.s32 $0xC5A00, s9  }
0xc: {  	s9 =	sadd.s32 $0x335A00, s9;
	s6 =	sadd.s32 $0xBBE00, s7;
	s7 =	sadd.s32 $0xC0C00, s7  }
.LBB2_1:
0xd: {  	p0 =	por $0x1, $0x1  }
0xe: {  	s16 =	sand.u32 $0x1, s2;
	p0 =	por p0, p0  }
0xf: {  	s15 =	sadd.s32 @!p0 $0x1, s16  }
0x10: {  	_ =	swait.ge @!p0 [sflag:s15], $0x4000  }
0x11: {  	[sflag:s15] =	ssyncset.done @!p0 $0x0  }
0x12: {  	[sflag:s15] =	ssyncadd.s32 @!p0 $0xFFFFC000  }
0x13: {  	_ =	swait.ge @!p0 [sflag:s15], $0x4000  }
0x14: {  	[sflag:s15] =	ssyncset.done @!p0 $0x0  }
0x15: {  	[sflag:s15] =	ssyncadd.s32 @!p0 $0xFFFFC000  }
0x16: {  	[tilespmem:s2], [sflag:$0x3] =	stream.linear.gather [hbm4b:s7+s2], $0x80, $0x38;
	[tilespmem:$0x10100] =	vst v63  }
0x17: {  	_ =	swait.ge [sflag:s10], $0x80  }
0x18: {  	[sflag:s10] =	ssyncset.done $0x0  }
0x19: {  	[sflag:s10] =	ssyncadd.s32 $0xFFFFFF80  }
0x1a: {  	[tilespmem:s11], [sflag:$0x3] =	stream.linear.gather [hbm4b:s6+s2], $0x80, $0x38;
	[tilespmem:$0x10100] =	vst v63  }
0x1b: {  	_ =	swait.ge [sflag:s10], $0x80  }
0x1c: {  	s30 =	sshll.u32 s16, $0xE;
	[sflag:s10] =	ssyncset.done $0x0  }
0x1d: {  	s18 =	sor.u32 $0x100, s30;
	[sflag:s10] =	ssyncadd.s32 $0xFFFFFF80  }
0x1e: {  	[tilespmem:s18], [sflag:$0x3] =	stream.indirect.gather [hbm4b:s3+s11], $0x80, s2, s11, $0xb8;
	[tilespmem:$0x10100] =	vst v63  }
0x1f: {  	_ =	swait.ge [sflag:s10], $0x4000  }
0x20: {  	s31 =	simm.s32 $0x1;
	p6 =	por $0x1, $0x1;
	[sflag:s10] =	ssyncset.done $0x0  }
0x21: {  	s21 =	simm.s32 $0x2;
	s23 =	sor.u32 $0x8100, s30;
	[sflag:s10] =	ssyncadd.s32 $0xFFFFC000  }
0x22: {  	[tilespmem:s23], [sflag:$0x3] =	stream.indirect.gather [hbm4b:s4+s11], $0x80, s11, s11, $0xb8;
	[tilespmem:$0x10100] =	vst v63  }
0x23: {  	s19 =	sadd.s32 $0x200, s6;
	s20 =	sadd.s32 $0x200, s7;
	_ =	swait.ge [sflag:s10], $0x4000  }
0x24: {  	s22 =	smov.u32 s9;
	s24 =	sadd.s32 $0x1, s16;
	[sflag:s10] =	ssyncset.done $0x0  }
0x25: {  	s16 =	sadd.s32 $0x10000, s9;
	s15 =	sand.u32 $0x1, s31;
	[sflag:s10] =	ssyncadd.s32 $0xFFFFC000  }
0x26: {  	[hbm4b:s8+s2] =	stream.linear.scatter [tilespmem:s18], [sflag:s24], $0x4000, $0x38;
	[tilespmem:$0x10100] =	vst v63  }
0x27: {  	p0 =	por p6, p6;
	s17 =	sshll.u32 s15, $0xE;
	s18 =	sadd.s32 $0x10000, s8  }
.LBB2_2:
0x28: {  	[hbm4b:s22+s2] =	stream.linear.scatter [tilespmem:s23], [sflag:s24], $0x4000, $0x38;
	[tilespmem:$0x10100] =	vst v63  }
0x29: {  	s22 =	sand.u32 $0x1, s21;
	p2 =	slt.u32 s21, $0x2;
	s23 =	sadd.s32 @!p0 $0x1, s15  }
0x2a: {  	s21 =	sadd.s32 $0x1, s21;
	s24 =	sshll.u32 s22, $0xE;
	_ =	swait.ge @!p0 [sflag:s23], $0x4000  }
0x2b: {  	s25 =	smov.u32 s15;
	p1 =	sne.s32 s21, $0x27;
	[sflag:s23] =	ssyncset.done @!p0 $0x0  }
0x2c: {  	s15 =	smov.u32 s22;
	s22 =	smov.u32 s16;
	[sflag:s23] =	ssyncadd.s32 @!p0 $0xFFFFC000  }
0x2d: {  	_ =	swait.ge @!p0 [sflag:s23], $0x4000  }
0x2e: {  	[sflag:s23] =	ssyncset.done @!p0 $0x0  }
0x2f: {  	[sflag:s23] =	ssyncadd.s32 @!p0 $0xFFFFC000;
	p0 =	por p2, p2  }
0x30: {  	[tilespmem:s2], [sflag:$0x3] =	stream.linear.gather [hbm4b:s20+s2], $0x80, $0x38;
	[tilespmem:$0x10100] =	vst v63  }
0x31: {  	_ =	swait.ge [sflag:s10], $0x80  }
0x32: {  	[sflag:s10] =	ssyncset.done $0x0  }
0x33: {  	[sflag:s10] =	ssyncadd.s32 $0xFFFFFF80  }
0x34: {  	[tilespmem:s11], [sflag:$0x3] =	stream.linear.gather [hbm4b:s19+s2], $0x80, $0x38;
	[tilespmem:$0x10100] =	vst v63  }
0x35: {  	_ =	swait.ge [sflag:s10], $0x80  }
0x36: {  	[sflag:s10] =	ssyncset.done $0x0  }
0x37: {  	s26 =	sor.u32 $0x100, s17;
	[sflag:s10] =	ssyncadd.s32 $0xFFFFFF80  }
0x38: {  	[tilespmem:s26], [sflag:$0x3] =	stream.indirect.gather [hbm4b:s3+s11], $0x80, s2, s11, $0xb8;
	[tilespmem:$0x10100] =	vst v63  }
0x39: {  	_ =	swait.ge [sflag:s10], $0x4000  }
0x3a: {  	[sflag:s10] =	ssyncset.done $0x0  }
0x3b: {  	s23 =	sor.u32 $0x8100, s17;
	s17 =	smov.u32 s24;
	[sflag:s10] =	ssyncadd.s32 $0xFFFFC000  }
0x3c: {  	[tilespmem:s23], [sflag:$0x3] =	stream.indirect.gather [hbm4b:s4+s11], $0x80, s11, s11, $0xb8;
	[tilespmem:$0x10100] =	vst v63  }
.Ltmp0:
0x3d: {  	_ =	swait.ge [sflag:s10], $0x4000;
	(pc) =	sbr.rel @p1 .LBB2_2-.Ltmp0, $4  }
0x3e: {  	[sflag:s10] =	ssyncset.done $0x0  }
0x3f: {  	s16 =	sadd.s32 $0x10000, s16;
	s24 =	sadd.s32 $0x1, s25;
	[sflag:s10] =	ssyncadd.s32 $0xFFFFC000  }
0x40: {  	[hbm4b:s18+s2] =	stream.linear.scatter [tilespmem:s26], [sflag:s24], $0x4000, $0x38;
	[tilespmem:$0x10100] =	vst v63  }
0x41: {  	s20 =	sadd.s32 $0x200, s20;
	s19 =	sadd.s32 $0x200, s19;
	s18 =	sadd.s32 $0x10000, s18  }
0x42: {  	[hbm4b:s22+s2] =	stream.linear.scatter [tilespmem:s23], [sflag:s24], $0x4000, $0x38;
	[tilespmem:$0x10100] =	vst v63  }
0x43: {  	s21 =	sadd.s32 @!p0 $0x1, s15  }
0x44: {  	_ =	swait.ge @!p0 [sflag:s21], $0x4000  }
0x45: {  	[sflag:s21] =	ssyncset.done @!p0 $0x0  }
0x46: {  	[sflag:s21] =	ssyncadd.s32 @!p0 $0xFFFFC000  }
0x47: {  	_ =	swait.ge @!p0 [sflag:s21], $0x4000  }
0x48: {  	[sflag:s21] =	ssyncset.done @!p0 $0x0  }
0x49: {  	[sflag:s21] =	ssyncadd.s32 @!p0 $0xFFFFC000  }
0x4a: {  	[tilespmem:s2], [sflag:$0x3] =	stream.linear.gather [hbm4b:s20+s2], $0x80, $0x38;
	[tilespmem:$0x10100] =	vst v63  }
0x4b: {  	_ =	swait.ge [sflag:s10], $0x80  }
0x4c: {  	[sflag:s10] =	ssyncset.done $0x0  }
0x4d: {  	[sflag:s10] =	ssyncadd.s32 $0xFFFFFF80  }
0x4e: {  	[tilespmem:s11], [sflag:$0x3] =	stream.linear.gather [hbm4b:s19+s2], $0x80, $0x38;
	[tilespmem:$0x10100] =	vst v63  }
0x4f: {  	_ =	swait.ge [sflag:s10], $0x80  }
0x50: {  	[sflag:s10] =	ssyncset.done $0x0  }
0x51: {  	s29 =	sor.u32 $0x100, s17;
	[sflag:s10] =	ssyncadd.s32 $0xFFFFFF80  }
0x52: {  	[tilespmem:s29], [sflag:$0x3] =	stream.indirect.gather [hbm4b:s3+s11], $0x80, s2, s11, $0xb8;
	[tilespmem:$0x10100] =	vst v63  }
0x53: {  	_ =	swait.ge [sflag:s10], $0x4000  }
0x54: {  	[sflag:s10] =	ssyncset.done $0x0  }
0x55: {  	s30 =	sor.u32 $0x8100, s17;
	[sflag:s10] =	ssyncadd.s32 $0xFFFFC000  }
0x56: {  	[tilespmem:s30], [sflag:$0x3] =	stream.indirect.gather [hbm4b:s4+s11], $0x80, s11, s11, $0xb8;
	[tilespmem:$0x10100] =	vst v63  }
0x57: {  	_ =	swait.ge [sflag:s10], $0x4000  }
0x58: {  	[sflag:s10] =	ssyncset.done $0x0  }
0x59: {  	s31 =	sadd.s32 $0x1, s15;
	[sflag:s10] =	ssyncadd.s32 $0xFFFFC000  }
0x5a: {  	[hbm4b:s18+s2] =	stream.linear.scatter [tilespmem:s29], [sflag:s31], $0x4000, $0x38;
	[tilespmem:$0x10100] =	vst v63  }
0x5b: {  	_ = 	snop  }
0x5c: {  	[hbm4b:s16+s2] =	stream.linear.scatter [tilespmem:s30], [sflag:s31], $0x4000, $0x38;
	[tilespmem:$0x10100] =	vst v63  }
0x5d: {  	_ =	swait.ge [sflag:s12], $0x4000  }
0x5e: {  	[sflag:s12] =	ssyncset.done $0x0  }
0x5f: {  	[sflag:s12] =	ssyncadd.s32 $0xFFFFC000  }
0x60: {  	_ =	swait.ge [sflag:s12], $0x4000  }
0x61: {  	[sflag:s12] =	ssyncset.done $0x0  }
0x62: {  	s14 =	sadd.s32 $0x1, s14;
	[sflag:s12] =	ssyncadd.s32 $0xFFFFC000  }
0x63: {  	p0 =	sne.s32 s14, s5;
	_ =	swait.ge [sflag:s13], $0x4000  }
.Ltmp1:
0x64: {  	[sflag:s13] =	ssyncset.done $0x0;
	(pc) =	sbr.rel @p0 .LBB2_1-.Ltmp1, $4  }
0x65: {  	[sflag:s13] =	ssyncadd.s32 $0xFFFFC000  }
0x66: {  	_ =	swait.ge [sflag:s13], $0x4000  }
0x67: {  	[sflag:s13] =	ssyncset.done $0x0  }
0x68: {  	[sflag:s13] =	ssyncadd.s32 $0xFFFFC000  }
0x69: {  	_ =	sfence.sel $0x180000  }
0x6a: {  	[bflag:$0x0] =	sbarrier.arrive $0xFFFF  }
0x6b: {  	p0 =	sne.s32 s1, $0x0;
	_ =	strace $0x90000056  }
0x6c: {  	s0 =	sadd.s32 @!p0 $0x100000, s0;
	[bflag:$0x2] =	sbarrier.arrive $0xFFFF  }
0x6d: {  	[sflag:s0] =	ssyncadd.tile.s32 @!p0 $0x1;
	_ =	shalt  }
.Lfunc_end2:
_tile_overlayer_lowered:
.L_overlay_start_2:
0x6e: {  	(tag) =	ssettag $0x2  }
0x6f: {  	s0 =	rddreg [dreg:$0x0];
	s2 =	stileid.u32  }
0x70: {  	s1 =	rddreg [dreg:$0x1];
	p0 =	sne.s32 s2, $0x0  }
0x71: {  	s3 =	rddreg [dreg:$0x2];
	[bflag:$0x3] =	sbarrier.arrive $0xFFFF;
	s2 =	simm.s32 @!p0 $0x1C03  }
0x72: {  	[timem:s3], [sflag:s2] =	dma.local @!p0 [hbm:s0], s1  }
0x73: {  	s0 =	simm.s32 @!p0 $0x3  }
0x74: {  	_ =	swait.ge @!p0 [sflag:s0], s1  }
0x75: {  	s1 =	ssub.s32 @!p0 $0x0, s1;
	[sflag:s0] =	ssyncset.done @!p0 $0x0  }
0x76: {  	[sflag:s0] =	ssyncadd.s32 @!p0 s1  }
0x77: {  	[bflag:$0x3] =	sbarrier.arrive $0xFFFF  }
0x78: {  	_ =	shalt  }

// kernel: kernel.39.cloned.1.call-start
scs
__scs_entry_jumppad:
0x0: {  	(pc) =	sbr.rel $0x88, $3  }
0x1: {  	(tag) =	ssettag $0x0;
	lr =	simm.s32 $0x1  }
0x2: {  	[smem:$0x3F8D] =	sst lr;
	_ =	strace $0xD0000000  }
0x3: {  	_ = 	snop  }
0x4: {  	_ = 	snop  }
0x5: {  	_ = 	snop  }
0x6: {  	_ = 	snop  }
0x7: {  	_ = 	snop  }
__scs_overlays_trampoline_lowered:
0x8: {  	[smem:$0x3F9C] =	sst s0  }
0x9: {  	[smem:$0x3F9D] =	sst s1  }
0xa: {  	[smem:$0x3F9E] =	sst s2  }
0xb: {  	[smem:$0x3F9F] =	sst s3  }
0xc: {  	[smem:$0x3FA0] =	sst s4  }
0xd: {  	[smem:$0x3FA1] =	sst s5  }
0xe: {  	[smem:$0x3FA2] =	sst s6  }
0xf: {  	[smem:$0x3FA3] =	sst s7  }
0x10: {  	[smem:$0x3FA4] =	sst s8  }
0x11: {  	[smem:$0x3FA5] =	sst s9;
	s0 =	simm.s32 @!p0 $0x0  }
0x12: {  	s1 =	sld [smem:$0x3F8B];
	s0 =	simm.s32 @p0 $0x1  }
0x13: {  	[smem:$0x3FA6] =	sst s0;
	s0 =	simm.s32 @!p1 $0x0  }
0x14: {  	s2 =	sld [smem:$0x3F8A];
	s0 =	simm.s32 @p1 $0x1  }
0x15: {  	[smem:$0x3FA7] =	sst s0;
	s0 =	simm.s32 @!p2 $0x0  }
0x16: {  	s3 =	sld [smem:$0x3FDB];
	s0 =	simm.s32 @p2 $0x1  }
0x17: {  	s4 =	simm.s32 $0x1BF5;
	[smem:$0x3FA9] =	sst s0  }
0x18: {  	s0 =	sld [smem:$0x3F8C];
	_ =	swait.ge [sflag:s4], $0x0  }
0x19: {  	s7 =	sld [smem:$0x3F8D]  }
0x1a: {  	s8 =	sadd.s32 $0xFFFFE003, lr  }
0x1b: {  	s9 =	sadd.s32 $0xFFFFFEF7, lr;
	s5 =	simm.s32 $0xFFFFFFFF;
	p2 =	slt.u32 s8, $0xFFFFF086  }
0x1c: {  	p1 =	slt.u32 s9, $0xF7A;
	s5 =	simm.s32 @!p2 $0x0  }
0x1d: {  	s5 =	simm.s32 @p1 $0x1;
	p0 =	seq.s32 s7, s2  }
0x1e: {  	s7 =	smul.u32 @!p0 $0xF7A, s2;
	p2 =	seq.s32 @!p0 s5, $0x0  }
0x1f: {  	s9 =	smul.u32 $0xF7A, s1;
	s8 =	simm.s32 @!p0 $0x1BF5;
	p2 =	por !p2, p0  }
0x20: {  	[sflag:s8] =	ssyncset.s32 @!p0 $0xFFFFF086;
	s6 =	sadd.s32 @!p0 s3, s7;
	s7 =	simm.s32 @!p0 $0x108  }
0x21: {  	s3 =	sadd.s32 s3, s9;
	s6 =	sadd.s32 @!p0 $0x88, s6;
	s7 =	simm.s32 @p2 $0x1082  }
0x22: {  	[simem:s7], [sflag:s8] =	dma.local @!p0 [hbm:s6], $0xF7A  }
0x23: {  	s9 =	sor.u32 $0xD0000000, s2;
	s6 =	simm.s32 $0x108;
	_ =	swait.ge @!p0 [sflag:s8], $0x0  }
0x24: {  	s3 =	sadd.s32 $0x88, s3;
	s6 =	simm.s32 @!p1 $0x1082;
	[sflag:s4] =	ssyncset.s32 $0xFFFFF086  }
0x25: {  	[simem:s6], [sflag:s4] =	dma.local [hbm:s3], $0xF7A  }
0x26: {  	[smem:$0x3F8D] =	sst s1;
	(tag) =	ssettag s2;
	_ =	strace s9  }
0x27: {  	s1 =	sld [smem:$0x3F9D]  }
0x28: {  	s2 =	sld [smem:$0x3F9E]  }
0x29: {  	s4 =	sld [smem:$0x3FA0]  }
0x2a: {  	p0 =	seq.s32 s5, $0x0;
	s5 =	sld [smem:$0x3FA1]  }
0x2b: {  	s6 =	sld [smem:$0x3FA2]  }
0x2c: {  	s7 =	sld [smem:$0x3FA3]  }
0x2d: {  	s3 =	simm.s32 $0x108;
	s8 =	sld [smem:$0x3FA4]  }
0x2e: {  	s3 =	simm.s32 @!p0 $0x1082;
	s9 =	sld [smem:$0x3FA5]  }
0x2f: {  	lr =	sadd.s32 s0, s3;
	s0 =	sld [smem:$0x3F9C]  }
0x30: {  	s3 =	sld [smem:$0x3F9F]  }
0x31: {  	[smem:$0x3FA8] =	sst s10  }
0x32: {  	s10 =	sld [smem:$0x3FA6];
	_ =	sdelay $0x3  }
0x33: {  	p0 =	seq.s32 s10, $0x1;
	s10 =	sld [smem:$0x3FA8];
	_ =	sdelay $0x3  }
0x34: {  	[smem:$0x3FA8] =	sst s10  }
0x35: {  	s10 =	sld [smem:$0x3FA7];
	_ =	sdelay $0x3  }
0x36: {  	p1 =	seq.s32 s10, $0x1;
	s10 =	sld [smem:$0x3FA8];
	_ =	sdelay $0x3  }
0x37: {  	[smem:$0x3FA8] =	sst s10  }
0x38: {  	s10 =	sld [smem:$0x3FA9]  }
0x39: {  	_ = 	snop;
	(pc) =	sbr.ind lr, $3  }
0x3a: {  	_ = 	snop  }
0x3b: {  	_ = 	snop  }
0x3c: {  	p2 =	seq.s32 s10, $0x1;
	s10 =	sld [smem:$0x3FA8]  }
0x3d: {  	_ =	shalt  }
0x3e: {  	_ =	shalt  }
0x3f: {  	_ =	shalt  }
0x40: {  	_ =	shalt  }
0x41: {  	_ =	shalt  }
0x42: {  	_ =	shalt  }
0x43: {  	_ =	shalt  }
0x44: {  	_ =	shalt  }
0x45: {  	_ =	shalt  }
0x46: {  	_ =	shalt  }
0x47: {  	_ =	shalt  }
0x48: {  	_ =	shalt  }
0x49: {  	_ =	shalt  }
0x4a: {  	_ =	shalt  }
0x4b: {  	_ =	shalt  }
0x4c: {  	_ =	shalt  }
0x4d: {  	_ =	shalt  }
0x4e: {  	_ =	shalt  }
0x4f: {  	_ =	shalt  }
0x50: {  	_ =	shalt  }
0x51: {  	_ =	shalt  }
0x52: {  	_ =	shalt  }
0x53: {  	_ =	shalt  }
0x54: {  	_ =	shalt  }
0x55: {  	_ =	shalt  }
0x56: {  	_ =	shalt  }
0x57: {  	_ =	shalt  }
0x58: {  	_ =	shalt  }
0x59: {  	_ =	shalt  }
0x5a: {  	_ =	shalt  }
0x5b: {  	_ =	shalt  }
0x5c: {  	_ =	shalt  }
0x5d: {  	_ =	shalt  }
0x5e: {  	_ =	shalt  }
0x5f: {  	_ =	shalt  }
0x60: {  	_ =	shalt  }
0x61: {  	_ =	shalt  }
0x62: {  	_ =	shalt  }
0x63: {  	_ =	shalt  }
0x64: {  	_ =	shalt  }
0x65: {  	_ =	shalt  }
0x66: {  	_ =	shalt  }
0x67: {  	_ =	shalt  }
0x68: {  	_ =	shalt  }
0x69: {  	_ =	shalt  }
0x6a: {  	_ =	shalt  }
0x6b: {  	_ =	shalt  }
0x6c: {  	_ =	shalt  }
0x6d: {  	_ =	shalt  }
0x6e: {  	_ =	shalt  }
0x6f: {  	_ =	shalt  }
0x70: {  	_ =	shalt  }
0x71: {  	_ =	shalt  }
0x72: {  	_ =	shalt  }
0x73: {  	_ =	shalt  }
0x74: {  	_ =	shalt  }
0x75: {  	_ =	shalt  }
0x76: {  	_ =	shalt  }
0x77: {  	_ =	shalt  }
0x78: {  	_ =	shalt  }
0x79: {  	_ =	shalt  }
0x7a: {  	_ =	shalt  }
0x7b: {  	_ =	shalt  }
0x7c: {  	_ =	shalt  }
0x7d: {  	_ =	shalt  }
0x7e: {  	_ =	shalt  }
0x7f: {  	_ =	shalt  }
0x80: {  	_ =	shalt  }
0x81: {  	_ =	shalt  }
0x82: {  	_ =	shalt  }
0x83: {  	_ =	shalt  }
0x84: {  	_ =	shalt  }
0x85: {  	_ =	shalt  }
0x86: {  	_ =	shalt  }
0x87: {  	_ =	shalt  }
.Lfunc_end0:
.L_simem_size_0:
called_computation.7_lowered:
.L_overlay_start_0:
0x88: {  	s2 =	sld [smem:$0x3FD9]  }
0x89: {  	s3 =	sld [smem:$0x3FFE];
	_ =	sdelay $0x1  }
0x8a: {  	s1 =	srdreg.scid  }
0x8b: {  	s0 =	sand.u32 $0x1, s1  }
0x8c: {  	s17 =	sshll.u32 s0, $0xA;
	s2 =	sadd.s32 s3, s2  }
0x8d: {  	s2 =	sadd.s32 s2, s17  }
0x8e: {  	[smem:$0x3FB4] =	sst s2  }
0x8f: {  	_ = 	snop  }
0x90: {  	(tm) =	ssettm $0x1  }
0x91: {  	s18 =	sld [smem:$0x3FFB];
	_ =	sdelay $0x3  }
0x92: {  	_ =	strace s18  }
0x93: {  	s2 =	sld [smem:$0x3FFC];
	_ =	sdelay $0x3  }
0x94: {  	_ =	strace s2  }
0x95: {  	s2 =	sld [smem:$0x3FFD];
	_ =	sdelay $0x3  }
0x96: {  	_ =	strace s2  }
0x97: {  	_ =	strace $0x8FFFFFFF  }
0x98: {  	s19 =	sld [smem:$0x3FDB];
	_ =	sdelay $0x1  }
0x99: {  	s20 =	simm.s32 $_scs_section_size  }
0x9a: {  	s4 =	simm.s32 $_size__tile_overlayer_lowered;
	s5 =	simm.s32 $_tile_overlayer_lowered  }
0x9b: {  	s6 =	simm.s32 $0x1BFF;
	s21 =	sshll.u32 s5, $0x1;
	s3 =	sadd.s32 s20, s19  }
0x9c: {  	s22 =	simm.s32 $0x0;
	s4 =	sshll.u32 s4, $0x1;
	s5 =	sadd.s32 s21, s3  }
0x9d: {  	[timem:s22], [sflag:s6] =	dma.local [hbm:s5], s4  }
0x9e: {  	_ =	swait.ge [sflag:s6], s4  }
0x9f: {  	s4 =	ssub.s32 $0x0, s4;
	[sflag:s6] =	ssyncset.done $0x0  }
0xa0: {  	[sflag:s6] =	ssyncadd.s32 s4;
	_ =	sdelay $0x1  }
0xa1: {  	s23 =	simm.s32 $0x1B8B  }
0xa2: {  	_ =	swait.ge [sflag:s23], $0x1  }
0xa3: {  	[sflag:s23] =	ssyncset.done $0x0  }
0xa4: {  	[sflag:s23] =	ssyncadd.s32 $0xFFFFFFFF  }
0xa5: {  	s4 =	sld [smem:$0x0]  }
0xa6: {  	s5 =	sand.u32 $0xFFFFFFFE, s1  }
0xa7: {  	p0 =	sne.s32 s1, s5  }
0xa8: {  	s5 =	sshll.u32 @p0 s5, $0xE  }
0xa9: {  	s5 =	sadd.s32 @p0 $0x11B8D, s5;
	s6 =	sshll.u32 @p0 s4, $0x11  }
0xaa: {  	s5 =	sor.u32 @p0 s6, s5  }
0xab: {  	[sflag:s5] =	ssyncadd.remote.s32 @p0 $0x1;
	_ =	sdelay $0x1  }
0xac: {  	s5 =	simm.s32 @p0 $0x1B8D  }
0xad: {  	_ =	swait.eq @p0 [sflag:s5], $0x1  }
0xae: {  	[sflag:s5] =	ssyncadd.s32 @p0 $0xFFFFFFFF  }
0xaf: {  	s6 =	sshll.u32 @!p0 s1, $0xE  }
0xb0: {  	s6 =	sor.u32 @!p0 $0x4000, s6;
	s5 =	simm.s32 @!p0 $0x1B8D  }
0xb1: {  	s4 =	sshll.u32 @!p0 s4, $0x11;
	s6 =	sadd.s32 @!p0 $0x11B8D, s6;
	_ =	swait.eq @!p0 [sflag:s5], $0x1  }
0xb2: {  	s4 =	sor.u32 @!p0 s4, s6;
	[sflag:s5] =	ssyncadd.s32 @!p0 $0xFFFFFFFF  }
0xb3: {  	s25 =	simm.s32 $0x1B8E;
	s24 =	sld [smem:$0x3FFE];
	[sflag:s4] =	ssyncadd.remote.s32 @!p0 $0x1  }
0xb4: {  	s26 =	simm.s32 $execute0_lowered;
	[smem:$0x3FD2] =	sst s25  }
0xb5: {  	s5 =	sshll.u32 s26, $0x1;
	_ =	strace $0x8000005E;
	[dreg:$0x1] =	wrdreg $0xFFFFFFFF  }
0xb6: {  	s28 =	simm.s32 $_size_execute0_lowered;
	s3 =	sadd.s32 s3, s5;
	[dreg:$0x0] =	wrdreg $0x0  }
0xb7: {  	s5 =	sshll.u32 s28, $0x1;
	[dreg:$0x2] =	wrdreg s3  }
0xb8: {  	[dreg:$0x3] =	wrdreg s5  }
0xb9: {  	[dreg:$0x4] =	wrdreg $0xC0  }
0xba: {  	_ =	task [dreg:s22], $0x5FFFF  }
0xbb: {  	[dreg:$0x1] =	wrdreg $0xFFFFFFFF  }
0xbc: {  	[dreg:$0x0] =	wrdreg $0x60  }
0xbd: {  	[dreg:$0x2] =	wrdreg s24  }
0xbe: {  	[dreg:$0x3] =	wrdreg $0x81000  }
0xbf: {  	[dreg:$0x4] =	wrdreg $0x9  }
0xc0: {  	_ =	task.clear_ibuf [dreg:s22], $0x5FFFF;
	_ =	strace $0x9000005E  }
0xc1: {  	s29 =	simm.s32 $0x9;
	_ =	strace $0x80000060  }
0xc2: {  	_ =	swait.ge [sflag:s29], $0x1  }
0xc3: {  	[sflag:s29] =	ssyncadd.s32 $0xFFFFFFFF  }
0xc4: {  	_ =	strace $0x90000060  }
0xc5: {  	_ =	sfence  }
0xc6: {  	s30 =	sld [smem:$0x0];
	_ =	sdelay $0x2  }
0xc7: {  	s31 =	sshll.u32 s1, $0xD;
	s1 =	sshrl.u32 s1, $0x2  }
0xc8: {  	s4 =	sand.u32 $0x4000, s31;
	s1 =	sadd.s32 s1, s30  }
0xc9: {  	s0 =	sor.u32 s4, s0;
	s1 =	sshll.u32 s1, $0x11  }
0xca: {  	s0 =	sor.u32 s1, s0  }
0xcb: {  	s0 =	sadd.s32 $0x8F2B, s0  }
0xcc: {  	[sflag:s0] =	ssyncadd.remote.s32 $0x1  }
0xcd: {  	_ =	sfence.sel $0xFFFF  }
0xce: {  	[dreg:$0x0] =	wrdreg $0xFFFFFFFF;
	(pc) =	sbr.abs _section_cstart, $3  }
0xcf: {  	[dreg:$0x1] =	wrdreg $0xFFFFFFFF  }
0xd0: {  	_ =	task.clear_ibuf [dreg:s22], $0x2FFFF;
	_ =	strace $0x9FFFFFFF  }
0xd1: {  	(tm) =	ssettm $0x7FFFFFFF  }
tec
execute0_lowered:
.L_overlay_start_1:
0x0: {  	(tag) =	ssettag $0x1  }
0x1: {  	s5 =	rddreg [dreg:$0x0]  }
0x2: {  	s1 =	rddreg [dreg:$0x1]  }
0x3: {  	s2 =	srdreg.scid;
	s3 =	simm.s32 $0x0;
	s17 =	simm.s32 $0x80  }
0x4: {  	s18 =	simm.s32 $0x4100;
	s19 =	simm.s32 $0x1;
	s20 =	simm.s32 $0x2  }
0x5: {  	s6 =	sand.u32 $0x1, s2;
	s2 =	stileid.u32;
	s12 =	sadd.s32 $0xF8FA00, s5  }
0x6: {  	[smem:$0x7FF] =	sst s3;
	s10 =	sadd.s32 $0x5AAA00, s5;
	s4 =	smul.u32 $0x140000, s6  }
0x7: {  	s21 =	simm.s32 $0x0;
	s7 =	smul.u32 $0x14000, s2;
	_ =	strace $0x8000005F  }
0x8: {  	s8 =	smul.u32 $0x50000, s2;
	s9 =	ssub.s32 $0x2, s6;
	s25 =	sshll.u32 s2, $0x6  }
0x9: {  	s26 =	sshll.u32 s2, $0x7;
	s11 =	smul.u32 $0x1400000, s6;
	s28 =	sshll.u32 s2, $0xE  }
0xa: {  	s13 =	sshll.u32 s2, $0x4;
	s24 =	sshrl.u32 s9, $0x1;
	s16 =	sor.u32 $0x800, s26  }
0xb: {  	s7 =	sadd.s32 s7, s4;
	s4 =	sadd.s32 $0x8000, s5;
	s8 =	sshrl.u32 s8, $0x2  }
0xc: {  	s9 =	ssub.s32 s9, s24;
	s15 =	sor.u32 s11, s28;
	s29 =	sshll.u32 s16, $0x7  }
0xd: {  	s31 =	sshrl.u32 s16, $0x3;
	s16 =	simm.s32 $0x100;
	s7 =	sshrl.u32 s7, $0x3  }
0xe: {  	s14 =	sadd.s32 s8, s1;
	s8 =	sadd.s32 s10, s13;
	s11 =	sor.u32 s11, s29  }
0xf: {  	s30 =	sor.u32 $0x80000, s15;
	s10 =	sadd.s32 s10, s31;
	s7 =	sadd.s32 s7, s5  }
0x10: {  	s5 =	sor.u32 $0x1C03, s25;
	s11 =	sshrl.u32 s11, $0x3;
	s13 =	sshrl.u32 s30, $0x3  }
0x11: {  	s14 =	sshrl.u32 s14, $0x3;
	s6 =	sadd.s32 $0xA800, s7;
	s7 =	smax.u32 s9, $0x1  }
0x12: {  	s9 =	sshrl.u32 s15, $0x3;
	s11 =	sadd.s32 s12, s11;
	s15 =	simm.s32 $0x3  }
0x13: {  	s9 =	sadd.s32 s12, s9;
	s12 =	sadd.s32 s13, s12;
	s13 =	sadd.s32 $0x200, s8  }
.LBB2_1:
0x14: {  	[spmem:s14], [sflag:s5] =	dma.local [hbm:s4], $0x2800  }
0x15: {  	_ =	swait.ge [sflag:s15], $0x2800  }
0x16: {  	[sflag:s15] =	ssyncset.done $0x0  }
0x17: {  	[sflag:s15] =	ssyncadd.s32 $0xFFFFD800  }
0x18: {  	[bflag:$0x0] =	sbarrier.arrive $0xFFFF  }
0x19: {  	[tilespmem:s3], [sflag:$0x3] =	stream.linear.gather [hbm4b:s8+s3], $0x80, $0x38;
	[tilespmem:$0x1C100] =	vst v63  }
0x1a: {  	_ =	swait.ge [sflag:s15], $0x80  }
0x1b: {  	[sflag:s15] =	ssyncset.done $0x0  }
0x1c: {  	[sflag:s15] =	ssyncadd.s32 $0xFFFFFF80  }
0x1d: {  	[tilespmem:s16], [sflag:$0x3] =	stream.linear.gather [hbm4b:s9+s3], $0x4000, $0x38;
	[tilespmem:$0x1C100] =	vst v63  }
0x1e: {  	_ =	swait.ge [sflag:s15], $0x4000  }
0x1f: {  	[sflag:s15] =	ssyncset.done $0x0  }
0x20: {  	[sflag:s15] =	ssyncadd.s32 $0xFFFFC000  }
0x21: {  	[spmem:s1] =	stream.indirect.scatter.add.f32 [tilespmem:s16], [sflag:$0x1], $0x80, s3, s17, $0xb8;
	[tilespmem:$0x1C100] =	vst v63  }
0x22: {  	_ = 	snop  }
0x23: {  	[tilespmem:s17], [sflag:$0x3] =	stream.linear.gather [hbm4b:s10+s3], $0x80, $0x38;
	[tilespmem:$0x1C100] =	vst v63  }
0x24: {  	_ =	swait.ge [sflag:s15], $0x80  }
0x25: {  	[sflag:s15] =	ssyncset.done $0x0  }
0x26: {  	[sflag:s15] =	ssyncadd.s32 $0xFFFFFF80  }
0x27: {  	[tilespmem:s18], [sflag:$0x3] =	stream.linear.gather [hbm4b:s11+s3], $0x4000, $0x38;
	[tilespmem:$0x1C100] =	vst v63  }
0x28: {  	_ =	swait.ge [sflag:s15], $0x4000  }
0x29: {  	s23 =	sand.u32 $0x1, s20;
	[sflag:s15] =	ssyncset.done $0x0  }
0x2a: {  	s22 =	sadd.s32 $0x1, s23;
	[sflag:s15] =	ssyncadd.s32 $0xFFFFC000  }
0x2b: {  	[spmem:s1] =	stream.indirect.scatter.add.f32 [tilespmem:s18], [sflag:$0x2], $0x80, s17, s17, $0xb8;
	[tilespmem:$0x1C100] =	vst v63  }
0x2c: {  	_ =	swait.ge [sflag:s22], $0x4000  }
0x2d: {  	[sflag:s22] =	ssyncset.done $0x0  }
0x2e: {  	s25 =	sshll.u32 s23, $0x7;
	[sflag:s22] =	ssyncadd.s32 $0xFFFFC000  }
0x2f: {  	[tilespmem:s25], [sflag:$0x3] =	stream.linear.gather [hbm4b:s13+s3], $0x80, $0x38;
	[tilespmem:$0x1C100] =	vst v63  }
0x30: {  	_ =	swait.ge [sflag:s15], $0x80  }
0x31: {  	s23 =	sshll.u32 s23, $0xE;
	[sflag:s15] =	ssyncset.done $0x0  }
0x32: {  	s26 =	simm.s32 $0x3;
	s28 =	sor.u32 $0x100, s23;
	[sflag:s15] =	ssyncadd.s32 $0xFFFFFF80  }
0x33: {  	[tilespmem:s28], [sflag:$0x3] =	stream.linear.gather [hbm4b:s12+s3], $0x4000, $0x38;
	[tilespmem:$0x1C100] =	vst v63  }
0x34: {  	s29 =	simm.s32 $0x4;
	s24 =	sadd.s32 $0x100, s13;
	_ =	swait.ge [sflag:s15], $0x4000  }
0x35: {  	s26 =	sand.u32 $0x1, s26;
	s23 =	sadd.s32 $0x8000, s12;
	[sflag:s15] =	ssyncset.done $0x0  }
.LBB2_2:
0x36: {  	s30 =	sadd.s32 $0x1, s26  }
0x37: {  	[sflag:s15] =	ssyncadd.s32 $0xFFFFC000;
	s31 =	smov.u32 s29;
	s0 =	sadd.s32 $0x1, s29  }
0x38: {  	[spmem:s1] =	stream.indirect.scatter.add.f32 [tilespmem:s28], [sflag:s22], $0x80, s25, s17, $0xb8;
	[tilespmem:$0x1C100] =	vst v63  }
0x39: {  	p0 =	sne.s32 s29, $0x4F;
	s22 =	smov.u32 s30;
	_ =	swait.ge [sflag:s30], $0x4000  }
0x3a: {  	[sflag:s22] =	ssyncset.done $0x0  }
0x3b: {  	s25 =	sshll.u32 s26, $0x7;
	[sflag:s22] =	ssyncadd.s32 $0xFFFFC000  }
0x3c: {  	[tilespmem:s25], [sflag:$0x3] =	stream.linear.gather [hbm4b:s24+s3], $0x80, $0x38;
	[tilespmem:$0x1C100] =	vst v63  }
0x3d: {  	_ =	swait.ge [sflag:s15], $0x80  }
.Ltmp0:
0x3e: {  	s26 =	sshll.u32 s26, $0xE;
	[sflag:s15] =	ssyncset.done $0x0;
	(pc) =	sbr.rel @p0 .LBB2_2-.Ltmp0, $4  }
0x3f: {  	s28 =	sor.u32 $0x100, s26;
	[sflag:s15] =	ssyncadd.s32 $0xFFFFFF80  }
0x40: {  	[tilespmem:s28], [sflag:$0x3] =	stream.linear.gather [hbm4b:s23+s3], $0x4000, $0x38;
	[tilespmem:$0x1C100] =	vst v63  }
0x41: {  	s29 =	smov.u32 s0;
	s24 =	sadd.s32 $0x100, s24;
	_ =	swait.ge [sflag:s15], $0x4000  }
0x42: {  	s26 =	sand.u32 $0x1, s31;
	s23 =	sadd.s32 $0x8000, s23;
	[sflag:s15] =	ssyncset.done $0x0  }
0x43: {  	s0 =	sadd.s32 $0x1, s26;
	[sflag:s15] =	ssyncadd.s32 $0xFFFFC000  }
0x44: {  	[spmem:s1] =	stream.indirect.scatter.add.f32 [tilespmem:s28], [sflag:s22], $0x80, s25, s17, $0xb8;
	[tilespmem:$0x1C100] =	vst v63  }
0x45: {  	_ =	swait.ge [sflag:s0], $0x4000  }
0x46: {  	[sflag:s0] =	ssyncset.done $0x0  }
0x47: {  	s30 =	sshll.u32 s26, $0x7;
	[sflag:s0] =	ssyncadd.s32 $0xFFFFC000  }
0x48: {  	[tilespmem:s30], [sflag:$0x3] =	stream.linear.gather [hbm4b:s24+s3], $0x80, $0x38;
	[tilespmem:$0x1C100] =	vst v63  }
0x49: {  	_ =	swait.ge [sflag:s15], $0x80  }
0x4a: {  	s31 =	sshll.u32 s26, $0xE;
	[sflag:s15] =	ssyncset.done $0x0  }
0x4b: {  	s24 =	sor.u32 $0x100, s31;
	[sflag:s15] =	ssyncadd.s32 $0xFFFFFF80  }
0x4c: {  	[tilespmem:s24], [sflag:$0x3] =	stream.linear.gather [hbm4b:s23+s3], $0x4000, $0x38;
	[tilespmem:$0x1C100] =	vst v63  }
0x4d: {  	_ =	swait.ge [sflag:s15], $0x4000  }
0x4e: {  	[sflag:s15] =	ssyncset.done $0x0  }
0x4f: {  	[sflag:s15] =	ssyncadd.s32 $0xFFFFC000  }
0x50: {  	[spmem:s1] =	stream.indirect.scatter.add.f32 [tilespmem:s24], [sflag:s0], $0x80, s30, s17, $0xb8;
	[tilespmem:$0x1C100] =	vst v63  }
0x51: {  	_ =	swait.ge [sflag:s19], $0x4000  }
0x52: {  	[sflag:s19] =	ssyncset.done $0x0  }
0x53: {  	[sflag:s19] =	ssyncadd.s32 $0xFFFFC000  }
0x54: {  	_ =	swait.ge [sflag:s20], $0x4000  }
0x55: {  	s21 =	sadd.s32 $0x1, s21;
	[sflag:s20] =	ssyncset.done $0x0  }
0x56: {  	p0 =	sne.s32 s21, s7;
	[sflag:s20] =	ssyncadd.s32 $0xFFFFC000  }
.Ltmp1:
0x57: {  	[bflag:$0x0] =	sbarrier.arrive $0xFFFF;
	(pc) =	sbr.rel @p0 .LBB2_1-.Ltmp1, $4  }
0x58: {  	[hbm:s6], [sflag:s5] =	dma.local [spmem:s14], $0x2800  }
0x59: {  	_ =	swait.ge [sflag:s15], $0x2800  }
0x5a: {  	[sflag:s15] =	ssyncset.done $0x0  }
0x5b: {  	[sflag:s15] =	ssyncadd.s32 $0xFFFFD800  }
0x5c: {  	_ =	sfence.sel $0x180000  }
0x5d: {  	[bflag:$0x0] =	sbarrier.arrive $0xFFFF  }
0x5e: {  	_ =	strace $0x9000005F  }
0x5f: {  	[bflag:$0x2] =	sbarrier.arrive $0xFFFF  }
0x60: {  	p0 =	sne.s32 s2, $0x0;
	s0 =	rddreg [dreg:$0x2]  }
0x61: {  	s0 =	sadd.s32 @!p0 $0x100000, s0  }
0x62: {  	[sflag:s0] =	ssyncadd.tile.s32 @!p0 $0x1;
	_ =	shalt  }
.Lfunc_end2:
_tile_overlayer_lowered:
.L_overlay_start_2:
0x63: {  	(tag) =	ssettag $0x2  }
0x64: {  	s0 =	rddreg [dreg:$0x0];
	s2 =	stileid.u32  }
0x65: {  	s1 =	rddreg [dreg:$0x1];
	p0 =	sne.s32 s2, $0x0  }
0x66: {  	s3 =	rddreg [dreg:$0x2];
	[bflag:$0x3] =	sbarrier.arrive $0xFFFF;
	s2 =	simm.s32 @!p0 $0x1C03  }
0x67: {  	[timem:s3], [sflag:s2] =	dma.local @!p0 [hbm:s0], s1  }
0x68: {  	s0 =	simm.s32 @!p0 $0x3  }
0x69: {  	_ =	swait.ge @!p0 [sflag:s0], s1  }
0x6a: {  	s1 =	ssub.s32 @!p0 $0x0, s1;
	[sflag:s0] =	ssyncset.done @!p0 $0x0  }
0x6b: {  	[sflag:s0] =	ssyncadd.s32 @!p0 s1  }
0x6c: {  	[bflag:$0x3] =	sbarrier.arrive $0xFFFF  }
0x6d: {  	_ =	shalt  }

// kernel: kernel.42.cloned.1.call-start
scs
__scs_entry_jumppad:
0x0: {  	(pc) =	sbr.rel $0x88, $3  }
0x1: {  	(tag) =	ssettag $0x0;
	lr =	simm.s32 $0x1  }
0x2: {  	[smem:$0x3F8D] =	sst lr;
	_ =	strace $0xD0000000  }
0x3: {  	_ = 	snop  }
0x4: {  	_ = 	snop  }
0x5: {  	_ = 	snop  }
0x6: {  	_ = 	snop  }
0x7: {  	_ = 	snop  }
__scs_overlays_trampoline_lowered:
0x8: {  	[smem:$0x3F9C] =	sst s0  }
0x9: {  	[smem:$0x3F9D] =	sst s1  }
0xa: {  	[smem:$0x3F9E] =	sst s2  }
0xb: {  	[smem:$0x3F9F] =	sst s3  }
0xc: {  	[smem:$0x3FA0] =	sst s4  }
0xd: {  	[smem:$0x3FA1] =	sst s5  }
0xe: {  	[smem:$0x3FA2] =	sst s6  }
0xf: {  	[smem:$0x3FA3] =	sst s7  }
0x10: {  	[smem:$0x3FA4] =	sst s8  }
0x11: {  	[smem:$0x3FA5] =	sst s9;
	s0 =	simm.s32 @!p0 $0x0  }
0x12: {  	s1 =	sld [smem:$0x3F8B];
	s0 =	simm.s32 @p0 $0x1  }
0x13: {  	[smem:$0x3FA6] =	sst s0;
	s0 =	simm.s32 @!p1 $0x0  }
0x14: {  	s2 =	sld [smem:$0x3F8A];
	s0 =	simm.s32 @p1 $0x1  }
0x15: {  	[smem:$0x3FA7] =	sst s0;
	s0 =	simm.s32 @!p2 $0x0  }
0x16: {  	s3 =	sld [smem:$0x3FDB];
	s0 =	simm.s32 @p2 $0x1  }
0x17: {  	s4 =	simm.s32 $0x1BF5;
	[smem:$0x3FA9] =	sst s0  }
0x18: {  	s0 =	sld [smem:$0x3F8C];
	_ =	swait.ge [sflag:s4], $0x0  }
0x19: {  	s7 =	sld [smem:$0x3F8D]  }
0x1a: {  	s8 =	sadd.s32 $0xFFFFE003, lr  }
0x1b: {  	s9 =	sadd.s32 $0xFFFFFEF7, lr;
	s5 =	simm.s32 $0xFFFFFFFF;
	p2 =	slt.u32 s8, $0xFFFFF086  }
0x1c: {  	p1 =	slt.u32 s9, $0xF7A;
	s5 =	simm.s32 @!p2 $0x0  }
0x1d: {  	s5 =	simm.s32 @p1 $0x1;
	p0 =	seq.s32 s7, s2  }
0x1e: {  	s7 =	smul.u32 @!p0 $0xF7A, s2;
	p2 =	seq.s32 @!p0 s5, $0x0  }
0x1f: {  	s9 =	smul.u32 $0xF7A, s1;
	s8 =	simm.s32 @!p0 $0x1BF5;
	p2 =	por !p2, p0  }
0x20: {  	[sflag:s8] =	ssyncset.s32 @!p0 $0xFFFFF086;
	s6 =	sadd.s32 @!p0 s3, s7;
	s7 =	simm.s32 @!p0 $0x108  }
0x21: {  	s3 =	sadd.s32 s3, s9;
	s6 =	sadd.s32 @!p0 $0x88, s6;
	s7 =	simm.s32 @p2 $0x1082  }
0x22: {  	[simem:s7], [sflag:s8] =	dma.local @!p0 [hbm:s6], $0xF7A  }
0x23: {  	s9 =	sor.u32 $0xD0000000, s2;
	s6 =	simm.s32 $0x108;
	_ =	swait.ge @!p0 [sflag:s8], $0x0  }
0x24: {  	s3 =	sadd.s32 $0x88, s3;
	s6 =	simm.s32 @!p1 $0x1082;
	[sflag:s4] =	ssyncset.s32 $0xFFFFF086  }
0x25: {  	[simem:s6], [sflag:s4] =	dma.local [hbm:s3], $0xF7A  }
0x26: {  	[smem:$0x3F8D] =	sst s1;
	(tag) =	ssettag s2;
	_ =	strace s9  }
0x27: {  	s1 =	sld [smem:$0x3F9D]  }
0x28: {  	s2 =	sld [smem:$0x3F9E]  }
0x29: {  	s4 =	sld [smem:$0x3FA0]  }
0x2a: {  	p0 =	seq.s32 s5, $0x0;
	s5 =	sld [smem:$0x3FA1]  }
0x2b: {  	s6 =	sld [smem:$0x3FA2]  }
0x2c: {  	s7 =	sld [smem:$0x3FA3]  }
0x2d: {  	s3 =	simm.s32 $0x108;
	s8 =	sld [smem:$0x3FA4]  }
0x2e: {  	s3 =	simm.s32 @!p0 $0x1082;
	s9 =	sld [smem:$0x3FA5]  }
0x2f: {  	lr =	sadd.s32 s0, s3;
	s0 =	sld [smem:$0x3F9C]  }
0x30: {  	s3 =	sld [smem:$0x3F9F]  }
0x31: {  	[smem:$0x3FA8] =	sst s10  }
0x32: {  	s10 =	sld [smem:$0x3FA6];
	_ =	sdelay $0x3  }
0x33: {  	p0 =	seq.s32 s10, $0x1;
	s10 =	sld [smem:$0x3FA8];
	_ =	sdelay $0x3  }
0x34: {  	[smem:$0x3FA8] =	sst s10  }
0x35: {  	s10 =	sld [smem:$0x3FA7];
	_ =	sdelay $0x3  }
0x36: {  	p1 =	seq.s32 s10, $0x1;
	s10 =	sld [smem:$0x3FA8];
	_ =	sdelay $0x3  }
0x37: {  	[smem:$0x3FA8] =	sst s10  }
0x38: {  	s10 =	sld [smem:$0x3FA9]  }
0x39: {  	_ = 	snop;
	(pc) =	sbr.ind lr, $3  }
0x3a: {  	_ = 	snop  }
0x3b: {  	_ = 	snop  }
0x3c: {  	p2 =	seq.s32 s10, $0x1;
	s10 =	sld [smem:$0x3FA8]  }
0x3d: {  	_ =	shalt  }
0x3e: {  	_ =	shalt  }
0x3f: {  	_ =	shalt  }
0x40: {  	_ =	shalt  }
0x41: {  	_ =	shalt  }
0x42: {  	_ =	shalt  }
0x43: {  	_ =	shalt  }
0x44: {  	_ =	shalt  }
0x45: {  	_ =	shalt  }
0x46: {  	_ =	shalt  }
0x47: {  	_ =	shalt  }
0x48: {  	_ =	shalt  }
0x49: {  	_ =	shalt  }
0x4a: {  	_ =	shalt  }
0x4b: {  	_ =	shalt  }
0x4c: {  	_ =	shalt  }
0x4d: {  	_ =	shalt  }
0x4e: {  	_ =	shalt  }
0x4f: {  	_ =	shalt  }
0x50: {  	_ =	shalt  }
0x51: {  	_ =	shalt  }
0x52: {  	_ =	shalt  }
0x53: {  	_ =	shalt  }
0x54: {  	_ =	shalt  }
0x55: {  	_ =	shalt  }
0x56: {  	_ =	shalt  }
0x57: {  	_ =	shalt  }
0x58: {  	_ =	shalt  }
0x59: {  	_ =	shalt  }
0x5a: {  	_ =	shalt  }
0x5b: {  	_ =	shalt  }
0x5c: {  	_ =	shalt  }
0x5d: {  	_ =	shalt  }
0x5e: {  	_ =	shalt  }
0x5f: {  	_ =	shalt  }
0x60: {  	_ =	shalt  }
0x61: {  	_ =	shalt  }
0x62: {  	_ =	shalt  }
0x63: {  	_ =	shalt  }
0x64: {  	_ =	shalt  }
0x65: {  	_ =	shalt  }
0x66: {  	_ =	shalt  }
0x67: {  	_ =	shalt  }
0x68: {  	_ =	shalt  }
0x69: {  	_ =	shalt  }
0x6a: {  	_ =	shalt  }
0x6b: {  	_ =	shalt  }
0x6c: {  	_ =	shalt  }
0x6d: {  	_ =	shalt  }
0x6e: {  	_ =	shalt  }
0x6f: {  	_ =	shalt  }
0x70: {  	_ =	shalt  }
0x71: {  	_ =	shalt  }
0x72: {  	_ =	shalt  }
0x73: {  	_ =	shalt  }
0x74: {  	_ =	shalt  }
0x75: {  	_ =	shalt  }
0x76: {  	_ =	shalt  }
0x77: {  	_ =	shalt  }
0x78: {  	_ =	shalt  }
0x79: {  	_ =	shalt  }
0x7a: {  	_ =	shalt  }
0x7b: {  	_ =	shalt  }
0x7c: {  	_ =	shalt  }
0x7d: {  	_ =	shalt  }
0x7e: {  	_ =	shalt  }
0x7f: {  	_ =	shalt  }
0x80: {  	_ =	shalt  }
0x81: {  	_ =	shalt  }
0x82: {  	_ =	shalt  }
0x83: {  	_ =	shalt  }
0x84: {  	_ =	shalt  }
0x85: {  	_ =	shalt  }
0x86: {  	_ =	shalt  }
0x87: {  	_ =	shalt  }
.Lfunc_end0:
.L_simem_size_0:
called_computation.8_lowered:
.L_overlay_start_0:
0x88: {  	s2 =	sld [smem:$0x3FD9]  }
0x89: {  	s3 =	sld [smem:$0x3FFE];
	_ =	sdelay $0x1  }
0x8a: {  	s1 =	srdreg.scid  }
0x8b: {  	s0 =	sand.u32 $0x1, s1  }
0x8c: {  	s17 =	sshll.u32 s0, $0xA;
	s2 =	sadd.s32 s3, s2  }
0x8d: {  	s2 =	sadd.s32 s2, s17  }
0x8e: {  	[smem:$0x3FB4] =	sst s2  }
0x8f: {  	_ = 	snop  }
0x90: {  	(tm) =	ssettm $0x1  }
0x91: {  	s18 =	sld [smem:$0x3FFB];
	_ =	sdelay $0x3  }
0x92: {  	_ =	strace s18  }
0x93: {  	s2 =	sld [smem:$0x3FFC];
	_ =	sdelay $0x3  }
0x94: {  	_ =	strace s2  }
0x95: {  	s2 =	sld [smem:$0x3FFD];
	_ =	sdelay $0x3  }
0x96: {  	_ =	strace s2  }
0x97: {  	_ =	strace $0x8FFFFFFF  }
0x98: {  	s19 =	sld [smem:$0x3FDB];
	_ =	sdelay $0x1  }
0x99: {  	s20 =	simm.s32 $_scs_section_size  }
0x9a: {  	s4 =	simm.s32 $_size__tile_overlayer_lowered;
	s5 =	simm.s32 $_tile_overlayer_lowered  }
0x9b: {  	s6 =	simm.s32 $0x1BFF;
	s21 =	sshll.u32 s5, $0x1;
	s3 =	sadd.s32 s20, s19  }
0x9c: {  	s22 =	simm.s32 $0x0;
	s4 =	sshll.u32 s4, $0x1;
	s5 =	sadd.s32 s21, s3  }
0x9d: {  	[timem:s22], [sflag:s6] =	dma.local [hbm:s5], s4  }
0x9e: {  	_ =	swait.ge [sflag:s6], s4  }
0x9f: {  	s4 =	ssub.s32 $0x0, s4;
	[sflag:s6] =	ssyncset.done $0x0  }
0xa0: {  	[sflag:s6] =	ssyncadd.s32 s4;
	_ =	sdelay $0x1  }
0xa1: {  	s23 =	simm.s32 $0x1B8B  }
0xa2: {  	_ =	swait.ge [sflag:s23], $0x1  }
0xa3: {  	[sflag:s23] =	ssyncset.done $0x0  }
0xa4: {  	[sflag:s23] =	ssyncadd.s32 $0xFFFFFFFF  }
0xa5: {  	s4 =	sld [smem:$0x0]  }
0xa6: {  	s5 =	sand.u32 $0xFFFFFFFE, s1  }
0xa7: {  	p0 =	sne.s32 s1, s5  }
0xa8: {  	s5 =	sshll.u32 @p0 s5, $0xE  }
0xa9: {  	s5 =	sadd.s32 @p0 $0x11B8D, s5;
	s6 =	sshll.u32 @p0 s4, $0x11  }
0xaa: {  	s5 =	sor.u32 @p0 s6, s5  }
0xab: {  	[sflag:s5] =	ssyncadd.remote.s32 @p0 $0x1;
	_ =	sdelay $0x1  }
0xac: {  	s5 =	simm.s32 @p0 $0x1B8D  }
0xad: {  	_ =	swait.eq @p0 [sflag:s5], $0x1  }
0xae: {  	[sflag:s5] =	ssyncadd.s32 @p0 $0xFFFFFFFF  }
0xaf: {  	s6 =	sshll.u32 @!p0 s1, $0xE  }
0xb0: {  	s6 =	sor.u32 @!p0 $0x4000, s6;
	s5 =	simm.s32 @!p0 $0x1B8D  }
0xb1: {  	s4 =	sshll.u32 @!p0 s4, $0x11;
	s6 =	sadd.s32 @!p0 $0x11B8D, s6;
	_ =	swait.eq @!p0 [sflag:s5], $0x1  }
0xb2: {  	s4 =	sor.u32 @!p0 s4, s6;
	[sflag:s5] =	ssyncadd.s32 @!p0 $0xFFFFFFFF  }
0xb3: {  	s25 =	simm.s32 $0x1B8E;
	s24 =	sld [smem:$0x3FFE];
	[sflag:s4] =	ssyncadd.remote.s32 @!p0 $0x1  }
0xb4: {  	s26 =	simm.s32 $execute0_lowered;
	[smem:$0x3FD2] =	sst s25  }
0xb5: {  	s5 =	sshll.u32 s26, $0x1;
	_ =	strace $0x8000005B;
	[dreg:$0x1] =	wrdreg $0xFFFFFFFF  }
0xb6: {  	s28 =	simm.s32 $_size_execute0_lowered;
	s3 =	sadd.s32 s3, s5;
	[dreg:$0x0] =	wrdreg $0x0  }
0xb7: {  	s5 =	sshll.u32 s28, $0x1;
	[dreg:$0x2] =	wrdreg s3  }
0xb8: {  	[dreg:$0x3] =	wrdreg s5  }
0xb9: {  	[dreg:$0x4] =	wrdreg $0xC0  }
0xba: {  	_ =	task [dreg:s22], $0x5FFFF  }
0xbb: {  	[dreg:$0x1] =	wrdreg $0xFFFFFFFF  }
0xbc: {  	[dreg:$0x0] =	wrdreg $0x60  }
0xbd: {  	[dreg:$0x2] =	wrdreg s24  }
0xbe: {  	[dreg:$0x3] =	wrdreg $0x81000  }
0xbf: {  	[dreg:$0x4] =	wrdreg $0xA  }
0xc0: {  	_ =	task.clear_ibuf [dreg:s22], $0x5FFFF;
	_ =	strace $0x9000005B  }
0xc1: {  	s29 =	simm.s32 $0xA;
	_ =	strace $0x8000005D  }
0xc2: {  	_ =	swait.ge [sflag:s29], $0x1  }
0xc3: {  	[sflag:s29] =	ssyncadd.s32 $0xFFFFFFFF  }
0xc4: {  	_ =	strace $0x9000005D  }
0xc5: {  	_ =	sfence  }
0xc6: {  	s30 =	sld [smem:$0x0];
	_ =	sdelay $0x2  }
0xc7: {  	s31 =	sshll.u32 s1, $0xD;
	s1 =	sshrl.u32 s1, $0x2  }
0xc8: {  	s4 =	sand.u32 $0x4000, s31;
	s1 =	sadd.s32 s1, s30  }
0xc9: {  	s0 =	sor.u32 s4, s0;
	s1 =	sshll.u32 s1, $0x11  }
0xca: {  	s0 =	sor.u32 s1, s0  }
0xcb: {  	s0 =	sadd.s32 $0x8F2B, s0  }
0xcc: {  	[sflag:s0] =	ssyncadd.remote.s32 $0x1  }
0xcd: {  	_ =	sfence.sel $0xFFFF  }
0xce: {  	[dreg:$0x0] =	wrdreg $0xFFFFFFFF;
	(pc) =	sbr.abs _section_cstart, $3  }
0xcf: {  	[dreg:$0x1] =	wrdreg $0xFFFFFFFF  }
0xd0: {  	_ =	task.clear_ibuf [dreg:s22], $0x2FFFF;
	_ =	strace $0x9FFFFFFF  }
0xd1: {  	(tm) =	ssettm $0x7FFFFFFF  }
tec
execute0_lowered:
.L_overlay_start_1:
0x0: {  	(tag) =	ssettag $0x1  }
0x1: {  	s5 =	rddreg [dreg:$0x0]  }
0x2: {  	s1 =	rddreg [dreg:$0x1]  }
0x3: {  	s2 =	srdreg.scid;
	s3 =	simm.s32 $0x0;
	s17 =	simm.s32 $0x80  }
0x4: {  	s18 =	simm.s32 $0x4100;
	s19 =	simm.s32 $0x1;
	s20 =	simm.s32 $0x2  }
0x5: {  	s21 =	simm.s32 $0x0;
	s6 =	sand.u32 $0x1, s2;
	s2 =	stileid.u32  }
0x6: {  	[smem:$0x7FF] =	sst s3;
	s12 =	sadd.s32 $0xAAFA00, s5;
	s4 =	smul.u32 $0x140000, s6  }
0x7: {  	s10 =	sadd.s32 $0xC0C00, s5;
	s7 =	smul.u32 $0x14000, s2;
	_ =	strace $0x8000005C  }
0x8: {  	s8 =	smul.u32 $0x50000, s2;
	s9 =	ssub.s32 $0x2, s6;
	s25 =	sshll.u32 s2, $0x6  }
0x9: {  	s26 =	sshll.u32 s2, $0x7;
	s11 =	smul.u32 $0x1380000, s6;
	s28 =	sshll.u32 s2, $0xE  }
0xa: {  	s13 =	sshll.u32 s2, $0x4;
	s24 =	sshrl.u32 s9, $0x1;
	s16 =	sor.u32 $0x800, s26  }
0xb: {  	s7 =	sadd.s32 s7, s4;
	s4 =	sadd.s32 $0x8000, s5;
	s8 =	sshrl.u32 s8, $0x2  }
0xc: {  	s9 =	ssub.s32 s9, s24;
	s15 =	sor.u32 s11, s28;
	s29 =	sshll.u32 s16, $0x7  }
0xd: {  	s31 =	sshrl.u32 s16, $0x3;
	s16 =	simm.s32 $0x100;
	s7 =	sshrl.u32 s7, $0x3  }
0xe: {  	s14 =	sadd.s32 s8, s1;
	s8 =	sadd.s32 s10, s13;
	s11 =	sor.u32 s11, s29  }
0xf: {  	s30 =	sadd.s32 $0x80000, s15;
	s10 =	sadd.s32 s10, s31;
	s7 =	sadd.s32 s7, s5  }
0x10: {  	s5 =	sor.u32 $0x1C03, s25;
	s11 =	sshrl.u32 s11, $0x3;
	s13 =	sshrl.u32 s30, $0x3  }
0x11: {  	s14 =	sshrl.u32 s14, $0x3;
	s6 =	sadd.s32 $0xC5A00, s7;
	s7 =	smax.u32 s9, $0x1  }
0x12: {  	s9 =	sshrl.u32 s15, $0x3;
	s11 =	sadd.s32 s12, s11;
	s15 =	simm.s32 $0x3  }
0x13: {  	s9 =	sadd.s32 s12, s9;
	s12 =	sadd.s32 s13, s12;
	s13 =	sadd.s32 $0x200, s8  }
.LBB2_1:
0x14: {  	[spmem:s14], [sflag:s5] =	dma.local [hbm:s4], $0x2800  }
0x15: {  	_ =	swait.ge [sflag:s15], $0x2800  }
0x16: {  	[sflag:s15] =	ssyncset.done $0x0  }
0x17: {  	[sflag:s15] =	ssyncadd.s32 $0xFFFFD800  }
0x18: {  	[bflag:$0x0] =	sbarrier.arrive $0xFFFF  }
0x19: {  	[tilespmem:s3], [sflag:$0x3] =	stream.linear.gather [hbm4b:s8+s3], $0x80, $0x38;
	[tilespmem:$0x1C100] =	vst v63  }
0x1a: {  	_ =	swait.ge [sflag:s15], $0x80  }
0x1b: {  	[sflag:s15] =	ssyncset.done $0x0  }
0x1c: {  	[sflag:s15] =	ssyncadd.s32 $0xFFFFFF80  }
0x1d: {  	[tilespmem:s16], [sflag:$0x3] =	stream.linear.gather [hbm4b:s9+s3], $0x4000, $0x38;
	[tilespmem:$0x1C100] =	vst v63  }
0x1e: {  	_ =	swait.ge [sflag:s15], $0x4000  }
0x1f: {  	[sflag:s15] =	ssyncset.done $0x0  }
0x20: {  	[sflag:s15] =	ssyncadd.s32 $0xFFFFC000  }
0x21: {  	[spmem:s1] =	stream.indirect.scatter.add.f32 [tilespmem:s16], [sflag:$0x1], $0x80, s3, s17, $0xb8;
	[tilespmem:$0x1C100] =	vst v63  }
0x22: {  	_ = 	snop  }
0x23: {  	[tilespmem:s17], [sflag:$0x3] =	stream.linear.gather [hbm4b:s10+s3], $0x80, $0x38;
	[tilespmem:$0x1C100] =	vst v63  }
0x24: {  	_ =	swait.ge [sflag:s15], $0x80  }
0x25: {  	[sflag:s15] =	ssyncset.done $0x0  }
0x26: {  	[sflag:s15] =	ssyncadd.s32 $0xFFFFFF80  }
0x27: {  	[tilespmem:s18], [sflag:$0x3] =	stream.linear.gather [hbm4b:s11+s3], $0x4000, $0x38;
	[tilespmem:$0x1C100] =	vst v63  }
0x28: {  	_ =	swait.ge [sflag:s15], $0x4000  }
0x29: {  	s23 =	sand.u32 $0x1, s20;
	[sflag:s15] =	ssyncset.done $0x0  }
0x2a: {  	s22 =	sadd.s32 $0x1, s23;
	[sflag:s15] =	ssyncadd.s32 $0xFFFFC000  }
0x2b: {  	[spmem:s1] =	stream.indirect.scatter.add.f32 [tilespmem:s18], [sflag:$0x2], $0x80, s17, s17, $0xb8;
	[tilespmem:$0x1C100] =	vst v63  }
0x2c: {  	_ =	swait.ge [sflag:s22], $0x4000  }
0x2d: {  	[sflag:s22] =	ssyncset.done $0x0  }
0x2e: {  	s25 =	sshll.u32 s23, $0x7;
	[sflag:s22] =	ssyncadd.s32 $0xFFFFC000  }
0x2f: {  	[tilespmem:s25], [sflag:$0x3] =	stream.linear.gather [hbm4b:s13+s3], $0x80, $0x38;
	[tilespmem:$0x1C100] =	vst v63  }
0x30: {  	_ =	swait.ge [sflag:s15], $0x80  }
0x31: {  	s23 =	sshll.u32 s23, $0xE;
	[sflag:s15] =	ssyncset.done $0x0  }
0x32: {  	s26 =	simm.s32 $0x3;
	s28 =	sor.u32 $0x100, s23;
	[sflag:s15] =	ssyncadd.s32 $0xFFFFFF80  }
0x33: {  	[tilespmem:s28], [sflag:$0x3] =	stream.linear.gather [hbm4b:s12+s3], $0x4000, $0x38;
	[tilespmem:$0x1C100] =	vst v63  }
0x34: {  	s29 =	simm.s32 $0x4;
	s24 =	sadd.s32 $0x100, s13;
	_ =	swait.ge [sflag:s15], $0x4000  }
0x35: {  	s26 =	sand.u32 $0x1, s26;
	s23 =	sadd.s32 $0x8000, s12;
	[sflag:s15] =	ssyncset.done $0x0  }
.LBB2_2:
0x36: {  	s30 =	sadd.s32 $0x1, s26  }
0x37: {  	[sflag:s15] =	ssyncadd.s32 $0xFFFFC000;
	s31 =	smov.u32 s29;
	s0 =	sadd.s32 $0x1, s29  }
0x38: {  	[spmem:s1] =	stream.indirect.scatter.add.f32 [tilespmem:s28], [sflag:s22], $0x80, s25, s17, $0xb8;
	[tilespmem:$0x1C100] =	vst v63  }
0x39: {  	p0 =	sne.s32 s29, $0x4D;
	s22 =	smov.u32 s30;
	_ =	swait.ge [sflag:s30], $0x4000  }
0x3a: {  	[sflag:s22] =	ssyncset.done $0x0  }
0x3b: {  	s25 =	sshll.u32 s26, $0x7;
	[sflag:s22] =	ssyncadd.s32 $0xFFFFC000  }
0x3c: {  	[tilespmem:s25], [sflag:$0x3] =	stream.linear.gather [hbm4b:s24+s3], $0x80, $0x38;
	[tilespmem:$0x1C100] =	vst v63  }
0x3d: {  	_ =	swait.ge [sflag:s15], $0x80  }
.Ltmp0:
0x3e: {  	s26 =	sshll.u32 s26, $0xE;
	[sflag:s15] =	ssyncset.done $0x0;
	(pc) =	sbr.rel @p0 .LBB2_2-.Ltmp0, $4  }
0x3f: {  	s28 =	sor.u32 $0x100, s26;
	[sflag:s15] =	ssyncadd.s32 $0xFFFFFF80  }
0x40: {  	[tilespmem:s28], [sflag:$0x3] =	stream.linear.gather [hbm4b:s23+s3], $0x4000, $0x38;
	[tilespmem:$0x1C100] =	vst v63  }
0x41: {  	s29 =	smov.u32 s0;
	s24 =	sadd.s32 $0x100, s24;
	_ =	swait.ge [sflag:s15], $0x4000  }
0x42: {  	s26 =	sand.u32 $0x1, s31;
	s23 =	sadd.s32 $0x8000, s23;
	[sflag:s15] =	ssyncset.done $0x0  }
0x43: {  	s0 =	sadd.s32 $0x1, s26;
	[sflag:s15] =	ssyncadd.s32 $0xFFFFC000  }
0x44: {  	[spmem:s1] =	stream.indirect.scatter.add.f32 [tilespmem:s28], [sflag:s22], $0x80, s25, s17, $0xb8;
	[tilespmem:$0x1C100] =	vst v63  }
0x45: {  	_ =	swait.ge [sflag:s0], $0x4000  }
0x46: {  	[sflag:s0] =	ssyncset.done $0x0  }
0x47: {  	s30 =	sshll.u32 s26, $0x7;
	[sflag:s0] =	ssyncadd.s32 $0xFFFFC000  }
0x48: {  	[tilespmem:s30], [sflag:$0x3] =	stream.linear.gather [hbm4b:s24+s3], $0x80, $0x38;
	[tilespmem:$0x1C100] =	vst v63  }
0x49: {  	_ =	swait.ge [sflag:s15], $0x80  }
0x4a: {  	s31 =	sshll.u32 s26, $0xE;
	[sflag:s15] =	ssyncset.done $0x0  }
0x4b: {  	s24 =	sor.u32 $0x100, s31;
	[sflag:s15] =	ssyncadd.s32 $0xFFFFFF80  }
0x4c: {  	[tilespmem:s24], [sflag:$0x3] =	stream.linear.gather [hbm4b:s23+s3], $0x4000, $0x38;
	[tilespmem:$0x1C100] =	vst v63  }
0x4d: {  	_ =	swait.ge [sflag:s15], $0x4000  }
0x4e: {  	[sflag:s15] =	ssyncset.done $0x0  }
0x4f: {  	[sflag:s15] =	ssyncadd.s32 $0xFFFFC000  }
0x50: {  	[spmem:s1] =	stream.indirect.scatter.add.f32 [tilespmem:s24], [sflag:s0], $0x80, s30, s17, $0xb8;
	[tilespmem:$0x1C100] =	vst v63  }
0x51: {  	_ =	swait.ge [sflag:s19], $0x4000  }
0x52: {  	[sflag:s19] =	ssyncset.done $0x0  }
0x53: {  	[sflag:s19] =	ssyncadd.s32 $0xFFFFC000  }
0x54: {  	_ =	swait.ge [sflag:s20], $0x4000  }
0x55: {  	s21 =	sadd.s32 $0x1, s21;
	[sflag:s20] =	ssyncset.done $0x0  }
0x56: {  	p0 =	sne.s32 s21, s7;
	[sflag:s20] =	ssyncadd.s32 $0xFFFFC000  }
.Ltmp1:
0x57: {  	[bflag:$0x0] =	sbarrier.arrive $0xFFFF;
	(pc) =	sbr.rel @p0 .LBB2_1-.Ltmp1, $4  }
0x58: {  	[hbm:s6], [sflag:s5] =	dma.local [spmem:s14], $0x2800  }
0x59: {  	_ =	swait.ge [sflag:s15], $0x2800  }
0x5a: {  	[sflag:s15] =	ssyncset.done $0x0  }
0x5b: {  	[sflag:s15] =	ssyncadd.s32 $0xFFFFD800  }
0x5c: {  	_ =	sfence.sel $0x180000  }
0x5d: {  	[bflag:$0x0] =	sbarrier.arrive $0xFFFF  }
0x5e: {  	_ =	strace $0x9000005C  }
0x5f: {  	[bflag:$0x2] =	sbarrier.arrive $0xFFFF  }
0x60: {  	p0 =	sne.s32 s2, $0x0;
	s0 =	rddreg [dreg:$0x2]  }
0x61: {  	s0 =	sadd.s32 @!p0 $0x100000, s0  }
0x62: {  	[sflag:s0] =	ssyncadd.tile.s32 @!p0 $0x1;
	_ =	shalt  }
.Lfunc_end2:
_tile_overlayer_lowered:
.L_overlay_start_2:
0x63: {  	(tag) =	ssettag $0x2  }
0x64: {  	s0 =	rddreg [dreg:$0x0];
	s2 =	stileid.u32  }
0x65: {  	s1 =	rddreg [dreg:$0x1];
	p0 =	sne.s32 s2, $0x0  }
0x66: {  	s3 =	rddreg [dreg:$0x2];
	[bflag:$0x3] =	sbarrier.arrive $0xFFFF;
	s2 =	simm.s32 @!p0 $0x1C03  }
0x67: {  	[timem:s3], [sflag:s2] =	dma.local @!p0 [hbm:s0], s1  }
0x68: {  	s0 =	simm.s32 @!p0 $0x3  }
0x69: {  	_ =	swait.ge @!p0 [sflag:s0], s1  }
0x6a: {  	s1 =	ssub.s32 @!p0 $0x0, s1;
	[sflag:s0] =	ssyncset.done @!p0 $0x0  }
0x6b: {  	[sflag:s0] =	ssyncadd.s32 @!p0 s1  }
0x6c: {  	[bflag:$0x3] =	sbarrier.arrive $0xFFFF  }
0x6d: {  	_ =	shalt  }

</sc_bundles>
